<compile_context>
chip_gen: v7x
topology: tpu7x:2x2x1
jax: 0.10.2.dev20260603
libtpu: 0.0.44.dev20260713+nightly
codegen_flags: <defaults>
</compile_context>

<pallas_src>
import functools

import jax
import jax.numpy as jnp
from jax import lax
from jax.experimental import pallas as pl
from jax.experimental.pallas import tpu as pltpu
from jax.experimental.pallas import tpu_sc as plsc

N = 10000
E = 320000
D = 128
NPAD = 10240
NC, NS = 2, 16
NW = NC * NS
CH = 128
CPT = 4 * (-(-E // (NW * CH * 4)))
CPT0, CPT1 = 95, 62
assert NS * (CPT0 + CPT1) * CH >= E
ECAP = NS * (CPT0 + CPT1) * CH
EPT = CPT * CH
EPAD = NW * EPT
RPT = NPAD // NS
TRASH = N

_mesh = plsc.VectorSubcoreMesh(core_axis_name="c", subcore_axis_name="s")


def _cnt_body(dst_hbm, z128_hbm, ones_hbm, cnt_out_hbm, dst_v, ones_v,
              cnt_sh):
    c = lax.axis_index("c")
    s = lax.axis_index("s")
    wid = c * NS + s
    pltpu.sync_copy(dst_hbm.at[wid], dst_v)
    pltpu.sync_copy(ones_hbm, ones_v)
    pltpu.sync_copy(z128_hbm, cnt_sh.at[pl.ds(s * RPT, RPT)])
    plsc.subcore_barrier()

    def chunk(i, carry):
        pltpu.sync_copy(ones_v, cnt_sh.at[dst_v.at[i]], add=True)
        return carry

    lax.fori_loop(0, CPT, chunk, 0)
    plsc.subcore_barrier()
    pltpu.sync_copy(cnt_sh.at[pl.ds(s * RPT, RPT)],
                    cnt_out_hbm.at[c].at[pl.ds(s * RPT, RPT)])


def _agg_body(h_hbm, src0_hbm, dst0_hbm, src1_hbm, dst1_hbm, z128_hbm,
              out_hbm, src_v, dst_v, rows0_v, acc_sh, sem0):
    c = lax.axis_index("c")
    s = lax.axis_index("s")
    pltpu.sync_copy(z128_hbm, acc_sh.at[pl.ds(s * RPT, RPT)])

    def chunk(i, carry):
        pltpu.async_copy(h_hbm.at[src_v.at[i]], rows0_v, sem0).wait()
        pltpu.sync_copy(rows0_v, acc_sh.at[dst_v.at[i]], add=True)
        return carry

    @pl.when(c == 0)
    def _():
        pltpu.sync_copy(src0_hbm.at[s], src_v)
        pltpu.sync_copy(dst0_hbm.at[s], dst_v)
        plsc.subcore_barrier()
        lax.fori_loop(0, CPT0, chunk, 0)

    @pl.when(c == 1)
    def _():
        pltpu.sync_copy(src1_hbm.at[s], src_v.at[pl.ds(0, CPT1)])
        pltpu.sync_copy(dst1_hbm.at[s], dst_v.at[pl.ds(0, CPT1)])
        plsc.subcore_barrier()
        lax.fori_loop(0, CPT1, chunk, 0)

    plsc.subcore_barrier()
    pltpu.sync_copy(acc_sh.at[pl.ds(s * RPT, RPT)],
                    out_hbm.at[c].at[pl.ds(s * RPT, RPT)])


_cnt_call = pl.kernel(
    _cnt_body, mesh=_mesh,
    out_type=jax.ShapeDtypeStruct((NC, NPAD, D), jnp.float32),
    scratch_types=[
        pltpu.VMEM((CPT, CH), jnp.int32),
        pltpu.VMEM((CH, D), jnp.float32),
        pltpu.VMEM_SHARED((NPAD, D), jnp.float32),
    ])

_agg_call = pl.kernel(
    _agg_body, mesh=_mesh,
    out_type=jax.ShapeDtypeStruct((NC, NPAD, D), jnp.float32),
    scratch_types=[
        pltpu.VMEM((CPT0, CH), jnp.int32),
        pltpu.VMEM((CPT0, CH), jnp.int32),
        pltpu.VMEM((CH, D), jnp.float32),
        pltpu.VMEM_SHARED((NPAD, D), jnp.float32),
        pltpu.SemaphoreType.DMA,
    ])


def _inv_body(c0, c1, o):
    cnt = c0[...] + c1[...]
    o[...] = (1.0 / jnp.maximum(cnt, 1.0))[:, :16]


def _inv_call(cnt0, cnt1):
    BN = 2048
    row = lambda i: (i, 0)
    return pl.pallas_call(
        _inv_body,
        grid=(NPAD // BN,),
        in_specs=[pl.BlockSpec((BN, D), row), pl.BlockSpec((BN, D), row)],
        out_specs=pl.BlockSpec((BN, 16), row),
        out_shape=jax.ShapeDtypeStruct((NPAD, 16), jnp.float32),
    )(cnt0, cnt1)


def _tc_body(final, p0, p1, inv16, h, wl, wr, b, fcw, fcb, o):
    inv = inv16[:, 0:1]
    agg = (p0[...] + p1[...]) * inv
    y = (jnp.dot(agg, wl[...], preferred_element_type=jnp.float32)
         + jnp.dot(h[...], wr[...], preferred_element_type=jnp.float32)
         + b[...])
    y = jnp.maximum(y, 0.0)
    if final:
        y = jnp.dot(y, fcw[...], preferred_element_type=jnp.float32) + fcb[...]
    o[...] = y


def _tc_layer(p0, p1, inv16, h, wlT, wrT, bl, fcw=None, fcb=None):
    final = fcw is not None
    BN = 1024
    grid = (NPAD // BN,)
    row = lambda i: (i, 0)
    fix = lambda i: (0, 0)
    if not final:
        fcw = jnp.zeros((1, D), jnp.float32)
        fcb = jnp.zeros((1, D), jnp.float32)
    in_specs = [
        pl.BlockSpec((BN, D), row), pl.BlockSpec((BN, D), row),
        pl.BlockSpec((BN, 16), row),
        pl.BlockSpec((BN, D), row),
        pl.BlockSpec((D, D), fix), pl.BlockSpec((D, D), fix),
        pl.BlockSpec((1, D), fix),
        pl.BlockSpec(fcw.shape, fix), pl.BlockSpec(fcb.shape, fix),
    ]
    return pl.pallas_call(
        functools.partial(_tc_body, final),
        grid=grid,
        in_specs=in_specs,
        out_specs=pl.BlockSpec((BN, D), row),
        out_shape=jax.ShapeDtypeStruct((NPAD, D), jnp.float32),
    )(p0, p1, inv16, h, wlT, wrT, bl, fcw, fcb)


def kernel(x, edge_index, Wl1, bl1, Wr1, Wl2, bl2, Wr2, Wl3, bl3, Wr3,
           Wl4, bl4, Wr4, Wl5, bl5, Wr5, Wl6, bl6, Wr6, fc_W, fc_b):
    src = edge_index[0].astype(jnp.int32)
    dst = edge_index[1].astype(jnp.int32)
    dst3 = jnp.pad(dst, (0, EPAD - E),
                   constant_values=TRASH).reshape(NW, CPT, CH)
    srcf = jnp.pad(src, (0, ECAP - E))
    dstf = jnp.pad(dst, (0, ECAP - E), constant_values=TRASH)
    cut = NS * CPT0 * CH
    src0 = srcf[:cut].reshape(NS, CPT0, CH)
    dst0 = dstf[:cut].reshape(NS, CPT0, CH)
    src1 = srcf[cut:].reshape(NS, CPT1, CH)
    dst1 = dstf[cut:].reshape(NS, CPT1, CH)
    h = jnp.pad(x, ((0, NPAD - N), (0, 0)))
    z128 = jnp.zeros((RPT, D), jnp.float32)
    ones128 = jnp.ones((CH, D), jnp.float32)

    layers = [(Wl1, bl1, Wr1), (Wl2, bl2, Wr2), (Wl3, bl3, Wr3),
              (Wl4, bl4, Wr4), (Wl5, bl5, Wr5), (Wl6, bl6, Wr6)]
    fcw_pad = jnp.zeros((D, D), jnp.float32).at[:, :2].set(fc_W.T)
    fcb_pad = jnp.zeros((1, D), jnp.float32).at[0, :2].set(fc_b)

    cnts = _cnt_call(dst3, z128, ones128)
    inv16 = _inv_call(cnts[0], cnts[1])
    for li, (Wl, bl, Wr) in enumerate(layers):
        parts = _agg_call(h, src0, dst0, src1, dst1, z128)
        kw = {}
        if li == 5:
            kw = dict(fcw=fcw_pad, fcb=fcb_pad)
        h = _tc_layer(parts[0], parts[1], inv16, h,
                      Wl.T, Wr.T, bl.reshape(1, D), **kw)
    return h[:N, :2]

# --- scband reference (transcript-rebuilt; emitter-appended) ---
"""Pipeline reference for scband-fake-news-gnn-40888088658252 (READ-ONLY COPY).

The authoritative reference and input builder live on the scoring server;
editing this copy changes nothing except your own understanding.
"""

import jax, jax.numpy as jnp
import numpy as np

N, E, D, H, O = 10000, 320000, 128, 128, 2


def setup_inputs(seed: int = 0) -> dict:
    key = jax.random.key(seed)
    ks = jax.random.split(key, 24)
    inp = {}
    inp['x'] = jax.random.normal(ks[0], (N, D), dtype=jnp.float32)
    inp['edge_index'] = jax.random.randint(ks[1], (2, E), 0, N)
    k = 2
    for i in range(6):
        din = D if i == 0 else H
        s = 1.0 / np.sqrt(din)
        inp[f'Wl{i+1}'] = jax.random.normal(ks[k], (H, din), dtype=jnp.float32) * s; k += 1
        inp[f'bl{i+1}'] = jnp.zeros((H,), dtype=jnp.float32)
        inp[f'Wr{i+1}'] = jax.random.normal(ks[k], (H, din), dtype=jnp.float32) * s; k += 1
    inp['fc_W'] = jax.random.normal(ks[k], (O, H), dtype=jnp.float32) * (1.0 / np.sqrt(H)); k += 1
    inp['fc_b'] = jnp.zeros((O,), dtype=jnp.float32)
    return inp


def reference(x, edge_index, Wl1, bl1, Wr1, Wl2, bl2, Wr2, Wl3, bl3, Wr3, Wl4, bl4, Wr4, Wl5, bl5, Wr5, Wl6, bl6, Wr6, fc_W, fc_b):
    src, dst = edge_index[0], edge_index[1]
    n = x.shape[0]

    def sage(h, Wl, bl, Wr):
        msgs = jnp.take(h, src, axis=0)
        agg = jax.ops.segment_sum(msgs, dst, num_segments=n)
        cnt = jax.ops.segment_sum(jnp.ones((src.shape[0],), h.dtype), dst, num_segments=n)
        agg = agg / jnp.maximum(cnt, 1.0)[:, None]
        return agg @ Wl.T + bl + h @ Wr.T

    h = x
    for (Wl, bl, Wr) in [(Wl1, bl1, Wr1), (Wl2, bl2, Wr2), (Wl3, bl3, Wr3), (Wl4, bl4, Wr4), (Wl5, bl5, Wr5), (Wl6, bl6, Wr6)]:
        h = jax.nn.relu(sage(h, Wl, bl, Wr))
    return h @ fc_W.T + fc_b

if __name__ == "__main__":
    import jax
    _d = setup_inputs()
    print(jax.jit(kernel)(*tuple(_d.values())))

</pallas_src>

<mosaic_0001>
#map = affine_map<(d0, d1) -> (0, 0, 0)>
#map1 = affine_map<(d0, d1) -> (0, 0)>
module attributes {stable_mosaic.version = 14 : i64} {
  func.func @_cnt_body(%arg0: i32, %arg1: i32, %arg2: memref<32x80x128xi32, #tpu.memory_space<hbm>>, %arg3: memref<640x128xf32, #tpu.memory_space<hbm>>, %arg4: memref<128x128xf32, #tpu.memory_space<hbm>>, %arg5: memref<2x10240x128xf32, #tpu.memory_space<hbm>>, %arg6: memref<80x128xi32, #tpu.memory_space<vmem>>, %arg7: memref<128x128xf32, #tpu.memory_space<vmem>>, %arg8: memref<10240x128xf32, #tpu.memory_space<vmem_shared>>) attributes {dimension_semantics = [#tpu.dimension_semantics<core_parallel>, #tpu.dimension_semantics<subcore_parallel>], iteration_bounds = array<i64: 2, 16>, scalar_prefetch = 0 : i64, scratch_operands = 3 : i64, tpu.core_type = #tpu.core_type<sc_vector_subcore>, window_params = [{transform_indices = #map}, {transform_indices = #map1}, {transform_indices = #map1}, {transform_indices = #map}]} {
    %mul3A = arith.constant 16 : i32
    %mul3A_0 = arith.muli %arg0, %mul3A : i32
    %add3A = arith.addi %mul3A_0, %arg1 : i32
    "tpu.region"() ({
      %run_scoped3A = tpu.sem_alloc : memref<!tpu.dma_semaphore, #tpu.memory_space<semaphore_mem>>
      %dma_start3A = arith.constant 0 : i32
      %dma_start3A_13 = arith.constant 0 : i32
      %dma_start3A_14 = tpu.memref_slice %arg2[%add3A, %dma_start3A, %dma_start3A_13] : memref<32x80x128xi32, #tpu.memory_space<hbm>> -> memref<1x80x128xi32, #tpu.memory_space<hbm>>
      %dma_start3A_15 = tpu.memref_squeeze %dma_start3A_14 : memref<1x80x128xi32, #tpu.memory_space<hbm>> -> memref<80x128xi32, #tpu.memory_space<hbm>>
      %dma_start3A_16 = arith.constant 0 : i32
      %dma_start3A_17 = arith.constant 0 : i32
      %dma_start3A_18 = tpu.memref_slice %arg2[%add3A, %dma_start3A_16, %dma_start3A_17] : memref<32x80x128xi32, #tpu.memory_space<hbm>> -> memref<1x80x128xi32, #tpu.memory_space<hbm>>
      %dma_start3A_19 = tpu.memref_squeeze %dma_start3A_18 : memref<1x80x128xi32, #tpu.memory_space<hbm>> -> memref<80x128xi32, #tpu.memory_space<hbm>>
      tpu.enqueue_dma source(%dma_start3A_19 : memref<80x128xi32, #tpu.memory_space<hbm>>) target(%arg6 : memref<80x128xi32, #tpu.memory_space<vmem>>) target_semaphore(%run_scoped3A : memref<!tpu.dma_semaphore, #tpu.memory_space<semaphore_mem>>)
      %dma_wait3A = arith.constant 0 : i32
      %dma_wait3A_20 = arith.constant 0 : i32
      %dma_wait3A_21 = tpu.memref_slice %arg2[%add3A, %dma_wait3A, %dma_wait3A_20] : memref<32x80x128xi32, #tpu.memory_space<hbm>> -> memref<1x80x128xi32, #tpu.memory_space<hbm>>
      %dma_wait3A_22 = tpu.memref_squeeze %dma_wait3A_21 : memref<1x80x128xi32, #tpu.memory_space<hbm>> -> memref<80x128xi32, #tpu.memory_space<hbm>>
      %dma_wait3A_23 = arith.constant 0 : i32
      %dma_wait3A_24 = arith.constant 0 : i32
      %dma_wait3A_25 = tpu.memref_slice %arg2[%add3A, %dma_wait3A_23, %dma_wait3A_24] : memref<32x80x128xi32, #tpu.memory_space<hbm>> -> memref<1x80x128xi32, #tpu.memory_space<hbm>>
      %dma_wait3A_26 = tpu.memref_squeeze %dma_wait3A_25 : memref<1x80x128xi32, #tpu.memory_space<hbm>> -> memref<80x128xi32, #tpu.memory_space<hbm>>
      tpu.wait_dma2 semaphore(%run_scoped3A : memref<!tpu.dma_semaphore, #tpu.memory_space<semaphore_mem>>) src(%dma_wait3A_26 : memref<80x128xi32, #tpu.memory_space<hbm>>) dst(%arg6 : memref<80x128xi32, #tpu.memory_space<vmem>>)
      tpu.yield
    }) : () -> ()
    "tpu.region"() ({
      %run_scoped3A = tpu.sem_alloc : memref<!tpu.dma_semaphore, #tpu.memory_space<semaphore_mem>>
      tpu.enqueue_dma source(%arg4 : memref<128x128xf32, #tpu.memory_space<hbm>>) target(%arg7 : memref<128x128xf32, #tpu.memory_space<vmem>>) target_semaphore(%run_scoped3A : memref<!tpu.dma_semaphore, #tpu.memory_space<semaphore_mem>>)
      tpu.wait_dma2 semaphore(%run_scoped3A : memref<!tpu.dma_semaphore, #tpu.memory_space<semaphore_mem>>) src(%arg4 : memref<128x128xf32, #tpu.memory_space<hbm>>) dst(%arg7 : memref<128x128xf32, #tpu.memory_space<vmem>>)
      tpu.yield
    }) : () -> ()
    %mul3A_1 = arith.constant 640 : i32
    %mul3A_2 = arith.muli %arg1, %mul3A_1 : i32
    "tpu.region"() ({
      %run_scoped3A = tpu.sem_alloc : memref<!tpu.dma_semaphore, #tpu.memory_space<semaphore_mem>>
      %dma_start3A = arith.constant 0 : i32
      %dma_start3A_13 = tpu.memref_slice %arg8[%mul3A_2, %dma_start3A] : memref<10240x128xf32, #tpu.memory_space<vmem_shared>> -> memref<640x128xf32, #tpu.memory_space<vmem_shared>>
      tpu.enqueue_dma source(%arg3 : memref<640x128xf32, #tpu.memory_space<hbm>>) target(%dma_start3A_13 : memref<640x128xf32, #tpu.memory_space<vmem_shared>>) target_semaphore(%run_scoped3A : memref<!tpu.dma_semaphore, #tpu.memory_space<semaphore_mem>>)
      %dma_wait3A = arith.constant 0 : i32
      %dma_wait3A_14 = tpu.memref_slice %arg8[%mul3A_2, %dma_wait3A] : memref<10240x128xf32, #tpu.memory_space<vmem_shared>> -> memref<640x128xf32, #tpu.memory_space<vmem_shared>>
      tpu.wait_dma2 semaphore(%run_scoped3A : memref<!tpu.dma_semaphore, #tpu.memory_space<semaphore_mem>>) src(%arg3 : memref<640x128xf32, #tpu.memory_space<hbm>>) dst(%dma_wait3A_14 : memref<640x128xf32, #tpu.memory_space<vmem_shared>>)
      tpu.yield
    }) : () -> ()
    %barrier3A = arith.constant 0 : index
    tpu.barrier barrier_id(%barrier3A)
    %scan3A = arith.constant 0 : i32
    %scan3A_3 = arith.constant 0 : i32
    %scan3A_4 = arith.constant 80 : i32
    %scan3A_5 = arith.addi %scan3A_3, %scan3A_4 : i32
    %scan3A_6 = arith.constant 1 : i32
    scf.for %scan3A_13 = %scan3A_3 to %scan3A_5 step %scan3A_6  : i32 {
      "tpu.region"() ({
        %run_scoped3A = tpu.sem_alloc : memref<!tpu.dma_semaphore, #tpu.memory_space<semaphore_mem>>
        %dma_start3A = arith.constant 0 : i32
        %dma_start3A_14 = tpu.memref_slice %arg6[%scan3A_13, %dma_start3A] : memref<80x128xi32, #tpu.memory_space<vmem>> -> memref<1x128xi32, #tpu.memory_space<vmem>>
        %dma_start3A_15 = tpu.memref_squeeze %dma_start3A_14 : memref<1x128xi32, #tpu.memory_space<vmem>> -> memref<128xi32, #tpu.memory_space<vmem>>
        %dma_start3A_16 = arith.constant 0 : i32
        %dma_start3A_17 = arith.constant 0 : i32
        %dma_start3A_18 = tpu.memref_slice %arg8[%dma_start3A_16, %dma_start3A_17] : memref<10240x128xf32, #tpu.memory_space<vmem_shared>> -> memref<10240x128xf32, #tpu.memory_space<vmem_shared>>
        tpu.enqueue_indirect_dma source(%arg7 : memref<128x128xf32, #tpu.memory_space<vmem>>) target(%dma_start3A_18 : memref<10240x128xf32, #tpu.memory_space<vmem_shared>>) offsets(%dma_start3A_15 : memref<128xi32, #tpu.memory_space<vmem>>) semaphore(%run_scoped3A : memref<!tpu.dma_semaphore, #tpu.memory_space<semaphore_mem>>) {add = true}
        %dma_wait3A = arith.constant 0 : i32
        %dma_wait3A_19 = tpu.memref_slice %arg6[%scan3A_13, %dma_wait3A] : memref<80x128xi32, #tpu.memory_space<vmem>> -> memref<1x128xi32, #tpu.memory_space<vmem>>
        %dma_wait3A_20 = tpu.memref_squeeze %dma_wait3A_19 : memref<1x128xi32, #tpu.memory_space<vmem>> -> memref<128xi32, #tpu.memory_space<vmem>>
        %dma_wait3A_21 = arith.constant 0 : i32
        %dma_wait3A_22 = arith.constant 0 : i32
        %dma_wait3A_23 = tpu.memref_slice %arg8[%dma_wait3A_21, %dma_wait3A_22] : memref<10240x128xf32, #tpu.memory_space<vmem_shared>> -> memref<10240x128xf32, #tpu.memory_space<vmem_shared>>
        tpu.wait_indirect_dma semaphore(%run_scoped3A : memref<!tpu.dma_semaphore, #tpu.memory_space<semaphore_mem>>) src(%arg7 : memref<128x128xf32, #tpu.memory_space<vmem>>) dst(%dma_wait3A_23 : memref<10240x128xf32, #tpu.memory_space<vmem_shared>>)
        tpu.yield
      }) : () -> ()
    }
    %scan3A_7 = arith.constant 80 : i32
    %barrier3A_8 = arith.constant 0 : index
    tpu.barrier barrier_id(%barrier3A_8)
    %mul3A_9 = arith.constant 640 : i32
    %mul3A_10 = arith.muli %arg1, %mul3A_9 : i32
    %mul3A_11 = arith.constant 640 : i32
    %mul3A_12 = arith.muli %arg1, %mul3A_11 : i32
    "tpu.region"() ({
      %run_scoped3A = tpu.sem_alloc : memref<!tpu.dma_semaphore, #tpu.memory_space<semaphore_mem>>
      %dma_start3A = arith.constant 0 : i32
      %dma_start3A_13 = arith.constant 0 : i32
      %dma_start3A_14 = tpu.memref_slice %arg5[%arg0, %dma_start3A, %dma_start3A_13] : memref<2x10240x128xf32, #tpu.memory_space<hbm>> -> memref<1x10240x128xf32, #tpu.memory_space<hbm>>
      %dma_start3A_15 = tpu.memref_squeeze %dma_start3A_14 : memref<1x10240x128xf32, #tpu.memory_space<hbm>> -> memref<10240x128xf32, #tpu.memory_space<hbm>>
      %dma_start3A_16 = arith.constant 0 : i32
      %dma_start3A_17 = tpu.memref_slice %dma_start3A_15[%mul3A_12, %dma_start3A_16] : memref<10240x128xf32, #tpu.memory_space<hbm>> -> memref<640x128xf32, #tpu.memory_space<hbm>>
      %dma_start3A_18 = arith.constant 0 : i32
      %dma_start3A_19 = tpu.memref_slice %arg8[%mul3A_10, %dma_start3A_18] : memref<10240x128xf32, #tpu.memory_space<vmem_shared>> -> memref<640x128xf32, #tpu.memory_space<vmem_shared>>
      tpu.enqueue_dma source(%dma_start3A_19 : memref<640x128xf32, #tpu.memory_space<vmem_shared>>) target(%dma_start3A_17 : memref<640x128xf32, #tpu.memory_space<hbm>>) target_semaphore(%run_scoped3A : memref<!tpu.dma_semaphore, #tpu.memory_space<semaphore_mem>>)
      %dma_wait3A = arith.constant 0 : i32
      %dma_wait3A_20 = arith.constant 0 : i32
      %dma_wait3A_21 = tpu.memref_slice %arg5[%arg0, %dma_wait3A, %dma_wait3A_20] : memref<2x10240x128xf32, #tpu.memory_space<hbm>> -> memref<1x10240x128xf32, #tpu.memory_space<hbm>>
      %dma_wait3A_22 = tpu.memref_squeeze %dma_wait3A_21 : memref<1x10240x128xf32, #tpu.memory_space<hbm>> -> memref<10240x128xf32, #tpu.memory_space<hbm>>
      %dma_wait3A_23 = arith.constant 0 : i32
      %dma_wait3A_24 = tpu.memref_slice %dma_wait3A_22[%mul3A_12, %dma_wait3A_23] : memref<10240x128xf32, #tpu.memory_space<hbm>> -> memref<640x128xf32, #tpu.memory_space<hbm>>
      %dma_wait3A_25 = arith.constant 0 : i32
      %dma_wait3A_26 = tpu.memref_slice %arg8[%mul3A_10, %dma_wait3A_25] : memref<10240x128xf32, #tpu.memory_space<vmem_shared>> -> memref<640x128xf32, #tpu.memory_space<vmem_shared>>
      tpu.wait_dma2 semaphore(%run_scoped3A : memref<!tpu.dma_semaphore, #tpu.memory_space<semaphore_mem>>) src(%dma_wait3A_26 : memref<640x128xf32, #tpu.memory_space<vmem_shared>>) dst(%dma_wait3A_24 : memref<640x128xf32, #tpu.memory_space<hbm>>)
      tpu.yield
    }) : () -> ()
    return
  }
}

#map = affine_map<(d0, d1) -> (0, 0)>
#map1 = affine_map<(d0, d1) -> (0, 0, 0)>
module attributes {stable_mosaic.version = 14 : i64} {
  func.func @_agg_body(%arg0: i32, %arg1: i32, %arg2: memref<10240x128xf32, #tpu.memory_space<hbm>>, %arg3: memref<16x95x128xi32, #tpu.memory_space<hbm>>, %arg4: memref<16x95x128xi32, #tpu.memory_space<hbm>>, %arg5: memref<16x62x128xi32, #tpu.memory_space<hbm>>, %arg6: memref<16x62x128xi32, #tpu.memory_space<hbm>>, %arg7: memref<640x128xf32, #tpu.memory_space<hbm>>, %arg8: memref<2x10240x128xf32, #tpu.memory_space<hbm>>, %arg9: memref<95x128xi32, #tpu.memory_space<vmem>>, %arg10: memref<95x128xi32, #tpu.memory_space<vmem>>, %arg11: memref<128x128xf32, #tpu.memory_space<vmem>>, %arg12: memref<10240x128xf32, #tpu.memory_space<vmem_shared>>, %arg13: memref<!tpu.dma_semaphore, #tpu.memory_space<semaphore_mem>>) attributes {dimension_semantics = [#tpu.dimension_semantics<core_parallel>, #tpu.dimension_semantics<subcore_parallel>], iteration_bounds = array<i64: 2, 16>, scalar_prefetch = 0 : i64, scratch_operands = 5 : i64, tpu.core_type = #tpu.core_type<sc_vector_subcore>, window_params = [{transform_indices = #map}, {transform_indices = #map1}, {transform_indices = #map1}, {transform_indices = #map1}, {transform_indices = #map1}, {transform_indices = #map}, {transform_indices = #map1}]} {
    %mul3A = arith.constant 640 : i32
    %mul3A_0 = arith.muli %arg1, %mul3A : i32
    "tpu.region"() ({
      %run_scoped3A = tpu.sem_alloc : memref<!tpu.dma_semaphore, #tpu.memory_space<semaphore_mem>>
      %dma_start3A = arith.constant 0 : i32
      %dma_start3A_12 = tpu.memref_slice %arg12[%mul3A_0, %dma_start3A] : memref<10240x128xf32, #tpu.memory_space<vmem_shared>> -> memref<640x128xf32, #tpu.memory_space<vmem_shared>>
      tpu.enqueue_dma source(%arg7 : memref<640x128xf32, #tpu.memory_space<hbm>>) target(%dma_start3A_12 : memref<640x128xf32, #tpu.memory_space<vmem_shared>>) target_semaphore(%run_scoped3A : memref<!tpu.dma_semaphore, #tpu.memory_space<semaphore_mem>>)
      %dma_wait3A = arith.constant 0 : i32
      %dma_wait3A_13 = tpu.memref_slice %arg12[%mul3A_0, %dma_wait3A] : memref<10240x128xf32, #tpu.memory_space<vmem_shared>> -> memref<640x128xf32, #tpu.memory_space<vmem_shared>>
      tpu.wait_dma2 semaphore(%run_scoped3A : memref<!tpu.dma_semaphore, #tpu.memory_space<semaphore_mem>>) src(%arg7 : memref<640x128xf32, #tpu.memory_space<hbm>>) dst(%dma_wait3A_13 : memref<640x128xf32, #tpu.memory_space<vmem_shared>>)
      tpu.yield
    }) : () -> ()
    %eq3A = arith.constant 0 : i32
    %eq3A_1 = arith.cmpi eq, %arg0, %eq3A : i32
    %convert_element_type3A = arith.extui %eq3A_1 : i1 to i32
    %cond3A = arith.constant 0 : i32
    %cond3A_2 = arith.cmpi ne, %convert_element_type3A, %cond3A : i32
    scf.if %cond3A_2 {
      "tpu.region"() ({
        %run_scoped3A = tpu.sem_alloc : memref<!tpu.dma_semaphore, #tpu.memory_space<semaphore_mem>>
        %dma_start3A = arith.constant 0 : i32
        %dma_start3A_18 = arith.constant 0 : i32
        %dma_start3A_19 = tpu.memref_slice %arg3[%arg1, %dma_start3A, %dma_start3A_18] : memref<16x95x128xi32, #tpu.memory_space<hbm>> -> memref<1x95x128xi32, #tpu.memory_space<hbm>>
        %dma_start3A_20 = tpu.memref_squeeze %dma_start3A_19 : memref<1x95x128xi32, #tpu.memory_space<hbm>> -> memref<95x128xi32, #tpu.memory_space<hbm>>
        %dma_start3A_21 = arith.constant 0 : i32
        %dma_start3A_22 = arith.constant 0 : i32
        %dma_start3A_23 = tpu.memref_slice %arg3[%arg1, %dma_start3A_21, %dma_start3A_22] : memref<16x95x128xi32, #tpu.memory_space<hbm>> -> memref<1x95x128xi32, #tpu.memory_space<hbm>>
        %dma_start3A_24 = tpu.memref_squeeze %dma_start3A_23 : memref<1x95x128xi32, #tpu.memory_space<hbm>> -> memref<95x128xi32, #tpu.memory_space<hbm>>
        tpu.enqueue_dma source(%dma_start3A_24 : memref<95x128xi32, #tpu.memory_space<hbm>>) target(%arg9 : memref<95x128xi32, #tpu.memory_space<vmem>>) target_semaphore(%run_scoped3A : memref<!tpu.dma_semaphore, #tpu.memory_space<semaphore_mem>>)
        %dma_wait3A = arith.constant 0 : i32
        %dma_wait3A_25 = arith.constant 0 : i32
        %dma_wait3A_26 = tpu.memref_slice %arg3[%arg1, %dma_wait3A, %dma_wait3A_25] : memref<16x95x128xi32, #tpu.memory_space<hbm>> -> memref<1x95x128xi32, #tpu.memory_space<hbm>>
        %dma_wait3A_27 = tpu.memref_squeeze %dma_wait3A_26 : memref<1x95x128xi32, #tpu.memory_space<hbm>> -> memref<95x128xi32, #tpu.memory_space<hbm>>
        %dma_wait3A_28 = arith.constant 0 : i32
        %dma_wait3A_29 = arith.constant 0 : i32
        %dma_wait3A_30 = tpu.memref_slice %arg3[%arg1, %dma_wait3A_28, %dma_wait3A_29] : memref<16x95x128xi32, #tpu.memory_space<hbm>> -> memref<1x95x128xi32, #tpu.memory_space<hbm>>
        %dma_wait3A_31 = tpu.memref_squeeze %dma_wait3A_30 : memref<1x95x128xi32, #tpu.memory_space<hbm>> -> memref<95x128xi32, #tpu.memory_space<hbm>>
        tpu.wait_dma2 semaphore(%run_scoped3A : memref<!tpu.dma_semaphore, #tpu.memory_space<semaphore_mem>>) src(%dma_wait3A_31 : memref<95x128xi32, #tpu.memory_space<hbm>>) dst(%arg9 : memref<95x128xi32, #tpu.memory_space<vmem>>)
        tpu.yield
      }) : () -> ()
      "tpu.region"() ({
        %run_scoped3A = tpu.sem_alloc : memref<!tpu.dma_semaphore, #tpu.memory_space<semaphore_mem>>
        %dma_start3A = arith.constant 0 : i32
        %dma_start3A_18 = arith.constant 0 : i32
        %dma_start3A_19 = tpu.memref_slice %arg4[%arg1, %dma_start3A, %dma_start3A_18] : memref<16x95x128xi32, #tpu.memory_space<hbm>> -> memref<1x95x128xi32, #tpu.memory_space<hbm>>
        %dma_start3A_20 = tpu.memref_squeeze %dma_start3A_19 : memref<1x95x128xi32, #tpu.memory_space<hbm>> -> memref<95x128xi32, #tpu.memory_space<hbm>>
        %dma_start3A_21 = arith.constant 0 : i32
        %dma_start3A_22 = arith.constant 0 : i32
        %dma_start3A_23 = tpu.memref_slice %arg4[%arg1, %dma_start3A_21, %dma_start3A_22] : memref<16x95x128xi32, #tpu.memory_space<hbm>> -> memref<1x95x128xi32, #tpu.memory_space<hbm>>
        %dma_start3A_24 = tpu.memref_squeeze %dma_start3A_23 : memref<1x95x128xi32, #tpu.memory_space<hbm>> -> memref<95x128xi32, #tpu.memory_space<hbm>>
        tpu.enqueue_dma source(%dma_start3A_24 : memref<95x128xi32, #tpu.memory_space<hbm>>) target(%arg10 : memref<95x128xi32, #tpu.memory_space<vmem>>) target_semaphore(%run_scoped3A : memref<!tpu.dma_semaphore, #tpu.memory_space<semaphore_mem>>)
        %dma_wait3A = arith.constant 0 : i32
        %dma_wait3A_25 = arith.constant 0 : i32
        %dma_wait3A_26 = tpu.memref_slice %arg4[%arg1, %dma_wait3A, %dma_wait3A_25] : memref<16x95x128xi32, #tpu.memory_space<hbm>> -> memref<1x95x128xi32, #tpu.memory_space<hbm>>
        %dma_wait3A_27 = tpu.memref_squeeze %dma_wait3A_26 : memref<1x95x128xi32, #tpu.memory_space<hbm>> -> memref<95x128xi32, #tpu.memory_space<hbm>>
        %dma_wait3A_28 = arith.constant 0 : i32
        %dma_wait3A_29 = arith.constant 0 : i32
        %dma_wait3A_30 = tpu.memref_slice %arg4[%arg1, %dma_wait3A_28, %dma_wait3A_29] : memref<16x95x128xi32, #tpu.memory_space<hbm>> -> memref<1x95x128xi32, #tpu.memory_space<hbm>>
        %dma_wait3A_31 = tpu.memref_squeeze %dma_wait3A_30 : memref<1x95x128xi32, #tpu.memory_space<hbm>> -> memref<95x128xi32, #tpu.memory_space<hbm>>
        tpu.wait_dma2 semaphore(%run_scoped3A : memref<!tpu.dma_semaphore, #tpu.memory_space<semaphore_mem>>) src(%dma_wait3A_31 : memref<95x128xi32, #tpu.memory_space<hbm>>) dst(%arg10 : memref<95x128xi32, #tpu.memory_space<vmem>>)
        tpu.yield
      }) : () -> ()
      %barrier3A_12 = arith.constant 0 : index
      tpu.barrier barrier_id(%barrier3A_12)
      %scan3A = arith.constant 0 : i32
      %scan3A_13 = arith.constant 0 : i32
      %scan3A_14 = arith.constant 95 : i32
      %scan3A_15 = arith.addi %scan3A_13, %scan3A_14 : i32
      %scan3A_16 = arith.constant 1 : i32
      scf.for %scan3A_18 = %scan3A_13 to %scan3A_15 step %scan3A_16  : i32 {
        %dma_start3A = arith.constant 0 : i32
        %dma_start3A_19 = tpu.memref_slice %arg9[%scan3A_18, %dma_start3A] : memref<95x128xi32, #tpu.memory_space<vmem>> -> memref<1x128xi32, #tpu.memory_space<vmem>>
        %dma_start3A_20 = tpu.memref_squeeze %dma_start3A_19 : memref<1x128xi32, #tpu.memory_space<vmem>> -> memref<128xi32, #tpu.memory_space<vmem>>
        %dma_start3A_21 = arith.constant 0 : i32
        %dma_start3A_22 = arith.constant 0 : i32
        %dma_start3A_23 = tpu.memref_slice %arg2[%dma_start3A_21, %dma_start3A_22] : memref<10240x128xf32, #tpu.memory_space<hbm>> -> memref<10240x128xf32, #tpu.memory_space<hbm>>
        tpu.enqueue_indirect_dma source(%dma_start3A_23 : memref<10240x128xf32, #tpu.memory_space<hbm>>) target(%arg11 : memref<128x128xf32, #tpu.memory_space<vmem>>) offsets(%dma_start3A_20 : memref<128xi32, #tpu.memory_space<vmem>>) semaphore(%arg13 : memref<!tpu.dma_semaphore, #tpu.memory_space<semaphore_mem>>)
        %dma_wait3A = arith.constant 0 : i32
        %dma_wait3A_24 = tpu.memref_slice %arg9[%scan3A_18, %dma_wait3A] : memref<95x128xi32, #tpu.memory_space<vmem>> -> memref<1x128xi32, #tpu.memory_space<vmem>>
        %dma_wait3A_25 = tpu.memref_squeeze %dma_wait3A_24 : memref<1x128xi32, #tpu.memory_space<vmem>> -> memref<128xi32, #tpu.memory_space<vmem>>
        %dma_wait3A_26 = arith.constant 0 : i32
        %dma_wait3A_27 = arith.constant 0 : i32
        %dma_wait3A_28 = tpu.memref_slice %arg2[%dma_wait3A_26, %dma_wait3A_27] : memref<10240x128xf32, #tpu.memory_space<hbm>> -> memref<10240x128xf32, #tpu.memory_space<hbm>>
        tpu.wait_indirect_dma semaphore(%arg13 : memref<!tpu.dma_semaphore, #tpu.memory_space<semaphore_mem>>) src(%dma_wait3A_28 : memref<10240x128xf32, #tpu.memory_space<hbm>>) dst(%arg11 : memref<128x128xf32, #tpu.memory_space<vmem>>)
        "tpu.region"() ({
          %run_scoped3A = tpu.sem_alloc : memref<!tpu.dma_semaphore, #tpu.memory_space<semaphore_mem>>
          %dma_start3A_29 = arith.constant 0 : i32
          %dma_start3A_30 = tpu.memref_slice %arg10[%scan3A_18, %dma_start3A_29] : memref<95x128xi32, #tpu.memory_space<vmem>> -> memref<1x128xi32, #tpu.memory_space<vmem>>
          %dma_start3A_31 = tpu.memref_squeeze %dma_start3A_30 : memref<1x128xi32, #tpu.memory_space<vmem>> -> memref<128xi32, #tpu.memory_space<vmem>>
          %dma_start3A_32 = arith.constant 0 : i32
          %dma_start3A_33 = arith.constant 0 : i32
          %dma_start3A_34 = tpu.memref_slice %arg12[%dma_start3A_32, %dma_start3A_33] : memref<10240x128xf32, #tpu.memory_space<vmem_shared>> -> memref<10240x128xf32, #tpu.memory_space<vmem_shared>>
          tpu.enqueue_indirect_dma source(%arg11 : memref<128x128xf32, #tpu.memory_space<vmem>>) target(%dma_start3A_34 : memref<10240x128xf32, #tpu.memory_space<vmem_shared>>) offsets(%dma_start3A_31 : memref<128xi32, #tpu.memory_space<vmem>>) semaphore(%run_scoped3A : memref<!tpu.dma_semaphore, #tpu.memory_space<semaphore_mem>>) {add = true}
          %dma_wait3A_35 = arith.constant 0 : i32
          %dma_wait3A_36 = tpu.memref_slice %arg10[%scan3A_18, %dma_wait3A_35] : memref<95x128xi32, #tpu.memory_space<vmem>> -> memref<1x128xi32, #tpu.memory_space<vmem>>
          %dma_wait3A_37 = tpu.memref_squeeze %dma_wait3A_36 : memref<1x128xi32, #tpu.memory_space<vmem>> -> memref<128xi32, #tpu.memory_space<vmem>>
          %dma_wait3A_38 = arith.constant 0 : i32
          %dma_wait3A_39 = arith.constant 0 : i32
          %dma_wait3A_40 = tpu.memref_slice %arg12[%dma_wait3A_38, %dma_wait3A_39] : memref<10240x128xf32, #tpu.memory_space<vmem_shared>> -> memref<10240x128xf32, #tpu.memory_space<vmem_shared>>
          tpu.wait_indirect_dma semaphore(%run_scoped3A : memref<!tpu.dma_semaphore, #tpu.memory_space<semaphore_mem>>) src(%arg11 : memref<128x128xf32, #tpu.memory_space<vmem>>) dst(%dma_wait3A_40 : memref<10240x128xf32, #tpu.memory_space<vmem_shared>>)
          tpu.yield
        }) : () -> ()
      }
      %scan3A_17 = arith.constant 95 : i32
    } else {
    }
    %eq3A_3 = arith.constant 1 : i32
    %eq3A_4 = arith.cmpi eq, %arg0, %eq3A_3 : i32
    %convert_element_type3A_5 = arith.extui %eq3A_4 : i1 to i32
    %cond3A_6 = arith.constant 0 : i32
    %cond3A_7 = arith.cmpi ne, %convert_element_type3A_5, %cond3A_6 : i32
    scf.if %cond3A_7 {
      "tpu.region"() ({
        %run_scoped3A = tpu.sem_alloc : memref<!tpu.dma_semaphore, #tpu.memory_space<semaphore_mem>>
        %dma_start3A = arith.constant 0 : i32
        %dma_start3A_18 = arith.constant 0 : i32
        %dma_start3A_19 = tpu.memref_slice %arg9[%dma_start3A, %dma_start3A_18] : memref<95x128xi32, #tpu.memory_space<vmem>> -> memref<62x128xi32, #tpu.memory_space<vmem>>
        %dma_start3A_20 = arith.constant 0 : i32
        %dma_start3A_21 = arith.constant 0 : i32
        %dma_start3A_22 = tpu.memref_slice %arg5[%arg1, %dma_start3A_20, %dma_start3A_21] : memref<16x62x128xi32, #tpu.memory_space<hbm>> -> memref<1x62x128xi32, #tpu.memory_space<hbm>>
        %dma_start3A_23 = tpu.memref_squeeze %dma_start3A_22 : memref<1x62x128xi32, #tpu.memory_space<hbm>> -> memref<62x128xi32, #tpu.memory_space<hbm>>
        %dma_start3A_24 = arith.constant 0 : i32
        %dma_start3A_25 = arith.constant 0 : i32
        %dma_start3A_26 = tpu.memref_slice %arg9[%dma_start3A_24, %dma_start3A_25] : memref<95x128xi32, #tpu.memory_space<vmem>> -> memref<62x128xi32, #tpu.memory_space<vmem>>
        %dma_start3A_27 = arith.constant 0 : i32
        %dma_start3A_28 = arith.constant 0 : i32
        %dma_start3A_29 = tpu.memref_slice %arg5[%arg1, %dma_start3A_27, %dma_start3A_28] : memref<16x62x128xi32, #tpu.memory_space<hbm>> -> memref<1x62x128xi32, #tpu.memory_space<hbm>>
        %dma_start3A_30 = tpu.memref_squeeze %dma_start3A_29 : memref<1x62x128xi32, #tpu.memory_space<hbm>> -> memref<62x128xi32, #tpu.memory_space<hbm>>
        tpu.enqueue_dma source(%dma_start3A_30 : memref<62x128xi32, #tpu.memory_space<hbm>>) target(%dma_start3A_26 : memref<62x128xi32, #tpu.memory_space<vmem>>) target_semaphore(%run_scoped3A : memref<!tpu.dma_semaphore, #tpu.memory_space<semaphore_mem>>)
        %dma_wait3A = arith.constant 0 : i32
        %dma_wait3A_31 = arith.constant 0 : i32
        %dma_wait3A_32 = tpu.memref_slice %arg9[%dma_wait3A, %dma_wait3A_31] : memref<95x128xi32, #tpu.memory_space<vmem>> -> memref<62x128xi32, #tpu.memory_space<vmem>>
        %dma_wait3A_33 = arith.constant 0 : i32
        %dma_wait3A_34 = arith.constant 0 : i32
        %dma_wait3A_35 = tpu.memref_slice %arg5[%arg1, %dma_wait3A_33, %dma_wait3A_34] : memref<16x62x128xi32, #tpu.memory_space<hbm>> -> memref<1x62x128xi32, #tpu.memory_space<hbm>>
        %dma_wait3A_36 = tpu.memref_squeeze %dma_wait3A_35 : memref<1x62x128xi32, #tpu.memory_space<hbm>> -> memref<62x128xi32, #tpu.memory_space<hbm>>
        %dma_wait3A_37 = arith.constant 0 : i32
        %dma_wait3A_38 = arith.constant 0 : i32
        %dma_wait3A_39 = tpu.memref_slice %arg9[%dma_wait3A_37, %dma_wait3A_38] : memref<95x128xi32, #tpu.memory_space<vmem>> -> memref<62x128xi32, #tpu.memory_space<vmem>>
        %dma_wait3A_40 = arith.constant 0 : i32
        %dma_wait3A_41 = arith.constant 0 : i32
        %dma_wait3A_42 = tpu.memref_slice %arg5[%arg1, %dma_wait3A_40, %dma_wait3A_41] : memref<16x62x128xi32, #tpu.memory_space<hbm>> -> memref<1x62x128xi32, #tpu.memory_space<hbm>>
        %dma_wait3A_43 = tpu.memref_squeeze %dma_wait3A_42 : memref<1x62x128xi32, #tpu.memory_space<hbm>> -> memref<62x128xi32, #tpu.memory_space<hbm>>
        tpu.wait_dma2 semaphore(%run_scoped3A : memref<!tpu.dma_semaphore, #tpu.memory_space<semaphore_mem>>) src(%dma_wait3A_43 : memref<62x128xi32, #tpu.memory_space<hbm>>) dst(%dma_wait3A_39 : memref<62x128xi32, #tpu.memory_space<vmem>>)
        tpu.yield
      }) : () -> ()
      "tpu.region"() ({
        %run_scoped3A = tpu.sem_alloc : memref<!tpu.dma_semaphore, #tpu.memory_space<semaphore_mem>>
        %dma_start3A = arith.constant 0 : i32
        %dma_start3A_18 = arith.constant 0 : i32
        %dma_start3A_19 = tpu.memref_slice %arg10[%dma_start3A, %dma_start3A_18] : memref<95x128xi32, #tpu.memory_space<vmem>> -> memref<62x128xi32, #tpu.memory_space<vmem>>
        %dma_start3A_20 = arith.constant 0 : i32
        %dma_start3A_21 = arith.constant 0 : i32
        %dma_start3A_22 = tpu.memref_slice %arg6[%arg1, %dma_start3A_20, %dma_start3A_21] : memref<16x62x128xi32, #tpu.memory_space<hbm>> -> memref<1x62x128xi32, #tpu.memory_space<hbm>>
        %dma_start3A_23 = tpu.memref_squeeze %dma_start3A_22 : memref<1x62x128xi32, #tpu.memory_space<hbm>> -> memref<62x128xi32, #tpu.memory_space<hbm>>
        %dma_start3A_24 = arith.constant 0 : i32
        %dma_start3A_25 = arith.constant 0 : i32
        %dma_start3A_26 = tpu.memref_slice %arg10[%dma_start3A_24, %dma_start3A_25] : memref<95x128xi32, #tpu.memory_space<vmem>> -> memref<62x128xi32, #tpu.memory_space<vmem>>
        %dma_start3A_27 = arith.constant 0 : i32
        %dma_start3A_28 = arith.constant 0 : i32
        %dma_start3A_29 = tpu.memref_slice %arg6[%arg1, %dma_start3A_27, %dma_start3A_28] : memref<16x62x128xi32, #tpu.memory_space<hbm>> -> memref<1x62x128xi32, #tpu.memory_space<hbm>>
        %dma_start3A_30 = tpu.memref_squeeze %dma_start3A_29 : memref<1x62x128xi32, #tpu.memory_space<hbm>> -> memref<62x128xi32, #tpu.memory_space<hbm>>
        tpu.enqueue_dma source(%dma_start3A_30 : memref<62x128xi32, #tpu.memory_space<hbm>>) target(%dma_start3A_26 : memref<62x128xi32, #tpu.memory_space<vmem>>) target_semaphore(%run_scoped3A : memref<!tpu.dma_semaphore, #tpu.memory_space<semaphore_mem>>)
        %dma_wait3A = arith.constant 0 : i32
        %dma_wait3A_31 = arith.constant 0 : i32
        %dma_wait3A_32 = tpu.memref_slice %arg10[%dma_wait3A, %dma_wait3A_31] : memref<95x128xi32, #tpu.memory_space<vmem>> -> memref<62x128xi32, #tpu.memory_space<vmem>>
        %dma_wait3A_33 = arith.constant 0 : i32
        %dma_wait3A_34 = arith.constant 0 : i32
        %dma_wait3A_35 = tpu.memref_slice %arg6[%arg1, %dma_wait3A_33, %dma_wait3A_34] : memref<16x62x128xi32, #tpu.memory_space<hbm>> -> memref<1x62x128xi32, #tpu.memory_space<hbm>>
        %dma_wait3A_36 = tpu.memref_squeeze %dma_wait3A_35 : memref<1x62x128xi32, #tpu.memory_space<hbm>> -> memref<62x128xi32, #tpu.memory_space<hbm>>
        %dma_wait3A_37 = arith.constant 0 : i32
        %dma_wait3A_38 = arith.constant 0 : i32
        %dma_wait3A_39 = tpu.memref_slice %arg10[%dma_wait3A_37, %dma_wait3A_38] : memref<95x128xi32, #tpu.memory_space<vmem>> -> memref<62x128xi32, #tpu.memory_space<vmem>>
        %dma_wait3A_40 = arith.constant 0 : i32
        %dma_wait3A_41 = arith.constant 0 : i32
        %dma_wait3A_42 = tpu.memref_slice %arg6[%arg1, %dma_wait3A_40, %dma_wait3A_41] : memref<16x62x128xi32, #tpu.memory_space<hbm>> -> memref<1x62x128xi32, #tpu.memory_space<hbm>>
        %dma_wait3A_43 = tpu.memref_squeeze %dma_wait3A_42 : memref<1x62x128xi32, #tpu.memory_space<hbm>> -> memref<62x128xi32, #tpu.memory_space<hbm>>
        tpu.wait_dma2 semaphore(%run_scoped3A : memref<!tpu.dma_semaphore, #tpu.memory_space<semaphore_mem>>) src(%dma_wait3A_43 : memref<62x128xi32, #tpu.memory_space<hbm>>) dst(%dma_wait3A_39 : memref<62x128xi32, #tpu.memory_space<vmem>>)
        tpu.yield
      }) : () -> ()
      %barrier3A_12 = arith.constant 0 : index
      tpu.barrier barrier_id(%barrier3A_12)
      %scan3A = arith.constant 0 : i32
      %scan3A_13 = arith.constant 0 : i32
      %scan3A_14 = arith.constant 62 : i32
      %scan3A_15 = arith.addi %scan3A_13, %scan3A_14 : i32
      %scan3A_16 = arith.constant 1 : i32
      scf.for %scan3A_18 = %scan3A_13 to %scan3A_15 step %scan3A_16  : i32 {
        %dma_start3A = arith.constant 0 : i32
        %dma_start3A_19 = tpu.memref_slice %arg9[%scan3A_18, %dma_start3A] : memref<95x128xi32, #tpu.memory_space<vmem>> -> memref<1x128xi32, #tpu.memory_space<vmem>>
        %dma_start3A_20 = tpu.memref_squeeze %dma_start3A_19 : memref<1x128xi32, #tpu.memory_space<vmem>> -> memref<128xi32, #tpu.memory_space<vmem>>
        %dma_start3A_21 = arith.constant 0 : i32
        %dma_start3A_22 = arith.constant 0 : i32
        %dma_start3A_23 = tpu.memref_slice %arg2[%dma_start3A_21, %dma_start3A_22] : memref<10240x128xf32, #tpu.memory_space<hbm>> -> memref<10240x128xf32, #tpu.memory_space<hbm>>
        tpu.enqueue_indirect_dma source(%dma_start3A_23 : memref<10240x128xf32, #tpu.memory_space<hbm>>) target(%arg11 : memref<128x128xf32, #tpu.memory_space<vmem>>) offsets(%dma_start3A_20 : memref<128xi32, #tpu.memory_space<vmem>>) semaphore(%arg13 : memref<!tpu.dma_semaphore, #tpu.memory_space<semaphore_mem>>)
        %dma_wait3A = arith.constant 0 : i32
        %dma_wait3A_24 = tpu.memref_slice %arg9[%scan3A_18, %dma_wait3A] : memref<95x128xi32, #tpu.memory_space<vmem>> -> memref<1x128xi32, #tpu.memory_space<vmem>>
        %dma_wait3A_25 = tpu.memref_squeeze %dma_wait3A_24 : memref<1x128xi32, #tpu.memory_space<vmem>> -> memref<128xi32, #tpu.memory_space<vmem>>
        %dma_wait3A_26 = arith.constant 0 : i32
        %dma_wait3A_27 = arith.constant 0 : i32
        %dma_wait3A_28 = tpu.memref_slice %arg2[%dma_wait3A_26, %dma_wait3A_27] : memref<10240x128xf32, #tpu.memory_space<hbm>> -> memref<10240x128xf32, #tpu.memory_space<hbm>>
        tpu.wait_indirect_dma semaphore(%arg13 : memref<!tpu.dma_semaphore, #tpu.memory_space<semaphore_mem>>) src(%dma_wait3A_28 : memref<10240x128xf32, #tpu.memory_space<hbm>>) dst(%arg11 : memref<128x128xf32, #tpu.memory_space<vmem>>)
        "tpu.region"() ({
          %run_scoped3A = tpu.sem_alloc : memref<!tpu.dma_semaphore, #tpu.memory_space<semaphore_mem>>
          %dma_start3A_29 = arith.constant 0 : i32
          %dma_start3A_30 = tpu.memref_slice %arg10[%scan3A_18, %dma_start3A_29] : memref<95x128xi32, #tpu.memory_space<vmem>> -> memref<1x128xi32, #tpu.memory_space<vmem>>
          %dma_start3A_31 = tpu.memref_squeeze %dma_start3A_30 : memref<1x128xi32, #tpu.memory_space<vmem>> -> memref<128xi32, #tpu.memory_space<vmem>>
          %dma_start3A_32 = arith.constant 0 : i32
          %dma_start3A_33 = arith.constant 0 : i32
          %dma_start3A_34 = tpu.memref_slice %arg12[%dma_start3A_32, %dma_start3A_33] : memref<10240x128xf32, #tpu.memory_space<vmem_shared>> -> memref<10240x128xf32, #tpu.memory_space<vmem_shared>>
          tpu.enqueue_indirect_dma source(%arg11 : memref<128x128xf32, #tpu.memory_space<vmem>>) target(%dma_start3A_34 : memref<10240x128xf32, #tpu.memory_space<vmem_shared>>) offsets(%dma_start3A_31 : memref<128xi32, #tpu.memory_space<vmem>>) semaphore(%run_scoped3A : memref<!tpu.dma_semaphore, #tpu.memory_space<semaphore_mem>>) {add = true}
          %dma_wait3A_35 = arith.constant 0 : i32
          %dma_wait3A_36 = tpu.memref_slice %arg10[%scan3A_18, %dma_wait3A_35] : memref<95x128xi32, #tpu.memory_space<vmem>> -> memref<1x128xi32, #tpu.memory_space<vmem>>
          %dma_wait3A_37 = tpu.memref_squeeze %dma_wait3A_36 : memref<1x128xi32, #tpu.memory_space<vmem>> -> memref<128xi32, #tpu.memory_space<vmem>>
          %dma_wait3A_38 = arith.constant 0 : i32
          %dma_wait3A_39 = arith.constant 0 : i32
          %dma_wait3A_40 = tpu.memref_slice %arg12[%dma_wait3A_38, %dma_wait3A_39] : memref<10240x128xf32, #tpu.memory_space<vmem_shared>> -> memref<10240x128xf32, #tpu.memory_space<vmem_shared>>
          tpu.wait_indirect_dma semaphore(%run_scoped3A : memref<!tpu.dma_semaphore, #tpu.memory_space<semaphore_mem>>) src(%arg11 : memref<128x128xf32, #tpu.memory_space<vmem>>) dst(%dma_wait3A_40 : memref<10240x128xf32, #tpu.memory_space<vmem_shared>>)
          tpu.yield
        }) : () -> ()
      }
      %scan3A_17 = arith.constant 62 : i32
    } else {
    }
    %barrier3A = arith.constant 0 : index
    tpu.barrier barrier_id(%barrier3A)
    %mul3A_8 = arith.constant 640 : i32
    %mul3A_9 = arith.muli %arg1, %mul3A_8 : i32
    %mul3A_10 = arith.constant 640 : i32
    %mul3A_11 = arith.muli %arg1, %mul3A_10 : i32
    "tpu.region"() ({
      %run_scoped3A = tpu.sem_alloc : memref<!tpu.dma_semaphore, #tpu.memory_space<semaphore_mem>>
      %dma_start3A = arith.constant 0 : i32
      %dma_start3A_12 = arith.constant 0 : i32
      %dma_start3A_13 = tpu.memref_slice %arg8[%arg0, %dma_start3A, %dma_start3A_12] : memref<2x10240x128xf32, #tpu.memory_space<hbm>> -> memref<1x10240x128xf32, #tpu.memory_space<hbm>>
      %dma_start3A_14 = tpu.memref_squeeze %dma_start3A_13 : memref<1x10240x128xf32, #tpu.memory_space<hbm>> -> memref<10240x128xf32, #tpu.memory_space<hbm>>
      %dma_start3A_15 = arith.constant 0 : i32
      %dma_start3A_16 = tpu.memref_slice %dma_start3A_14[%mul3A_11, %dma_start3A_15] : memref<10240x128xf32, #tpu.memory_space<hbm>> -> memref<640x128xf32, #tpu.memory_space<hbm>>
      %dma_start3A_17 = arith.constant 0 : i32
      %dma_start3A_18 = tpu.memref_slice %arg12[%mul3A_9, %dma_start3A_17] : memref<10240x128xf32, #tpu.memory_space<vmem_shared>> -> memref<640x128xf32, #tpu.memory_space<vmem_shared>>
      tpu.enqueue_dma source(%dma_start3A_18 : memref<640x128xf32, #tpu.memory_space<vmem_shared>>) target(%dma_start3A_16 : memref<640x128xf32, #tpu.memory_space<hbm>>) target_semaphore(%run_scoped3A : memref<!tpu.dma_semaphore, #tpu.memory_space<semaphore_mem>>)
      %dma_wait3A = arith.constant 0 : i32
      %dma_wait3A_19 = arith.constant 0 : i32
      %dma_wait3A_20 = tpu.memref_slice %arg8[%arg0, %dma_wait3A, %dma_wait3A_19] : memref<2x10240x128xf32, #tpu.memory_space<hbm>> -> memref<1x10240x128xf32, #tpu.memory_space<hbm>>
      %dma_wait3A_21 = tpu.memref_squeeze %dma_wait3A_20 : memref<1x10240x128xf32, #tpu.memory_space<hbm>> -> memref<10240x128xf32, #tpu.memory_space<hbm>>
      %dma_wait3A_22 = arith.constant 0 : i32
      %dma_wait3A_23 = tpu.memref_slice %dma_wait3A_21[%mul3A_11, %dma_wait3A_22] : memref<10240x128xf32, #tpu.memory_space<hbm>> -> memref<640x128xf32, #tpu.memory_space<hbm>>
      %dma_wait3A_24 = arith.constant 0 : i32
      %dma_wait3A_25 = tpu.memref_slice %arg12[%mul3A_9, %dma_wait3A_24] : memref<10240x128xf32, #tpu.memory_space<vmem_shared>> -> memref<640x128xf32, #tpu.memory_space<vmem_shared>>
      tpu.wait_dma2 semaphore(%run_scoped3A : memref<!tpu.dma_semaphore, #tpu.memory_space<semaphore_mem>>) src(%dma_wait3A_25 : memref<640x128xf32, #tpu.memory_space<vmem_shared>>) dst(%dma_wait3A_23 : memref<640x128xf32, #tpu.memory_space<hbm>>)
      tpu.yield
    }) : () -> ()
    return
  }
}

#map = affine_map<(d0, d1) -> (0, 0)>
#map1 = affine_map<(d0, d1) -> (0, 0, 0)>
module attributes {stable_mosaic.version = 14 : i64} {
  func.func @_agg_body(%arg0: i32, %arg1: i32, %arg2: memref<10240x128xf32, #tpu.memory_space<hbm>>, %arg3: memref<16x95x128xi32, #tpu.memory_space<hbm>>, %arg4: memref<16x95x128xi32, #tpu.memory_space<hbm>>, %arg5: memref<16x62x128xi32, #tpu.memory_space<hbm>>, %arg6: memref<16x62x128xi32, #tpu.memory_space<hbm>>, %arg7: memref<640x128xf32, #tpu.memory_space<hbm>>, %arg8: memref<2x10240x128xf32, #tpu.memory_space<hbm>>, %arg9: memref<95x128xi32, #tpu.memory_space<vmem>>, %arg10: memref<95x128xi32, #tpu.memory_space<vmem>>, %arg11: memref<128x128xf32, #tpu.memory_space<vmem>>, %arg12: memref<10240x128xf32, #tpu.memory_space<vmem_shared>>, %arg13: memref<!tpu.dma_semaphore, #tpu.memory_space<semaphore_mem>>) attributes {dimension_semantics = [#tpu.dimension_semantics<core_parallel>, #tpu.dimension_semantics<subcore_parallel>], iteration_bounds = array<i64: 2, 16>, scalar_prefetch = 0 : i64, scratch_operands = 5 : i64, tpu.core_type = #tpu.core_type<sc_vector_subcore>, window_params = [{transform_indices = #map}, {transform_indices = #map1}, {transform_indices = #map1}, {transform_indices = #map1}, {transform_indices = #map1}, {transform_indices = #map}, {transform_indices = #map1}]} {
    %mul3A = arith.constant 640 : i32
    %mul3A_0 = arith.muli %arg1, %mul3A : i32
    "tpu.region"() ({
      %run_scoped3A = tpu.sem_alloc : memref<!tpu.dma_semaphore, #tpu.memory_space<semaphore_mem>>
      %dma_start3A = arith.constant 0 : i32
      %dma_start3A_12 = tpu.memref_slice %arg12[%mul3A_0, %dma_start3A] : memref<10240x128xf32, #tpu.memory_space<vmem_shared>> -> memref<640x128xf32, #tpu.memory_space<vmem_shared>>
      tpu.enqueue_dma source(%arg7 : memref<640x128xf32, #tpu.memory_space<hbm>>) target(%dma_start3A_12 : memref<640x128xf32, #tpu.memory_space<vmem_shared>>) target_semaphore(%run_scoped3A : memref<!tpu.dma_semaphore, #tpu.memory_space<semaphore_mem>>)
      %dma_wait3A = arith.constant 0 : i32
      %dma_wait3A_13 = tpu.memref_slice %arg12[%mul3A_0, %dma_wait3A] : memref<10240x128xf32, #tpu.memory_space<vmem_shared>> -> memref<640x128xf32, #tpu.memory_space<vmem_shared>>
      tpu.wait_dma2 semaphore(%run_scoped3A : memref<!tpu.dma_semaphore, #tpu.memory_space<semaphore_mem>>) src(%arg7 : memref<640x128xf32, #tpu.memory_space<hbm>>) dst(%dma_wait3A_13 : memref<640x128xf32, #tpu.memory_space<vmem_shared>>)
      tpu.yield
    }) : () -> ()
    %eq3A = arith.constant 0 : i32
    %eq3A_1 = arith.cmpi eq, %arg0, %eq3A : i32
    %convert_element_type3A = arith.extui %eq3A_1 : i1 to i32
    %cond3A = arith.constant 0 : i32
    %cond3A_2 = arith.cmpi ne, %convert_element_type3A, %cond3A : i32
    scf.if %cond3A_2 {
      "tpu.region"() ({
        %run_scoped3A = tpu.sem_alloc : memref<!tpu.dma_semaphore, #tpu.memory_space<semaphore_mem>>
        %dma_start3A = arith.constant 0 : i32
        %dma_start3A_18 = arith.constant 0 : i32
        %dma_start3A_19 = tpu.memref_slice %arg3[%arg1, %dma_start3A, %dma_start3A_18] : memref<16x95x128xi32, #tpu.memory_space<hbm>> -> memref<1x95x128xi32, #tpu.memory_space<hbm>>
        %dma_start3A_20 = tpu.memref_squeeze %dma_start3A_19 : memref<1x95x128xi32, #tpu.memory_space<hbm>> -> memref<95x128xi32, #tpu.memory_space<hbm>>
        %dma_start3A_21 = arith.constant 0 : i32
        %dma_start3A_22 = arith.constant 0 : i32
        %dma_start3A_23 = tpu.memref_slice %arg3[%arg1, %dma_start3A_21, %dma_start3A_22] : memref<16x95x128xi32, #tpu.memory_space<hbm>> -> memref<1x95x128xi32, #tpu.memory_space<hbm>>
        %dma_start3A_24 = tpu.memref_squeeze %dma_start3A_23 : memref<1x95x128xi32, #tpu.memory_space<hbm>> -> memref<95x128xi32, #tpu.memory_space<hbm>>
        tpu.enqueue_dma source(%dma_start3A_24 : memref<95x128xi32, #tpu.memory_space<hbm>>) target(%arg9 : memref<95x128xi32, #tpu.memory_space<vmem>>) target_semaphore(%run_scoped3A : memref<!tpu.dma_semaphore, #tpu.memory_space<semaphore_mem>>)
        %dma_wait3A = arith.constant 0 : i32
        %dma_wait3A_25 = arith.constant 0 : i32
        %dma_wait3A_26 = tpu.memref_slice %arg3[%arg1, %dma_wait3A, %dma_wait3A_25] : memref<16x95x128xi32, #tpu.memory_space<hbm>> -> memref<1x95x128xi32, #tpu.memory_space<hbm>>
        %dma_wait3A_27 = tpu.memref_squeeze %dma_wait3A_26 : memref<1x95x128xi32, #tpu.memory_space<hbm>> -> memref<95x128xi32, #tpu.memory_space<hbm>>
        %dma_wait3A_28 = arith.constant 0 : i32
        %dma_wait3A_29 = arith.constant 0 : i32
        %dma_wait3A_30 = tpu.memref_slice %arg3[%arg1, %dma_wait3A_28, %dma_wait3A_29] : memref<16x95x128xi32, #tpu.memory_space<hbm>> -> memref<1x95x128xi32, #tpu.memory_space<hbm>>
        %dma_wait3A_31 = tpu.memref_squeeze %dma_wait3A_30 : memref<1x95x128xi32, #tpu.memory_space<hbm>> -> memref<95x128xi32, #tpu.memory_space<hbm>>
        tpu.wait_dma2 semaphore(%run_scoped3A : memref<!tpu.dma_semaphore, #tpu.memory_space<semaphore_mem>>) src(%dma_wait3A_31 : memref<95x128xi32, #tpu.memory_space<hbm>>) dst(%arg9 : memref<95x128xi32, #tpu.memory_space<vmem>>)
        tpu.yield
      }) : () -> ()
      "tpu.region"() ({
        %run_scoped3A = tpu.sem_alloc : memref<!tpu.dma_semaphore, #tpu.memory_space<semaphore_mem>>
        %dma_start3A = arith.constant 0 : i32
        %dma_start3A_18 = arith.constant 0 : i32
        %dma_start3A_19 = tpu.memref_slice %arg4[%arg1, %dma_start3A, %dma_start3A_18] : memref<16x95x128xi32, #tpu.memory_space<hbm>> -> memref<1x95x128xi32, #tpu.memory_space<hbm>>
        %dma_start3A_20 = tpu.memref_squeeze %dma_start3A_19 : memref<1x95x128xi32, #tpu.memory_space<hbm>> -> memref<95x128xi32, #tpu.memory_space<hbm>>
        %dma_start3A_21 = arith.constant 0 : i32
        %dma_start3A_22 = arith.constant 0 : i32
        %dma_start3A_23 = tpu.memref_slice %arg4[%arg1, %dma_start3A_21, %dma_start3A_22] : memref<16x95x128xi32, #tpu.memory_space<hbm>> -> memref<1x95x128xi32, #tpu.memory_space<hbm>>
        %dma_start3A_24 = tpu.memref_squeeze %dma_start3A_23 : memref<1x95x128xi32, #tpu.memory_space<hbm>> -> memref<95x128xi32, #tpu.memory_space<hbm>>
        tpu.enqueue_dma source(%dma_start3A_24 : memref<95x128xi32, #tpu.memory_space<hbm>>) target(%arg10 : memref<95x128xi32, #tpu.memory_space<vmem>>) target_semaphore(%run_scoped3A : memref<!tpu.dma_semaphore, #tpu.memory_space<semaphore_mem>>)
        %dma_wait3A = arith.constant 0 : i32
        %dma_wait3A_25 = arith.constant 0 : i32
        %dma_wait3A_26 = tpu.memref_slice %arg4[%arg1, %dma_wait3A, %dma_wait3A_25] : memref<16x95x128xi32, #tpu.memory_space<hbm>> -> memref<1x95x128xi32, #tpu.memory_space<hbm>>
        %dma_wait3A_27 = tpu.memref_squeeze %dma_wait3A_26 : memref<1x95x128xi32, #tpu.memory_space<hbm>> -> memref<95x128xi32, #tpu.memory_space<hbm>>
        %dma_wait3A_28 = arith.constant 0 : i32
        %dma_wait3A_29 = arith.constant 0 : i32
        %dma_wait3A_30 = tpu.memref_slice %arg4[%arg1, %dma_wait3A_28, %dma_wait3A_29] : memref<16x95x128xi32, #tpu.memory_space<hbm>> -> memref<1x95x128xi32, #tpu.memory_space<hbm>>
        %dma_wait3A_31 = tpu.memref_squeeze %dma_wait3A_30 : memref<1x95x128xi32, #tpu.memory_space<hbm>> -> memref<95x128xi32, #tpu.memory_space<hbm>>
        tpu.wait_dma2 semaphore(%run_scoped3A : memref<!tpu.dma_semaphore, #tpu.memory_space<semaphore_mem>>) src(%dma_wait3A_31 : memref<95x128xi32, #tpu.memory_space<hbm>>) dst(%arg10 : memref<95x128xi32, #tpu.memory_space<vmem>>)
        tpu.yield
      }) : () -> ()
      %barrier3A_12 = arith.constant 0 : index
      tpu.barrier barrier_id(%barrier3A_12)
      %scan3A = arith.constant 0 : i32
      %scan3A_13 = arith.constant 0 : i32
      %scan3A_14 = arith.constant 95 : i32
      %scan3A_15 = arith.addi %scan3A_13, %scan3A_14 : i32
      %scan3A_16 = arith.constant 1 : i32
      scf.for %scan3A_18 = %scan3A_13 to %scan3A_15 step %scan3A_16  : i32 {
        %dma_start3A = arith.constant 0 : i32
        %dma_start3A_19 = tpu.memref_slice %arg9[%scan3A_18, %dma_start3A] : memref<95x128xi32, #tpu.memory_space<vmem>> -> memref<1x128xi32, #tpu.memory_space<vmem>>
        %dma_start3A_20 = tpu.memref_squeeze %dma_start3A_19 : memref<1x128xi32, #tpu.memory_space<vmem>> -> memref<128xi32, #tpu.memory_space<vmem>>
        %dma_start3A_21 = arith.constant 0 : i32
        %dma_start3A_22 = arith.constant 0 : i32
        %dma_start3A_23 = tpu.memref_slice %arg2[%dma_start3A_21, %dma_start3A_22] : memref<10240x128xf32, #tpu.memory_space<hbm>> -> memref<10240x128xf32, #tpu.memory_space<hbm>>
        tpu.enqueue_indirect_dma source(%dma_start3A_23 : memref<10240x128xf32, #tpu.memory_space<hbm>>) target(%arg11 : memref<128x128xf32, #tpu.memory_space<vmem>>) offsets(%dma_start3A_20 : memref<128xi32, #tpu.memory_space<vmem>>) semaphore(%arg13 : memref<!tpu.dma_semaphore, #tpu.memory_space<semaphore_mem>>)
        %dma_wait3A = arith.constant 0 : i32
        %dma_wait3A_24 = tpu.memref_slice %arg9[%scan3A_18, %dma_wait3A] : memref<95x128xi32, #tpu.memory_space<vmem>> -> memref<1x128xi32, #tpu.memory_space<vmem>>
        %dma_wait3A_25 = tpu.memref_squeeze %dma_wait3A_24 : memref<1x128xi32, #tpu.memory_space<vmem>> -> memref<128xi32, #tpu.memory_space<vmem>>
        %dma_wait3A_26 = arith.constant 0 : i32
        %dma_wait3A_27 = arith.constant 0 : i32
        %dma_wait3A_28 = tpu.memref_slice %arg2[%dma_wait3A_26, %dma_wait3A_27] : memref<10240x128xf32, #tpu.memory_space<hbm>> -> memref<10240x128xf32, #tpu.memory_space<hbm>>
        tpu.wait_indirect_dma semaphore(%arg13 : memref<!tpu.dma_semaphore, #tpu.memory_space<semaphore_mem>>) src(%dma_wait3A_28 : memref<10240x128xf32, #tpu.memory_space<hbm>>) dst(%arg11 : memref<128x128xf32, #tpu.memory_space<vmem>>)
        "tpu.region"() ({
          %run_scoped3A = tpu.sem_alloc : memref<!tpu.dma_semaphore, #tpu.memory_space<semaphore_mem>>
          %dma_start3A_29 = arith.constant 0 : i32
          %dma_start3A_30 = tpu.memref_slice %arg10[%scan3A_18, %dma_start3A_29] : memref<95x128xi32, #tpu.memory_space<vmem>> -> memref<1x128xi32, #tpu.memory_space<vmem>>
          %dma_start3A_31 = tpu.memref_squeeze %dma_start3A_30 : memref<1x128xi32, #tpu.memory_space<vmem>> -> memref<128xi32, #tpu.memory_space<vmem>>
          %dma_start3A_32 = arith.constant 0 : i32
          %dma_start3A_33 = arith.constant 0 : i32
          %dma_start3A_34 = tpu.memref_slice %arg12[%dma_start3A_32, %dma_start3A_33] : memref<10240x128xf32, #tpu.memory_space<vmem_shared>> -> memref<10240x128xf32, #tpu.memory_space<vmem_shared>>
          tpu.enqueue_indirect_dma source(%arg11 : memref<128x128xf32, #tpu.memory_space<vmem>>) target(%dma_start3A_34 : memref<10240x128xf32, #tpu.memory_space<vmem_shared>>) offsets(%dma_start3A_31 : memref<128xi32, #tpu.memory_space<vmem>>) semaphore(%run_scoped3A : memref<!tpu.dma_semaphore, #tpu.memory_space<semaphore_mem>>) {add = true}
          %dma_wait3A_35 = arith.constant 0 : i32
          %dma_wait3A_36 = tpu.memref_slice %arg10[%scan3A_18, %dma_wait3A_35] : memref<95x128xi32, #tpu.memory_space<vmem>> -> memref<1x128xi32, #tpu.memory_space<vmem>>
          %dma_wait3A_37 = tpu.memref_squeeze %dma_wait3A_36 : memref<1x128xi32, #tpu.memory_space<vmem>> -> memref<128xi32, #tpu.memory_space<vmem>>
          %dma_wait3A_38 = arith.constant 0 : i32
          %dma_wait3A_39 = arith.constant 0 : i32
          %dma_wait3A_40 = tpu.memref_slice %arg12[%dma_wait3A_38, %dma_wait3A_39] : memref<10240x128xf32, #tpu.memory_space<vmem_shared>> -> memref<10240x128xf32, #tpu.memory_space<vmem_shared>>
          tpu.wait_indirect_dma semaphore(%run_scoped3A : memref<!tpu.dma_semaphore, #tpu.memory_space<semaphore_mem>>) src(%arg11 : memref<128x128xf32, #tpu.memory_space<vmem>>) dst(%dma_wait3A_40 : memref<10240x128xf32, #tpu.memory_space<vmem_shared>>)
          tpu.yield
        }) : () -> ()
      }
      %scan3A_17 = arith.constant 95 : i32
    } else {
    }
    %eq3A_3 = arith.constant 1 : i32
    %eq3A_4 = arith.cmpi eq, %arg0, %eq3A_3 : i32
    %convert_element_type3A_5 = arith.extui %eq3A_4 : i1 to i32
    %cond3A_6 = arith.constant 0 : i32
    %cond3A_7 = arith.cmpi ne, %convert_element_type3A_5, %cond3A_6 : i32
    scf.if %cond3A_7 {
      "tpu.region"() ({
        %run_scoped3A = tpu.sem_alloc : memref<!tpu.dma_semaphore, #tpu.memory_space<semaphore_mem>>
        %dma_start3A = arith.constant 0 : i32
        %dma_start3A_18 = arith.constant 0 : i32
        %dma_start3A_19 = tpu.memref_slice %arg9[%dma_start3A, %dma_start3A_18] : memref<95x128xi32, #tpu.memory_space<vmem>> -> memref<62x128xi32, #tpu.memory_space<vmem>>
        %dma_start3A_20 = arith.constant 0 : i32
        %dma_start3A_21 = arith.constant 0 : i32
        %dma_start3A_22 = tpu.memref_slice %arg5[%arg1, %dma_start3A_20, %dma_start3A_21] : memref<16x62x128xi32, #tpu.memory_space<hbm>> -> memref<1x62x128xi32, #tpu.memory_space<hbm>>
        %dma_start3A_23 = tpu.memref_squeeze %dma_start3A_22 : memref<1x62x128xi32, #tpu.memory_space<hbm>> -> memref<62x128xi32, #tpu.memory_space<hbm>>
        %dma_start3A_24 = arith.constant 0 : i32
        %dma_start3A_25 = arith.constant 0 : i32
        %dma_start3A_26 = tpu.memref_slice %arg9[%dma_start3A_24, %dma_start3A_25] : memref<95x128xi32, #tpu.memory_space<vmem>> -> memref<62x128xi32, #tpu.memory_space<vmem>>
        %dma_start3A_27 = arith.constant 0 : i32
        %dma_start3A_28 = arith.constant 0 : i32
        %dma_start3A_29 = tpu.memref_slice %arg5[%arg1, %dma_start3A_27, %dma_start3A_28] : memref<16x62x128xi32, #tpu.memory_space<hbm>> -> memref<1x62x128xi32, #tpu.memory_space<hbm>>
        %dma_start3A_30 = tpu.memref_squeeze %dma_start3A_29 : memref<1x62x128xi32, #tpu.memory_space<hbm>> -> memref<62x128xi32, #tpu.memory_space<hbm>>
        tpu.enqueue_dma source(%dma_start3A_30 : memref<62x128xi32, #tpu.memory_space<hbm>>) target(%dma_start3A_26 : memref<62x128xi32, #tpu.memory_space<vmem>>) target_semaphore(%run_scoped3A : memref<!tpu.dma_semaphore, #tpu.memory_space<semaphore_mem>>)
        %dma_wait3A = arith.constant 0 : i32
        %dma_wait3A_31 = arith.constant 0 : i32
        %dma_wait3A_32 = tpu.memref_slice %arg9[%dma_wait3A, %dma_wait3A_31] : memref<95x128xi32, #tpu.memory_space<vmem>> -> memref<62x128xi32, #tpu.memory_space<vmem>>
        %dma_wait3A_33 = arith.constant 0 : i32
        %dma_wait3A_34 = arith.constant 0 : i32
        %dma_wait3A_35 = tpu.memref_slice %arg5[%arg1, %dma_wait3A_33, %dma_wait3A_34] : memref<16x62x128xi32, #tpu.memory_space<hbm>> -> memref<1x62x128xi32, #tpu.memory_space<hbm>>
        %dma_wait3A_36 = tpu.memref_squeeze %dma_wait3A_35 : memref<1x62x128xi32, #tpu.memory_space<hbm>> -> memref<62x128xi32, #tpu.memory_space<hbm>>
        %dma_wait3A_37 = arith.constant 0 : i32
        %dma_wait3A_38 = arith.constant 0 : i32
        %dma_wait3A_39 = tpu.memref_slice %arg9[%dma_wait3A_37, %dma_wait3A_38] : memref<95x128xi32, #tpu.memory_space<vmem>> -> memref<62x128xi32, #tpu.memory_space<vmem>>
        %dma_wait3A_40 = arith.constant 0 : i32
        %dma_wait3A_41 = arith.constant 0 : i32
        %dma_wait3A_42 = tpu.memref_slice %arg5[%arg1, %dma_wait3A_40, %dma_wait3A_41] : memref<16x62x128xi32, #tpu.memory_space<hbm>> -> memref<1x62x128xi32, #tpu.memory_space<hbm>>
        %dma_wait3A_43 = tpu.memref_squeeze %dma_wait3A_42 : memref<1x62x128xi32, #tpu.memory_space<hbm>> -> memref<62x128xi32, #tpu.memory_space<hbm>>
        tpu.wait_dma2 semaphore(%run_scoped3A : memref<!tpu.dma_semaphore, #tpu.memory_space<semaphore_mem>>) src(%dma_wait3A_43 : memref<62x128xi32, #tpu.memory_space<hbm>>) dst(%dma_wait3A_39 : memref<62x128xi32, #tpu.memory_space<vmem>>)
        tpu.yield
      }) : () -> ()
      "tpu.region"() ({
        %run_scoped3A = tpu.sem_alloc : memref<!tpu.dma_semaphore, #tpu.memory_space<semaphore_mem>>
        %dma_start3A = arith.constant 0 : i32
        %dma_start3A_18 = arith.constant 0 : i32
        %dma_start3A_19 = tpu.memref_slice %arg10[%dma_start3A, %dma_start3A_18] : memref<95x128xi32, #tpu.memory_space<vmem>> -> memref<62x128xi32, #tpu.memory_space<vmem>>
        %dma_start3A_20 = arith.constant 0 : i32
        %dma_start3A_21 = arith.constant 0 : i32
        %dma_start3A_22 = tpu.memref_slice %arg6[%arg1, %dma_start3A_20, %dma_start3A_21] : memref<16x62x128xi32, #tpu.memory_space<hbm>> -> memref<1x62x128xi32, #tpu.memory_space<hbm>>
        %dma_start3A_23 = tpu.memref_squeeze %dma_start3A_22 : memref<1x62x128xi32, #tpu.memory_space<hbm>> -> memref<62x128xi32, #tpu.memory_space<hbm>>
        %dma_start3A_24 = arith.constant 0 : i32
        %dma_start3A_25 = arith.constant 0 : i32
        %dma_start3A_26 = tpu.memref_slice %arg10[%dma_start3A_24, %dma_start3A_25] : memref<95x128xi32, #tpu.memory_space<vmem>> -> memref<62x128xi32, #tpu.memory_space<vmem>>
        %dma_start3A_27 = arith.constant 0 : i32
        %dma_start3A_28 = arith.constant 0 : i32
        %dma_start3A_29 = tpu.memref_slice %arg6[%arg1, %dma_start3A_27, %dma_start3A_28] : memref<16x62x128xi32, #tpu.memory_space<hbm>> -> memref<1x62x128xi32, #tpu.memory_space<hbm>>
        %dma_start3A_30 = tpu.memref_squeeze %dma_start3A_29 : memref<1x62x128xi32, #tpu.memory_space<hbm>> -> memref<62x128xi32, #tpu.memory_space<hbm>>
        tpu.enqueue_dma source(%dma_start3A_30 : memref<62x128xi32, #tpu.memory_space<hbm>>) target(%dma_start3A_26 : memref<62x128xi32, #tpu.memory_space<vmem>>) target_semaphore(%run_scoped3A : memref<!tpu.dma_semaphore, #tpu.memory_space<semaphore_mem>>)
        %dma_wait3A = arith.constant 0 : i32
        %dma_wait3A_31 = arith.constant 0 : i32
        %dma_wait3A_32 = tpu.memref_slice %arg10[%dma_wait3A, %dma_wait3A_31] : memref<95x128xi32, #tpu.memory_space<vmem>> -> memref<62x128xi32, #tpu.memory_space<vmem>>
        %dma_wait3A_33 = arith.constant 0 : i32
        %dma_wait3A_34 = arith.constant 0 : i32
        %dma_wait3A_35 = tpu.memref_slice %arg6[%arg1, %dma_wait3A_33, %dma_wait3A_34] : memref<16x62x128xi32, #tpu.memory_space<hbm>> -> memref<1x62x128xi32, #tpu.memory_space<hbm>>
        %dma_wait3A_36 = tpu.memref_squeeze %dma_wait3A_35 : memref<1x62x128xi32, #tpu.memory_space<hbm>> -> memref<62x128xi32, #tpu.memory_space<hbm>>
        %dma_wait3A_37 = arith.constant 0 : i32
        %dma_wait3A_38 = arith.constant 0 : i32
        %dma_wait3A_39 = tpu.memref_slice %arg10[%dma_wait3A_37, %dma_wait3A_38] : memref<95x128xi32, #tpu.memory_space<vmem>> -> memref<62x128xi32, #tpu.memory_space<vmem>>
        %dma_wait3A_40 = arith.constant 0 : i32
        %dma_wait3A_41 = arith.constant 0 : i32
        %dma_wait3A_42 = tpu.memref_slice %arg6[%arg1, %dma_wait3A_40, %dma_wait3A_41] : memref<16x62x128xi32, #tpu.memory_space<hbm>> -> memref<1x62x128xi32, #tpu.memory_space<hbm>>
        %dma_wait3A_43 = tpu.memref_squeeze %dma_wait3A_42 : memref<1x62x128xi32, #tpu.memory_space<hbm>> -> memref<62x128xi32, #tpu.memory_space<hbm>>
        tpu.wait_dma2 semaphore(%run_scoped3A : memref<!tpu.dma_semaphore, #tpu.memory_space<semaphore_mem>>) src(%dma_wait3A_43 : memref<62x128xi32, #tpu.memory_space<hbm>>) dst(%dma_wait3A_39 : memref<62x128xi32, #tpu.memory_space<vmem>>)
        tpu.yield
      }) : () -> ()
      %barrier3A_12 = arith.constant 0 : index
      tpu.barrier barrier_id(%barrier3A_12)
      %scan3A = arith.constant 0 : i32
      %scan3A_13 = arith.constant 0 : i32
      %scan3A_14 = arith.constant 62 : i32
      %scan3A_15 = arith.addi %scan3A_13, %scan3A_14 : i32
      %scan3A_16 = arith.constant 1 : i32
      scf.for %scan3A_18 = %scan3A_13 to %scan3A_15 step %scan3A_16  : i32 {
        %dma_start3A = arith.constant 0 : i32
        %dma_start3A_19 = tpu.memref_slice %arg9[%scan3A_18, %dma_start3A] : memref<95x128xi32, #tpu.memory_space<vmem>> -> memref<1x128xi32, #tpu.memory_space<vmem>>
        %dma_start3A_20 = tpu.memref_squeeze %dma_start3A_19 : memref<1x128xi32, #tpu.memory_space<vmem>> -> memref<128xi32, #tpu.memory_space<vmem>>
        %dma_start3A_21 = arith.constant 0 : i32
        %dma_start3A_22 = arith.constant 0 : i32
        %dma_start3A_23 = tpu.memref_slice %arg2[%dma_start3A_21, %dma_start3A_22] : memref<10240x128xf32, #tpu.memory_space<hbm>> -> memref<10240x128xf32, #tpu.memory_space<hbm>>
        tpu.enqueue_indirect_dma source(%dma_start3A_23 : memref<10240x128xf32, #tpu.memory_space<hbm>>) target(%arg11 : memref<128x128xf32, #tpu.memory_space<vmem>>) offsets(%dma_start3A_20 : memref<128xi32, #tpu.memory_space<vmem>>) semaphore(%arg13 : memref<!tpu.dma_semaphore, #tpu.memory_space<semaphore_mem>>)
        %dma_wait3A = arith.constant 0 : i32
        %dma_wait3A_24 = tpu.memref_slice %arg9[%scan3A_18, %dma_wait3A] : memref<95x128xi32, #tpu.memory_space<vmem>> -> memref<1x128xi32, #tpu.memory_space<vmem>>
        %dma_wait3A_25 = tpu.memref_squeeze %dma_wait3A_24 : memref<1x128xi32, #tpu.memory_space<vmem>> -> memref<128xi32, #tpu.memory_space<vmem>>
        %dma_wait3A_26 = arith.constant 0 : i32
        %dma_wait3A_27 = arith.constant 0 : i32
        %dma_wait3A_28 = tpu.memref_slice %arg2[%dma_wait3A_26, %dma_wait3A_27] : memref<10240x128xf32, #tpu.memory_space<hbm>> -> memref<10240x128xf32, #tpu.memory_space<hbm>>
        tpu.wait_indirect_dma semaphore(%arg13 : memref<!tpu.dma_semaphore, #tpu.memory_space<semaphore_mem>>) src(%dma_wait3A_28 : memref<10240x128xf32, #tpu.memory_space<hbm>>) dst(%arg11 : memref<128x128xf32, #tpu.memory_space<vmem>>)
        "tpu.region"() ({
          %run_scoped3A = tpu.sem_alloc : memref<!tpu.dma_semaphore, #tpu.memory_space<semaphore_mem>>
          %dma_start3A_29 = arith.constant 0 : i32
          %dma_start3A_30 = tpu.memref_slice %arg10[%scan3A_18, %dma_start3A_29] : memref<95x128xi32, #tpu.memory_space<vmem>> -> memref<1x128xi32, #tpu.memory_space<vmem>>
          %dma_start3A_31 = tpu.memref_squeeze %dma_start3A_30 : memref<1x128xi32, #tpu.memory_space<vmem>> -> memref<128xi32, #tpu.memory_space<vmem>>
          %dma_start3A_32 = arith.constant 0 : i32
          %dma_start3A_33 = arith.constant 0 : i32
          %dma_start3A_34 = tpu.memref_slice %arg12[%dma_start3A_32, %dma_start3A_33] : memref<10240x128xf32, #tpu.memory_space<vmem_shared>> -> memref<10240x128xf32, #tpu.memory_space<vmem_shared>>
          tpu.enqueue_indirect_dma source(%arg11 : memref<128x128xf32, #tpu.memory_space<vmem>>) target(%dma_start3A_34 : memref<10240x128xf32, #tpu.memory_space<vmem_shared>>) offsets(%dma_start3A_31 : memref<128xi32, #tpu.memory_space<vmem>>) semaphore(%run_scoped3A : memref<!tpu.dma_semaphore, #tpu.memory_space<semaphore_mem>>) {add = true}
          %dma_wait3A_35 = arith.constant 0 : i32
          %dma_wait3A_36 = tpu.memref_slice %arg10[%scan3A_18, %dma_wait3A_35] : memref<95x128xi32, #tpu.memory_space<vmem>> -> memref<1x128xi32, #tpu.memory_space<vmem>>
          %dma_wait3A_37 = tpu.memref_squeeze %dma_wait3A_36 : memref<1x128xi32, #tpu.memory_space<vmem>> -> memref<128xi32, #tpu.memory_space<vmem>>
          %dma_wait3A_38 = arith.constant 0 : i32
          %dma_wait3A_39 = arith.constant 0 : i32
          %dma_wait3A_40 = tpu.memref_slice %arg12[%dma_wait3A_38, %dma_wait3A_39] : memref<10240x128xf32, #tpu.memory_space<vmem_shared>> -> memref<10240x128xf32, #tpu.memory_space<vmem_shared>>
          tpu.wait_indirect_dma semaphore(%run_scoped3A : memref<!tpu.dma_semaphore, #tpu.memory_space<semaphore_mem>>) src(%arg11 : memref<128x128xf32, #tpu.memory_space<vmem>>) dst(%dma_wait3A_40 : memref<10240x128xf32, #tpu.memory_space<vmem_shared>>)
          tpu.yield
        }) : () -> ()
      }
      %scan3A_17 = arith.constant 62 : i32
    } else {
    }
    %barrier3A = arith.constant 0 : index
    tpu.barrier barrier_id(%barrier3A)
    %mul3A_8 = arith.constant 640 : i32
    %mul3A_9 = arith.muli %arg1, %mul3A_8 : i32
    %mul3A_10 = arith.constant 640 : i32
    %mul3A_11 = arith.muli %arg1, %mul3A_10 : i32
    "tpu.region"() ({
      %run_scoped3A = tpu.sem_alloc : memref<!tpu.dma_semaphore, #tpu.memory_space<semaphore_mem>>
      %dma_start3A = arith.constant 0 : i32
      %dma_start3A_12 = arith.constant 0 : i32
      %dma_start3A_13 = tpu.memref_slice %arg8[%arg0, %dma_start3A, %dma_start3A_12] : memref<2x10240x128xf32, #tpu.memory_space<hbm>> -> memref<1x10240x128xf32, #tpu.memory_space<hbm>>
      %dma_start3A_14 = tpu.memref_squeeze %dma_start3A_13 : memref<1x10240x128xf32, #tpu.memory_space<hbm>> -> memref<10240x128xf32, #tpu.memory_space<hbm>>
      %dma_start3A_15 = arith.constant 0 : i32
      %dma_start3A_16 = tpu.memref_slice %dma_start3A_14[%mul3A_11, %dma_start3A_15] : memref<10240x128xf32, #tpu.memory_space<hbm>> -> memref<640x128xf32, #tpu.memory_space<hbm>>
      %dma_start3A_17 = arith.constant 0 : i32
      %dma_start3A_18 = tpu.memref_slice %arg12[%mul3A_9, %dma_start3A_17] : memref<10240x128xf32, #tpu.memory_space<vmem_shared>> -> memref<640x128xf32, #tpu.memory_space<vmem_shared>>
      tpu.enqueue_dma source(%dma_start3A_18 : memref<640x128xf32, #tpu.memory_space<vmem_shared>>) target(%dma_start3A_16 : memref<640x128xf32, #tpu.memory_space<hbm>>) target_semaphore(%run_scoped3A : memref<!tpu.dma_semaphore, #tpu.memory_space<semaphore_mem>>)
      %dma_wait3A = arith.constant 0 : i32
      %dma_wait3A_19 = arith.constant 0 : i32
      %dma_wait3A_20 = tpu.memref_slice %arg8[%arg0, %dma_wait3A, %dma_wait3A_19] : memref<2x10240x128xf32, #tpu.memory_space<hbm>> -> memref<1x10240x128xf32, #tpu.memory_space<hbm>>
      %dma_wait3A_21 = tpu.memref_squeeze %dma_wait3A_20 : memref<1x10240x128xf32, #tpu.memory_space<hbm>> -> memref<10240x128xf32, #tpu.memory_space<hbm>>
      %dma_wait3A_22 = arith.constant 0 : i32
      %dma_wait3A_23 = tpu.memref_slice %dma_wait3A_21[%mul3A_11, %dma_wait3A_22] : memref<10240x128xf32, #tpu.memory_space<hbm>> -> memref<640x128xf32, #tpu.memory_space<hbm>>
      %dma_wait3A_24 = arith.constant 0 : i32
      %dma_wait3A_25 = tpu.memref_slice %arg12[%mul3A_9, %dma_wait3A_24] : memref<10240x128xf32, #tpu.memory_space<vmem_shared>> -> memref<640x128xf32, #tpu.memory_space<vmem_shared>>
      tpu.wait_dma2 semaphore(%run_scoped3A : memref<!tpu.dma_semaphore, #tpu.memory_space<semaphore_mem>>) src(%dma_wait3A_25 : memref<640x128xf32, #tpu.memory_space<vmem_shared>>) dst(%dma_wait3A_23 : memref<640x128xf32, #tpu.memory_space<hbm>>)
      tpu.yield
    }) : () -> ()
    return
  }
}

#map = affine_map<(d0, d1) -> (0, 0)>
#map1 = affine_map<(d0, d1) -> (0, 0, 0)>
module attributes {stable_mosaic.version = 14 : i64} {
  func.func @_agg_body(%arg0: i32, %arg1: i32, %arg2: memref<10240x128xf32, #tpu.memory_space<hbm>>, %arg3: memref<16x95x128xi32, #tpu.memory_space<hbm>>, %arg4: memref<16x95x128xi32, #tpu.memory_space<hbm>>, %arg5: memref<16x62x128xi32, #tpu.memory_space<hbm>>, %arg6: memref<16x62x128xi32, #tpu.memory_space<hbm>>, %arg7: memref<640x128xf32, #tpu.memory_space<hbm>>, %arg8: memref<2x10240x128xf32, #tpu.memory_space<hbm>>, %arg9: memref<95x128xi32, #tpu.memory_space<vmem>>, %arg10: memref<95x128xi32, #tpu.memory_space<vmem>>, %arg11: memref<128x128xf32, #tpu.memory_space<vmem>>, %arg12: memref<10240x128xf32, #tpu.memory_space<vmem_shared>>, %arg13: memref<!tpu.dma_semaphore, #tpu.memory_space<semaphore_mem>>) attributes {dimension_semantics = [#tpu.dimension_semantics<core_parallel>, #tpu.dimension_semantics<subcore_parallel>], iteration_bounds = array<i64: 2, 16>, scalar_prefetch = 0 : i64, scratch_operands = 5 : i64, tpu.core_type = #tpu.core_type<sc_vector_subcore>, window_params = [{transform_indices = #map}, {transform_indices = #map1}, {transform_indices = #map1}, {transform_indices = #map1}, {transform_indices = #map1}, {transform_indices = #map}, {transform_indices = #map1}]} {
    %mul3A = arith.constant 640 : i32
    %mul3A_0 = arith.muli %arg1, %mul3A : i32
    "tpu.region"() ({
      %run_scoped3A = tpu.sem_alloc : memref<!tpu.dma_semaphore, #tpu.memory_space<semaphore_mem>>
      %dma_start3A = arith.constant 0 : i32
      %dma_start3A_12 = tpu.memref_slice %arg12[%mul3A_0, %dma_start3A] : memref<10240x128xf32, #tpu.memory_space<vmem_shared>> -> memref<640x128xf32, #tpu.memory_space<vmem_shared>>
      tpu.enqueue_dma source(%arg7 : memref<640x128xf32, #tpu.memory_space<hbm>>) target(%dma_start3A_12 : memref<640x128xf32, #tpu.memory_space<vmem_shared>>) target_semaphore(%run_scoped3A : memref<!tpu.dma_semaphore, #tpu.memory_space<semaphore_mem>>)
      %dma_wait3A = arith.constant 0 : i32
      %dma_wait3A_13 = tpu.memref_slice %arg12[%mul3A_0, %dma_wait3A] : memref<10240x128xf32, #tpu.memory_space<vmem_shared>> -> memref<640x128xf32, #tpu.memory_space<vmem_shared>>
      tpu.wait_dma2 semaphore(%run_scoped3A : memref<!tpu.dma_semaphore, #tpu.memory_space<semaphore_mem>>) src(%arg7 : memref<640x128xf32, #tpu.memory_space<hbm>>) dst(%dma_wait3A_13 : memref<640x128xf32, #tpu.memory_space<vmem_shared>>)
      tpu.yield
    }) : () -> ()
    %eq3A = arith.constant 0 : i32
    %eq3A_1 = arith.cmpi eq, %arg0, %eq3A : i32
    %convert_element_type3A = arith.extui %eq3A_1 : i1 to i32
    %cond3A = arith.constant 0 : i32
    %cond3A_2 = arith.cmpi ne, %convert_element_type3A, %cond3A : i32
    scf.if %cond3A_2 {
      "tpu.region"() ({
        %run_scoped3A = tpu.sem_alloc : memref<!tpu.dma_semaphore, #tpu.memory_space<semaphore_mem>>
        %dma_start3A = arith.constant 0 : i32
        %dma_start3A_18 = arith.constant 0 : i32
        %dma_start3A_19 = tpu.memref_slice %arg3[%arg1, %dma_start3A, %dma_start3A_18] : memref<16x95x128xi32, #tpu.memory_space<hbm>> -> memref<1x95x128xi32, #tpu.memory_space<hbm>>
        %dma_start3A_20 = tpu.memref_squeeze %dma_start3A_19 : memref<1x95x128xi32, #tpu.memory_space<hbm>> -> memref<95x128xi32, #tpu.memory_space<hbm>>
        %dma_start3A_21 = arith.constant 0 : i32
        %dma_start3A_22 = arith.constant 0 : i32
        %dma_start3A_23 = tpu.memref_slice %arg3[%arg1, %dma_start3A_21, %dma_start3A_22] : memref<16x95x128xi32, #tpu.memory_space<hbm>> -> memref<1x95x128xi32, #tpu.memory_space<hbm>>
        %dma_start3A_24 = tpu.memref_squeeze %dma_start3A_23 : memref<1x95x128xi32, #tpu.memory_space<hbm>> -> memref<95x128xi32, #tpu.memory_space<hbm>>
        tpu.enqueue_dma source(%dma_start3A_24 : memref<95x128xi32, #tpu.memory_space<hbm>>) target(%arg9 : memref<95x128xi32, #tpu.memory_space<vmem>>) target_semaphore(%run_scoped3A : memref<!tpu.dma_semaphore, #tpu.memory_space<semaphore_mem>>)
        %dma_wait3A = arith.constant 0 : i32
        %dma_wait3A_25 = arith.constant 0 : i32
        %dma_wait3A_26 = tpu.memref_slice %arg3[%arg1, %dma_wait3A, %dma_wait3A_25] : memref<16x95x128xi32, #tpu.memory_space<hbm>> -> memref<1x95x128xi32, #tpu.memory_space<hbm>>
        %dma_wait3A_27 = tpu.memref_squeeze %dma_wait3A_26 : memref<1x95x128xi32, #tpu.memory_space<hbm>> -> memref<95x128xi32, #tpu.memory_space<hbm>>
        %dma_wait3A_28 = arith.constant 0 : i32
        %dma_wait3A_29 = arith.constant 0 : i32
        %dma_wait3A_30 = tpu.memref_slice %arg3[%arg1, %dma_wait3A_28, %dma_wait3A_29] : memref<16x95x128xi32, #tpu.memory_space<hbm>> -> memref<1x95x128xi32, #tpu.memory_space<hbm>>
        %dma_wait3A_31 = tpu.memref_squeeze %dma_wait3A_30 : memref<1x95x128xi32, #tpu.memory_space<hbm>> -> memref<95x128xi32, #tpu.memory_space<hbm>>
        tpu.wait_dma2 semaphore(%run_scoped3A : memref<!tpu.dma_semaphore, #tpu.memory_space<semaphore_mem>>) src(%dma_wait3A_31 : memref<95x128xi32, #tpu.memory_space<hbm>>) dst(%arg9 : memref<95x128xi32, #tpu.memory_space<vmem>>)
        tpu.yield
      }) : () -> ()
      "tpu.region"() ({
        %run_scoped3A = tpu.sem_alloc : memref<!tpu.dma_semaphore, #tpu.memory_space<semaphore_mem>>
        %dma_start3A = arith.constant 0 : i32
        %dma_start3A_18 = arith.constant 0 : i32
        %dma_start3A_19 = tpu.memref_slice %arg4[%arg1, %dma_start3A, %dma_start3A_18] : memref<16x95x128xi32, #tpu.memory_space<hbm>> -> memref<1x95x128xi32, #tpu.memory_space<hbm>>
        %dma_start3A_20 = tpu.memref_squeeze %dma_start3A_19 : memref<1x95x128xi32, #tpu.memory_space<hbm>> -> memref<95x128xi32, #tpu.memory_space<hbm>>
        %dma_start3A_21 = arith.constant 0 : i32
        %dma_start3A_22 = arith.constant 0 : i32
        %dma_start3A_23 = tpu.memref_slice %arg4[%arg1, %dma_start3A_21, %dma_start3A_22] : memref<16x95x128xi32, #tpu.memory_space<hbm>> -> memref<1x95x128xi32, #tpu.memory_space<hbm>>
        %dma_start3A_24 = tpu.memref_squeeze %dma_start3A_23 : memref<1x95x128xi32, #tpu.memory_space<hbm>> -> memref<95x128xi32, #tpu.memory_space<hbm>>
        tpu.enqueue_dma source(%dma_start3A_24 : memref<95x128xi32, #tpu.memory_space<hbm>>) target(%arg10 : memref<95x128xi32, #tpu.memory_space<vmem>>) target_semaphore(%run_scoped3A : memref<!tpu.dma_semaphore, #tpu.memory_space<semaphore_mem>>)
        %dma_wait3A = arith.constant 0 : i32
        %dma_wait3A_25 = arith.constant 0 : i32
        %dma_wait3A_26 = tpu.memref_slice %arg4[%arg1, %dma_wait3A, %dma_wait3A_25] : memref<16x95x128xi32, #tpu.memory_space<hbm>> -> memref<1x95x128xi32, #tpu.memory_space<hbm>>
        %dma_wait3A_27 = tpu.memref_squeeze %dma_wait3A_26 : memref<1x95x128xi32, #tpu.memory_space<hbm>> -> memref<95x128xi32, #tpu.memory_space<hbm>>
        %dma_wait3A_28 = arith.constant 0 : i32
        %dma_wait3A_29 = arith.constant 0 : i32
        %dma_wait3A_30 = tpu.memref_slice %arg4[%arg1, %dma_wait3A_28, %dma_wait3A_29] : memref<16x95x128xi32, #tpu.memory_space<hbm>> -> memref<1x95x128xi32, #tpu.memory_space<hbm>>
        %dma_wait3A_31 = tpu.memref_squeeze %dma_wait3A_30 : memref<1x95x128xi32, #tpu.memory_space<hbm>> -> memref<95x128xi32, #tpu.memory_space<hbm>>
        tpu.wait_dma2 semaphore(%run_scoped3A : memref<!tpu.dma_semaphore, #tpu.memory_space<semaphore_mem>>) src(%dma_wait3A_31 : memref<95x128xi32, #tpu.memory_space<hbm>>) dst(%arg10 : memref<95x128xi32, #tpu.memory_space<vmem>>)
        tpu.yield
      }) : () -> ()
      %barrier3A_12 = arith.constant 0 : index
      tpu.barrier barrier_id(%barrier3A_12)
      %scan3A = arith.constant 0 : i32
      %scan3A_13 = arith.constant 0 : i32
      %scan3A_14 = arith.constant 95 : i32
      %scan3A_15 = arith.addi %scan3A_13, %scan3A_14 : i32
      %scan3A_16 = arith.constant 1 : i32
      scf.for %scan3A_18 = %scan3A_13 to %scan3A_15 step %scan3A_16  : i32 {
        %dma_start3A = arith.constant 0 : i32
        %dma_start3A_19 = tpu.memref_slice %arg9[%scan3A_18, %dma_start3A] : memref<95x128xi32, #tpu.memory_space<vmem>> -> memref<1x128xi32, #tpu.memory_space<vmem>>
        %dma_start3A_20 = tpu.memref_squeeze %dma_start3A_19 : memref<1x128xi32, #tpu.memory_space<vmem>> -> memref<128xi32, #tpu.memory_space<vmem>>
        %dma_start3A_21 = arith.constant 0 : i32
        %dma_start3A_22 = arith.constant 0 : i32
        %dma_start3A_23 = tpu.memref_slice %arg2[%dma_start3A_21, %dma_start3A_22] : memref<10240x128xf32, #tpu.memory_space<hbm>> -> memref<10240x128xf32, #tpu.memory_space<hbm>>
        tpu.enqueue_indirect_dma source(%dma_start3A_23 : memref<10240x128xf32, #tpu.memory_space<hbm>>) target(%arg11 : memref<128x128xf32, #tpu.memory_space<vmem>>) offsets(%dma_start3A_20 : memref<128xi32, #tpu.memory_space<vmem>>) semaphore(%arg13 : memref<!tpu.dma_semaphore, #tpu.memory_space<semaphore_mem>>)
        %dma_wait3A = arith.constant 0 : i32
        %dma_wait3A_24 = tpu.memref_slice %arg9[%scan3A_18, %dma_wait3A] : memref<95x128xi32, #tpu.memory_space<vmem>> -> memref<1x128xi32, #tpu.memory_space<vmem>>
        %dma_wait3A_25 = tpu.memref_squeeze %dma_wait3A_24 : memref<1x128xi32, #tpu.memory_space<vmem>> -> memref<128xi32, #tpu.memory_space<vmem>>
        %dma_wait3A_26 = arith.constant 0 : i32
        %dma_wait3A_27 = arith.constant 0 : i32
        %dma_wait3A_28 = tpu.memref_slice %arg2[%dma_wait3A_26, %dma_wait3A_27] : memref<10240x128xf32, #tpu.memory_space<hbm>> -> memref<10240x128xf32, #tpu.memory_space<hbm>>
        tpu.wait_indirect_dma semaphore(%arg13 : memref<!tpu.dma_semaphore, #tpu.memory_space<semaphore_mem>>) src(%dma_wait3A_28 : memref<10240x128xf32, #tpu.memory_space<hbm>>) dst(%arg11 : memref<128x128xf32, #tpu.memory_space<vmem>>)
        "tpu.region"() ({
          %run_scoped3A = tpu.sem_alloc : memref<!tpu.dma_semaphore, #tpu.memory_space<semaphore_mem>>
          %dma_start3A_29 = arith.constant 0 : i32
          %dma_start3A_30 = tpu.memref_slice %arg10[%scan3A_18, %dma_start3A_29] : memref<95x128xi32, #tpu.memory_space<vmem>> -> memref<1x128xi32, #tpu.memory_space<vmem>>
          %dma_start3A_31 = tpu.memref_squeeze %dma_start3A_30 : memref<1x128xi32, #tpu.memory_space<vmem>> -> memref<128xi32, #tpu.memory_space<vmem>>
          %dma_start3A_32 = arith.constant 0 : i32
          %dma_start3A_33 = arith.constant 0 : i32
          %dma_start3A_34 = tpu.memref_slice %arg12[%dma_start3A_32, %dma_start3A_33] : memref<10240x128xf32, #tpu.memory_space<vmem_shared>> -> memref<10240x128xf32, #tpu.memory_space<vmem_shared>>
          tpu.enqueue_indirect_dma source(%arg11 : memref<128x128xf32, #tpu.memory_space<vmem>>) target(%dma_start3A_34 : memref<10240x128xf32, #tpu.memory_space<vmem_shared>>) offsets(%dma_start3A_31 : memref<128xi32, #tpu.memory_space<vmem>>) semaphore(%run_scoped3A : memref<!tpu.dma_semaphore, #tpu.memory_space<semaphore_mem>>) {add = true}
          %dma_wait3A_35 = arith.constant 0 : i32
          %dma_wait3A_36 = tpu.memref_slice %arg10[%scan3A_18, %dma_wait3A_35] : memref<95x128xi32, #tpu.memory_space<vmem>> -> memref<1x128xi32, #tpu.memory_space<vmem>>
          %dma_wait3A_37 = tpu.memref_squeeze %dma_wait3A_36 : memref<1x128xi32, #tpu.memory_space<vmem>> -> memref<128xi32, #tpu.memory_space<vmem>>
          %dma_wait3A_38 = arith.constant 0 : i32
          %dma_wait3A_39 = arith.constant 0 : i32
          %dma_wait3A_40 = tpu.memref_slice %arg12[%dma_wait3A_38, %dma_wait3A_39] : memref<10240x128xf32, #tpu.memory_space<vmem_shared>> -> memref<10240x128xf32, #tpu.memory_space<vmem_shared>>
          tpu.wait_indirect_dma semaphore(%run_scoped3A : memref<!tpu.dma_semaphore, #tpu.memory_space<semaphore_mem>>) src(%arg11 : memref<128x128xf32, #tpu.memory_space<vmem>>) dst(%dma_wait3A_40 : memref<10240x128xf32, #tpu.memory_space<vmem_shared>>)
          tpu.yield
        }) : () -> ()
      }
      %scan3A_17 = arith.constant 95 : i32
    } else {
    }
    %eq3A_3 = arith.constant 1 : i32
    %eq3A_4 = arith.cmpi eq, %arg0, %eq3A_3 : i32
    %convert_element_type3A_5 = arith.extui %eq3A_4 : i1 to i32
    %cond3A_6 = arith.constant 0 : i32
    %cond3A_7 = arith.cmpi ne, %convert_element_type3A_5, %cond3A_6 : i32
    scf.if %cond3A_7 {
      "tpu.region"() ({
        %run_scoped3A = tpu.sem_alloc : memref<!tpu.dma_semaphore, #tpu.memory_space<semaphore_mem>>
        %dma_start3A = arith.constant 0 : i32
        %dma_start3A_18 = arith.constant 0 : i32
        %dma_start3A_19 = tpu.memref_slice %arg9[%dma_start3A, %dma_start3A_18] : memref<95x128xi32, #tpu.memory_space<vmem>> -> memref<62x128xi32, #tpu.memory_space<vmem>>
        %dma_start3A_20 = arith.constant 0 : i32
        %dma_start3A_21 = arith.constant 0 : i32
        %dma_start3A_22 = tpu.memref_slice %arg5[%arg1, %dma_start3A_20, %dma_start3A_21] : memref<16x62x128xi32, #tpu.memory_space<hbm>> -> memref<1x62x128xi32, #tpu.memory_space<hbm>>
        %dma_start3A_23 = tpu.memref_squeeze %dma_start3A_22 : memref<1x62x128xi32, #tpu.memory_space<hbm>> -> memref<62x128xi32, #tpu.memory_space<hbm>>
        %dma_start3A_24 = arith.constant 0 : i32
        %dma_start3A_25 = arith.constant 0 : i32
        %dma_start3A_26 = tpu.memref_slice %arg9[%dma_start3A_24, %dma_start3A_25] : memref<95x128xi32, #tpu.memory_space<vmem>> -> memref<62x128xi32, #tpu.memory_space<vmem>>
        %dma_start3A_27 = arith.constant 0 : i32
        %dma_start3A_28 = arith.constant 0 : i32
        %dma_start3A_29 = tpu.memref_slice %arg5[%arg1, %dma_start3A_27, %dma_start3A_28] : memref<16x62x128xi32, #tpu.memory_space<hbm>> -> memref<1x62x128xi32, #tpu.memory_space<hbm>>
        %dma_start3A_30 = tpu.memref_squeeze %dma_start3A_29 : memref<1x62x128xi32, #tpu.memory_space<hbm>> -> memref<62x128xi32, #tpu.memory_space<hbm>>
        tpu.enqueue_dma source(%dma_start3A_30 : memref<62x128xi32, #tpu.memory_space<hbm>>) target(%dma_start3A_26 : memref<62x128xi32, #tpu.memory_space<vmem>>) target_semaphore(%run_scoped3A : memref<!tpu.dma_semaphore, #tpu.memory_space<semaphore_mem>>)
        %dma_wait3A = arith.constant 0 : i32
        %dma_wait3A_31 = arith.constant 0 : i32
        %dma_wait3A_32 = tpu.memref_slice %arg9[%dma_wait3A, %dma_wait3A_31] : memref<95x128xi32, #tpu.memory_space<vmem>> -> memref<62x128xi32, #tpu.memory_space<vmem>>
        %dma_wait3A_33 = arith.constant 0 : i32
        %dma_wait3A_34 = arith.constant 0 : i32
        %dma_wait3A_35 = tpu.memref_slice %arg5[%arg1, %dma_wait3A_33, %dma_wait3A_34] : memref<16x62x128xi32, #tpu.memory_space<hbm>> -> memref<1x62x128xi32, #tpu.memory_space<hbm>>
        %dma_wait3A_36 = tpu.memref_squeeze %dma_wait3A_35 : memref<1x62x128xi32, #tpu.memory_space<hbm>> -> memref<62x128xi32, #tpu.memory_space<hbm>>
        %dma_wait3A_37 = arith.constant 0 : i32
        %dma_wait3A_38 = arith.constant 0 : i32
        %dma_wait3A_39 = tpu.memref_slice %arg9[%dma_wait3A_37, %dma_wait3A_38] : memref<95x128xi32, #tpu.memory_space<vmem>> -> memref<62x128xi32, #tpu.memory_space<vmem>>
        %dma_wait3A_40 = arith.constant 0 : i32
        %dma_wait3A_41 = arith.constant 0 : i32
        %dma_wait3A_42 = tpu.memref_slice %arg5[%arg1, %dma_wait3A_40, %dma_wait3A_41] : memref<16x62x128xi32, #tpu.memory_space<hbm>> -> memref<1x62x128xi32, #tpu.memory_space<hbm>>
        %dma_wait3A_43 = tpu.memref_squeeze %dma_wait3A_42 : memref<1x62x128xi32, #tpu.memory_space<hbm>> -> memref<62x128xi32, #tpu.memory_space<hbm>>
        tpu.wait_dma2 semaphore(%run_scoped3A : memref<!tpu.dma_semaphore, #tpu.memory_space<semaphore_mem>>) src(%dma_wait3A_43 : memref<62x128xi32, #tpu.memory_space<hbm>>) dst(%dma_wait3A_39 : memref<62x128xi32, #tpu.memory_space<vmem>>)
        tpu.yield
      }) : () -> ()
      "tpu.region"() ({
        %run_scoped3A = tpu.sem_alloc : memref<!tpu.dma_semaphore, #tpu.memory_space<semaphore_mem>>
        %dma_start3A = arith.constant 0 : i32
        %dma_start3A_18 = arith.constant 0 : i32
        %dma_start3A_19 = tpu.memref_slice %arg10[%dma_start3A, %dma_start3A_18] : memref<95x128xi32, #tpu.memory_space<vmem>> -> memref<62x128xi32, #tpu.memory_space<vmem>>
        %dma_start3A_20 = arith.constant 0 : i32
        %dma_start3A_21 = arith.constant 0 : i32
        %dma_start3A_22 = tpu.memref_slice %arg6[%arg1, %dma_start3A_20, %dma_start3A_21] : memref<16x62x128xi32, #tpu.memory_space<hbm>> -> memref<1x62x128xi32, #tpu.memory_space<hbm>>
        %dma_start3A_23 = tpu.memref_squeeze %dma_start3A_22 : memref<1x62x128xi32, #tpu.memory_space<hbm>> -> memref<62x128xi32, #tpu.memory_space<hbm>>
        %dma_start3A_24 = arith.constant 0 : i32
        %dma_start3A_25 = arith.constant 0 : i32
        %dma_start3A_26 = tpu.memref_slice %arg10[%dma_start3A_24, %dma_start3A_25] : memref<95x128xi32, #tpu.memory_space<vmem>> -> memref<62x128xi32, #tpu.memory_space<vmem>>
        %dma_start3A_27 = arith.constant 0 : i32
        %dma_start3A_28 = arith.constant 0 : i32
        %dma_start3A_29 = tpu.memref_slice %arg6[%arg1, %dma_start3A_27, %dma_start3A_28] : memref<16x62x128xi32, #tpu.memory_space<hbm>> -> memref<1x62x128xi32, #tpu.memory_space<hbm>>
        %dma_start3A_30 = tpu.memref_squeeze %dma_start3A_29 : memref<1x62x128xi32, #tpu.memory_space<hbm>> -> memref<62x128xi32, #tpu.memory_space<hbm>>
        tpu.enqueue_dma source(%dma_start3A_30 : memref<62x128xi32, #tpu.memory_space<hbm>>) target(%dma_start3A_26 : memref<62x128xi32, #tpu.memory_space<vmem>>) target_semaphore(%run_scoped3A : memref<!tpu.dma_semaphore, #tpu.memory_space<semaphore_mem>>)
        %dma_wait3A = arith.constant 0 : i32
        %dma_wait3A_31 = arith.constant 0 : i32
        %dma_wait3A_32 = tpu.memref_slice %arg10[%dma_wait3A, %dma_wait3A_31] : memref<95x128xi32, #tpu.memory_space<vmem>> -> memref<62x128xi32, #tpu.memory_space<vmem>>
        %dma_wait3A_33 = arith.constant 0 : i32
        %dma_wait3A_34 = arith.constant 0 : i32
        %dma_wait3A_35 = tpu.memref_slice %arg6[%arg1, %dma_wait3A_33, %dma_wait3A_34] : memref<16x62x128xi32, #tpu.memory_space<hbm>> -> memref<1x62x128xi32, #tpu.memory_space<hbm>>
        %dma_wait3A_36 = tpu.memref_squeeze %dma_wait3A_35 : memref<1x62x128xi32, #tpu.memory_space<hbm>> -> memref<62x128xi32, #tpu.memory_space<hbm>>
        %dma_wait3A_37 = arith.constant 0 : i32
        %dma_wait3A_38 = arith.constant 0 : i32
        %dma_wait3A_39 = tpu.memref_slice %arg10[%dma_wait3A_37, %dma_wait3A_38] : memref<95x128xi32, #tpu.memory_space<vmem>> -> memref<62x128xi32, #tpu.memory_space<vmem>>
        %dma_wait3A_40 = arith.constant 0 : i32
        %dma_wait3A_41 = arith.constant 0 : i32
        %dma_wait3A_42 = tpu.memref_slice %arg6[%arg1, %dma_wait3A_40, %dma_wait3A_41] : memref<16x62x128xi32, #tpu.memory_space<hbm>> -> memref<1x62x128xi32, #tpu.memory_space<hbm>>
        %dma_wait3A_43 = tpu.memref_squeeze %dma_wait3A_42 : memref<1x62x128xi32, #tpu.memory_space<hbm>> -> memref<62x128xi32, #tpu.memory_space<hbm>>
        tpu.wait_dma2 semaphore(%run_scoped3A : memref<!tpu.dma_semaphore, #tpu.memory_space<semaphore_mem>>) src(%dma_wait3A_43 : memref<62x128xi32, #tpu.memory_space<hbm>>) dst(%dma_wait3A_39 : memref<62x128xi32, #tpu.memory_space<vmem>>)
        tpu.yield
      }) : () -> ()
      %barrier3A_12 = arith.constant 0 : index
      tpu.barrier barrier_id(%barrier3A_12)
      %scan3A = arith.constant 0 : i32
      %scan3A_13 = arith.constant 0 : i32
      %scan3A_14 = arith.constant 62 : i32
      %scan3A_15 = arith.addi %scan3A_13, %scan3A_14 : i32
      %scan3A_16 = arith.constant 1 : i32
      scf.for %scan3A_18 = %scan3A_13 to %scan3A_15 step %scan3A_16  : i32 {
        %dma_start3A = arith.constant 0 : i32
        %dma_start3A_19 = tpu.memref_slice %arg9[%scan3A_18, %dma_start3A] : memref<95x128xi32, #tpu.memory_space<vmem>> -> memref<1x128xi32, #tpu.memory_space<vmem>>
        %dma_start3A_20 = tpu.memref_squeeze %dma_start3A_19 : memref<1x128xi32, #tpu.memory_space<vmem>> -> memref<128xi32, #tpu.memory_space<vmem>>
        %dma_start3A_21 = arith.constant 0 : i32
        %dma_start3A_22 = arith.constant 0 : i32
        %dma_start3A_23 = tpu.memref_slice %arg2[%dma_start3A_21, %dma_start3A_22] : memref<10240x128xf32, #tpu.memory_space<hbm>> -> memref<10240x128xf32, #tpu.memory_space<hbm>>
        tpu.enqueue_indirect_dma source(%dma_start3A_23 : memref<10240x128xf32, #tpu.memory_space<hbm>>) target(%arg11 : memref<128x128xf32, #tpu.memory_space<vmem>>) offsets(%dma_start3A_20 : memref<128xi32, #tpu.memory_space<vmem>>) semaphore(%arg13 : memref<!tpu.dma_semaphore, #tpu.memory_space<semaphore_mem>>)
        %dma_wait3A = arith.constant 0 : i32
        %dma_wait3A_24 = tpu.memref_slice %arg9[%scan3A_18, %dma_wait3A] : memref<95x128xi32, #tpu.memory_space<vmem>> -> memref<1x128xi32, #tpu.memory_space<vmem>>
        %dma_wait3A_25 = tpu.memref_squeeze %dma_wait3A_24 : memref<1x128xi32, #tpu.memory_space<vmem>> -> memref<128xi32, #tpu.memory_space<vmem>>
        %dma_wait3A_26 = arith.constant 0 : i32
        %dma_wait3A_27 = arith.constant 0 : i32
        %dma_wait3A_28 = tpu.memref_slice %arg2[%dma_wait3A_26, %dma_wait3A_27] : memref<10240x128xf32, #tpu.memory_space<hbm>> -> memref<10240x128xf32, #tpu.memory_space<hbm>>
        tpu.wait_indirect_dma semaphore(%arg13 : memref<!tpu.dma_semaphore, #tpu.memory_space<semaphore_mem>>) src(%dma_wait3A_28 : memref<10240x128xf32, #tpu.memory_space<hbm>>) dst(%arg11 : memref<128x128xf32, #tpu.memory_space<vmem>>)
        "tpu.region"() ({
          %run_scoped3A = tpu.sem_alloc : memref<!tpu.dma_semaphore, #tpu.memory_space<semaphore_mem>>
          %dma_start3A_29 = arith.constant 0 : i32
          %dma_start3A_30 = tpu.memref_slice %arg10[%scan3A_18, %dma_start3A_29] : memref<95x128xi32, #tpu.memory_space<vmem>> -> memref<1x128xi32, #tpu.memory_space<vmem>>
          %dma_start3A_31 = tpu.memref_squeeze %dma_start3A_30 : memref<1x128xi32, #tpu.memory_space<vmem>> -> memref<128xi32, #tpu.memory_space<vmem>>
          %dma_start3A_32 = arith.constant 0 : i32
          %dma_start3A_33 = arith.constant 0 : i32
          %dma_start3A_34 = tpu.memref_slice %arg12[%dma_start3A_32, %dma_start3A_33] : memref<10240x128xf32, #tpu.memory_space<vmem_shared>> -> memref<10240x128xf32, #tpu.memory_space<vmem_shared>>
          tpu.enqueue_indirect_dma source(%arg11 : memref<128x128xf32, #tpu.memory_space<vmem>>) target(%dma_start3A_34 : memref<10240x128xf32, #tpu.memory_space<vmem_shared>>) offsets(%dma_start3A_31 : memref<128xi32, #tpu.memory_space<vmem>>) semaphore(%run_scoped3A : memref<!tpu.dma_semaphore, #tpu.memory_space<semaphore_mem>>) {add = true}
          %dma_wait3A_35 = arith.constant 0 : i32
          %dma_wait3A_36 = tpu.memref_slice %arg10[%scan3A_18, %dma_wait3A_35] : memref<95x128xi32, #tpu.memory_space<vmem>> -> memref<1x128xi32, #tpu.memory_space<vmem>>
          %dma_wait3A_37 = tpu.memref_squeeze %dma_wait3A_36 : memref<1x128xi32, #tpu.memory_space<vmem>> -> memref<128xi32, #tpu.memory_space<vmem>>
          %dma_wait3A_38 = arith.constant 0 : i32
          %dma_wait3A_39 = arith.constant 0 : i32
          %dma_wait3A_40 = tpu.memref_slice %arg12[%dma_wait3A_38, %dma_wait3A_39] : memref<10240x128xf32, #tpu.memory_space<vmem_shared>> -> memref<10240x128xf32, #tpu.memory_space<vmem_shared>>
          tpu.wait_indirect_dma semaphore(%run_scoped3A : memref<!tpu.dma_semaphore, #tpu.memory_space<semaphore_mem>>) src(%arg11 : memref<128x128xf32, #tpu.memory_space<vmem>>) dst(%dma_wait3A_40 : memref<10240x128xf32, #tpu.memory_space<vmem_shared>>)
          tpu.yield
        }) : () -> ()
      }
      %scan3A_17 = arith.constant 62 : i32
    } else {
    }
    %barrier3A = arith.constant 0 : index
    tpu.barrier barrier_id(%barrier3A)
    %mul3A_8 = arith.constant 640 : i32
    %mul3A_9 = arith.muli %arg1, %mul3A_8 : i32
    %mul3A_10 = arith.constant 640 : i32
    %mul3A_11 = arith.muli %arg1, %mul3A_10 : i32
    "tpu.region"() ({
      %run_scoped3A = tpu.sem_alloc : memref<!tpu.dma_semaphore, #tpu.memory_space<semaphore_mem>>
      %dma_start3A = arith.constant 0 : i32
      %dma_start3A_12 = arith.constant 0 : i32
      %dma_start3A_13 = tpu.memref_slice %arg8[%arg0, %dma_start3A, %dma_start3A_12] : memref<2x10240x128xf32, #tpu.memory_space<hbm>> -> memref<1x10240x128xf32, #tpu.memory_space<hbm>>
      %dma_start3A_14 = tpu.memref_squeeze %dma_start3A_13 : memref<1x10240x128xf32, #tpu.memory_space<hbm>> -> memref<10240x128xf32, #tpu.memory_space<hbm>>
      %dma_start3A_15 = arith.constant 0 : i32
      %dma_start3A_16 = tpu.memref_slice %dma_start3A_14[%mul3A_11, %dma_start3A_15] : memref<10240x128xf32, #tpu.memory_space<hbm>> -> memref<640x128xf32, #tpu.memory_space<hbm>>
      %dma_start3A_17 = arith.constant 0 : i32
      %dma_start3A_18 = tpu.memref_slice %arg12[%mul3A_9, %dma_start3A_17] : memref<10240x128xf32, #tpu.memory_space<vmem_shared>> -> memref<640x128xf32, #tpu.memory_space<vmem_shared>>
      tpu.enqueue_dma source(%dma_start3A_18 : memref<640x128xf32, #tpu.memory_space<vmem_shared>>) target(%dma_start3A_16 : memref<640x128xf32, #tpu.memory_space<hbm>>) target_semaphore(%run_scoped3A : memref<!tpu.dma_semaphore, #tpu.memory_space<semaphore_mem>>)
      %dma_wait3A = arith.constant 0 : i32
      %dma_wait3A_19 = arith.constant 0 : i32
      %dma_wait3A_20 = tpu.memref_slice %arg8[%arg0, %dma_wait3A, %dma_wait3A_19] : memref<2x10240x128xf32, #tpu.memory_space<hbm>> -> memref<1x10240x128xf32, #tpu.memory_space<hbm>>
      %dma_wait3A_21 = tpu.memref_squeeze %dma_wait3A_20 : memref<1x10240x128xf32, #tpu.memory_space<hbm>> -> memref<10240x128xf32, #tpu.memory_space<hbm>>
      %dma_wait3A_22 = arith.constant 0 : i32
      %dma_wait3A_23 = tpu.memref_slice %dma_wait3A_21[%mul3A_11, %dma_wait3A_22] : memref<10240x128xf32, #tpu.memory_space<hbm>> -> memref<640x128xf32, #tpu.memory_space<hbm>>
      %dma_wait3A_24 = arith.constant 0 : i32
      %dma_wait3A_25 = tpu.memref_slice %arg12[%mul3A_9, %dma_wait3A_24] : memref<10240x128xf32, #tpu.memory_space<vmem_shared>> -> memref<640x128xf32, #tpu.memory_space<vmem_shared>>
      tpu.wait_dma2 semaphore(%run_scoped3A : memref<!tpu.dma_semaphore, #tpu.memory_space<semaphore_mem>>) src(%dma_wait3A_25 : memref<640x128xf32, #tpu.memory_space<vmem_shared>>) dst(%dma_wait3A_23 : memref<640x128xf32, #tpu.memory_space<hbm>>)
      tpu.yield
    }) : () -> ()
    return
  }
}

#map = affine_map<(d0, d1) -> (0, 0)>
#map1 = affine_map<(d0, d1) -> (0, 0, 0)>
module attributes {stable_mosaic.version = 14 : i64} {
  func.func @_agg_body(%arg0: i32, %arg1: i32, %arg2: memref<10240x128xf32, #tpu.memory_space<hbm>>, %arg3: memref<16x95x128xi32, #tpu.memory_space<hbm>>, %arg4: memref<16x95x128xi32, #tpu.memory_space<hbm>>, %arg5: memref<16x62x128xi32, #tpu.memory_space<hbm>>, %arg6: memref<16x62x128xi32, #tpu.memory_space<hbm>>, %arg7: memref<640x128xf32, #tpu.memory_space<hbm>>, %arg8: memref<2x10240x128xf32, #tpu.memory_space<hbm>>, %arg9: memref<95x128xi32, #tpu.memory_space<vmem>>, %arg10: memref<95x128xi32, #tpu.memory_space<vmem>>, %arg11: memref<128x128xf32, #tpu.memory_space<vmem>>, %arg12: memref<10240x128xf32, #tpu.memory_space<vmem_shared>>, %arg13: memref<!tpu.dma_semaphore, #tpu.memory_space<semaphore_mem>>) attributes {dimension_semantics = [#tpu.dimension_semantics<core_parallel>, #tpu.dimension_semantics<subcore_parallel>], iteration_bounds = array<i64: 2, 16>, scalar_prefetch = 0 : i64, scratch_operands = 5 : i64, tpu.core_type = #tpu.core_type<sc_vector_subcore>, window_params = [{transform_indices = #map}, {transform_indices = #map1}, {transform_indices = #map1}, {transform_indices = #map1}, {transform_indices = #map1}, {transform_indices = #map}, {transform_indices = #map1}]} {
    %mul3A = arith.constant 640 : i32
    %mul3A_0 = arith.muli %arg1, %mul3A : i32
    "tpu.region"() ({
      %run_scoped3A = tpu.sem_alloc : memref<!tpu.dma_semaphore, #tpu.memory_space<semaphore_mem>>
      %dma_start3A = arith.constant 0 : i32
      %dma_start3A_12 = tpu.memref_slice %arg12[%mul3A_0, %dma_start3A] : memref<10240x128xf32, #tpu.memory_space<vmem_shared>> -> memref<640x128xf32, #tpu.memory_space<vmem_shared>>
      tpu.enqueue_dma source(%arg7 : memref<640x128xf32, #tpu.memory_space<hbm>>) target(%dma_start3A_12 : memref<640x128xf32, #tpu.memory_space<vmem_shared>>) target_semaphore(%run_scoped3A : memref<!tpu.dma_semaphore, #tpu.memory_space<semaphore_mem>>)
      %dma_wait3A = arith.constant 0 : i32
      %dma_wait3A_13 = tpu.memref_slice %arg12[%mul3A_0, %dma_wait3A] : memref<10240x128xf32, #tpu.memory_space<vmem_shared>> -> memref<640x128xf32, #tpu.memory_space<vmem_shared>>
      tpu.wait_dma2 semaphore(%run_scoped3A : memref<!tpu.dma_semaphore, #tpu.memory_space<semaphore_mem>>) src(%arg7 : memref<640x128xf32, #tpu.memory_space<hbm>>) dst(%dma_wait3A_13 : memref<640x128xf32, #tpu.memory_space<vmem_shared>>)
      tpu.yield
    }) : () -> ()
    %eq3A = arith.constant 0 : i32
    %eq3A_1 = arith.cmpi eq, %arg0, %eq3A : i32
    %convert_element_type3A = arith.extui %eq3A_1 : i1 to i32
    %cond3A = arith.constant 0 : i32
    %cond3A_2 = arith.cmpi ne, %convert_element_type3A, %cond3A : i32
    scf.if %cond3A_2 {
      "tpu.region"() ({
        %run_scoped3A = tpu.sem_alloc : memref<!tpu.dma_semaphore, #tpu.memory_space<semaphore_mem>>
        %dma_start3A = arith.constant 0 : i32
        %dma_start3A_18 = arith.constant 0 : i32
        %dma_start3A_19 = tpu.memref_slice %arg3[%arg1, %dma_start3A, %dma_start3A_18] : memref<16x95x128xi32, #tpu.memory_space<hbm>> -> memref<1x95x128xi32, #tpu.memory_space<hbm>>
        %dma_start3A_20 = tpu.memref_squeeze %dma_start3A_19 : memref<1x95x128xi32, #tpu.memory_space<hbm>> -> memref<95x128xi32, #tpu.memory_space<hbm>>
        %dma_start3A_21 = arith.constant 0 : i32
        %dma_start3A_22 = arith.constant 0 : i32
        %dma_start3A_23 = tpu.memref_slice %arg3[%arg1, %dma_start3A_21, %dma_start3A_22] : memref<16x95x128xi32, #tpu.memory_space<hbm>> -> memref<1x95x128xi32, #tpu.memory_space<hbm>>
        %dma_start3A_24 = tpu.memref_squeeze %dma_start3A_23 : memref<1x95x128xi32, #tpu.memory_space<hbm>> -> memref<95x128xi32, #tpu.memory_space<hbm>>
        tpu.enqueue_dma source(%dma_start3A_24 : memref<95x128xi32, #tpu.memory_space<hbm>>) target(%arg9 : memref<95x128xi32, #tpu.memory_space<vmem>>) target_semaphore(%run_scoped3A : memref<!tpu.dma_semaphore, #tpu.memory_space<semaphore_mem>>)
        %dma_wait3A = arith.constant 0 : i32
        %dma_wait3A_25 = arith.constant 0 : i32
        %dma_wait3A_26 = tpu.memref_slice %arg3[%arg1, %dma_wait3A, %dma_wait3A_25] : memref<16x95x128xi32, #tpu.memory_space<hbm>> -> memref<1x95x128xi32, #tpu.memory_space<hbm>>
        %dma_wait3A_27 = tpu.memref_squeeze %dma_wait3A_26 : memref<1x95x128xi32, #tpu.memory_space<hbm>> -> memref<95x128xi32, #tpu.memory_space<hbm>>
        %dma_wait3A_28 = arith.constant 0 : i32
        %dma_wait3A_29 = arith.constant 0 : i32
        %dma_wait3A_30 = tpu.memref_slice %arg3[%arg1, %dma_wait3A_28, %dma_wait3A_29] : memref<16x95x128xi32, #tpu.memory_space<hbm>> -> memref<1x95x128xi32, #tpu.memory_space<hbm>>
        %dma_wait3A_31 = tpu.memref_squeeze %dma_wait3A_30 : memref<1x95x128xi32, #tpu.memory_space<hbm>> -> memref<95x128xi32, #tpu.memory_space<hbm>>
        tpu.wait_dma2 semaphore(%run_scoped3A : memref<!tpu.dma_semaphore, #tpu.memory_space<semaphore_mem>>) src(%dma_wait3A_31 : memref<95x128xi32, #tpu.memory_space<hbm>>) dst(%arg9 : memref<95x128xi32, #tpu.memory_space<vmem>>)
        tpu.yield
      }) : () -> ()
      "tpu.region"() ({
        %run_scoped3A = tpu.sem_alloc : memref<!tpu.dma_semaphore, #tpu.memory_space<semaphore_mem>>
        %dma_start3A = arith.constant 0 : i32
        %dma_start3A_18 = arith.constant 0 : i32
        %dma_start3A_19 = tpu.memref_slice %arg4[%arg1, %dma_start3A, %dma_start3A_18] : memref<16x95x128xi32, #tpu.memory_space<hbm>> -> memref<1x95x128xi32, #tpu.memory_space<hbm>>
        %dma_start3A_20 = tpu.memref_squeeze %dma_start3A_19 : memref<1x95x128xi32, #tpu.memory_space<hbm>> -> memref<95x128xi32, #tpu.memory_space<hbm>>
        %dma_start3A_21 = arith.constant 0 : i32
        %dma_start3A_22 = arith.constant 0 : i32
        %dma_start3A_23 = tpu.memref_slice %arg4[%arg1, %dma_start3A_21, %dma_start3A_22] : memref<16x95x128xi32, #tpu.memory_space<hbm>> -> memref<1x95x128xi32, #tpu.memory_space<hbm>>
        %dma_start3A_24 = tpu.memref_squeeze %dma_start3A_23 : memref<1x95x128xi32, #tpu.memory_space<hbm>> -> memref<95x128xi32, #tpu.memory_space<hbm>>
        tpu.enqueue_dma source(%dma_start3A_24 : memref<95x128xi32, #tpu.memory_space<hbm>>) target(%arg10 : memref<95x128xi32, #tpu.memory_space<vmem>>) target_semaphore(%run_scoped3A : memref<!tpu.dma_semaphore, #tpu.memory_space<semaphore_mem>>)
        %dma_wait3A = arith.constant 0 : i32
        %dma_wait3A_25 = arith.constant 0 : i32
        %dma_wait3A_26 = tpu.memref_slice %arg4[%arg1, %dma_wait3A, %dma_wait3A_25] : memref<16x95x128xi32, #tpu.memory_space<hbm>> -> memref<1x95x128xi32, #tpu.memory_space<hbm>>
        %dma_wait3A_27 = tpu.memref_squeeze %dma_wait3A_26 : memref<1x95x128xi32, #tpu.memory_space<hbm>> -> memref<95x128xi32, #tpu.memory_space<hbm>>
        %dma_wait3A_28 = arith.constant 0 : i32
        %dma_wait3A_29 = arith.constant 0 : i32
        %dma_wait3A_30 = tpu.memref_slice %arg4[%arg1, %dma_wait3A_28, %dma_wait3A_29] : memref<16x95x128xi32, #tpu.memory_space<hbm>> -> memref<1x95x128xi32, #tpu.memory_space<hbm>>
        %dma_wait3A_31 = tpu.memref_squeeze %dma_wait3A_30 : memref<1x95x128xi32, #tpu.memory_space<hbm>> -> memref<95x128xi32, #tpu.memory_space<hbm>>
        tpu.wait_dma2 semaphore(%run_scoped3A : memref<!tpu.dma_semaphore, #tpu.memory_space<semaphore_mem>>) src(%dma_wait3A_31 : memref<95x128xi32, #tpu.memory_space<hbm>>) dst(%arg10 : memref<95x128xi32, #tpu.memory_space<vmem>>)
        tpu.yield
      }) : () -> ()
      %barrier3A_12 = arith.constant 0 : index
      tpu.barrier barrier_id(%barrier3A_12)
      %scan3A = arith.constant 0 : i32
      %scan3A_13 = arith.constant 0 : i32
      %scan3A_14 = arith.constant 95 : i32
      %scan3A_15 = arith.addi %scan3A_13, %scan3A_14 : i32
      %scan3A_16 = arith.constant 1 : i32
      scf.for %scan3A_18 = %scan3A_13 to %scan3A_15 step %scan3A_16  : i32 {
        %dma_start3A = arith.constant 0 : i32
        %dma_start3A_19 = tpu.memref_slice %arg9[%scan3A_18, %dma_start3A] : memref<95x128xi32, #tpu.memory_space<vmem>> -> memref<1x128xi32, #tpu.memory_space<vmem>>
        %dma_start3A_20 = tpu.memref_squeeze %dma_start3A_19 : memref<1x128xi32, #tpu.memory_space<vmem>> -> memref<128xi32, #tpu.memory_space<vmem>>
        %dma_start3A_21 = arith.constant 0 : i32
        %dma_start3A_22 = arith.constant 0 : i32
        %dma_start3A_23 = tpu.memref_slice %arg2[%dma_start3A_21, %dma_start3A_22] : memref<10240x128xf32, #tpu.memory_space<hbm>> -> memref<10240x128xf32, #tpu.memory_space<hbm>>
        tpu.enqueue_indirect_dma source(%dma_start3A_23 : memref<10240x128xf32, #tpu.memory_space<hbm>>) target(%arg11 : memref<128x128xf32, #tpu.memory_space<vmem>>) offsets(%dma_start3A_20 : memref<128xi32, #tpu.memory_space<vmem>>) semaphore(%arg13 : memref<!tpu.dma_semaphore, #tpu.memory_space<semaphore_mem>>)
        %dma_wait3A = arith.constant 0 : i32
        %dma_wait3A_24 = tpu.memref_slice %arg9[%scan3A_18, %dma_wait3A] : memref<95x128xi32, #tpu.memory_space<vmem>> -> memref<1x128xi32, #tpu.memory_space<vmem>>
        %dma_wait3A_25 = tpu.memref_squeeze %dma_wait3A_24 : memref<1x128xi32, #tpu.memory_space<vmem>> -> memref<128xi32, #tpu.memory_space<vmem>>
        %dma_wait3A_26 = arith.constant 0 : i32
        %dma_wait3A_27 = arith.constant 0 : i32
        %dma_wait3A_28 = tpu.memref_slice %arg2[%dma_wait3A_26, %dma_wait3A_27] : memref<10240x128xf32, #tpu.memory_space<hbm>> -> memref<10240x128xf32, #tpu.memory_space<hbm>>
        tpu.wait_indirect_dma semaphore(%arg13 : memref<!tpu.dma_semaphore, #tpu.memory_space<semaphore_mem>>) src(%dma_wait3A_28 : memref<10240x128xf32, #tpu.memory_space<hbm>>) dst(%arg11 : memref<128x128xf32, #tpu.memory_space<vmem>>)
        "tpu.region"() ({
          %run_scoped3A = tpu.sem_alloc : memref<!tpu.dma_semaphore, #tpu.memory_space<semaphore_mem>>
          %dma_start3A_29 = arith.constant 0 : i32
          %dma_start3A_30 = tpu.memref_slice %arg10[%scan3A_18, %dma_start3A_29] : memref<95x128xi32, #tpu.memory_space<vmem>> -> memref<1x128xi32, #tpu.memory_space<vmem>>
          %dma_start3A_31 = tpu.memref_squeeze %dma_start3A_30 : memref<1x128xi32, #tpu.memory_space<vmem>> -> memref<128xi32, #tpu.memory_space<vmem>>
          %dma_start3A_32 = arith.constant 0 : i32
          %dma_start3A_33 = arith.constant 0 : i32
          %dma_start3A_34 = tpu.memref_slice %arg12[%dma_start3A_32, %dma_start3A_33] : memref<10240x128xf32, #tpu.memory_space<vmem_shared>> -> memref<10240x128xf32, #tpu.memory_space<vmem_shared>>
          tpu.enqueue_indirect_dma source(%arg11 : memref<128x128xf32, #tpu.memory_space<vmem>>) target(%dma_start3A_34 : memref<10240x128xf32, #tpu.memory_space<vmem_shared>>) offsets(%dma_start3A_31 : memref<128xi32, #tpu.memory_space<vmem>>) semaphore(%run_scoped3A : memref<!tpu.dma_semaphore, #tpu.memory_space<semaphore_mem>>) {add = true}
          %dma_wait3A_35 = arith.constant 0 : i32
          %dma_wait3A_36 = tpu.memref_slice %arg10[%scan3A_18, %dma_wait3A_35] : memref<95x128xi32, #tpu.memory_space<vmem>> -> memref<1x128xi32, #tpu.memory_space<vmem>>
          %dma_wait3A_37 = tpu.memref_squeeze %dma_wait3A_36 : memref<1x128xi32, #tpu.memory_space<vmem>> -> memref<128xi32, #tpu.memory_space<vmem>>
          %dma_wait3A_38 = arith.constant 0 : i32
          %dma_wait3A_39 = arith.constant 0 : i32
          %dma_wait3A_40 = tpu.memref_slice %arg12[%dma_wait3A_38, %dma_wait3A_39] : memref<10240x128xf32, #tpu.memory_space<vmem_shared>> -> memref<10240x128xf32, #tpu.memory_space<vmem_shared>>
          tpu.wait_indirect_dma semaphore(%run_scoped3A : memref<!tpu.dma_semaphore, #tpu.memory_space<semaphore_mem>>) src(%arg11 : memref<128x128xf32, #tpu.memory_space<vmem>>) dst(%dma_wait3A_40 : memref<10240x128xf32, #tpu.memory_space<vmem_shared>>)
          tpu.yield
        }) : () -> ()
      }
      %scan3A_17 = arith.constant 95 : i32
    } else {
    }
    %eq3A_3 = arith.constant 1 : i32
    %eq3A_4 = arith.cmpi eq, %arg0, %eq3A_3 : i32
    %convert_element_type3A_5 = arith.extui %eq3A_4 : i1 to i32
    %cond3A_6 = arith.constant 0 : i32
    %cond3A_7 = arith.cmpi ne, %convert_element_type3A_5, %cond3A_6 : i32
    scf.if %cond3A_7 {
      "tpu.region"() ({
        %run_scoped3A = tpu.sem_alloc : memref<!tpu.dma_semaphore, #tpu.memory_space<semaphore_mem>>
        %dma_start3A = arith.constant 0 : i32
        %dma_start3A_18 = arith.constant 0 : i32
        %dma_start3A_19 = tpu.memref_slice %arg9[%dma_start3A, %dma_start3A_18] : memref<95x128xi32, #tpu.memory_space<vmem>> -> memref<62x128xi32, #tpu.memory_space<vmem>>
        %dma_start3A_20 = arith.constant 0 : i32
        %dma_start3A_21 = arith.constant 0 : i32
        %dma_start3A_22 = tpu.memref_slice %arg5[%arg1, %dma_start3A_20, %dma_start3A_21] : memref<16x62x128xi32, #tpu.memory_space<hbm>> -> memref<1x62x128xi32, #tpu.memory_space<hbm>>
        %dma_start3A_23 = tpu.memref_squeeze %dma_start3A_22 : memref<1x62x128xi32, #tpu.memory_space<hbm>> -> memref<62x128xi32, #tpu.memory_space<hbm>>
        %dma_start3A_24 = arith.constant 0 : i32
        %dma_start3A_25 = arith.constant 0 : i32
        %dma_start3A_26 = tpu.memref_slice %arg9[%dma_start3A_24, %dma_start3A_25] : memref<95x128xi32, #tpu.memory_space<vmem>> -> memref<62x128xi32, #tpu.memory_space<vmem>>
        %dma_start3A_27 = arith.constant 0 : i32
        %dma_start3A_28 = arith.constant 0 : i32
        %dma_start3A_29 = tpu.memref_slice %arg5[%arg1, %dma_start3A_27, %dma_start3A_28] : memref<16x62x128xi32, #tpu.memory_space<hbm>> -> memref<1x62x128xi32, #tpu.memory_space<hbm>>
        %dma_start3A_30 = tpu.memref_squeeze %dma_start3A_29 : memref<1x62x128xi32, #tpu.memory_space<hbm>> -> memref<62x128xi32, #tpu.memory_space<hbm>>
        tpu.enqueue_dma source(%dma_start3A_30 : memref<62x128xi32, #tpu.memory_space<hbm>>) target(%dma_start3A_26 : memref<62x128xi32, #tpu.memory_space<vmem>>) target_semaphore(%run_scoped3A : memref<!tpu.dma_semaphore, #tpu.memory_space<semaphore_mem>>)
        %dma_wait3A = arith.constant 0 : i32
        %dma_wait3A_31 = arith.constant 0 : i32
        %dma_wait3A_32 = tpu.memref_slice %arg9[%dma_wait3A, %dma_wait3A_31] : memref<95x128xi32, #tpu.memory_space<vmem>> -> memref<62x128xi32, #tpu.memory_space<vmem>>
        %dma_wait3A_33 = arith.constant 0 : i32
        %dma_wait3A_34 = arith.constant 0 : i32
        %dma_wait3A_35 = tpu.memref_slice %arg5[%arg1, %dma_wait3A_33, %dma_wait3A_34] : memref<16x62x128xi32, #tpu.memory_space<hbm>> -> memref<1x62x128xi32, #tpu.memory_space<hbm>>
        %dma_wait3A_36 = tpu.memref_squeeze %dma_wait3A_35 : memref<1x62x128xi32, #tpu.memory_space<hbm>> -> memref<62x128xi32, #tpu.memory_space<hbm>>
        %dma_wait3A_37 = arith.constant 0 : i32
        %dma_wait3A_38 = arith.constant 0 : i32
        %dma_wait3A_39 = tpu.memref_slice %arg9[%dma_wait3A_37, %dma_wait3A_38] : memref<95x128xi32, #tpu.memory_space<vmem>> -> memref<62x128xi32, #tpu.memory_space<vmem>>
        %dma_wait3A_40 = arith.constant 0 : i32
        %dma_wait3A_41 = arith.constant 0 : i32
        %dma_wait3A_42 = tpu.memref_slice %arg5[%arg1, %dma_wait3A_40, %dma_wait3A_41] : memref<16x62x128xi32, #tpu.memory_space<hbm>> -> memref<1x62x128xi32, #tpu.memory_space<hbm>>
        %dma_wait3A_43 = tpu.memref_squeeze %dma_wait3A_42 : memref<1x62x128xi32, #tpu.memory_space<hbm>> -> memref<62x128xi32, #tpu.memory_space<hbm>>
        tpu.wait_dma2 semaphore(%run_scoped3A : memref<!tpu.dma_semaphore, #tpu.memory_space<semaphore_mem>>) src(%dma_wait3A_43 : memref<62x128xi32, #tpu.memory_space<hbm>>) dst(%dma_wait3A_39 : memref<62x128xi32, #tpu.memory_space<vmem>>)
        tpu.yield
      }) : () -> ()
      "tpu.region"() ({
        %run_scoped3A = tpu.sem_alloc : memref<!tpu.dma_semaphore, #tpu.memory_space<semaphore_mem>>
        %dma_start3A = arith.constant 0 : i32
        %dma_start3A_18 = arith.constant 0 : i32
        %dma_start3A_19 = tpu.memref_slice %arg10[%dma_start3A, %dma_start3A_18] : memref<95x128xi32, #tpu.memory_space<vmem>> -> memref<62x128xi32, #tpu.memory_space<vmem>>
        %dma_start3A_20 = arith.constant 0 : i32
        %dma_start3A_21 = arith.constant 0 : i32
        %dma_start3A_22 = tpu.memref_slice %arg6[%arg1, %dma_start3A_20, %dma_start3A_21] : memref<16x62x128xi32, #tpu.memory_space<hbm>> -> memref<1x62x128xi32, #tpu.memory_space<hbm>>
        %dma_start3A_23 = tpu.memref_squeeze %dma_start3A_22 : memref<1x62x128xi32, #tpu.memory_space<hbm>> -> memref<62x128xi32, #tpu.memory_space<hbm>>
        %dma_start3A_24 = arith.constant 0 : i32
        %dma_start3A_25 = arith.constant 0 : i32
        %dma_start3A_26 = tpu.memref_slice %arg10[%dma_start3A_24, %dma_start3A_25] : memref<95x128xi32, #tpu.memory_space<vmem>> -> memref<62x128xi32, #tpu.memory_space<vmem>>
        %dma_start3A_27 = arith.constant 0 : i32
        %dma_start3A_28 = arith.constant 0 : i32
        %dma_start3A_29 = tpu.memref_slice %arg6[%arg1, %dma_start3A_27, %dma_start3A_28] : memref<16x62x128xi32, #tpu.memory_space<hbm>> -> memref<1x62x128xi32, #tpu.memory_space<hbm>>
        %dma_start3A_30 = tpu.memref_squeeze %dma_start3A_29 : memref<1x62x128xi32, #tpu.memory_space<hbm>> -> memref<62x128xi32, #tpu.memory_space<hbm>>
        tpu.enqueue_dma source(%dma_start3A_30 : memref<62x128xi32, #tpu.memory_space<hbm>>) target(%dma_start3A_26 : memref<62x128xi32, #tpu.memory_space<vmem>>) target_semaphore(%run_scoped3A : memref<!tpu.dma_semaphore, #tpu.memory_space<semaphore_mem>>)
        %dma_wait3A = arith.constant 0 : i32
        %dma_wait3A_31 = arith.constant 0 : i32
        %dma_wait3A_32 = tpu.memref_slice %arg10[%dma_wait3A, %dma_wait3A_31] : memref<95x128xi32, #tpu.memory_space<vmem>> -> memref<62x128xi32, #tpu.memory_space<vmem>>
        %dma_wait3A_33 = arith.constant 0 : i32
        %dma_wait3A_34 = arith.constant 0 : i32
        %dma_wait3A_35 = tpu.memref_slice %arg6[%arg1, %dma_wait3A_33, %dma_wait3A_34] : memref<16x62x128xi32, #tpu.memory_space<hbm>> -> memref<1x62x128xi32, #tpu.memory_space<hbm>>
        %dma_wait3A_36 = tpu.memref_squeeze %dma_wait3A_35 : memref<1x62x128xi32, #tpu.memory_space<hbm>> -> memref<62x128xi32, #tpu.memory_space<hbm>>
        %dma_wait3A_37 = arith.constant 0 : i32
        %dma_wait3A_38 = arith.constant 0 : i32
        %dma_wait3A_39 = tpu.memref_slice %arg10[%dma_wait3A_37, %dma_wait3A_38] : memref<95x128xi32, #tpu.memory_space<vmem>> -> memref<62x128xi32, #tpu.memory_space<vmem>>
        %dma_wait3A_40 = arith.constant 0 : i32
        %dma_wait3A_41 = arith.constant 0 : i32
        %dma_wait3A_42 = tpu.memref_slice %arg6[%arg1, %dma_wait3A_40, %dma_wait3A_41] : memref<16x62x128xi32, #tpu.memory_space<hbm>> -> memref<1x62x128xi32, #tpu.memory_space<hbm>>
        %dma_wait3A_43 = tpu.memref_squeeze %dma_wait3A_42 : memref<1x62x128xi32, #tpu.memory_space<hbm>> -> memref<62x128xi32, #tpu.memory_space<hbm>>
        tpu.wait_dma2 semaphore(%run_scoped3A : memref<!tpu.dma_semaphore, #tpu.memory_space<semaphore_mem>>) src(%dma_wait3A_43 : memref<62x128xi32, #tpu.memory_space<hbm>>) dst(%dma_wait3A_39 : memref<62x128xi32, #tpu.memory_space<vmem>>)
        tpu.yield
      }) : () -> ()
      %barrier3A_12 = arith.constant 0 : index
      tpu.barrier barrier_id(%barrier3A_12)
      %scan3A = arith.constant 0 : i32
      %scan3A_13 = arith.constant 0 : i32
      %scan3A_14 = arith.constant 62 : i32
      %scan3A_15 = arith.addi %scan3A_13, %scan3A_14 : i32
      %scan3A_16 = arith.constant 1 : i32
      scf.for %scan3A_18 = %scan3A_13 to %scan3A_15 step %scan3A_16  : i32 {
        %dma_start3A = arith.constant 0 : i32
        %dma_start3A_19 = tpu.memref_slice %arg9[%scan3A_18, %dma_start3A] : memref<95x128xi32, #tpu.memory_space<vmem>> -> memref<1x128xi32, #tpu.memory_space<vmem>>
        %dma_start3A_20 = tpu.memref_squeeze %dma_start3A_19 : memref<1x128xi32, #tpu.memory_space<vmem>> -> memref<128xi32, #tpu.memory_space<vmem>>
        %dma_start3A_21 = arith.constant 0 : i32
        %dma_start3A_22 = arith.constant 0 : i32
        %dma_start3A_23 = tpu.memref_slice %arg2[%dma_start3A_21, %dma_start3A_22] : memref<10240x128xf32, #tpu.memory_space<hbm>> -> memref<10240x128xf32, #tpu.memory_space<hbm>>
        tpu.enqueue_indirect_dma source(%dma_start3A_23 : memref<10240x128xf32, #tpu.memory_space<hbm>>) target(%arg11 : memref<128x128xf32, #tpu.memory_space<vmem>>) offsets(%dma_start3A_20 : memref<128xi32, #tpu.memory_space<vmem>>) semaphore(%arg13 : memref<!tpu.dma_semaphore, #tpu.memory_space<semaphore_mem>>)
        %dma_wait3A = arith.constant 0 : i32
        %dma_wait3A_24 = tpu.memref_slice %arg9[%scan3A_18, %dma_wait3A] : memref<95x128xi32, #tpu.memory_space<vmem>> -> memref<1x128xi32, #tpu.memory_space<vmem>>
        %dma_wait3A_25 = tpu.memref_squeeze %dma_wait3A_24 : memref<1x128xi32, #tpu.memory_space<vmem>> -> memref<128xi32, #tpu.memory_space<vmem>>
        %dma_wait3A_26 = arith.constant 0 : i32
        %dma_wait3A_27 = arith.constant 0 : i32
        %dma_wait3A_28 = tpu.memref_slice %arg2[%dma_wait3A_26, %dma_wait3A_27] : memref<10240x128xf32, #tpu.memory_space<hbm>> -> memref<10240x128xf32, #tpu.memory_space<hbm>>
        tpu.wait_indirect_dma semaphore(%arg13 : memref<!tpu.dma_semaphore, #tpu.memory_space<semaphore_mem>>) src(%dma_wait3A_28 : memref<10240x128xf32, #tpu.memory_space<hbm>>) dst(%arg11 : memref<128x128xf32, #tpu.memory_space<vmem>>)
        "tpu.region"() ({
          %run_scoped3A = tpu.sem_alloc : memref<!tpu.dma_semaphore, #tpu.memory_space<semaphore_mem>>
          %dma_start3A_29 = arith.constant 0 : i32
          %dma_start3A_30 = tpu.memref_slice %arg10[%scan3A_18, %dma_start3A_29] : memref<95x128xi32, #tpu.memory_space<vmem>> -> memref<1x128xi32, #tpu.memory_space<vmem>>
          %dma_start3A_31 = tpu.memref_squeeze %dma_start3A_30 : memref<1x128xi32, #tpu.memory_space<vmem>> -> memref<128xi32, #tpu.memory_space<vmem>>
          %dma_start3A_32 = arith.constant 0 : i32
          %dma_start3A_33 = arith.constant 0 : i32
          %dma_start3A_34 = tpu.memref_slice %arg12[%dma_start3A_32, %dma_start3A_33] : memref<10240x128xf32, #tpu.memory_space<vmem_shared>> -> memref<10240x128xf32, #tpu.memory_space<vmem_shared>>
          tpu.enqueue_indirect_dma source(%arg11 : memref<128x128xf32, #tpu.memory_space<vmem>>) target(%dma_start3A_34 : memref<10240x128xf32, #tpu.memory_space<vmem_shared>>) offsets(%dma_start3A_31 : memref<128xi32, #tpu.memory_space<vmem>>) semaphore(%run_scoped3A : memref<!tpu.dma_semaphore, #tpu.memory_space<semaphore_mem>>) {add = true}
          %dma_wait3A_35 = arith.constant 0 : i32
          %dma_wait3A_36 = tpu.memref_slice %arg10[%scan3A_18, %dma_wait3A_35] : memref<95x128xi32, #tpu.memory_space<vmem>> -> memref<1x128xi32, #tpu.memory_space<vmem>>
          %dma_wait3A_37 = tpu.memref_squeeze %dma_wait3A_36 : memref<1x128xi32, #tpu.memory_space<vmem>> -> memref<128xi32, #tpu.memory_space<vmem>>
          %dma_wait3A_38 = arith.constant 0 : i32
          %dma_wait3A_39 = arith.constant 0 : i32
          %dma_wait3A_40 = tpu.memref_slice %arg12[%dma_wait3A_38, %dma_wait3A_39] : memref<10240x128xf32, #tpu.memory_space<vmem_shared>> -> memref<10240x128xf32, #tpu.memory_space<vmem_shared>>
          tpu.wait_indirect_dma semaphore(%run_scoped3A : memref<!tpu.dma_semaphore, #tpu.memory_space<semaphore_mem>>) src(%arg11 : memref<128x128xf32, #tpu.memory_space<vmem>>) dst(%dma_wait3A_40 : memref<10240x128xf32, #tpu.memory_space<vmem_shared>>)
          tpu.yield
        }) : () -> ()
      }
      %scan3A_17 = arith.constant 62 : i32
    } else {
    }
    %barrier3A = arith.constant 0 : index
    tpu.barrier barrier_id(%barrier3A)
    %mul3A_8 = arith.constant 640 : i32
    %mul3A_9 = arith.muli %arg1, %mul3A_8 : i32
    %mul3A_10 = arith.constant 640 : i32
    %mul3A_11 = arith.muli %arg1, %mul3A_10 : i32
    "tpu.region"() ({
      %run_scoped3A = tpu.sem_alloc : memref<!tpu.dma_semaphore, #tpu.memory_space<semaphore_mem>>
      %dma_start3A = arith.constant 0 : i32
      %dma_start3A_12 = arith.constant 0 : i32
      %dma_start3A_13 = tpu.memref_slice %arg8[%arg0, %dma_start3A, %dma_start3A_12] : memref<2x10240x128xf32, #tpu.memory_space<hbm>> -> memref<1x10240x128xf32, #tpu.memory_space<hbm>>
      %dma_start3A_14 = tpu.memref_squeeze %dma_start3A_13 : memref<1x10240x128xf32, #tpu.memory_space<hbm>> -> memref<10240x128xf32, #tpu.memory_space<hbm>>
      %dma_start3A_15 = arith.constant 0 : i32
      %dma_start3A_16 = tpu.memref_slice %dma_start3A_14[%mul3A_11, %dma_start3A_15] : memref<10240x128xf32, #tpu.memory_space<hbm>> -> memref<640x128xf32, #tpu.memory_space<hbm>>
      %dma_start3A_17 = arith.constant 0 : i32
      %dma_start3A_18 = tpu.memref_slice %arg12[%mul3A_9, %dma_start3A_17] : memref<10240x128xf32, #tpu.memory_space<vmem_shared>> -> memref<640x128xf32, #tpu.memory_space<vmem_shared>>
      tpu.enqueue_dma source(%dma_start3A_18 : memref<640x128xf32, #tpu.memory_space<vmem_shared>>) target(%dma_start3A_16 : memref<640x128xf32, #tpu.memory_space<hbm>>) target_semaphore(%run_scoped3A : memref<!tpu.dma_semaphore, #tpu.memory_space<semaphore_mem>>)
      %dma_wait3A = arith.constant 0 : i32
      %dma_wait3A_19 = arith.constant 0 : i32
      %dma_wait3A_20 = tpu.memref_slice %arg8[%arg0, %dma_wait3A, %dma_wait3A_19] : memref<2x10240x128xf32, #tpu.memory_space<hbm>> -> memref<1x10240x128xf32, #tpu.memory_space<hbm>>
      %dma_wait3A_21 = tpu.memref_squeeze %dma_wait3A_20 : memref<1x10240x128xf32, #tpu.memory_space<hbm>> -> memref<10240x128xf32, #tpu.memory_space<hbm>>
      %dma_wait3A_22 = arith.constant 0 : i32
      %dma_wait3A_23 = tpu.memref_slice %dma_wait3A_21[%mul3A_11, %dma_wait3A_22] : memref<10240x128xf32, #tpu.memory_space<hbm>> -> memref<640x128xf32, #tpu.memory_space<hbm>>
      %dma_wait3A_24 = arith.constant 0 : i32
      %dma_wait3A_25 = tpu.memref_slice %arg12[%mul3A_9, %dma_wait3A_24] : memref<10240x128xf32, #tpu.memory_space<vmem_shared>> -> memref<640x128xf32, #tpu.memory_space<vmem_shared>>
      tpu.wait_dma2 semaphore(%run_scoped3A : memref<!tpu.dma_semaphore, #tpu.memory_space<semaphore_mem>>) src(%dma_wait3A_25 : memref<640x128xf32, #tpu.memory_space<vmem_shared>>) dst(%dma_wait3A_23 : memref<640x128xf32, #tpu.memory_space<hbm>>)
      tpu.yield
    }) : () -> ()
    return
  }
}

#map = affine_map<(d0, d1) -> (0, 0)>
#map1 = affine_map<(d0, d1) -> (0, 0, 0)>
module attributes {stable_mosaic.version = 14 : i64} {
  func.func @_agg_body(%arg0: i32, %arg1: i32, %arg2: memref<10240x128xf32, #tpu.memory_space<hbm>>, %arg3: memref<16x95x128xi32, #tpu.memory_space<hbm>>, %arg4: memref<16x95x128xi32, #tpu.memory_space<hbm>>, %arg5: memref<16x62x128xi32, #tpu.memory_space<hbm>>, %arg6: memref<16x62x128xi32, #tpu.memory_space<hbm>>, %arg7: memref<640x128xf32, #tpu.memory_space<hbm>>, %arg8: memref<2x10240x128xf32, #tpu.memory_space<hbm>>, %arg9: memref<95x128xi32, #tpu.memory_space<vmem>>, %arg10: memref<95x128xi32, #tpu.memory_space<vmem>>, %arg11: memref<128x128xf32, #tpu.memory_space<vmem>>, %arg12: memref<10240x128xf32, #tpu.memory_space<vmem_shared>>, %arg13: memref<!tpu.dma_semaphore, #tpu.memory_space<semaphore_mem>>) attributes {dimension_semantics = [#tpu.dimension_semantics<core_parallel>, #tpu.dimension_semantics<subcore_parallel>], iteration_bounds = array<i64: 2, 16>, scalar_prefetch = 0 : i64, scratch_operands = 5 : i64, tpu.core_type = #tpu.core_type<sc_vector_subcore>, window_params = [{transform_indices = #map}, {transform_indices = #map1}, {transform_indices = #map1}, {transform_indices = #map1}, {transform_indices = #map1}, {transform_indices = #map}, {transform_indices = #map1}]} {
    %mul3A = arith.constant 640 : i32
    %mul3A_0 = arith.muli %arg1, %mul3A : i32
    "tpu.region"() ({
      %run_scoped3A = tpu.sem_alloc : memref<!tpu.dma_semaphore, #tpu.memory_space<semaphore_mem>>
      %dma_start3A = arith.constant 0 : i32
      %dma_start3A_12 = tpu.memref_slice %arg12[%mul3A_0, %dma_start3A] : memref<10240x128xf32, #tpu.memory_space<vmem_shared>> -> memref<640x128xf32, #tpu.memory_space<vmem_shared>>
      tpu.enqueue_dma source(%arg7 : memref<640x128xf32, #tpu.memory_space<hbm>>) target(%dma_start3A_12 : memref<640x128xf32, #tpu.memory_space<vmem_shared>>) target_semaphore(%run_scoped3A : memref<!tpu.dma_semaphore, #tpu.memory_space<semaphore_mem>>)
      %dma_wait3A = arith.constant 0 : i32
      %dma_wait3A_13 = tpu.memref_slice %arg12[%mul3A_0, %dma_wait3A] : memref<10240x128xf32, #tpu.memory_space<vmem_shared>> -> memref<640x128xf32, #tpu.memory_space<vmem_shared>>
      tpu.wait_dma2 semaphore(%run_scoped3A : memref<!tpu.dma_semaphore, #tpu.memory_space<semaphore_mem>>) src(%arg7 : memref<640x128xf32, #tpu.memory_space<hbm>>) dst(%dma_wait3A_13 : memref<640x128xf32, #tpu.memory_space<vmem_shared>>)
      tpu.yield
    }) : () -> ()
    %eq3A = arith.constant 0 : i32
    %eq3A_1 = arith.cmpi eq, %arg0, %eq3A : i32
    %convert_element_type3A = arith.extui %eq3A_1 : i1 to i32
    %cond3A = arith.constant 0 : i32
    %cond3A_2 = arith.cmpi ne, %convert_element_type3A, %cond3A : i32
    scf.if %cond3A_2 {
      "tpu.region"() ({
        %run_scoped3A = tpu.sem_alloc : memref<!tpu.dma_semaphore, #tpu.memory_space<semaphore_mem>>
        %dma_start3A = arith.constant 0 : i32
        %dma_start3A_18 = arith.constant 0 : i32
        %dma_start3A_19 = tpu.memref_slice %arg3[%arg1, %dma_start3A, %dma_start3A_18] : memref<16x95x128xi32, #tpu.memory_space<hbm>> -> memref<1x95x128xi32, #tpu.memory_space<hbm>>
        %dma_start3A_20 = tpu.memref_squeeze %dma_start3A_19 : memref<1x95x128xi32, #tpu.memory_space<hbm>> -> memref<95x128xi32, #tpu.memory_space<hbm>>
        %dma_start3A_21 = arith.constant 0 : i32
        %dma_start3A_22 = arith.constant 0 : i32
        %dma_start3A_23 = tpu.memref_slice %arg3[%arg1, %dma_start3A_21, %dma_start3A_22] : memref<16x95x128xi32, #tpu.memory_space<hbm>> -> memref<1x95x128xi32, #tpu.memory_space<hbm>>
        %dma_start3A_24 = tpu.memref_squeeze %dma_start3A_23 : memref<1x95x128xi32, #tpu.memory_space<hbm>> -> memref<95x128xi32, #tpu.memory_space<hbm>>
        tpu.enqueue_dma source(%dma_start3A_24 : memref<95x128xi32, #tpu.memory_space<hbm>>) target(%arg9 : memref<95x128xi32, #tpu.memory_space<vmem>>) target_semaphore(%run_scoped3A : memref<!tpu.dma_semaphore, #tpu.memory_space<semaphore_mem>>)
        %dma_wait3A = arith.constant 0 : i32
        %dma_wait3A_25 = arith.constant 0 : i32
        %dma_wait3A_26 = tpu.memref_slice %arg3[%arg1, %dma_wait3A, %dma_wait3A_25] : memref<16x95x128xi32, #tpu.memory_space<hbm>> -> memref<1x95x128xi32, #tpu.memory_space<hbm>>
        %dma_wait3A_27 = tpu.memref_squeeze %dma_wait3A_26 : memref<1x95x128xi32, #tpu.memory_space<hbm>> -> memref<95x128xi32, #tpu.memory_space<hbm>>
        %dma_wait3A_28 = arith.constant 0 : i32
        %dma_wait3A_29 = arith.constant 0 : i32
        %dma_wait3A_30 = tpu.memref_slice %arg3[%arg1, %dma_wait3A_28, %dma_wait3A_29] : memref<16x95x128xi32, #tpu.memory_space<hbm>> -> memref<1x95x128xi32, #tpu.memory_space<hbm>>
        %dma_wait3A_31 = tpu.memref_squeeze %dma_wait3A_30 : memref<1x95x128xi32, #tpu.memory_space<hbm>> -> memref<95x128xi32, #tpu.memory_space<hbm>>
        tpu.wait_dma2 semaphore(%run_scoped3A : memref<!tpu.dma_semaphore, #tpu.memory_space<semaphore_mem>>) src(%dma_wait3A_31 : memref<95x128xi32, #tpu.memory_space<hbm>>) dst(%arg9 : memref<95x128xi32, #tpu.memory_space<vmem>>)
        tpu.yield
      }) : () -> ()
      "tpu.region"() ({
        %run_scoped3A = tpu.sem_alloc : memref<!tpu.dma_semaphore, #tpu.memory_space<semaphore_mem>>
        %dma_start3A = arith.constant 0 : i32
        %dma_start3A_18 = arith.constant 0 : i32
        %dma_start3A_19 = tpu.memref_slice %arg4[%arg1, %dma_start3A, %dma_start3A_18] : memref<16x95x128xi32, #tpu.memory_space<hbm>> -> memref<1x95x128xi32, #tpu.memory_space<hbm>>
        %dma_start3A_20 = tpu.memref_squeeze %dma_start3A_19 : memref<1x95x128xi32, #tpu.memory_space<hbm>> -> memref<95x128xi32, #tpu.memory_space<hbm>>
        %dma_start3A_21 = arith.constant 0 : i32
        %dma_start3A_22 = arith.constant 0 : i32
        %dma_start3A_23 = tpu.memref_slice %arg4[%arg1, %dma_start3A_21, %dma_start3A_22] : memref<16x95x128xi32, #tpu.memory_space<hbm>> -> memref<1x95x128xi32, #tpu.memory_space<hbm>>
        %dma_start3A_24 = tpu.memref_squeeze %dma_start3A_23 : memref<1x95x128xi32, #tpu.memory_space<hbm>> -> memref<95x128xi32, #tpu.memory_space<hbm>>
        tpu.enqueue_dma source(%dma_start3A_24 : memref<95x128xi32, #tpu.memory_space<hbm>>) target(%arg10 : memref<95x128xi32, #tpu.memory_space<vmem>>) target_semaphore(%run_scoped3A : memref<!tpu.dma_semaphore, #tpu.memory_space<semaphore_mem>>)
        %dma_wait3A = arith.constant 0 : i32
        %dma_wait3A_25 = arith.constant 0 : i32
        %dma_wait3A_26 = tpu.memref_slice %arg4[%arg1, %dma_wait3A, %dma_wait3A_25] : memref<16x95x128xi32, #tpu.memory_space<hbm>> -> memref<1x95x128xi32, #tpu.memory_space<hbm>>
        %dma_wait3A_27 = tpu.memref_squeeze %dma_wait3A_26 : memref<1x95x128xi32, #tpu.memory_space<hbm>> -> memref<95x128xi32, #tpu.memory_space<hbm>>
        %dma_wait3A_28 = arith.constant 0 : i32
        %dma_wait3A_29 = arith.constant 0 : i32
        %dma_wait3A_30 = tpu.memref_slice %arg4[%arg1, %dma_wait3A_28, %dma_wait3A_29] : memref<16x95x128xi32, #tpu.memory_space<hbm>> -> memref<1x95x128xi32, #tpu.memory_space<hbm>>
        %dma_wait3A_31 = tpu.memref_squeeze %dma_wait3A_30 : memref<1x95x128xi32, #tpu.memory_space<hbm>> -> memref<95x128xi32, #tpu.memory_space<hbm>>
        tpu.wait_dma2 semaphore(%run_scoped3A : memref<!tpu.dma_semaphore, #tpu.memory_space<semaphore_mem>>) src(%dma_wait3A_31 : memref<95x128xi32, #tpu.memory_space<hbm>>) dst(%arg10 : memref<95x128xi32, #tpu.memory_space<vmem>>)
        tpu.yield
      }) : () -> ()
      %barrier3A_12 = arith.constant 0 : index
      tpu.barrier barrier_id(%barrier3A_12)
      %scan3A = arith.constant 0 : i32
      %scan3A_13 = arith.constant 0 : i32
      %scan3A_14 = arith.constant 95 : i32
      %scan3A_15 = arith.addi %scan3A_13, %scan3A_14 : i32
      %scan3A_16 = arith.constant 1 : i32
      scf.for %scan3A_18 = %scan3A_13 to %scan3A_15 step %scan3A_16  : i32 {
        %dma_start3A = arith.constant 0 : i32
        %dma_start3A_19 = tpu.memref_slice %arg9[%scan3A_18, %dma_start3A] : memref<95x128xi32, #tpu.memory_space<vmem>> -> memref<1x128xi32, #tpu.memory_space<vmem>>
        %dma_start3A_20 = tpu.memref_squeeze %dma_start3A_19 : memref<1x128xi32, #tpu.memory_space<vmem>> -> memref<128xi32, #tpu.memory_space<vmem>>
        %dma_start3A_21 = arith.constant 0 : i32
        %dma_start3A_22 = arith.constant 0 : i32
        %dma_start3A_23 = tpu.memref_slice %arg2[%dma_start3A_21, %dma_start3A_22] : memref<10240x128xf32, #tpu.memory_space<hbm>> -> memref<10240x128xf32, #tpu.memory_space<hbm>>
        tpu.enqueue_indirect_dma source(%dma_start3A_23 : memref<10240x128xf32, #tpu.memory_space<hbm>>) target(%arg11 : memref<128x128xf32, #tpu.memory_space<vmem>>) offsets(%dma_start3A_20 : memref<128xi32, #tpu.memory_space<vmem>>) semaphore(%arg13 : memref<!tpu.dma_semaphore, #tpu.memory_space<semaphore_mem>>)
        %dma_wait3A = arith.constant 0 : i32
        %dma_wait3A_24 = tpu.memref_slice %arg9[%scan3A_18, %dma_wait3A] : memref<95x128xi32, #tpu.memory_space<vmem>> -> memref<1x128xi32, #tpu.memory_space<vmem>>
        %dma_wait3A_25 = tpu.memref_squeeze %dma_wait3A_24 : memref<1x128xi32, #tpu.memory_space<vmem>> -> memref<128xi32, #tpu.memory_space<vmem>>
        %dma_wait3A_26 = arith.constant 0 : i32
        %dma_wait3A_27 = arith.constant 0 : i32
        %dma_wait3A_28 = tpu.memref_slice %arg2[%dma_wait3A_26, %dma_wait3A_27] : memref<10240x128xf32, #tpu.memory_space<hbm>> -> memref<10240x128xf32, #tpu.memory_space<hbm>>
        tpu.wait_indirect_dma semaphore(%arg13 : memref<!tpu.dma_semaphore, #tpu.memory_space<semaphore_mem>>) src(%dma_wait3A_28 : memref<10240x128xf32, #tpu.memory_space<hbm>>) dst(%arg11 : memref<128x128xf32, #tpu.memory_space<vmem>>)
        "tpu.region"() ({
          %run_scoped3A = tpu.sem_alloc : memref<!tpu.dma_semaphore, #tpu.memory_space<semaphore_mem>>
          %dma_start3A_29 = arith.constant 0 : i32
          %dma_start3A_30 = tpu.memref_slice %arg10[%scan3A_18, %dma_start3A_29] : memref<95x128xi32, #tpu.memory_space<vmem>> -> memref<1x128xi32, #tpu.memory_space<vmem>>
          %dma_start3A_31 = tpu.memref_squeeze %dma_start3A_30 : memref<1x128xi32, #tpu.memory_space<vmem>> -> memref<128xi32, #tpu.memory_space<vmem>>
          %dma_start3A_32 = arith.constant 0 : i32
          %dma_start3A_33 = arith.constant 0 : i32
          %dma_start3A_34 = tpu.memref_slice %arg12[%dma_start3A_32, %dma_start3A_33] : memref<10240x128xf32, #tpu.memory_space<vmem_shared>> -> memref<10240x128xf32, #tpu.memory_space<vmem_shared>>
          tpu.enqueue_indirect_dma source(%arg11 : memref<128x128xf32, #tpu.memory_space<vmem>>) target(%dma_start3A_34 : memref<10240x128xf32, #tpu.memory_space<vmem_shared>>) offsets(%dma_start3A_31 : memref<128xi32, #tpu.memory_space<vmem>>) semaphore(%run_scoped3A : memref<!tpu.dma_semaphore, #tpu.memory_space<semaphore_mem>>) {add = true}
          %dma_wait3A_35 = arith.constant 0 : i32
          %dma_wait3A_36 = tpu.memref_slice %arg10[%scan3A_18, %dma_wait3A_35] : memref<95x128xi32, #tpu.memory_space<vmem>> -> memref<1x128xi32, #tpu.memory_space<vmem>>
          %dma_wait3A_37 = tpu.memref_squeeze %dma_wait3A_36 : memref<1x128xi32, #tpu.memory_space<vmem>> -> memref<128xi32, #tpu.memory_space<vmem>>
          %dma_wait3A_38 = arith.constant 0 : i32
          %dma_wait3A_39 = arith.constant 0 : i32
          %dma_wait3A_40 = tpu.memref_slice %arg12[%dma_wait3A_38, %dma_wait3A_39] : memref<10240x128xf32, #tpu.memory_space<vmem_shared>> -> memref<10240x128xf32, #tpu.memory_space<vmem_shared>>
          tpu.wait_indirect_dma semaphore(%run_scoped3A : memref<!tpu.dma_semaphore, #tpu.memory_space<semaphore_mem>>) src(%arg11 : memref<128x128xf32, #tpu.memory_space<vmem>>) dst(%dma_wait3A_40 : memref<10240x128xf32, #tpu.memory_space<vmem_shared>>)
          tpu.yield
        }) : () -> ()
      }
      %scan3A_17 = arith.constant 95 : i32
    } else {
    }
    %eq3A_3 = arith.constant 1 : i32
    %eq3A_4 = arith.cmpi eq, %arg0, %eq3A_3 : i32
    %convert_element_type3A_5 = arith.extui %eq3A_4 : i1 to i32
    %cond3A_6 = arith.constant 0 : i32
    %cond3A_7 = arith.cmpi ne, %convert_element_type3A_5, %cond3A_6 : i32
    scf.if %cond3A_7 {
      "tpu.region"() ({
        %run_scoped3A = tpu.sem_alloc : memref<!tpu.dma_semaphore, #tpu.memory_space<semaphore_mem>>
        %dma_start3A = arith.constant 0 : i32
        %dma_start3A_18 = arith.constant 0 : i32
        %dma_start3A_19 = tpu.memref_slice %arg9[%dma_start3A, %dma_start3A_18] : memref<95x128xi32, #tpu.memory_space<vmem>> -> memref<62x128xi32, #tpu.memory_space<vmem>>
        %dma_start3A_20 = arith.constant 0 : i32
        %dma_start3A_21 = arith.constant 0 : i32
        %dma_start3A_22 = tpu.memref_slice %arg5[%arg1, %dma_start3A_20, %dma_start3A_21] : memref<16x62x128xi32, #tpu.memory_space<hbm>> -> memref<1x62x128xi32, #tpu.memory_space<hbm>>
        %dma_start3A_23 = tpu.memref_squeeze %dma_start3A_22 : memref<1x62x128xi32, #tpu.memory_space<hbm>> -> memref<62x128xi32, #tpu.memory_space<hbm>>
        %dma_start3A_24 = arith.constant 0 : i32
        %dma_start3A_25 = arith.constant 0 : i32
        %dma_start3A_26 = tpu.memref_slice %arg9[%dma_start3A_24, %dma_start3A_25] : memref<95x128xi32, #tpu.memory_space<vmem>> -> memref<62x128xi32, #tpu.memory_space<vmem>>
        %dma_start3A_27 = arith.constant 0 : i32
        %dma_start3A_28 = arith.constant 0 : i32
        %dma_start3A_29 = tpu.memref_slice %arg5[%arg1, %dma_start3A_27, %dma_start3A_28] : memref<16x62x128xi32, #tpu.memory_space<hbm>> -> memref<1x62x128xi32, #tpu.memory_space<hbm>>
        %dma_start3A_30 = tpu.memref_squeeze %dma_start3A_29 : memref<1x62x128xi32, #tpu.memory_space<hbm>> -> memref<62x128xi32, #tpu.memory_space<hbm>>
        tpu.enqueue_dma source(%dma_start3A_30 : memref<62x128xi32, #tpu.memory_space<hbm>>) target(%dma_start3A_26 : memref<62x128xi32, #tpu.memory_space<vmem>>) target_semaphore(%run_scoped3A : memref<!tpu.dma_semaphore, #tpu.memory_space<semaphore_mem>>)
        %dma_wait3A = arith.constant 0 : i32
        %dma_wait3A_31 = arith.constant 0 : i32
        %dma_wait3A_32 = tpu.memref_slice %arg9[%dma_wait3A, %dma_wait3A_31] : memref<95x128xi32, #tpu.memory_space<vmem>> -> memref<62x128xi32, #tpu.memory_space<vmem>>
        %dma_wait3A_33 = arith.constant 0 : i32
        %dma_wait3A_34 = arith.constant 0 : i32
        %dma_wait3A_35 = tpu.memref_slice %arg5[%arg1, %dma_wait3A_33, %dma_wait3A_34] : memref<16x62x128xi32, #tpu.memory_space<hbm>> -> memref<1x62x128xi32, #tpu.memory_space<hbm>>
        %dma_wait3A_36 = tpu.memref_squeeze %dma_wait3A_35 : memref<1x62x128xi32, #tpu.memory_space<hbm>> -> memref<62x128xi32, #tpu.memory_space<hbm>>
        %dma_wait3A_37 = arith.constant 0 : i32
        %dma_wait3A_38 = arith.constant 0 : i32
        %dma_wait3A_39 = tpu.memref_slice %arg9[%dma_wait3A_37, %dma_wait3A_38] : memref<95x128xi32, #tpu.memory_space<vmem>> -> memref<62x128xi32, #tpu.memory_space<vmem>>
        %dma_wait3A_40 = arith.constant 0 : i32
        %dma_wait3A_41 = arith.constant 0 : i32
        %dma_wait3A_42 = tpu.memref_slice %arg5[%arg1, %dma_wait3A_40, %dma_wait3A_41] : memref<16x62x128xi32, #tpu.memory_space<hbm>> -> memref<1x62x128xi32, #tpu.memory_space<hbm>>
        %dma_wait3A_43 = tpu.memref_squeeze %dma_wait3A_42 : memref<1x62x128xi32, #tpu.memory_space<hbm>> -> memref<62x128xi32, #tpu.memory_space<hbm>>
        tpu.wait_dma2 semaphore(%run_scoped3A : memref<!tpu.dma_semaphore, #tpu.memory_space<semaphore_mem>>) src(%dma_wait3A_43 : memref<62x128xi32, #tpu.memory_space<hbm>>) dst(%dma_wait3A_39 : memref<62x128xi32, #tpu.memory_space<vmem>>)
        tpu.yield
      }) : () -> ()
      "tpu.region"() ({
        %run_scoped3A = tpu.sem_alloc : memref<!tpu.dma_semaphore, #tpu.memory_space<semaphore_mem>>
        %dma_start3A = arith.constant 0 : i32
        %dma_start3A_18 = arith.constant 0 : i32
        %dma_start3A_19 = tpu.memref_slice %arg10[%dma_start3A, %dma_start3A_18] : memref<95x128xi32, #tpu.memory_space<vmem>> -> memref<62x128xi32, #tpu.memory_space<vmem>>
        %dma_start3A_20 = arith.constant 0 : i32
        %dma_start3A_21 = arith.constant 0 : i32
        %dma_start3A_22 = tpu.memref_slice %arg6[%arg1, %dma_start3A_20, %dma_start3A_21] : memref<16x62x128xi32, #tpu.memory_space<hbm>> -> memref<1x62x128xi32, #tpu.memory_space<hbm>>
        %dma_start3A_23 = tpu.memref_squeeze %dma_start3A_22 : memref<1x62x128xi32, #tpu.memory_space<hbm>> -> memref<62x128xi32, #tpu.memory_space<hbm>>
        %dma_start3A_24 = arith.constant 0 : i32
        %dma_start3A_25 = arith.constant 0 : i32
        %dma_start3A_26 = tpu.memref_slice %arg10[%dma_start3A_24, %dma_start3A_25] : memref<95x128xi32, #tpu.memory_space<vmem>> -> memref<62x128xi32, #tpu.memory_space<vmem>>
        %dma_start3A_27 = arith.constant 0 : i32
        %dma_start3A_28 = arith.constant 0 : i32
        %dma_start3A_29 = tpu.memref_slice %arg6[%arg1, %dma_start3A_27, %dma_start3A_28] : memref<16x62x128xi32, #tpu.memory_space<hbm>> -> memref<1x62x128xi32, #tpu.memory_space<hbm>>
        %dma_start3A_30 = tpu.memref_squeeze %dma_start3A_29 : memref<1x62x128xi32, #tpu.memory_space<hbm>> -> memref<62x128xi32, #tpu.memory_space<hbm>>
        tpu.enqueue_dma source(%dma_start3A_30 : memref<62x128xi32, #tpu.memory_space<hbm>>) target(%dma_start3A_26 : memref<62x128xi32, #tpu.memory_space<vmem>>) target_semaphore(%run_scoped3A : memref<!tpu.dma_semaphore, #tpu.memory_space<semaphore_mem>>)
        %dma_wait3A = arith.constant 0 : i32
        %dma_wait3A_31 = arith.constant 0 : i32
        %dma_wait3A_32 = tpu.memref_slice %arg10[%dma_wait3A, %dma_wait3A_31] : memref<95x128xi32, #tpu.memory_space<vmem>> -> memref<62x128xi32, #tpu.memory_space<vmem>>
        %dma_wait3A_33 = arith.constant 0 : i32
        %dma_wait3A_34 = arith.constant 0 : i32
        %dma_wait3A_35 = tpu.memref_slice %arg6[%arg1, %dma_wait3A_33, %dma_wait3A_34] : memref<16x62x128xi32, #tpu.memory_space<hbm>> -> memref<1x62x128xi32, #tpu.memory_space<hbm>>
        %dma_wait3A_36 = tpu.memref_squeeze %dma_wait3A_35 : memref<1x62x128xi32, #tpu.memory_space<hbm>> -> memref<62x128xi32, #tpu.memory_space<hbm>>
        %dma_wait3A_37 = arith.constant 0 : i32
        %dma_wait3A_38 = arith.constant 0 : i32
        %dma_wait3A_39 = tpu.memref_slice %arg10[%dma_wait3A_37, %dma_wait3A_38] : memref<95x128xi32, #tpu.memory_space<vmem>> -> memref<62x128xi32, #tpu.memory_space<vmem>>
        %dma_wait3A_40 = arith.constant 0 : i32
        %dma_wait3A_41 = arith.constant 0 : i32
        %dma_wait3A_42 = tpu.memref_slice %arg6[%arg1, %dma_wait3A_40, %dma_wait3A_41] : memref<16x62x128xi32, #tpu.memory_space<hbm>> -> memref<1x62x128xi32, #tpu.memory_space<hbm>>
        %dma_wait3A_43 = tpu.memref_squeeze %dma_wait3A_42 : memref<1x62x128xi32, #tpu.memory_space<hbm>> -> memref<62x128xi32, #tpu.memory_space<hbm>>
        tpu.wait_dma2 semaphore(%run_scoped3A : memref<!tpu.dma_semaphore, #tpu.memory_space<semaphore_mem>>) src(%dma_wait3A_43 : memref<62x128xi32, #tpu.memory_space<hbm>>) dst(%dma_wait3A_39 : memref<62x128xi32, #tpu.memory_space<vmem>>)
        tpu.yield
      }) : () -> ()
      %barrier3A_12 = arith.constant 0 : index
      tpu.barrier barrier_id(%barrier3A_12)
      %scan3A = arith.constant 0 : i32
      %scan3A_13 = arith.constant 0 : i32
      %scan3A_14 = arith.constant 62 : i32
      %scan3A_15 = arith.addi %scan3A_13, %scan3A_14 : i32
      %scan3A_16 = arith.constant 1 : i32
      scf.for %scan3A_18 = %scan3A_13 to %scan3A_15 step %scan3A_16  : i32 {
        %dma_start3A = arith.constant 0 : i32
        %dma_start3A_19 = tpu.memref_slice %arg9[%scan3A_18, %dma_start3A] : memref<95x128xi32, #tpu.memory_space<vmem>> -> memref<1x128xi32, #tpu.memory_space<vmem>>
        %dma_start3A_20 = tpu.memref_squeeze %dma_start3A_19 : memref<1x128xi32, #tpu.memory_space<vmem>> -> memref<128xi32, #tpu.memory_space<vmem>>
        %dma_start3A_21 = arith.constant 0 : i32
        %dma_start3A_22 = arith.constant 0 : i32
        %dma_start3A_23 = tpu.memref_slice %arg2[%dma_start3A_21, %dma_start3A_22] : memref<10240x128xf32, #tpu.memory_space<hbm>> -> memref<10240x128xf32, #tpu.memory_space<hbm>>
        tpu.enqueue_indirect_dma source(%dma_start3A_23 : memref<10240x128xf32, #tpu.memory_space<hbm>>) target(%arg11 : memref<128x128xf32, #tpu.memory_space<vmem>>) offsets(%dma_start3A_20 : memref<128xi32, #tpu.memory_space<vmem>>) semaphore(%arg13 : memref<!tpu.dma_semaphore, #tpu.memory_space<semaphore_mem>>)
        %dma_wait3A = arith.constant 0 : i32
        %dma_wait3A_24 = tpu.memref_slice %arg9[%scan3A_18, %dma_wait3A] : memref<95x128xi32, #tpu.memory_space<vmem>> -> memref<1x128xi32, #tpu.memory_space<vmem>>
        %dma_wait3A_25 = tpu.memref_squeeze %dma_wait3A_24 : memref<1x128xi32, #tpu.memory_space<vmem>> -> memref<128xi32, #tpu.memory_space<vmem>>
        %dma_wait3A_26 = arith.constant 0 : i32
        %dma_wait3A_27 = arith.constant 0 : i32
        %dma_wait3A_28 = tpu.memref_slice %arg2[%dma_wait3A_26, %dma_wait3A_27] : memref<10240x128xf32, #tpu.memory_space<hbm>> -> memref<10240x128xf32, #tpu.memory_space<hbm>>
        tpu.wait_indirect_dma semaphore(%arg13 : memref<!tpu.dma_semaphore, #tpu.memory_space<semaphore_mem>>) src(%dma_wait3A_28 : memref<10240x128xf32, #tpu.memory_space<hbm>>) dst(%arg11 : memref<128x128xf32, #tpu.memory_space<vmem>>)
        "tpu.region"() ({
          %run_scoped3A = tpu.sem_alloc : memref<!tpu.dma_semaphore, #tpu.memory_space<semaphore_mem>>
          %dma_start3A_29 = arith.constant 0 : i32
          %dma_start3A_30 = tpu.memref_slice %arg10[%scan3A_18, %dma_start3A_29] : memref<95x128xi32, #tpu.memory_space<vmem>> -> memref<1x128xi32, #tpu.memory_space<vmem>>
          %dma_start3A_31 = tpu.memref_squeeze %dma_start3A_30 : memref<1x128xi32, #tpu.memory_space<vmem>> -> memref<128xi32, #tpu.memory_space<vmem>>
          %dma_start3A_32 = arith.constant 0 : i32
          %dma_start3A_33 = arith.constant 0 : i32
          %dma_start3A_34 = tpu.memref_slice %arg12[%dma_start3A_32, %dma_start3A_33] : memref<10240x128xf32, #tpu.memory_space<vmem_shared>> -> memref<10240x128xf32, #tpu.memory_space<vmem_shared>>
          tpu.enqueue_indirect_dma source(%arg11 : memref<128x128xf32, #tpu.memory_space<vmem>>) target(%dma_start3A_34 : memref<10240x128xf32, #tpu.memory_space<vmem_shared>>) offsets(%dma_start3A_31 : memref<128xi32, #tpu.memory_space<vmem>>) semaphore(%run_scoped3A : memref<!tpu.dma_semaphore, #tpu.memory_space<semaphore_mem>>) {add = true}
          %dma_wait3A_35 = arith.constant 0 : i32
          %dma_wait3A_36 = tpu.memref_slice %arg10[%scan3A_18, %dma_wait3A_35] : memref<95x128xi32, #tpu.memory_space<vmem>> -> memref<1x128xi32, #tpu.memory_space<vmem>>
          %dma_wait3A_37 = tpu.memref_squeeze %dma_wait3A_36 : memref<1x128xi32, #tpu.memory_space<vmem>> -> memref<128xi32, #tpu.memory_space<vmem>>
          %dma_wait3A_38 = arith.constant 0 : i32
          %dma_wait3A_39 = arith.constant 0 : i32
          %dma_wait3A_40 = tpu.memref_slice %arg12[%dma_wait3A_38, %dma_wait3A_39] : memref<10240x128xf32, #tpu.memory_space<vmem_shared>> -> memref<10240x128xf32, #tpu.memory_space<vmem_shared>>
          tpu.wait_indirect_dma semaphore(%run_scoped3A : memref<!tpu.dma_semaphore, #tpu.memory_space<semaphore_mem>>) src(%arg11 : memref<128x128xf32, #tpu.memory_space<vmem>>) dst(%dma_wait3A_40 : memref<10240x128xf32, #tpu.memory_space<vmem_shared>>)
          tpu.yield
        }) : () -> ()
      }
      %scan3A_17 = arith.constant 62 : i32
    } else {
    }
    %barrier3A = arith.constant 0 : index
    tpu.barrier barrier_id(%barrier3A)
    %mul3A_8 = arith.constant 640 : i32
    %mul3A_9 = arith.muli %arg1, %mul3A_8 : i32
    %mul3A_10 = arith.constant 640 : i32
    %mul3A_11 = arith.muli %arg1, %mul3A_10 : i32
    "tpu.region"() ({
      %run_scoped3A = tpu.sem_alloc : memref<!tpu.dma_semaphore, #tpu.memory_space<semaphore_mem>>
      %dma_start3A = arith.constant 0 : i32
      %dma_start3A_12 = arith.constant 0 : i32
      %dma_start3A_13 = tpu.memref_slice %arg8[%arg0, %dma_start3A, %dma_start3A_12] : memref<2x10240x128xf32, #tpu.memory_space<hbm>> -> memref<1x10240x128xf32, #tpu.memory_space<hbm>>
      %dma_start3A_14 = tpu.memref_squeeze %dma_start3A_13 : memref<1x10240x128xf32, #tpu.memory_space<hbm>> -> memref<10240x128xf32, #tpu.memory_space<hbm>>
      %dma_start3A_15 = arith.constant 0 : i32
      %dma_start3A_16 = tpu.memref_slice %dma_start3A_14[%mul3A_11, %dma_start3A_15] : memref<10240x128xf32, #tpu.memory_space<hbm>> -> memref<640x128xf32, #tpu.memory_space<hbm>>
      %dma_start3A_17 = arith.constant 0 : i32
      %dma_start3A_18 = tpu.memref_slice %arg12[%mul3A_9, %dma_start3A_17] : memref<10240x128xf32, #tpu.memory_space<vmem_shared>> -> memref<640x128xf32, #tpu.memory_space<vmem_shared>>
      tpu.enqueue_dma source(%dma_start3A_18 : memref<640x128xf32, #tpu.memory_space<vmem_shared>>) target(%dma_start3A_16 : memref<640x128xf32, #tpu.memory_space<hbm>>) target_semaphore(%run_scoped3A : memref<!tpu.dma_semaphore, #tpu.memory_space<semaphore_mem>>)
      %dma_wait3A = arith.constant 0 : i32
      %dma_wait3A_19 = arith.constant 0 : i32
      %dma_wait3A_20 = tpu.memref_slice %arg8[%arg0, %dma_wait3A, %dma_wait3A_19] : memref<2x10240x128xf32, #tpu.memory_space<hbm>> -> memref<1x10240x128xf32, #tpu.memory_space<hbm>>
      %dma_wait3A_21 = tpu.memref_squeeze %dma_wait3A_20 : memref<1x10240x128xf32, #tpu.memory_space<hbm>> -> memref<10240x128xf32, #tpu.memory_space<hbm>>
      %dma_wait3A_22 = arith.constant 0 : i32
      %dma_wait3A_23 = tpu.memref_slice %dma_wait3A_21[%mul3A_11, %dma_wait3A_22] : memref<10240x128xf32, #tpu.memory_space<hbm>> -> memref<640x128xf32, #tpu.memory_space<hbm>>
      %dma_wait3A_24 = arith.constant 0 : i32
      %dma_wait3A_25 = tpu.memref_slice %arg12[%mul3A_9, %dma_wait3A_24] : memref<10240x128xf32, #tpu.memory_space<vmem_shared>> -> memref<640x128xf32, #tpu.memory_space<vmem_shared>>
      tpu.wait_dma2 semaphore(%run_scoped3A : memref<!tpu.dma_semaphore, #tpu.memory_space<semaphore_mem>>) src(%dma_wait3A_25 : memref<640x128xf32, #tpu.memory_space<vmem_shared>>) dst(%dma_wait3A_23 : memref<640x128xf32, #tpu.memory_space<hbm>>)
      tpu.yield
    }) : () -> ()
    return
  }
}

#map = affine_map<(d0, d1) -> (0, 0)>
#map1 = affine_map<(d0, d1) -> (0, 0, 0)>
module attributes {stable_mosaic.version = 14 : i64} {
  func.func @_agg_body(%arg0: i32, %arg1: i32, %arg2: memref<10240x128xf32, #tpu.memory_space<hbm>>, %arg3: memref<16x95x128xi32, #tpu.memory_space<hbm>>, %arg4: memref<16x95x128xi32, #tpu.memory_space<hbm>>, %arg5: memref<16x62x128xi32, #tpu.memory_space<hbm>>, %arg6: memref<16x62x128xi32, #tpu.memory_space<hbm>>, %arg7: memref<640x128xf32, #tpu.memory_space<hbm>>, %arg8: memref<2x10240x128xf32, #tpu.memory_space<hbm>>, %arg9: memref<95x128xi32, #tpu.memory_space<vmem>>, %arg10: memref<95x128xi32, #tpu.memory_space<vmem>>, %arg11: memref<128x128xf32, #tpu.memory_space<vmem>>, %arg12: memref<10240x128xf32, #tpu.memory_space<vmem_shared>>, %arg13: memref<!tpu.dma_semaphore, #tpu.memory_space<semaphore_mem>>) attributes {dimension_semantics = [#tpu.dimension_semantics<core_parallel>, #tpu.dimension_semantics<subcore_parallel>], iteration_bounds = array<i64: 2, 16>, scalar_prefetch = 0 : i64, scratch_operands = 5 : i64, tpu.core_type = #tpu.core_type<sc_vector_subcore>, window_params = [{transform_indices = #map}, {transform_indices = #map1}, {transform_indices = #map1}, {transform_indices = #map1}, {transform_indices = #map1}, {transform_indices = #map}, {transform_indices = #map1}]} {
    %mul3A = arith.constant 640 : i32
    %mul3A_0 = arith.muli %arg1, %mul3A : i32
    "tpu.region"() ({
      %run_scoped3A = tpu.sem_alloc : memref<!tpu.dma_semaphore, #tpu.memory_space<semaphore_mem>>
      %dma_start3A = arith.constant 0 : i32
      %dma_start3A_12 = tpu.memref_slice %arg12[%mul3A_0, %dma_start3A] : memref<10240x128xf32, #tpu.memory_space<vmem_shared>> -> memref<640x128xf32, #tpu.memory_space<vmem_shared>>
      tpu.enqueue_dma source(%arg7 : memref<640x128xf32, #tpu.memory_space<hbm>>) target(%dma_start3A_12 : memref<640x128xf32, #tpu.memory_space<vmem_shared>>) target_semaphore(%run_scoped3A : memref<!tpu.dma_semaphore, #tpu.memory_space<semaphore_mem>>)
      %dma_wait3A = arith.constant 0 : i32
      %dma_wait3A_13 = tpu.memref_slice %arg12[%mul3A_0, %dma_wait3A] : memref<10240x128xf32, #tpu.memory_space<vmem_shared>> -> memref<640x128xf32, #tpu.memory_space<vmem_shared>>
      tpu.wait_dma2 semaphore(%run_scoped3A : memref<!tpu.dma_semaphore, #tpu.memory_space<semaphore_mem>>) src(%arg7 : memref<640x128xf32, #tpu.memory_space<hbm>>) dst(%dma_wait3A_13 : memref<640x128xf32, #tpu.memory_space<vmem_shared>>)
      tpu.yield
    }) : () -> ()
    %eq3A = arith.constant 0 : i32
    %eq3A_1 = arith.cmpi eq, %arg0, %eq3A : i32
    %convert_element_type3A = arith.extui %eq3A_1 : i1 to i32
    %cond3A = arith.constant 0 : i32
    %cond3A_2 = arith.cmpi ne, %convert_element_type3A, %cond3A : i32
    scf.if %cond3A_2 {
      "tpu.region"() ({
        %run_scoped3A = tpu.sem_alloc : memref<!tpu.dma_semaphore, #tpu.memory_space<semaphore_mem>>
        %dma_start3A = arith.constant 0 : i32
        %dma_start3A_18 = arith.constant 0 : i32
        %dma_start3A_19 = tpu.memref_slice %arg3[%arg1, %dma_start3A, %dma_start3A_18] : memref<16x95x128xi32, #tpu.memory_space<hbm>> -> memref<1x95x128xi32, #tpu.memory_space<hbm>>
        %dma_start3A_20 = tpu.memref_squeeze %dma_start3A_19 : memref<1x95x128xi32, #tpu.memory_space<hbm>> -> memref<95x128xi32, #tpu.memory_space<hbm>>
        %dma_start3A_21 = arith.constant 0 : i32
        %dma_start3A_22 = arith.constant 0 : i32
        %dma_start3A_23 = tpu.memref_slice %arg3[%arg1, %dma_start3A_21, %dma_start3A_22] : memref<16x95x128xi32, #tpu.memory_space<hbm>> -> memref<1x95x128xi32, #tpu.memory_space<hbm>>
        %dma_start3A_24 = tpu.memref_squeeze %dma_start3A_23 : memref<1x95x128xi32, #tpu.memory_space<hbm>> -> memref<95x128xi32, #tpu.memory_space<hbm>>
        tpu.enqueue_dma source(%dma_start3A_24 : memref<95x128xi32, #tpu.memory_space<hbm>>) target(%arg9 : memref<95x128xi32, #tpu.memory_space<vmem>>) target_semaphore(%run_scoped3A : memref<!tpu.dma_semaphore, #tpu.memory_space<semaphore_mem>>)
        %dma_wait3A = arith.constant 0 : i32
        %dma_wait3A_25 = arith.constant 0 : i32
        %dma_wait3A_26 = tpu.memref_slice %arg3[%arg1, %dma_wait3A, %dma_wait3A_25] : memref<16x95x128xi32, #tpu.memory_space<hbm>> -> memref<1x95x128xi32, #tpu.memory_space<hbm>>
        %dma_wait3A_27 = tpu.memref_squeeze %dma_wait3A_26 : memref<1x95x128xi32, #tpu.memory_space<hbm>> -> memref<95x128xi32, #tpu.memory_space<hbm>>
        %dma_wait3A_28 = arith.constant 0 : i32
        %dma_wait3A_29 = arith.constant 0 : i32
        %dma_wait3A_30 = tpu.memref_slice %arg3[%arg1, %dma_wait3A_28, %dma_wait3A_29] : memref<16x95x128xi32, #tpu.memory_space<hbm>> -> memref<1x95x128xi32, #tpu.memory_space<hbm>>
        %dma_wait3A_31 = tpu.memref_squeeze %dma_wait3A_30 : memref<1x95x128xi32, #tpu.memory_space<hbm>> -> memref<95x128xi32, #tpu.memory_space<hbm>>
        tpu.wait_dma2 semaphore(%run_scoped3A : memref<!tpu.dma_semaphore, #tpu.memory_space<semaphore_mem>>) src(%dma_wait3A_31 : memref<95x128xi32, #tpu.memory_space<hbm>>) dst(%arg9 : memref<95x128xi32, #tpu.memory_space<vmem>>)
        tpu.yield
      }) : () -> ()
      "tpu.region"() ({
        %run_scoped3A = tpu.sem_alloc : memref<!tpu.dma_semaphore, #tpu.memory_space<semaphore_mem>>
        %dma_start3A = arith.constant 0 : i32
        %dma_start3A_18 = arith.constant 0 : i32
        %dma_start3A_19 = tpu.memref_slice %arg4[%arg1, %dma_start3A, %dma_start3A_18] : memref<16x95x128xi32, #tpu.memory_space<hbm>> -> memref<1x95x128xi32, #tpu.memory_space<hbm>>
        %dma_start3A_20 = tpu.memref_squeeze %dma_start3A_19 : memref<1x95x128xi32, #tpu.memory_space<hbm>> -> memref<95x128xi32, #tpu.memory_space<hbm>>
        %dma_start3A_21 = arith.constant 0 : i32
        %dma_start3A_22 = arith.constant 0 : i32
        %dma_start3A_23 = tpu.memref_slice %arg4[%arg1, %dma_start3A_21, %dma_start3A_22] : memref<16x95x128xi32, #tpu.memory_space<hbm>> -> memref<1x95x128xi32, #tpu.memory_space<hbm>>
        %dma_start3A_24 = tpu.memref_squeeze %dma_start3A_23 : memref<1x95x128xi32, #tpu.memory_space<hbm>> -> memref<95x128xi32, #tpu.memory_space<hbm>>
        tpu.enqueue_dma source(%dma_start3A_24 : memref<95x128xi32, #tpu.memory_space<hbm>>) target(%arg10 : memref<95x128xi32, #tpu.memory_space<vmem>>) target_semaphore(%run_scoped3A : memref<!tpu.dma_semaphore, #tpu.memory_space<semaphore_mem>>)
        %dma_wait3A = arith.constant 0 : i32
        %dma_wait3A_25 = arith.constant 0 : i32
        %dma_wait3A_26 = tpu.memref_slice %arg4[%arg1, %dma_wait3A, %dma_wait3A_25] : memref<16x95x128xi32, #tpu.memory_space<hbm>> -> memref<1x95x128xi32, #tpu.memory_space<hbm>>
        %dma_wait3A_27 = tpu.memref_squeeze %dma_wait3A_26 : memref<1x95x128xi32, #tpu.memory_space<hbm>> -> memref<95x128xi32, #tpu.memory_space<hbm>>
        %dma_wait3A_28 = arith.constant 0 : i32
        %dma_wait3A_29 = arith.constant 0 : i32
        %dma_wait3A_30 = tpu.memref_slice %arg4[%arg1, %dma_wait3A_28, %dma_wait3A_29] : memref<16x95x128xi32, #tpu.memory_space<hbm>> -> memref<1x95x128xi32, #tpu.memory_space<hbm>>
        %dma_wait3A_31 = tpu.memref_squeeze %dma_wait3A_30 : memref<1x95x128xi32, #tpu.memory_space<hbm>> -> memref<95x128xi32, #tpu.memory_space<hbm>>
        tpu.wait_dma2 semaphore(%run_scoped3A : memref<!tpu.dma_semaphore, #tpu.memory_space<semaphore_mem>>) src(%dma_wait3A_31 : memref<95x128xi32, #tpu.memory_space<hbm>>) dst(%arg10 : memref<95x128xi32, #tpu.memory_space<vmem>>)
        tpu.yield
      }) : () -> ()
      %barrier3A_12 = arith.constant 0 : index
      tpu.barrier barrier_id(%barrier3A_12)
      %scan3A = arith.constant 0 : i32
      %scan3A_13 = arith.constant 0 : i32
      %scan3A_14 = arith.constant 95 : i32
      %scan3A_15 = arith.addi %scan3A_13, %scan3A_14 : i32
      %scan3A_16 = arith.constant 1 : i32
      scf.for %scan3A_18 = %scan3A_13 to %scan3A_15 step %scan3A_16  : i32 {
        %dma_start3A = arith.constant 0 : i32
        %dma_start3A_19 = tpu.memref_slice %arg9[%scan3A_18, %dma_start3A] : memref<95x128xi32, #tpu.memory_space<vmem>> -> memref<1x128xi32, #tpu.memory_space<vmem>>
        %dma_start3A_20 = tpu.memref_squeeze %dma_start3A_19 : memref<1x128xi32, #tpu.memory_space<vmem>> -> memref<128xi32, #tpu.memory_space<vmem>>
        %dma_start3A_21 = arith.constant 0 : i32
        %dma_start3A_22 = arith.constant 0 : i32
        %dma_start3A_23 = tpu.memref_slice %arg2[%dma_start3A_21, %dma_start3A_22] : memref<10240x128xf32, #tpu.memory_space<hbm>> -> memref<10240x128xf32, #tpu.memory_space<hbm>>
        tpu.enqueue_indirect_dma source(%dma_start3A_23 : memref<10240x128xf32, #tpu.memory_space<hbm>>) target(%arg11 : memref<128x128xf32, #tpu.memory_space<vmem>>) offsets(%dma_start3A_20 : memref<128xi32, #tpu.memory_space<vmem>>) semaphore(%arg13 : memref<!tpu.dma_semaphore, #tpu.memory_space<semaphore_mem>>)
        %dma_wait3A = arith.constant 0 : i32
        %dma_wait3A_24 = tpu.memref_slice %arg9[%scan3A_18, %dma_wait3A] : memref<95x128xi32, #tpu.memory_space<vmem>> -> memref<1x128xi32, #tpu.memory_space<vmem>>
        %dma_wait3A_25 = tpu.memref_squeeze %dma_wait3A_24 : memref<1x128xi32, #tpu.memory_space<vmem>> -> memref<128xi32, #tpu.memory_space<vmem>>
        %dma_wait3A_26 = arith.constant 0 : i32
        %dma_wait3A_27 = arith.constant 0 : i32
        %dma_wait3A_28 = tpu.memref_slice %arg2[%dma_wait3A_26, %dma_wait3A_27] : memref<10240x128xf32, #tpu.memory_space<hbm>> -> memref<10240x128xf32, #tpu.memory_space<hbm>>
        tpu.wait_indirect_dma semaphore(%arg13 : memref<!tpu.dma_semaphore, #tpu.memory_space<semaphore_mem>>) src(%dma_wait3A_28 : memref<10240x128xf32, #tpu.memory_space<hbm>>) dst(%arg11 : memref<128x128xf32, #tpu.memory_space<vmem>>)
        "tpu.region"() ({
          %run_scoped3A = tpu.sem_alloc : memref<!tpu.dma_semaphore, #tpu.memory_space<semaphore_mem>>
          %dma_start3A_29 = arith.constant 0 : i32
          %dma_start3A_30 = tpu.memref_slice %arg10[%scan3A_18, %dma_start3A_29] : memref<95x128xi32, #tpu.memory_space<vmem>> -> memref<1x128xi32, #tpu.memory_space<vmem>>
          %dma_start3A_31 = tpu.memref_squeeze %dma_start3A_30 : memref<1x128xi32, #tpu.memory_space<vmem>> -> memref<128xi32, #tpu.memory_space<vmem>>
          %dma_start3A_32 = arith.constant 0 : i32
          %dma_start3A_33 = arith.constant 0 : i32
          %dma_start3A_34 = tpu.memref_slice %arg12[%dma_start3A_32, %dma_start3A_33] : memref<10240x128xf32, #tpu.memory_space<vmem_shared>> -> memref<10240x128xf32, #tpu.memory_space<vmem_shared>>
          tpu.enqueue_indirect_dma source(%arg11 : memref<128x128xf32, #tpu.memory_space<vmem>>) target(%dma_start3A_34 : memref<10240x128xf32, #tpu.memory_space<vmem_shared>>) offsets(%dma_start3A_31 : memref<128xi32, #tpu.memory_space<vmem>>) semaphore(%run_scoped3A : memref<!tpu.dma_semaphore, #tpu.memory_space<semaphore_mem>>) {add = true}
          %dma_wait3A_35 = arith.constant 0 : i32
          %dma_wait3A_36 = tpu.memref_slice %arg10[%scan3A_18, %dma_wait3A_35] : memref<95x128xi32, #tpu.memory_space<vmem>> -> memref<1x128xi32, #tpu.memory_space<vmem>>
          %dma_wait3A_37 = tpu.memref_squeeze %dma_wait3A_36 : memref<1x128xi32, #tpu.memory_space<vmem>> -> memref<128xi32, #tpu.memory_space<vmem>>
          %dma_wait3A_38 = arith.constant 0 : i32
          %dma_wait3A_39 = arith.constant 0 : i32
          %dma_wait3A_40 = tpu.memref_slice %arg12[%dma_wait3A_38, %dma_wait3A_39] : memref<10240x128xf32, #tpu.memory_space<vmem_shared>> -> memref<10240x128xf32, #tpu.memory_space<vmem_shared>>
          tpu.wait_indirect_dma semaphore(%run_scoped3A : memref<!tpu.dma_semaphore, #tpu.memory_space<semaphore_mem>>) src(%arg11 : memref<128x128xf32, #tpu.memory_space<vmem>>) dst(%dma_wait3A_40 : memref<10240x128xf32, #tpu.memory_space<vmem_shared>>)
          tpu.yield
        }) : () -> ()
      }
      %scan3A_17 = arith.constant 95 : i32
    } else {
    }
    %eq3A_3 = arith.constant 1 : i32
    %eq3A_4 = arith.cmpi eq, %arg0, %eq3A_3 : i32
    %convert_element_type3A_5 = arith.extui %eq3A_4 : i1 to i32
    %cond3A_6 = arith.constant 0 : i32
    %cond3A_7 = arith.cmpi ne, %convert_element_type3A_5, %cond3A_6 : i32
    scf.if %cond3A_7 {
      "tpu.region"() ({
        %run_scoped3A = tpu.sem_alloc : memref<!tpu.dma_semaphore, #tpu.memory_space<semaphore_mem>>
        %dma_start3A = arith.constant 0 : i32
        %dma_start3A_18 = arith.constant 0 : i32
        %dma_start3A_19 = tpu.memref_slice %arg9[%dma_start3A, %dma_start3A_18] : memref<95x128xi32, #tpu.memory_space<vmem>> -> memref<62x128xi32, #tpu.memory_space<vmem>>
        %dma_start3A_20 = arith.constant 0 : i32
        %dma_start3A_21 = arith.constant 0 : i32
        %dma_start3A_22 = tpu.memref_slice %arg5[%arg1, %dma_start3A_20, %dma_start3A_21] : memref<16x62x128xi32, #tpu.memory_space<hbm>> -> memref<1x62x128xi32, #tpu.memory_space<hbm>>
        %dma_start3A_23 = tpu.memref_squeeze %dma_start3A_22 : memref<1x62x128xi32, #tpu.memory_space<hbm>> -> memref<62x128xi32, #tpu.memory_space<hbm>>
        %dma_start3A_24 = arith.constant 0 : i32
        %dma_start3A_25 = arith.constant 0 : i32
        %dma_start3A_26 = tpu.memref_slice %arg9[%dma_start3A_24, %dma_start3A_25] : memref<95x128xi32, #tpu.memory_space<vmem>> -> memref<62x128xi32, #tpu.memory_space<vmem>>
        %dma_start3A_27 = arith.constant 0 : i32
        %dma_start3A_28 = arith.constant 0 : i32
        %dma_start3A_29 = tpu.memref_slice %arg5[%arg1, %dma_start3A_27, %dma_start3A_28] : memref<16x62x128xi32, #tpu.memory_space<hbm>> -> memref<1x62x128xi32, #tpu.memory_space<hbm>>
        %dma_start3A_30 = tpu.memref_squeeze %dma_start3A_29 : memref<1x62x128xi32, #tpu.memory_space<hbm>> -> memref<62x128xi32, #tpu.memory_space<hbm>>
        tpu.enqueue_dma source(%dma_start3A_30 : memref<62x128xi32, #tpu.memory_space<hbm>>) target(%dma_start3A_26 : memref<62x128xi32, #tpu.memory_space<vmem>>) target_semaphore(%run_scoped3A : memref<!tpu.dma_semaphore, #tpu.memory_space<semaphore_mem>>)
        %dma_wait3A = arith.constant 0 : i32
        %dma_wait3A_31 = arith.constant 0 : i32
        %dma_wait3A_32 = tpu.memref_slice %arg9[%dma_wait3A, %dma_wait3A_31] : memref<95x128xi32, #tpu.memory_space<vmem>> -> memref<62x128xi32, #tpu.memory_space<vmem>>
        %dma_wait3A_33 = arith.constant 0 : i32
        %dma_wait3A_34 = arith.constant 0 : i32
        %dma_wait3A_35 = tpu.memref_slice %arg5[%arg1, %dma_wait3A_33, %dma_wait3A_34] : memref<16x62x128xi32, #tpu.memory_space<hbm>> -> memref<1x62x128xi32, #tpu.memory_space<hbm>>
        %dma_wait3A_36 = tpu.memref_squeeze %dma_wait3A_35 : memref<1x62x128xi32, #tpu.memory_space<hbm>> -> memref<62x128xi32, #tpu.memory_space<hbm>>
        %dma_wait3A_37 = arith.constant 0 : i32
        %dma_wait3A_38 = arith.constant 0 : i32
        %dma_wait3A_39 = tpu.memref_slice %arg9[%dma_wait3A_37, %dma_wait3A_38] : memref<95x128xi32, #tpu.memory_space<vmem>> -> memref<62x128xi32, #tpu.memory_space<vmem>>
        %dma_wait3A_40 = arith.constant 0 : i32
        %dma_wait3A_41 = arith.constant 0 : i32
        %dma_wait3A_42 = tpu.memref_slice %arg5[%arg1, %dma_wait3A_40, %dma_wait3A_41] : memref<16x62x128xi32, #tpu.memory_space<hbm>> -> memref<1x62x128xi32, #tpu.memory_space<hbm>>
        %dma_wait3A_43 = tpu.memref_squeeze %dma_wait3A_42 : memref<1x62x128xi32, #tpu.memory_space<hbm>> -> memref<62x128xi32, #tpu.memory_space<hbm>>
        tpu.wait_dma2 semaphore(%run_scoped3A : memref<!tpu.dma_semaphore, #tpu.memory_space<semaphore_mem>>) src(%dma_wait3A_43 : memref<62x128xi32, #tpu.memory_space<hbm>>) dst(%dma_wait3A_39 : memref<62x128xi32, #tpu.memory_space<vmem>>)
        tpu.yield
      }) : () -> ()
      "tpu.region"() ({
        %run_scoped3A = tpu.sem_alloc : memref<!tpu.dma_semaphore, #tpu.memory_space<semaphore_mem>>
        %dma_start3A = arith.constant 0 : i32
        %dma_start3A_18 = arith.constant 0 : i32
        %dma_start3A_19 = tpu.memref_slice %arg10[%dma_start3A, %dma_start3A_18] : memref<95x128xi32, #tpu.memory_space<vmem>> -> memref<62x128xi32, #tpu.memory_space<vmem>>
        %dma_start3A_20 = arith.constant 0 : i32
        %dma_start3A_21 = arith.constant 0 : i32
        %dma_start3A_22 = tpu.memref_slice %arg6[%arg1, %dma_start3A_20, %dma_start3A_21] : memref<16x62x128xi32, #tpu.memory_space<hbm>> -> memref<1x62x128xi32, #tpu.memory_space<hbm>>
        %dma_start3A_23 = tpu.memref_squeeze %dma_start3A_22 : memref<1x62x128xi32, #tpu.memory_space<hbm>> -> memref<62x128xi32, #tpu.memory_space<hbm>>
        %dma_start3A_24 = arith.constant 0 : i32
        %dma_start3A_25 = arith.constant 0 : i32
        %dma_start3A_26 = tpu.memref_slice %arg10[%dma_start3A_24, %dma_start3A_25] : memref<95x128xi32, #tpu.memory_space<vmem>> -> memref<62x128xi32, #tpu.memory_space<vmem>>
        %dma_start3A_27 = arith.constant 0 : i32
        %dma_start3A_28 = arith.constant 0 : i32
        %dma_start3A_29 = tpu.memref_slice %arg6[%arg1, %dma_start3A_27, %dma_start3A_28] : memref<16x62x128xi32, #tpu.memory_space<hbm>> -> memref<1x62x128xi32, #tpu.memory_space<hbm>>
        %dma_start3A_30 = tpu.memref_squeeze %dma_start3A_29 : memref<1x62x128xi32, #tpu.memory_space<hbm>> -> memref<62x128xi32, #tpu.memory_space<hbm>>
        tpu.enqueue_dma source(%dma_start3A_30 : memref<62x128xi32, #tpu.memory_space<hbm>>) target(%dma_start3A_26 : memref<62x128xi32, #tpu.memory_space<vmem>>) target_semaphore(%run_scoped3A : memref<!tpu.dma_semaphore, #tpu.memory_space<semaphore_mem>>)
        %dma_wait3A = arith.constant 0 : i32
        %dma_wait3A_31 = arith.constant 0 : i32
        %dma_wait3A_32 = tpu.memref_slice %arg10[%dma_wait3A, %dma_wait3A_31] : memref<95x128xi32, #tpu.memory_space<vmem>> -> memref<62x128xi32, #tpu.memory_space<vmem>>
        %dma_wait3A_33 = arith.constant 0 : i32
        %dma_wait3A_34 = arith.constant 0 : i32
        %dma_wait3A_35 = tpu.memref_slice %arg6[%arg1, %dma_wait3A_33, %dma_wait3A_34] : memref<16x62x128xi32, #tpu.memory_space<hbm>> -> memref<1x62x128xi32, #tpu.memory_space<hbm>>
        %dma_wait3A_36 = tpu.memref_squeeze %dma_wait3A_35 : memref<1x62x128xi32, #tpu.memory_space<hbm>> -> memref<62x128xi32, #tpu.memory_space<hbm>>
        %dma_wait3A_37 = arith.constant 0 : i32
        %dma_wait3A_38 = arith.constant 0 : i32
        %dma_wait3A_39 = tpu.memref_slice %arg10[%dma_wait3A_37, %dma_wait3A_38] : memref<95x128xi32, #tpu.memory_space<vmem>> -> memref<62x128xi32, #tpu.memory_space<vmem>>
        %dma_wait3A_40 = arith.constant 0 : i32
        %dma_wait3A_41 = arith.constant 0 : i32
        %dma_wait3A_42 = tpu.memref_slice %arg6[%arg1, %dma_wait3A_40, %dma_wait3A_41] : memref<16x62x128xi32, #tpu.memory_space<hbm>> -> memref<1x62x128xi32, #tpu.memory_space<hbm>>
        %dma_wait3A_43 = tpu.memref_squeeze %dma_wait3A_42 : memref<1x62x128xi32, #tpu.memory_space<hbm>> -> memref<62x128xi32, #tpu.memory_space<hbm>>
        tpu.wait_dma2 semaphore(%run_scoped3A : memref<!tpu.dma_semaphore, #tpu.memory_space<semaphore_mem>>) src(%dma_wait3A_43 : memref<62x128xi32, #tpu.memory_space<hbm>>) dst(%dma_wait3A_39 : memref<62x128xi32, #tpu.memory_space<vmem>>)
        tpu.yield
      }) : () -> ()
      %barrier3A_12 = arith.constant 0 : index
      tpu.barrier barrier_id(%barrier3A_12)
      %scan3A = arith.constant 0 : i32
      %scan3A_13 = arith.constant 0 : i32
      %scan3A_14 = arith.constant 62 : i32
      %scan3A_15 = arith.addi %scan3A_13, %scan3A_14 : i32
      %scan3A_16 = arith.constant 1 : i32
      scf.for %scan3A_18 = %scan3A_13 to %scan3A_15 step %scan3A_16  : i32 {
        %dma_start3A = arith.constant 0 : i32
        %dma_start3A_19 = tpu.memref_slice %arg9[%scan3A_18, %dma_start3A] : memref<95x128xi32, #tpu.memory_space<vmem>> -> memref<1x128xi32, #tpu.memory_space<vmem>>
        %dma_start3A_20 = tpu.memref_squeeze %dma_start3A_19 : memref<1x128xi32, #tpu.memory_space<vmem>> -> memref<128xi32, #tpu.memory_space<vmem>>
        %dma_start3A_21 = arith.constant 0 : i32
        %dma_start3A_22 = arith.constant 0 : i32
        %dma_start3A_23 = tpu.memref_slice %arg2[%dma_start3A_21, %dma_start3A_22] : memref<10240x128xf32, #tpu.memory_space<hbm>> -> memref<10240x128xf32, #tpu.memory_space<hbm>>
        tpu.enqueue_indirect_dma source(%dma_start3A_23 : memref<10240x128xf32, #tpu.memory_space<hbm>>) target(%arg11 : memref<128x128xf32, #tpu.memory_space<vmem>>) offsets(%dma_start3A_20 : memref<128xi32, #tpu.memory_space<vmem>>) semaphore(%arg13 : memref<!tpu.dma_semaphore, #tpu.memory_space<semaphore_mem>>)
        %dma_wait3A = arith.constant 0 : i32
        %dma_wait3A_24 = tpu.memref_slice %arg9[%scan3A_18, %dma_wait3A] : memref<95x128xi32, #tpu.memory_space<vmem>> -> memref<1x128xi32, #tpu.memory_space<vmem>>
        %dma_wait3A_25 = tpu.memref_squeeze %dma_wait3A_24 : memref<1x128xi32, #tpu.memory_space<vmem>> -> memref<128xi32, #tpu.memory_space<vmem>>
        %dma_wait3A_26 = arith.constant 0 : i32
        %dma_wait3A_27 = arith.constant 0 : i32
        %dma_wait3A_28 = tpu.memref_slice %arg2[%dma_wait3A_26, %dma_wait3A_27] : memref<10240x128xf32, #tpu.memory_space<hbm>> -> memref<10240x128xf32, #tpu.memory_space<hbm>>
        tpu.wait_indirect_dma semaphore(%arg13 : memref<!tpu.dma_semaphore, #tpu.memory_space<semaphore_mem>>) src(%dma_wait3A_28 : memref<10240x128xf32, #tpu.memory_space<hbm>>) dst(%arg11 : memref<128x128xf32, #tpu.memory_space<vmem>>)
        "tpu.region"() ({
          %run_scoped3A = tpu.sem_alloc : memref<!tpu.dma_semaphore, #tpu.memory_space<semaphore_mem>>
          %dma_start3A_29 = arith.constant 0 : i32
          %dma_start3A_30 = tpu.memref_slice %arg10[%scan3A_18, %dma_start3A_29] : memref<95x128xi32, #tpu.memory_space<vmem>> -> memref<1x128xi32, #tpu.memory_space<vmem>>
          %dma_start3A_31 = tpu.memref_squeeze %dma_start3A_30 : memref<1x128xi32, #tpu.memory_space<vmem>> -> memref<128xi32, #tpu.memory_space<vmem>>
          %dma_start3A_32 = arith.constant 0 : i32
          %dma_start3A_33 = arith.constant 0 : i32
          %dma_start3A_34 = tpu.memref_slice %arg12[%dma_start3A_32, %dma_start3A_33] : memref<10240x128xf32, #tpu.memory_space<vmem_shared>> -> memref<10240x128xf32, #tpu.memory_space<vmem_shared>>
          tpu.enqueue_indirect_dma source(%arg11 : memref<128x128xf32, #tpu.memory_space<vmem>>) target(%dma_start3A_34 : memref<10240x128xf32, #tpu.memory_space<vmem_shared>>) offsets(%dma_start3A_31 : memref<128xi32, #tpu.memory_space<vmem>>) semaphore(%run_scoped3A : memref<!tpu.dma_semaphore, #tpu.memory_space<semaphore_mem>>) {add = true}
          %dma_wait3A_35 = arith.constant 0 : i32
          %dma_wait3A_36 = tpu.memref_slice %arg10[%scan3A_18, %dma_wait3A_35] : memref<95x128xi32, #tpu.memory_space<vmem>> -> memref<1x128xi32, #tpu.memory_space<vmem>>
          %dma_wait3A_37 = tpu.memref_squeeze %dma_wait3A_36 : memref<1x128xi32, #tpu.memory_space<vmem>> -> memref<128xi32, #tpu.memory_space<vmem>>
          %dma_wait3A_38 = arith.constant 0 : i32
          %dma_wait3A_39 = arith.constant 0 : i32
          %dma_wait3A_40 = tpu.memref_slice %arg12[%dma_wait3A_38, %dma_wait3A_39] : memref<10240x128xf32, #tpu.memory_space<vmem_shared>> -> memref<10240x128xf32, #tpu.memory_space<vmem_shared>>
          tpu.wait_indirect_dma semaphore(%run_scoped3A : memref<!tpu.dma_semaphore, #tpu.memory_space<semaphore_mem>>) src(%arg11 : memref<128x128xf32, #tpu.memory_space<vmem>>) dst(%dma_wait3A_40 : memref<10240x128xf32, #tpu.memory_space<vmem_shared>>)
          tpu.yield
        }) : () -> ()
      }
      %scan3A_17 = arith.constant 62 : i32
    } else {
    }
    %barrier3A = arith.constant 0 : index
    tpu.barrier barrier_id(%barrier3A)
    %mul3A_8 = arith.constant 640 : i32
    %mul3A_9 = arith.muli %arg1, %mul3A_8 : i32
    %mul3A_10 = arith.constant 640 : i32
    %mul3A_11 = arith.muli %arg1, %mul3A_10 : i32
    "tpu.region"() ({
      %run_scoped3A = tpu.sem_alloc : memref<!tpu.dma_semaphore, #tpu.memory_space<semaphore_mem>>
      %dma_start3A = arith.constant 0 : i32
      %dma_start3A_12 = arith.constant 0 : i32
      %dma_start3A_13 = tpu.memref_slice %arg8[%arg0, %dma_start3A, %dma_start3A_12] : memref<2x10240x128xf32, #tpu.memory_space<hbm>> -> memref<1x10240x128xf32, #tpu.memory_space<hbm>>
      %dma_start3A_14 = tpu.memref_squeeze %dma_start3A_13 : memref<1x10240x128xf32, #tpu.memory_space<hbm>> -> memref<10240x128xf32, #tpu.memory_space<hbm>>
      %dma_start3A_15 = arith.constant 0 : i32
      %dma_start3A_16 = tpu.memref_slice %dma_start3A_14[%mul3A_11, %dma_start3A_15] : memref<10240x128xf32, #tpu.memory_space<hbm>> -> memref<640x128xf32, #tpu.memory_space<hbm>>
      %dma_start3A_17 = arith.constant 0 : i32
      %dma_start3A_18 = tpu.memref_slice %arg12[%mul3A_9, %dma_start3A_17] : memref<10240x128xf32, #tpu.memory_space<vmem_shared>> -> memref<640x128xf32, #tpu.memory_space<vmem_shared>>
      tpu.enqueue_dma source(%dma_start3A_18 : memref<640x128xf32, #tpu.memory_space<vmem_shared>>) target(%dma_start3A_16 : memref<640x128xf32, #tpu.memory_space<hbm>>) target_semaphore(%run_scoped3A : memref<!tpu.dma_semaphore, #tpu.memory_space<semaphore_mem>>)
      %dma_wait3A = arith.constant 0 : i32
      %dma_wait3A_19 = arith.constant 0 : i32
      %dma_wait3A_20 = tpu.memref_slice %arg8[%arg0, %dma_wait3A, %dma_wait3A_19] : memref<2x10240x128xf32, #tpu.memory_space<hbm>> -> memref<1x10240x128xf32, #tpu.memory_space<hbm>>
      %dma_wait3A_21 = tpu.memref_squeeze %dma_wait3A_20 : memref<1x10240x128xf32, #tpu.memory_space<hbm>> -> memref<10240x128xf32, #tpu.memory_space<hbm>>
      %dma_wait3A_22 = arith.constant 0 : i32
      %dma_wait3A_23 = tpu.memref_slice %dma_wait3A_21[%mul3A_11, %dma_wait3A_22] : memref<10240x128xf32, #tpu.memory_space<hbm>> -> memref<640x128xf32, #tpu.memory_space<hbm>>
      %dma_wait3A_24 = arith.constant 0 : i32
      %dma_wait3A_25 = tpu.memref_slice %arg12[%mul3A_9, %dma_wait3A_24] : memref<10240x128xf32, #tpu.memory_space<vmem_shared>> -> memref<640x128xf32, #tpu.memory_space<vmem_shared>>
      tpu.wait_dma2 semaphore(%run_scoped3A : memref<!tpu.dma_semaphore, #tpu.memory_space<semaphore_mem>>) src(%dma_wait3A_25 : memref<640x128xf32, #tpu.memory_space<vmem_shared>>) dst(%dma_wait3A_23 : memref<640x128xf32, #tpu.memory_space<hbm>>)
      tpu.yield
    }) : () -> ()
    return
  }
}

module attributes {stable_mosaic.version = 14 : i64} {
  func.func @_inv_body(%arg0: i32, %arg1: memref<2048x128xf32, #tpu.memory_space<vmem>>, %arg2: memref<2048x128xf32, #tpu.memory_space<vmem>>, %arg3: memref<2048x16xf32, #tpu.memory_space<vmem>>) attributes {dimension_semantics = [#tpu.dimension_semantics<arbitrary>], iteration_bounds = array<i64: 5>, scalar_prefetch = 0 : i64, scratch_operands = 0 : i64, tpu.core_type = #tpu.core_type<tc>, window_params = [{transform_indices = @transform_0, window_bounds = array<i64: 2048, 128>}, {transform_indices = @transform_1, window_bounds = array<i64: 2048, 128>}, {transform_indices = @transform_2, window_bounds = array<i64: 2048, 16>}]} {
    %get3A = arith.constant 0 : index
    %get3A_0 = arith.constant 0 : index
    %get3A_1 = vector.load %arg1[%get3A, %get3A_0] : memref<2048x128xf32, #tpu.memory_space<vmem>>, vector<2048x128xf32>
    %get3A_2 = arith.constant 0 : index
    %get3A_3 = arith.constant 0 : index
    %get3A_4 = vector.load %arg2[%get3A_2, %get3A_3] : memref<2048x128xf32, #tpu.memory_space<vmem>>, vector<2048x128xf32>
    %add3A = arith.addf %get3A_1, %get3A_4 : vector<2048x128xf32>
    %max3A = arith.constant 1.000000e+00 : f32
    %max3A_5 = vector.broadcast %max3A : f32 to vector<2048x128xf32>
    %max3A_6 = arith.maximumf %add3A, %max3A_5 : vector<2048x128xf32>
    %div3A = arith.constant 1.000000e+00 : f32
    %div3A_7 = vector.broadcast %div3A : f32 to vector<2048x128xf32>
    %div3A_8 = arith.divf %div3A_7, %max3A_6 : vector<2048x128xf32>
    %slice3A = vector.extract_strided_slice %div3A_8 {offsets = [0, 0], sizes = [2048, 16], strides = [1, 1]} : vector<2048x128xf32> to vector<2048x16xf32>
    %swap3A = arith.constant 0 : index
    %swap3A_9 = arith.constant 0 : index
    %swap3A_10 = vector.load %arg3[%swap3A, %swap3A_9] : memref<2048x16xf32, #tpu.memory_space<vmem>>, vector<2048x16xf32>
    tpu.vector_store %arg3[%swap3A, %swap3A_9], %slice3A {strides = array<i32>} : memref<2048x16xf32, #tpu.memory_space<vmem>>, vector<2048x16xf32>,
    return
  }
  func.func @transform_0(%arg0: i32) -> (i32, i32) {
    %c0_i32 = arith.constant 0 : i32
    %c0_i32_0 = arith.constant 0 : i32
    return %arg0, %c0_i32 : i32, i32
  }
  func.func @transform_1(%arg0: i32) -> (i32, i32) {
    %c0_i32 = arith.constant 0 : i32
    %c0_i32_0 = arith.constant 0 : i32
    return %arg0, %c0_i32 : i32, i32
  }
  func.func @transform_2(%arg0: i32) -> (i32, i32) {
    %c0_i32 = arith.constant 0 : i32
    %c0_i32_0 = arith.constant 0 : i32
    return %arg0, %c0_i32 : i32, i32
  }
}

module attributes {stable_mosaic.version = 14 : i64} {
  func.func @_tc_body(%arg0: i32, %arg1: memref<1024x128xf32, #tpu.memory_space<vmem>>, %arg2: memref<1024x128xf32, #tpu.memory_space<vmem>>, %arg3: memref<1024x16xf32, #tpu.memory_space<vmem>>, %arg4: memref<1024x128xf32, #tpu.memory_space<vmem>>, %arg5: memref<128x128xf32, #tpu.memory_space<vmem>>, %arg6: memref<128x128xf32, #tpu.memory_space<vmem>>, %arg7: memref<1x128xf32, #tpu.memory_space<vmem>>, %arg8: memref<1x128xf32, #tpu.memory_space<vmem>>, %arg9: memref<1x128xf32, #tpu.memory_space<vmem>>, %arg10: memref<1024x128xf32, #tpu.memory_space<vmem>>) attributes {dimension_semantics = [#tpu.dimension_semantics<arbitrary>], iteration_bounds = array<i64: 10>, scalar_prefetch = 0 : i64, scratch_operands = 0 : i64, tpu.core_type = #tpu.core_type<tc>, window_params = [{transform_indices = @transform_0, window_bounds = array<i64: 1024, 128>}, {transform_indices = @transform_1, window_bounds = array<i64: 1024, 128>}, {transform_indices = @transform_2, window_bounds = array<i64: 1024, 16>}, {transform_indices = @transform_3, window_bounds = array<i64: 1024, 128>}, {pipeline_mode = #tpu.pipeline_mode<synchronous>, transform_indices = @transform_4, window_bounds = array<i64: 128, 128>}, {pipeline_mode = #tpu.pipeline_mode<synchronous>, transform_indices = @transform_5, window_bounds = array<i64: 128, 128>}, {pipeline_mode = #tpu.pipeline_mode<synchronous>, transform_indices = @transform_6, window_bounds = array<i64: 1, 128>}, {pipeline_mode = #tpu.pipeline_mode<synchronous>, transform_indices = @transform_7, window_bounds = array<i64: 1, 128>}, {pipeline_mode = #tpu.pipeline_mode<synchronous>, transform_indices = @transform_8, window_bounds = array<i64: 1, 128>}, {transform_indices = @transform_9, window_bounds = array<i64: 1024, 128>}]} {
    %get3A = arith.constant 0 : index
    %get3A_0 = arith.constant 0 : index
    %get3A_1 = vector.load %arg3[%get3A, %get3A_0] : memref<1024x16xf32, #tpu.memory_space<vmem>>, vector<1024x1xf32>
    %get3A_2 = arith.constant 0 : index
    %get3A_3 = arith.constant 0 : index
    %get3A_4 = vector.load %arg1[%get3A_2, %get3A_3] : memref<1024x128xf32, #tpu.memory_space<vmem>>, vector<1024x128xf32>
    %get3A_5 = arith.constant 0 : index
    %get3A_6 = arith.constant 0 : index
    %get3A_7 = vector.load %arg2[%get3A_5, %get3A_6] : memref<1024x128xf32, #tpu.memory_space<vmem>>, vector<1024x128xf32>
    %add3A = arith.addf %get3A_4, %get3A_7 : vector<1024x128xf32>
    %mul3A = vector.broadcast %get3A_1 : vector<1024x1xf32> to vector<1024x128xf32>
    %mul3A_8 = arith.mulf %add3A, %mul3A : vector<1024x128xf32>
    %get3A_9 = arith.constant 0 : index
    %get3A_10 = arith.constant 0 : index
    %get3A_11 = vector.load %arg5[%get3A_9, %get3A_10] : memref<128x128xf32, #tpu.memory_space<vmem>>, vector<128x128xf32>
    %dot_general3A = arith.constant dense<0.000000e+00> : vector<1024x128xf32>
    %dot_general3A_12 = tpu.matmul %mul3A_8, %get3A_11, %dot_general3A {dimension_numbers = #tpu.dot_dimension_numbers<[1], [0], [0], [1], [0, 0, 1, 1], [], []>, transpose_lhs_hint = false} : vector<1024x128xf32>, vector<128x128xf32>, vector<1024x128xf32> -> vector<1024x128xf32>
    %get3A_13 = arith.constant 0 : index
    %get3A_14 = arith.constant 0 : index
    %get3A_15 = vector.load %arg4[%get3A_13, %get3A_14] : memref<1024x128xf32, #tpu.memory_space<vmem>>, vector<1024x128xf32>
    %get3A_16 = arith.constant 0 : index
    %get3A_17 = arith.constant 0 : index
    %get3A_18 = vector.load %arg6[%get3A_16, %get3A_17] : memref<128x128xf32, #tpu.memory_space<vmem>>, vector<128x128xf32>
    %dot_general3A_19 = arith.constant dense<0.000000e+00> : vector<1024x128xf32>
    %dot_general3A_20 = tpu.matmul %get3A_15, %get3A_18, %dot_general3A_19 {dimension_numbers = #tpu.dot_dimension_numbers<[1], [0], [0], [1], [0, 0, 1, 1], [], []>, transpose_lhs_hint = false} : vector<1024x128xf32>, vector<128x128xf32>, vector<1024x128xf32> -> vector<1024x128xf32>
    %add3A_21 = arith.addf %dot_general3A_12, %dot_general3A_20 : vector<1024x128xf32>
    %get3A_22 = arith.constant 0 : index
    %get3A_23 = arith.constant 0 : index
    %get3A_24 = vector.load %arg7[%get3A_22, %get3A_23] : memref<1x128xf32, #tpu.memory_space<vmem>>, vector<1x128xf32>
    %add3A_25 = vector.broadcast %get3A_24 : vector<1x128xf32> to vector<1024x128xf32>
    %add3A_26 = arith.addf %add3A_21, %add3A_25 : vector<1024x128xf32>
    %max3A = arith.constant 0.000000e+00 : f32
    %max3A_27 = vector.broadcast %max3A : f32 to vector<1024x128xf32>
    %max3A_28 = arith.maximumf %add3A_26, %max3A_27 : vector<1024x128xf32>
    %swap3A = arith.constant 0 : index
    %swap3A_29 = arith.constant 0 : index
    %swap3A_30 = vector.load %arg10[%swap3A, %swap3A_29] : memref<1024x128xf32, #tpu.memory_space<vmem>>, vector<1024x128xf32>
    tpu.vector_store %arg10[%swap3A, %swap3A_29], %max3A_28 {strides = array<i32>} : memref<1024x128xf32, #tpu.memory_space<vmem>>, vector<1024x128xf32>,
    return
  }
  func.func @transform_0(%arg0: i32) -> (i32, i32) {
    %c0_i32 = arith.constant 0 : i32
    %c0_i32_0 = arith.constant 0 : i32
    return %arg0, %c0_i32 : i32, i32
  }
  func.func @transform_1(%arg0: i32) -> (i32, i32) {
    %c0_i32 = arith.constant 0 : i32
    %c0_i32_0 = arith.constant 0 : i32
    return %arg0, %c0_i32 : i32, i32
  }
  func.func @transform_2(%arg0: i32) -> (i32, i32) {
    %c0_i32 = arith.constant 0 : i32
    %c0_i32_0 = arith.constant 0 : i32
    return %arg0, %c0_i32 : i32, i32
  }
  func.func @transform_3(%arg0: i32) -> (i32, i32) {
    %c0_i32 = arith.constant 0 : i32
    %c0_i32_0 = arith.constant 0 : i32
    return %arg0, %c0_i32 : i32, i32
  }
  func.func @transform_4(%arg0: i32) -> (i32, i32) {
    %c0_i32 = arith.constant 0 : i32
    %c0_i32_0 = arith.constant 0 : i32
    %c0_i32_1 = arith.constant 0 : i32
    return %c0_i32, %c0_i32_0 : i32, i32
  }
  func.func @transform_5(%arg0: i32) -> (i32, i32) {
    %c0_i32 = arith.constant 0 : i32
    %c0_i32_0 = arith.constant 0 : i32
    %c0_i32_1 = arith.constant 0 : i32
    return %c0_i32, %c0_i32_0 : i32, i32
  }
  func.func @transform_6(%arg0: i32) -> (i32, i32) {
    %c0_i32 = arith.constant 0 : i32
    %c0_i32_0 = arith.constant 0 : i32
    %c0_i32_1 = arith.constant 0 : i32
    return %c0_i32, %c0_i32_0 : i32, i32
  }
  func.func @transform_7(%arg0: i32) -> (i32, i32) {
    %c0_i32 = arith.constant 0 : i32
    %c0_i32_0 = arith.constant 0 : i32
    %c0_i32_1 = arith.constant 0 : i32
    return %c0_i32, %c0_i32_0 : i32, i32
  }
  func.func @transform_8(%arg0: i32) -> (i32, i32) {
    %c0_i32 = arith.constant 0 : i32
    %c0_i32_0 = arith.constant 0 : i32
    %c0_i32_1 = arith.constant 0 : i32
    return %c0_i32, %c0_i32_0 : i32, i32
  }
  func.func @transform_9(%arg0: i32) -> (i32, i32) {
    %c0_i32 = arith.constant 0 : i32
    %c0_i32_0 = arith.constant 0 : i32
    return %arg0, %c0_i32 : i32, i32
  }
}

module attributes {stable_mosaic.version = 14 : i64} {
  func.func @_tc_body(%arg0: i32, %arg1: memref<1024x128xf32, #tpu.memory_space<vmem>>, %arg2: memref<1024x128xf32, #tpu.memory_space<vmem>>, %arg3: memref<1024x16xf32, #tpu.memory_space<vmem>>, %arg4: memref<1024x128xf32, #tpu.memory_space<vmem>>, %arg5: memref<128x128xf32, #tpu.memory_space<vmem>>, %arg6: memref<128x128xf32, #tpu.memory_space<vmem>>, %arg7: memref<1x128xf32, #tpu.memory_space<vmem>>, %arg8: memref<128x128xf32, #tpu.memory_space<vmem>>, %arg9: memref<1x128xf32, #tpu.memory_space<vmem>>, %arg10: memref<1024x128xf32, #tpu.memory_space<vmem>>) attributes {dimension_semantics = [#tpu.dimension_semantics<arbitrary>], iteration_bounds = array<i64: 10>, scalar_prefetch = 0 : i64, scratch_operands = 0 : i64, tpu.core_type = #tpu.core_type<tc>, window_params = [{transform_indices = @transform_0, window_bounds = array<i64: 1024, 128>}, {transform_indices = @transform_1, window_bounds = array<i64: 1024, 128>}, {transform_indices = @transform_2, window_bounds = array<i64: 1024, 16>}, {transform_indices = @transform_3, window_bounds = array<i64: 1024, 128>}, {pipeline_mode = #tpu.pipeline_mode<synchronous>, transform_indices = @transform_4, window_bounds = array<i64: 128, 128>}, {pipeline_mode = #tpu.pipeline_mode<synchronous>, transform_indices = @transform_5, window_bounds = array<i64: 128, 128>}, {pipeline_mode = #tpu.pipeline_mode<synchronous>, transform_indices = @transform_6, window_bounds = array<i64: 1, 128>}, {pipeline_mode = #tpu.pipeline_mode<synchronous>, transform_indices = @transform_7, window_bounds = array<i64: 128, 128>}, {pipeline_mode = #tpu.pipeline_mode<synchronous>, transform_indices = @transform_8, window_bounds = array<i64: 1, 128>}, {transform_indices = @transform_9, window_bounds = array<i64: 1024, 128>}]} {
    %get3A = arith.constant 0 : index
    %get3A_0 = arith.constant 0 : index
    %get3A_1 = vector.load %arg3[%get3A, %get3A_0] : memref<1024x16xf32, #tpu.memory_space<vmem>>, vector<1024x1xf32>
    %get3A_2 = arith.constant 0 : index
    %get3A_3 = arith.constant 0 : index
    %get3A_4 = vector.load %arg1[%get3A_2, %get3A_3] : memref<1024x128xf32, #tpu.memory_space<vmem>>, vector<1024x128xf32>
    %get3A_5 = arith.constant 0 : index
    %get3A_6 = arith.constant 0 : index
    %get3A_7 = vector.load %arg2[%get3A_5, %get3A_6] : memref<1024x128xf32, #tpu.memory_space<vmem>>, vector<1024x128xf32>
    %add3A = arith.addf %get3A_4, %get3A_7 : vector<1024x128xf32>
    %mul3A = vector.broadcast %get3A_1 : vector<1024x1xf32> to vector<1024x128xf32>
    %mul3A_8 = arith.mulf %add3A, %mul3A : vector<1024x128xf32>
    %get3A_9 = arith.constant 0 : index
    %get3A_10 = arith.constant 0 : index
    %get3A_11 = vector.load %arg5[%get3A_9, %get3A_10] : memref<128x128xf32, #tpu.memory_space<vmem>>, vector<128x128xf32>
    %dot_general3A = arith.constant dense<0.000000e+00> : vector<1024x128xf32>
    %dot_general3A_12 = tpu.matmul %mul3A_8, %get3A_11, %dot_general3A {dimension_numbers = #tpu.dot_dimension_numbers<[1], [0], [0], [1], [0, 0, 1, 1], [], []>, transpose_lhs_hint = false} : vector<1024x128xf32>, vector<128x128xf32>, vector<1024x128xf32> -> vector<1024x128xf32>
    %get3A_13 = arith.constant 0 : index
    %get3A_14 = arith.constant 0 : index
    %get3A_15 = vector.load %arg4[%get3A_13, %get3A_14] : memref<1024x128xf32, #tpu.memory_space<vmem>>, vector<1024x128xf32>
    %get3A_16 = arith.constant 0 : index
    %get3A_17 = arith.constant 0 : index
    %get3A_18 = vector.load %arg6[%get3A_16, %get3A_17] : memref<128x128xf32, #tpu.memory_space<vmem>>, vector<128x128xf32>
    %dot_general3A_19 = arith.constant dense<0.000000e+00> : vector<1024x128xf32>
    %dot_general3A_20 = tpu.matmul %get3A_15, %get3A_18, %dot_general3A_19 {dimension_numbers = #tpu.dot_dimension_numbers<[1], [0], [0], [1], [0, 0, 1, 1], [], []>, transpose_lhs_hint = false} : vector<1024x128xf32>, vector<128x128xf32>, vector<1024x128xf32> -> vector<1024x128xf32>
    %add3A_21 = arith.addf %dot_general3A_12, %dot_general3A_20 : vector<1024x128xf32>
    %get3A_22 = arith.constant 0 : index
    %get3A_23 = arith.constant 0 : index
    %get3A_24 = vector.load %arg7[%get3A_22, %get3A_23] : memref<1x128xf32, #tpu.memory_space<vmem>>, vector<1x128xf32>
    %add3A_25 = vector.broadcast %get3A_24 : vector<1x128xf32> to vector<1024x128xf32>
    %add3A_26 = arith.addf %add3A_21, %add3A_25 : vector<1024x128xf32>
    %max3A = arith.constant 0.000000e+00 : f32
    %max3A_27 = vector.broadcast %max3A : f32 to vector<1024x128xf32>
    %max3A_28 = arith.maximumf %add3A_26, %max3A_27 : vector<1024x128xf32>
    %get3A_29 = arith.constant 0 : index
    %get3A_30 = arith.constant 0 : index
    %get3A_31 = vector.load %arg8[%get3A_29, %get3A_30] : memref<128x128xf32, #tpu.memory_space<vmem>>, vector<128x128xf32>
    %dot_general3A_32 = arith.constant dense<0.000000e+00> : vector<1024x128xf32>
    %dot_general3A_33 = tpu.matmul %max3A_28, %get3A_31, %dot_general3A_32 {dimension_numbers = #tpu.dot_dimension_numbers<[1], [0], [0], [1], [0, 0, 1, 1], [], []>, transpose_lhs_hint = false} : vector<1024x128xf32>, vector<128x128xf32>, vector<1024x128xf32> -> vector<1024x128xf32>
    %get3A_34 = arith.constant 0 : index
    %get3A_35 = arith.constant 0 : index
    %get3A_36 = vector.load %arg9[%get3A_34, %get3A_35] : memref<1x128xf32, #tpu.memory_space<vmem>>, vector<1x128xf32>
    %add3A_37 = vector.broadcast %get3A_36 : vector<1x128xf32> to vector<1024x128xf32>
    %add3A_38 = arith.addf %dot_general3A_33, %add3A_37 : vector<1024x128xf32>
    %swap3A = arith.constant 0 : index
    %swap3A_39 = arith.constant 0 : index
    %swap3A_40 = vector.load %arg10[%swap3A, %swap3A_39] : memref<1024x128xf32, #tpu.memory_space<vmem>>, vector<1024x128xf32>
    tpu.vector_store %arg10[%swap3A, %swap3A_39], %add3A_38 {strides = array<i32>} : memref<1024x128xf32, #tpu.memory_space<vmem>>, vector<1024x128xf32>,
    return
  }
  func.func @transform_0(%arg0: i32) -> (i32, i32) {
    %c0_i32 = arith.constant 0 : i32
    %c0_i32_0 = arith.constant 0 : i32
    return %arg0, %c0_i32 : i32, i32
  }
  func.func @transform_1(%arg0: i32) -> (i32, i32) {
    %c0_i32 = arith.constant 0 : i32
    %c0_i32_0 = arith.constant 0 : i32
    return %arg0, %c0_i32 : i32, i32
  }
  func.func @transform_2(%arg0: i32) -> (i32, i32) {
    %c0_i32 = arith.constant 0 : i32
    %c0_i32_0 = arith.constant 0 : i32
    return %arg0, %c0_i32 : i32, i32
  }
  func.func @transform_3(%arg0: i32) -> (i32, i32) {
    %c0_i32 = arith.constant 0 : i32
    %c0_i32_0 = arith.constant 0 : i32
    return %arg0, %c0_i32 : i32, i32
  }
  func.func @transform_4(%arg0: i32) -> (i32, i32) {
    %c0_i32 = arith.constant 0 : i32
    %c0_i32_0 = arith.constant 0 : i32
    %c0_i32_1 = arith.constant 0 : i32
    return %c0_i32, %c0_i32_0 : i32, i32
  }
  func.func @transform_5(%arg0: i32) -> (i32, i32) {
    %c0_i32 = arith.constant 0 : i32
    %c0_i32_0 = arith.constant 0 : i32
    %c0_i32_1 = arith.constant 0 : i32
    return %c0_i32, %c0_i32_0 : i32, i32
  }
  func.func @transform_6(%arg0: i32) -> (i32, i32) {
    %c0_i32 = arith.constant 0 : i32
    %c0_i32_0 = arith.constant 0 : i32
    %c0_i32_1 = arith.constant 0 : i32
    return %c0_i32, %c0_i32_0 : i32, i32
  }
  func.func @transform_7(%arg0: i32) -> (i32, i32) {
    %c0_i32 = arith.constant 0 : i32
    %c0_i32_0 = arith.constant 0 : i32
    %c0_i32_1 = arith.constant 0 : i32
    return %c0_i32, %c0_i32_0 : i32, i32
  }
  func.func @transform_8(%arg0: i32) -> (i32, i32) {
    %c0_i32 = arith.constant 0 : i32
    %c0_i32_0 = arith.constant 0 : i32
    %c0_i32_1 = arith.constant 0 : i32
    return %c0_i32, %c0_i32_0 : i32, i32
  }
  func.func @transform_9(%arg0: i32) -> (i32, i32) {
    %c0_i32 = arith.constant 0 : i32
    %c0_i32_0 = arith.constant 0 : i32
    return %arg0, %c0_i32 : i32, i32
  }
}

</mosaic_0001>

<sc_bundles>
// kernel: kernel.16.cloned.1.call-start
scs
__scs_entry_jumppad:
0x0: {  	(pc) =	sbr.rel $0x88, $3  }
0x1: {  	(tag) =	ssettag $0x0;
	lr =	simm.s32 $0x1  }
0x2: {  	[smem:$0x3F8B] =	sst lr;
	_ =	strace $0xD0000000  }
0x3: {  	_ = 	snop  }
0x4: {  	_ = 	snop  }
0x5: {  	_ = 	snop  }
0x6: {  	_ = 	snop  }
0x7: {  	_ = 	snop  }
__scs_overlays_trampoline_lowered:
0x8: {  	[smem:$0x3F9A] =	sst s0  }
0x9: {  	[smem:$0x3F9B] =	sst s1  }
0xa: {  	[smem:$0x3F9C] =	sst s2  }
0xb: {  	[smem:$0x3F9D] =	sst s3  }
0xc: {  	[smem:$0x3F9E] =	sst s4  }
0xd: {  	[smem:$0x3F9F] =	sst s5  }
0xe: {  	[smem:$0x3FA0] =	sst s6  }
0xf: {  	[smem:$0x3FA1] =	sst s7  }
0x10: {  	[smem:$0x3FA2] =	sst s8  }
0x11: {  	[smem:$0x3FA3] =	sst s9;
	s0 =	simm.s32 @!p0 $0x0  }
0x12: {  	s1 =	sld [smem:$0x3F89];
	s0 =	simm.s32 @p0 $0x1  }
0x13: {  	[smem:$0x3FA4] =	sst s0;
	s0 =	simm.s32 @!p1 $0x0  }
0x14: {  	s2 =	sld [smem:$0x3F88];
	s0 =	simm.s32 @p1 $0x1  }
0x15: {  	[smem:$0x3FA5] =	sst s0;
	s0 =	simm.s32 @!p2 $0x0  }
0x16: {  	s3 =	sld [smem:$0x3FDB];
	s0 =	simm.s32 @p2 $0x1  }
0x17: {  	s4 =	simm.s32 $0x1BF5;
	[smem:$0x3FA7] =	sst s0  }
0x18: {  	s0 =	sld [smem:$0x3F8A];
	_ =	swait.ge [sflag:s4], $0x0  }
0x19: {  	s7 =	sld [smem:$0x3F8B]  }
0x1a: {  	s8 =	sadd.s32 $0xFFFFE003, lr  }
0x1b: {  	s9 =	sadd.s32 $0xFFFFFEF7, lr;
	s5 =	simm.s32 $0xFFFFFFFF;
	p2 =	slt.u32 s8, $0xFFFFF086  }
0x1c: {  	p1 =	slt.u32 s9, $0xF7A;
	s5 =	simm.s32 @!p2 $0x0  }
0x1d: {  	s5 =	simm.s32 @p1 $0x1;
	p0 =	seq.s32 s7, s2  }
0x1e: {  	s7 =	smul.u32 @!p0 $0xF7A, s2;
	p2 =	seq.s32 @!p0 s5, $0x0  }
0x1f: {  	s9 =	smul.u32 $0xF7A, s1;
	s8 =	simm.s32 @!p0 $0x1BF5;
	p2 =	por !p2, p0  }
0x20: {  	[sflag:s8] =	ssyncset.s32 @!p0 $0xFFFFF086;
	s6 =	sadd.s32 @!p0 s3, s7;
	s7 =	simm.s32 @!p0 $0x108  }
0x21: {  	s3 =	sadd.s32 s3, s9;
	s6 =	sadd.s32 @!p0 $0x88, s6;
	s7 =	simm.s32 @p2 $0x1082  }
0x22: {  	[simem:s7], [sflag:s8] =	dma.local @!p0 [hbm:s6], $0xF7A  }
0x23: {  	s9 =	sor.u32 $0xD0000000, s2;
	s6 =	simm.s32 $0x108;
	_ =	swait.ge @!p0 [sflag:s8], $0x0  }
0x24: {  	s3 =	sadd.s32 $0x88, s3;
	s6 =	simm.s32 @!p1 $0x1082;
	[sflag:s4] =	ssyncset.s32 $0xFFFFF086  }
0x25: {  	[simem:s6], [sflag:s4] =	dma.local [hbm:s3], $0xF7A  }
0x26: {  	[smem:$0x3F8B] =	sst s1;
	(tag) =	ssettag s2;
	_ =	strace s9  }
0x27: {  	s1 =	sld [smem:$0x3F9B]  }
0x28: {  	s2 =	sld [smem:$0x3F9C]  }
0x29: {  	s4 =	sld [smem:$0x3F9E]  }
0x2a: {  	p0 =	seq.s32 s5, $0x0;
	s5 =	sld [smem:$0x3F9F]  }
0x2b: {  	s6 =	sld [smem:$0x3FA0]  }
0x2c: {  	s7 =	sld [smem:$0x3FA1]  }
0x2d: {  	s3 =	simm.s32 $0x108;
	s8 =	sld [smem:$0x3FA2]  }
0x2e: {  	s3 =	simm.s32 @!p0 $0x1082;
	s9 =	sld [smem:$0x3FA3]  }
0x2f: {  	lr =	sadd.s32 s0, s3;
	s0 =	sld [smem:$0x3F9A]  }
0x30: {  	s3 =	sld [smem:$0x3F9D]  }
0x31: {  	[smem:$0x3FA6] =	sst s10  }
0x32: {  	s10 =	sld [smem:$0x3FA4];
	_ =	sdelay $0x3  }
0x33: {  	p0 =	seq.s32 s10, $0x1;
	s10 =	sld [smem:$0x3FA6];
	_ =	sdelay $0x3  }
0x34: {  	[smem:$0x3FA6] =	sst s10  }
0x35: {  	s10 =	sld [smem:$0x3FA5];
	_ =	sdelay $0x3  }
0x36: {  	p1 =	seq.s32 s10, $0x1;
	s10 =	sld [smem:$0x3FA6];
	_ =	sdelay $0x3  }
0x37: {  	[smem:$0x3FA6] =	sst s10  }
0x38: {  	s10 =	sld [smem:$0x3FA7]  }
0x39: {  	_ = 	snop;
	(pc) =	sbr.ind lr, $3  }
0x3a: {  	_ = 	snop  }
0x3b: {  	_ = 	snop  }
0x3c: {  	p2 =	seq.s32 s10, $0x1;
	s10 =	sld [smem:$0x3FA6]  }
0x3d: {  	_ =	shalt  }
0x3e: {  	_ =	shalt  }
0x3f: {  	_ =	shalt  }
0x40: {  	_ =	shalt  }
0x41: {  	_ =	shalt  }
0x42: {  	_ =	shalt  }
0x43: {  	_ =	shalt  }
0x44: {  	_ =	shalt  }
0x45: {  	_ =	shalt  }
0x46: {  	_ =	shalt  }
0x47: {  	_ =	shalt  }
0x48: {  	_ =	shalt  }
0x49: {  	_ =	shalt  }
0x4a: {  	_ =	shalt  }
0x4b: {  	_ =	shalt  }
0x4c: {  	_ =	shalt  }
0x4d: {  	_ =	shalt  }
0x4e: {  	_ =	shalt  }
0x4f: {  	_ =	shalt  }
0x50: {  	_ =	shalt  }
0x51: {  	_ =	shalt  }
0x52: {  	_ =	shalt  }
0x53: {  	_ =	shalt  }
0x54: {  	_ =	shalt  }
0x55: {  	_ =	shalt  }
0x56: {  	_ =	shalt  }
0x57: {  	_ =	shalt  }
0x58: {  	_ =	shalt  }
0x59: {  	_ =	shalt  }
0x5a: {  	_ =	shalt  }
0x5b: {  	_ =	shalt  }
0x5c: {  	_ =	shalt  }
0x5d: {  	_ =	shalt  }
0x5e: {  	_ =	shalt  }
0x5f: {  	_ =	shalt  }
0x60: {  	_ =	shalt  }
0x61: {  	_ =	shalt  }
0x62: {  	_ =	shalt  }
0x63: {  	_ =	shalt  }
0x64: {  	_ =	shalt  }
0x65: {  	_ =	shalt  }
0x66: {  	_ =	shalt  }
0x67: {  	_ =	shalt  }
0x68: {  	_ =	shalt  }
0x69: {  	_ =	shalt  }
0x6a: {  	_ =	shalt  }
0x6b: {  	_ =	shalt  }
0x6c: {  	_ =	shalt  }
0x6d: {  	_ =	shalt  }
0x6e: {  	_ =	shalt  }
0x6f: {  	_ =	shalt  }
0x70: {  	_ =	shalt  }
0x71: {  	_ =	shalt  }
0x72: {  	_ =	shalt  }
0x73: {  	_ =	shalt  }
0x74: {  	_ =	shalt  }
0x75: {  	_ =	shalt  }
0x76: {  	_ =	shalt  }
0x77: {  	_ =	shalt  }
0x78: {  	_ =	shalt  }
0x79: {  	_ =	shalt  }
0x7a: {  	_ =	shalt  }
0x7b: {  	_ =	shalt  }
0x7c: {  	_ =	shalt  }
0x7d: {  	_ =	shalt  }
0x7e: {  	_ =	shalt  }
0x7f: {  	_ =	shalt  }
0x80: {  	_ =	shalt  }
0x81: {  	_ =	shalt  }
0x82: {  	_ =	shalt  }
0x83: {  	_ =	shalt  }
0x84: {  	_ =	shalt  }
0x85: {  	_ =	shalt  }
0x86: {  	_ =	shalt  }
0x87: {  	_ =	shalt  }
.Lfunc_end0:
.L_simem_size_0:
called_computation_lowered:
.L_overlay_start_0:
0x88: {  	s2 =	sld [smem:$0x3FD9]  }
0x89: {  	s3 =	sld [smem:$0x3FFE];
	_ =	sdelay $0x1  }
0x8a: {  	s1 =	srdreg.scid  }
0x8b: {  	s0 =	sand.u32 $0x1, s1  }
0x8c: {  	s17 =	sshll.u32 s0, $0xA;
	s2 =	sadd.s32 s3, s2  }
0x8d: {  	s2 =	sadd.s32 s2, s17  }
0x8e: {  	[smem:$0x3FB2] =	sst s2  }
0x8f: {  	_ = 	snop  }
0x90: {  	s2 =	sld [smem:$0x3FD0];
	(tm) =	ssettm $0x1  }
0x91: {  	s18 =	sld [smem:$0x3FFB];
	_ =	sdelay $0x3  }
0x92: {  	_ =	strace s18  }
0x93: {  	s3 =	sld [smem:$0x3FFC];
	_ =	sdelay $0x3  }
0x94: {  	_ =	strace s3  }
0x95: {  	s3 =	sld [smem:$0x3FFD];
	_ =	sdelay $0x3  }
0x96: {  	_ =	strace s3  }
0x97: {  	_ =	strace $0x8FFFFFFF  }
0x98: {  	s19 =	sld [smem:$0x3FDB];
	_ =	sdelay $0x1  }
0x99: {  	s4 =	simm.s32 $_scs_section_size  }
0x9a: {  	s5 =	simm.s32 $_size__tile_overlayer_lowered;
	s6 =	simm.s32 $_tile_overlayer_lowered  }
0x9b: {  	s22 =	simm.s32 $0x1BFF;
	s21 =	sshll.u32 s6, $0x1;
	s3 =	sadd.s32 s4, s19  }
0x9c: {  	s7 =	simm.s32 $0x0;
	s20 =	sshll.u32 s5, $0x1;
	s5 =	sadd.s32 s21, s3  }
0x9d: {  	[timem:s7], [sflag:s22] =	dma.local [hbm:s5], s20  }
0x9e: {  	_ =	swait.ge [sflag:s22], s20  }
0x9f: {  	s4 =	ssub.s32 $0x0, s20;
	[sflag:s22] =	ssyncset.done $0x0  }
0xa0: {  	[sflag:s22] =	ssyncadd.s32 s4;
	_ =	sdelay $0x1  }
0xa1: {  	s23 =	simm.s32 $0x1B8B  }
0xa2: {  	_ =	swait.ge [sflag:s23], $0x1  }
0xa3: {  	[sflag:s23] =	ssyncset.done $0x0  }
0xa4: {  	s25 =	simm.s32 $0x1B8E;
	s24 =	sld [smem:$0x3FFE];
	[sflag:s23] =	ssyncadd.s32 $0xFFFFFFFF  }
0xa5: {  	s26 =	simm.s32 $execute0_lowered;
	[smem:$0x3FD2] =	sst s25  }
0xa6: {  	s5 =	sshll.u32 s26, $0x1;
	_ =	strace $0x80000046;
	[dreg:$0x1] =	wrdreg $0xFFFFFFFF  }
0xa7: {  	s28 =	simm.s32 $_size_execute0_lowered;
	s3 =	sadd.s32 s3, s5;
	[dreg:$0x0] =	wrdreg $0x0  }
0xa8: {  	s5 =	sshll.u32 s28, $0x1;
	[dreg:$0x2] =	wrdreg s3  }
0xa9: {  	[dreg:$0x3] =	wrdreg s5  }
0xaa: {  	[dreg:$0x4] =	wrdreg $0xC0  }
0xab: {  	_ =	task [dreg:s7], $0x5FFFF  }
0xac: {  	[dreg:$0x1] =	wrdreg $0xFFFFFFFF  }
0xad: {  	[dreg:$0x0] =	wrdreg $0x60  }
0xae: {  	[dreg:$0x2] =	wrdreg s24  }
0xaf: {  	[dreg:$0x3] =	wrdreg s2  }
0xb0: {  	[dreg:$0x4] =	wrdreg $0x68000  }
0xb1: {  	[dreg:$0x5] =	wrdreg $0x9  }
0xb2: {  	_ =	task.clear_ibuf [dreg:s7], $0x6FFFF;
	_ =	strace $0x90000046  }
0xb3: {  	s29 =	simm.s32 $0x9;
	_ =	strace $0x80000048  }
0xb4: {  	_ =	swait.ge [sflag:s29], $0x1  }
0xb5: {  	[sflag:s29] =	ssyncadd.s32 $0xFFFFFFFF  }
0xb6: {  	_ =	strace $0x90000048  }
0xb7: {  	_ =	sfence  }
0xb8: {  	s30 =	sld [smem:$0x0];
	_ =	sdelay $0x2  }
0xb9: {  	s31 =	sshll.u32 s1, $0xD;
	s1 =	sshrl.u32 s1, $0x2  }
0xba: {  	s3 =	sand.u32 $0x4000, s31;
	s1 =	sadd.s32 s1, s30  }
0xbb: {  	s0 =	sor.u32 s3, s0;
	s1 =	sshll.u32 s1, $0x11  }
0xbc: {  	s0 =	sor.u32 s1, s0  }
0xbd: {  	s0 =	sadd.s32 $0x8F2B, s0  }
0xbe: {  	[sflag:s0] =	ssyncadd.remote.s32 $0x1  }
0xbf: {  	_ =	sfence.sel $0xFFFF  }
0xc0: {  	[dreg:$0x0] =	wrdreg $0xFFFFFFFF;
	(pc) =	sbr.abs _section_cstart, $3  }
0xc1: {  	[dreg:$0x1] =	wrdreg $0xFFFFFFFF  }
0xc2: {  	_ =	task.clear_ibuf [dreg:s7], $0x2FFFF;
	_ =	strace $0x9FFFFFFF  }
0xc3: {  	(tm) =	ssettm $0x7FFFFFFF  }
tec
execute0_lowered:
.L_overlay_start_1:
0x0: {  	(tag) =	ssettag $0x1  }
0x1: {  	s6 =	rddreg [dreg:$0x0]  }
0x2: {  	s0 =	srdreg.scid;
	s2 =	rddreg [dreg:$0x1]  }
0x3: {  	s3 =	rddreg [dreg:$0x2];
	s1 =	stileid.u32  }
0x4: {  	s4 =	simm.s32 $0x0;
	s5 =	sand.u32 $0x1, s0;
	s0 =	rddreg [dreg:$0x3]  }
0x5: {  	s12 =	simm.s32 $0x80;
	[smem:$0x7FF] =	sst s4;
	s10 =	smul.u32 $0x50000, s1  }
0x6: {  	s14 =	smul.u32 $0x2800, s1;
	s31 =	sshll.u32 s1, $0x6;
	s7 =	sshll.u32 s5, $0x4  }
0x7: {  	_ =	strace $0x80000047;
	s8 =	smul.u32 $0x28000, s5;
	s9 =	ssub.s32 $0x2, s5  }
0x8: {  	s5 =	sadd.s32 $0xF000, s6;
	s7 =	sor.u32 s1, s7;
	s29 =	sshrl.u32 s9, $0x1  }
0x9: {  	s30 =	sshrl.u32 s10, $0x2;
	s10 =	sor.u32 $0x1C01, s31;
	s7 =	smul.u32 $0x500, s7  }
0xa: {  	s8 =	sadd.s32 s8, s6;
	s9 =	ssub.s32 s9, s29;
	s11 =	sadd.s32 s30, s3  }
0xb: {  	s13 =	sadd.s32 $0x11800, s8;
	s8 =	simm.s32 $0x1;
	s11 =	sshrl.u32 s11, $0x3  }
0xc: {  	s7 =	sadd.s32 s7, s6;
	s13 =	sadd.s32 s14, s13;
	s14 =	simm.s32 $0x0  }
0xd: {  	s6 =	sadd.s32 $0x5000, s7;
	s7 =	smax.u32 s9, $0x1;
	s9 =	simm.s32 $0x2800  }
.LBB2_1:
0xe: {  	[tilespmem:s4], [sflag:$0x1] =	stream.linear.gather [hbm4b:s6+s4], $0x2800, $0x38;
	[tilespmem:$0x1A800] =	vst v63  }
0xf: {  	_ =	swait.ge [sflag:s8], $0x2800  }
0x10: {  	[sflag:s8] =	ssyncset.done $0x0  }
0x11: {  	[sflag:s8] =	ssyncadd.s32 $0xFFFFD800  }
0x12: {  	[tilespmem:s9], [sflag:$0x1] =	stream.linear.gather [hbm4b:s2+s4], $0x4000, $0x38;
	[tilespmem:$0x1A800] =	vst v63  }
0x13: {  	_ =	swait.ge [sflag:s8], $0x4000  }
0x14: {  	[sflag:s8] =	ssyncset.done $0x0  }
0x15: {  	[sflag:s8] =	ssyncadd.s32 $0xFFFFC000  }
0x16: {  	[spmem:s11], [sflag:s10] =	dma.local [hbm:s5], $0x2800  }
0x17: {  	_ =	swait.ge [sflag:s8], $0x2800  }
0x18: {  	[sflag:s8] =	ssyncset.done $0x0  }
0x19: {  	[sflag:s8] =	ssyncadd.s32 $0xFFFFD800  }
0x1a: {  	s15 =	simm.s32 $0x0;
	[bflag:$0x0] =	sbarrier.arrive $0xFFFF  }
0x1b: {  	[spmem:s3] =	stream.indirect.scatter.add.f32 [tilespmem:s9], [sflag:$0x1], $0x80, s15, s12, $0xb8;
	[tilespmem:$0x1A800] =	vst v63  }
0x1c: {  	_ =	swait.ge [sflag:s8], $0x4000  }
0x1d: {  	s15 =	simm.s32 $0x200;
	[sflag:s8] =	ssyncset.done $0x0  }
.LBB2_2:
0x1e: {  	s16 =	sshra.s32 s15, $0x2;
	[sflag:s8] =	ssyncadd.s32 $0xFFFFC000;
	p0 =	sne.s32 s15, $0x9E00  }
0x1f: {  	[spmem:s3] =	stream.indirect.scatter.add.f32 [tilespmem:s9], [sflag:$0x1], $0x80, s16, s12, $0xb8;
	[tilespmem:$0x1A800] =	vst v63  }
.Ltmp0:
0x20: {  	_ = 	snop;
	(pc) =	sbr.rel @p0 .LBB2_2-.Ltmp0, $4  }
0x21: {  	_ = 	snop  }
0x22: {  	s15 =	sadd.s32 $0x200, s15  }
0x23: {  	_ =	swait.ge [sflag:s8], $0x4000  }
0x24: {  	[sflag:s8] =	ssyncset.done $0x0  }
0x25: {  	s14 =	sadd.s32 $0x1, s14  }
0x26: {  	[sflag:s8] =	ssyncadd.s32 $0xFFFFC000;
	p0 =	sne.s32 s14, s7  }
.Ltmp1:
0x27: {  	[bflag:$0x0] =	sbarrier.arrive $0xFFFF;
	(pc) =	sbr.rel @p0 .LBB2_1-.Ltmp1, $4  }
0x28: {  	[hbm:s13], [sflag:s10] =	dma.local [spmem:s11], $0x2800  }
0x29: {  	_ =	swait.ge [sflag:s8], $0x2800  }
0x2a: {  	[sflag:s8] =	ssyncset.done $0x0  }
0x2b: {  	[sflag:s8] =	ssyncadd.s32 $0xFFFFD800  }
0x2c: {  	_ =	sfence.sel $0x180000  }
0x2d: {  	[bflag:$0x0] =	sbarrier.arrive $0xFFFF  }
0x2e: {  	p0 =	sne.s32 s1, $0x0;
	_ =	strace $0x90000047  }
0x2f: {  	s0 =	sadd.s32 @!p0 $0x100000, s0;
	[bflag:$0x2] =	sbarrier.arrive $0xFFFF  }
0x30: {  	[sflag:s0] =	ssyncadd.tile.s32 @!p0 $0x1;
	_ =	shalt  }
.Lfunc_end2:
_tile_overlayer_lowered:
.L_overlay_start_2:
0x31: {  	(tag) =	ssettag $0x2  }
0x32: {  	s0 =	rddreg [dreg:$0x0];
	s2 =	stileid.u32  }
0x33: {  	s1 =	rddreg [dreg:$0x1];
	p0 =	sne.s32 s2, $0x0  }
0x34: {  	s3 =	rddreg [dreg:$0x2];
	[bflag:$0x3] =	sbarrier.arrive $0xFFFF;
	s2 =	simm.s32 @!p0 $0x1C01  }
0x35: {  	[timem:s3], [sflag:s2] =	dma.local @!p0 [hbm:s0], s1  }
0x36: {  	s0 =	simm.s32 @!p0 $0x1  }
0x37: {  	_ =	swait.ge @!p0 [sflag:s0], s1  }
0x38: {  	s1 =	ssub.s32 @!p0 $0x0, s1;
	[sflag:s0] =	ssyncset.done @!p0 $0x0  }
0x39: {  	[sflag:s0] =	ssyncadd.s32 @!p0 s1  }
0x3a: {  	[bflag:$0x3] =	sbarrier.arrive $0xFFFF  }
0x3b: {  	_ =	shalt  }

// kernel: kernel.19.cloned.1.call-start
scs
__scs_entry_jumppad:
0x0: {  	(pc) =	sbr.rel $0x88, $3  }
0x1: {  	(tag) =	ssettag $0x0;
	lr =	simm.s32 $0x1  }
0x2: {  	[smem:$0x3F8B] =	sst lr;
	_ =	strace $0xD0000000  }
0x3: {  	_ = 	snop  }
0x4: {  	_ = 	snop  }
0x5: {  	_ = 	snop  }
0x6: {  	_ = 	snop  }
0x7: {  	_ = 	snop  }
__scs_overlays_trampoline_lowered:
0x8: {  	[smem:$0x3F9A] =	sst s0  }
0x9: {  	[smem:$0x3F9B] =	sst s1  }
0xa: {  	[smem:$0x3F9C] =	sst s2  }
0xb: {  	[smem:$0x3F9D] =	sst s3  }
0xc: {  	[smem:$0x3F9E] =	sst s4  }
0xd: {  	[smem:$0x3F9F] =	sst s5  }
0xe: {  	[smem:$0x3FA0] =	sst s6  }
0xf: {  	[smem:$0x3FA1] =	sst s7  }
0x10: {  	[smem:$0x3FA2] =	sst s8  }
0x11: {  	[smem:$0x3FA3] =	sst s9;
	s0 =	simm.s32 @!p0 $0x0  }
0x12: {  	s1 =	sld [smem:$0x3F89];
	s0 =	simm.s32 @p0 $0x1  }
0x13: {  	[smem:$0x3FA4] =	sst s0;
	s0 =	simm.s32 @!p1 $0x0  }
0x14: {  	s2 =	sld [smem:$0x3F88];
	s0 =	simm.s32 @p1 $0x1  }
0x15: {  	[smem:$0x3FA5] =	sst s0;
	s0 =	simm.s32 @!p2 $0x0  }
0x16: {  	s3 =	sld [smem:$0x3FDB];
	s0 =	simm.s32 @p2 $0x1  }
0x17: {  	s4 =	simm.s32 $0x1BF5;
	[smem:$0x3FA7] =	sst s0  }
0x18: {  	s0 =	sld [smem:$0x3F8A];
	_ =	swait.ge [sflag:s4], $0x0  }
0x19: {  	s7 =	sld [smem:$0x3F8B]  }
0x1a: {  	s8 =	sadd.s32 $0xFFFFE003, lr  }
0x1b: {  	s9 =	sadd.s32 $0xFFFFFEF7, lr;
	s5 =	simm.s32 $0xFFFFFFFF;
	p2 =	slt.u32 s8, $0xFFFFF086  }
0x1c: {  	p1 =	slt.u32 s9, $0xF7A;
	s5 =	simm.s32 @!p2 $0x0  }
0x1d: {  	s5 =	simm.s32 @p1 $0x1;
	p0 =	seq.s32 s7, s2  }
0x1e: {  	s7 =	smul.u32 @!p0 $0xF7A, s2;
	p2 =	seq.s32 @!p0 s5, $0x0  }
0x1f: {  	s9 =	smul.u32 $0xF7A, s1;
	s8 =	simm.s32 @!p0 $0x1BF5;
	p2 =	por !p2, p0  }
0x20: {  	[sflag:s8] =	ssyncset.s32 @!p0 $0xFFFFF086;
	s6 =	sadd.s32 @!p0 s3, s7;
	s7 =	simm.s32 @!p0 $0x108  }
0x21: {  	s3 =	sadd.s32 s3, s9;
	s6 =	sadd.s32 @!p0 $0x88, s6;
	s7 =	simm.s32 @p2 $0x1082  }
0x22: {  	[simem:s7], [sflag:s8] =	dma.local @!p0 [hbm:s6], $0xF7A  }
0x23: {  	s9 =	sor.u32 $0xD0000000, s2;
	s6 =	simm.s32 $0x108;
	_ =	swait.ge @!p0 [sflag:s8], $0x0  }
0x24: {  	s3 =	sadd.s32 $0x88, s3;
	s6 =	simm.s32 @!p1 $0x1082;
	[sflag:s4] =	ssyncset.s32 $0xFFFFF086  }
0x25: {  	[simem:s6], [sflag:s4] =	dma.local [hbm:s3], $0xF7A  }
0x26: {  	[smem:$0x3F8B] =	sst s1;
	(tag) =	ssettag s2;
	_ =	strace s9  }
0x27: {  	s1 =	sld [smem:$0x3F9B]  }
0x28: {  	s2 =	sld [smem:$0x3F9C]  }
0x29: {  	s4 =	sld [smem:$0x3F9E]  }
0x2a: {  	p0 =	seq.s32 s5, $0x0;
	s5 =	sld [smem:$0x3F9F]  }
0x2b: {  	s6 =	sld [smem:$0x3FA0]  }
0x2c: {  	s7 =	sld [smem:$0x3FA1]  }
0x2d: {  	s3 =	simm.s32 $0x108;
	s8 =	sld [smem:$0x3FA2]  }
0x2e: {  	s3 =	simm.s32 @!p0 $0x1082;
	s9 =	sld [smem:$0x3FA3]  }
0x2f: {  	lr =	sadd.s32 s0, s3;
	s0 =	sld [smem:$0x3F9A]  }
0x30: {  	s3 =	sld [smem:$0x3F9D]  }
0x31: {  	[smem:$0x3FA6] =	sst s10  }
0x32: {  	s10 =	sld [smem:$0x3FA4];
	_ =	sdelay $0x3  }
0x33: {  	p0 =	seq.s32 s10, $0x1;
	s10 =	sld [smem:$0x3FA6];
	_ =	sdelay $0x3  }
0x34: {  	[smem:$0x3FA6] =	sst s10  }
0x35: {  	s10 =	sld [smem:$0x3FA5];
	_ =	sdelay $0x3  }
0x36: {  	p1 =	seq.s32 s10, $0x1;
	s10 =	sld [smem:$0x3FA6];
	_ =	sdelay $0x3  }
0x37: {  	[smem:$0x3FA6] =	sst s10  }
0x38: {  	s10 =	sld [smem:$0x3FA7]  }
0x39: {  	_ = 	snop;
	(pc) =	sbr.ind lr, $3  }
0x3a: {  	_ = 	snop  }
0x3b: {  	_ = 	snop  }
0x3c: {  	p2 =	seq.s32 s10, $0x1;
	s10 =	sld [smem:$0x3FA6]  }
0x3d: {  	_ =	shalt  }
0x3e: {  	_ =	shalt  }
0x3f: {  	_ =	shalt  }
0x40: {  	_ =	shalt  }
0x41: {  	_ =	shalt  }
0x42: {  	_ =	shalt  }
0x43: {  	_ =	shalt  }
0x44: {  	_ =	shalt  }
0x45: {  	_ =	shalt  }
0x46: {  	_ =	shalt  }
0x47: {  	_ =	shalt  }
0x48: {  	_ =	shalt  }
0x49: {  	_ =	shalt  }
0x4a: {  	_ =	shalt  }
0x4b: {  	_ =	shalt  }
0x4c: {  	_ =	shalt  }
0x4d: {  	_ =	shalt  }
0x4e: {  	_ =	shalt  }
0x4f: {  	_ =	shalt  }
0x50: {  	_ =	shalt  }
0x51: {  	_ =	shalt  }
0x52: {  	_ =	shalt  }
0x53: {  	_ =	shalt  }
0x54: {  	_ =	shalt  }
0x55: {  	_ =	shalt  }
0x56: {  	_ =	shalt  }
0x57: {  	_ =	shalt  }
0x58: {  	_ =	shalt  }
0x59: {  	_ =	shalt  }
0x5a: {  	_ =	shalt  }
0x5b: {  	_ =	shalt  }
0x5c: {  	_ =	shalt  }
0x5d: {  	_ =	shalt  }
0x5e: {  	_ =	shalt  }
0x5f: {  	_ =	shalt  }
0x60: {  	_ =	shalt  }
0x61: {  	_ =	shalt  }
0x62: {  	_ =	shalt  }
0x63: {  	_ =	shalt  }
0x64: {  	_ =	shalt  }
0x65: {  	_ =	shalt  }
0x66: {  	_ =	shalt  }
0x67: {  	_ =	shalt  }
0x68: {  	_ =	shalt  }
0x69: {  	_ =	shalt  }
0x6a: {  	_ =	shalt  }
0x6b: {  	_ =	shalt  }
0x6c: {  	_ =	shalt  }
0x6d: {  	_ =	shalt  }
0x6e: {  	_ =	shalt  }
0x6f: {  	_ =	shalt  }
0x70: {  	_ =	shalt  }
0x71: {  	_ =	shalt  }
0x72: {  	_ =	shalt  }
0x73: {  	_ =	shalt  }
0x74: {  	_ =	shalt  }
0x75: {  	_ =	shalt  }
0x76: {  	_ =	shalt  }
0x77: {  	_ =	shalt  }
0x78: {  	_ =	shalt  }
0x79: {  	_ =	shalt  }
0x7a: {  	_ =	shalt  }
0x7b: {  	_ =	shalt  }
0x7c: {  	_ =	shalt  }
0x7d: {  	_ =	shalt  }
0x7e: {  	_ =	shalt  }
0x7f: {  	_ =	shalt  }
0x80: {  	_ =	shalt  }
0x81: {  	_ =	shalt  }
0x82: {  	_ =	shalt  }
0x83: {  	_ =	shalt  }
0x84: {  	_ =	shalt  }
0x85: {  	_ =	shalt  }
0x86: {  	_ =	shalt  }
0x87: {  	_ =	shalt  }
.Lfunc_end0:
.L_simem_size_0:
called_computation.1_lowered:
.L_overlay_start_0:
0x88: {  	s2 =	sld [smem:$0x3FD9]  }
0x89: {  	s3 =	sld [smem:$0x3FFE];
	_ =	sdelay $0x1  }
0x8a: {  	s1 =	srdreg.scid  }
0x8b: {  	s0 =	sand.u32 $0x1, s1  }
0x8c: {  	s17 =	sshll.u32 s0, $0xA;
	s2 =	sadd.s32 s3, s2  }
0x8d: {  	s2 =	sadd.s32 s2, s17  }
0x8e: {  	[smem:$0x3FB2] =	sst s2  }
0x8f: {  	_ = 	snop  }
0x90: {  	(tm) =	ssettm $0x1  }
0x91: {  	s18 =	sld [smem:$0x3FFB];
	_ =	sdelay $0x3  }
0x92: {  	_ =	strace s18  }
0x93: {  	s2 =	sld [smem:$0x3FFC];
	_ =	sdelay $0x3  }
0x94: {  	_ =	strace s2  }
0x95: {  	s2 =	sld [smem:$0x3FFD];
	_ =	sdelay $0x3  }
0x96: {  	_ =	strace s2  }
0x97: {  	_ =	strace $0x8FFFFFFF  }
0x98: {  	s19 =	sld [smem:$0x3FDB];
	_ =	sdelay $0x1  }
0x99: {  	s20 =	simm.s32 $_scs_section_size  }
0x9a: {  	s4 =	simm.s32 $_size__tile_overlayer_lowered;
	s5 =	simm.s32 $_tile_overlayer_lowered  }
0x9b: {  	s6 =	simm.s32 $0x1BFF;
	s21 =	sshll.u32 s5, $0x1;
	s3 =	sadd.s32 s20, s19  }
0x9c: {  	s22 =	simm.s32 $0x0;
	s4 =	sshll.u32 s4, $0x1;
	s5 =	sadd.s32 s21, s3  }
0x9d: {  	[timem:s22], [sflag:s6] =	dma.local [hbm:s5], s4  }
0x9e: {  	_ =	swait.ge [sflag:s6], s4  }
0x9f: {  	s4 =	ssub.s32 $0x0, s4;
	[sflag:s6] =	ssyncset.done $0x0  }
0xa0: {  	[sflag:s6] =	ssyncadd.s32 s4;
	_ =	sdelay $0x1  }
0xa1: {  	s23 =	simm.s32 $0x1B8B  }
0xa2: {  	_ =	swait.ge [sflag:s23], $0x1  }
0xa3: {  	[sflag:s23] =	ssyncset.done $0x0  }
0xa4: {  	[sflag:s23] =	ssyncadd.s32 $0xFFFFFFFF  }
0xa5: {  	s4 =	sld [smem:$0x0]  }
0xa6: {  	s5 =	sand.u32 $0xFFFFFFFE, s1  }
0xa7: {  	p0 =	sne.s32 s1, s5  }
0xa8: {  	s5 =	sshll.u32 @p0 s5, $0xE  }
0xa9: {  	s5 =	sadd.s32 @p0 $0x11B8D, s5;
	s6 =	sshll.u32 @p0 s4, $0x11  }
0xaa: {  	s5 =	sor.u32 @p0 s6, s5  }
0xab: {  	[sflag:s5] =	ssyncadd.remote.s32 @p0 $0x1;
	_ =	sdelay $0x1  }
0xac: {  	s5 =	simm.s32 @p0 $0x1B8D  }
0xad: {  	_ =	swait.eq @p0 [sflag:s5], $0x1  }
0xae: {  	[sflag:s5] =	ssyncadd.s32 @p0 $0xFFFFFFFF  }
0xaf: {  	s6 =	sshll.u32 @!p0 s1, $0xE  }
0xb0: {  	s6 =	sor.u32 @!p0 $0x4000, s6;
	s5 =	simm.s32 @!p0 $0x1B8D  }
0xb1: {  	s4 =	sshll.u32 @!p0 s4, $0x11;
	s6 =	sadd.s32 @!p0 $0x11B8D, s6;
	_ =	swait.eq @!p0 [sflag:s5], $0x1  }
0xb2: {  	s4 =	sor.u32 @!p0 s4, s6;
	[sflag:s5] =	ssyncadd.s32 @!p0 $0xFFFFFFFF  }
0xb3: {  	s25 =	simm.s32 $0x1B8E;
	s24 =	sld [smem:$0x3FFE];
	[sflag:s4] =	ssyncadd.remote.s32 @!p0 $0x1  }
0xb4: {  	s26 =	simm.s32 $execute0_lowered;
	[smem:$0x3FD2] =	sst s25  }
0xb5: {  	s5 =	sshll.u32 s26, $0x1;
	_ =	strace $0x80000049;
	[dreg:$0x1] =	wrdreg $0xFFFFFFFF  }
0xb6: {  	s28 =	simm.s32 $_size_execute0_lowered;
	s3 =	sadd.s32 s3, s5;
	[dreg:$0x0] =	wrdreg $0x0  }
0xb7: {  	s5 =	sshll.u32 s28, $0x1;
	[dreg:$0x2] =	wrdreg s3  }
0xb8: {  	[dreg:$0x3] =	wrdreg s5  }
0xb9: {  	[dreg:$0x4] =	wrdreg $0xC0  }
0xba: {  	_ =	task [dreg:s22], $0x5FFFF  }
0xbb: {  	[dreg:$0x1] =	wrdreg $0xFFFFFFFF  }
0xbc: {  	[dreg:$0x0] =	wrdreg $0x60  }
0xbd: {  	[dreg:$0x2] =	wrdreg s24  }
0xbe: {  	[dreg:$0x3] =	wrdreg $0xA0000  }
0xbf: {  	[dreg:$0x4] =	wrdreg $0xA  }
0xc0: {  	_ =	task.clear_ibuf [dreg:s22], $0x5FFFF;
	_ =	strace $0x90000049  }
0xc1: {  	s29 =	simm.s32 $0xA;
	_ =	strace $0x8000004B  }
0xc2: {  	_ =	swait.ge [sflag:s29], $0x1  }
0xc3: {  	[sflag:s29] =	ssyncadd.s32 $0xFFFFFFFF  }
0xc4: {  	_ =	strace $0x9000004B  }
0xc5: {  	_ =	sfence  }
0xc6: {  	s30 =	sld [smem:$0x0];
	_ =	sdelay $0x2  }
0xc7: {  	s31 =	sshll.u32 s1, $0xD;
	s1 =	sshrl.u32 s1, $0x2  }
0xc8: {  	s4 =	sand.u32 $0x4000, s31;
	s1 =	sadd.s32 s1, s30  }
0xc9: {  	s0 =	sor.u32 s4, s0;
	s1 =	sshll.u32 s1, $0x11  }
0xca: {  	s0 =	sor.u32 s1, s0  }
0xcb: {  	s0 =	sadd.s32 $0x8F2B, s0  }
0xcc: {  	[sflag:s0] =	ssyncadd.remote.s32 $0x1  }
0xcd: {  	_ =	sfence.sel $0xFFFF  }
0xce: {  	[dreg:$0x0] =	wrdreg $0xFFFFFFFF;
	(pc) =	sbr.abs _section_cstart, $3  }
0xcf: {  	[dreg:$0x1] =	wrdreg $0xFFFFFFFF  }
0xd0: {  	_ =	task.clear_ibuf [dreg:s22], $0x2FFFF;
	_ =	strace $0x9FFFFFFF  }
0xd1: {  	(tm) =	ssettm $0x7FFFFFFF  }
tec
execute0_lowered:
.L_overlay_start_1:
0x0: {  	(tag) =	ssettag $0x1  }
0x1: {  	s6 =	rddreg [dreg:$0x0]  }
0x2: {  	s2 =	rddreg [dreg:$0x1]  }
0x3: {  	s0 =	rddreg [dreg:$0x2];
	s3 =	simm.s32 $0x0;
	s1 =	stileid.u32  }
0x4: {  	s4 =	srdreg.scid;
	s16 =	simm.s32 $0x6000;
	s17 =	simm.s32 $0x1  }
0x5: {  	[smem:$0x7FF] =	sst s3;
	s5 =	smul.u32 $0x600, s1;
	s7 =	sand.u32 $0x1, s4  }
0x6: {  	s4 =	sadd.s32 $0x75800, s6;
	s8 =	sshll.u32 s1, $0xA;
	s29 =	smul.u32 $0x50000, s1  }
0x7: {  	s13 =	sshll.u32 s1, $0x6;
	s19 =	smul.u32 $0x2800, s1;
	_ =	strace $0x8000004A  }
0x8: {  	s9 =	smul.u32 $0x28000, s7;
	s11 =	sadd.s32 s8, s6;
	s30 =	ssub.s32 $0x2, s7  }
0x9: {  	p0 =	seq.s32 s7, $0x1;
	s10 =	sadd.s32 s5, s6;
	s5 =	sadd.s32 $0xF000, s6  }
0xa: {  	s31 =	sshrl.u32 s30, $0x1;
	s8 =	sshrl.u32 s29, $0x2;
	s12 =	sadd.s32 s9, s6  }
.Ltmp0:
0xb: {  	s14 =	ssub.s32 s30, s31;
	s15 =	sadd.s32 s8, s2;
	(pc) =	sbr.rel .LBB2_1-.Ltmp0, $4  }
0xc: {  	s6 =	sor.u32 $0x1C02, s13;
	s7 =	sadd.s32 $0x69800, s10;
	s8 =	sadd.s32 $0x6F800, s10  }
0xd: {  	s9 =	sadd.s32 $0x61800, s11;
	s10 =	sadd.s32 $0x65800, s11;
	s13 =	simm.s32 $0x2  }
0xe: {  	s18 =	sadd.s32 $0x9D800, s12;
	s11 =	smax.u32 s14, $0x1;
	s12 =	sshrl.u32 s15, $0x3  }
0xf: {  	s14 =	simm.s32 $0x3000;
	s15 =	simm.s32 $0x80;
	s18 =	sadd.s32 s19, s18  }
.LBB2_7:
0x10: {  	s19 =	sshra.s32 s19, $0x2;
	[sflag:s13] =	ssyncadd.s32 $0xFFFFC000  }
0x11: {  	[tilespmem:s16], [sflag:$0x1] =	stream.indirect.gather [hbm4b:s4+s15], $0x80, s19, s15, $0xb8;
	[tilespmem:$0x1E000] =	vst v63  }
0x12: {  	_ =	swait.ge [sflag:s17], $0x4000  }
0x13: {  	[sflag:s17] =	ssyncset.done $0x0  }
0x14: {  	s19 =	sadd.s32 $0x3000, s19;
	[sflag:s17] =	ssyncadd.s32 $0xFFFFC000  }
0x15: {  	[spmem:s2] =	stream.indirect.scatter.add.f32 [tilespmem:s16], [sflag:$0x2], $0x80, s19, s15, $0xb8;
	[tilespmem:$0x1E000] =	vst v63  }
0x16: {  	_ =	swait.ge [sflag:s13], $0x4000  }
0x17: {  	[sflag:s13] =	ssyncset.done $0x0  }
0x18: {  	[sflag:s13] =	ssyncadd.s32 $0xFFFFC000  }
.LBB2_8:
0x19: {  	s3 =	sadd.s32 $0x1, s3  }
0x1a: {  	p1 =	sne.s32 s3, s11  }
.Ltmp1:
0x1b: {  	[bflag:$0x0] =	sbarrier.arrive $0xFFFF;
	(pc) =	sbr.rel @!p1 .LBB2_9-.Ltmp1, $4  }
0x1c: {  	[hbm:s18], [sflag:s6] =	dma.local [spmem:s12], $0x2800  }
0x1d: {  	_ =	swait.ge [sflag:s13], $0x2800  }
0x1e: {  	[sflag:s13] =	ssyncset.done $0x0  }
0x1f: {  	[sflag:s13] =	ssyncadd.s32 $0xFFFFD800  }
.LBB2_1:
.Ltmp2:
0x20: {  	(pc) =	sbr.rel @!p0 .LBB2_2-.Ltmp2, $4  }
0x21: {  	[spmem:s12], [sflag:s6] =	dma.local [hbm:s5], $0x2800  }
0x22: {  	_ =	swait.ge [sflag:s13], $0x2800  }
0x23: {  	[sflag:s13] =	ssyncset.done $0x0  }
0x24: {  	s19 =	simm.s32 $0x0;
	[sflag:s13] =	ssyncadd.s32 $0xFFFFD800  }
0x25: {  	[tilespmem:s19], [sflag:$0x2] =	stream.linear.gather [hbm4b:s9+s19], $0x1F00, $0x38;
	[tilespmem:$0x1E000] =	vst v63  }
0x26: {  	_ =	swait.ge [sflag:s13], $0x1F00  }
0x27: {  	[sflag:s13] =	ssyncset.done $0x0  }
0x28: {  	[sflag:s13] =	ssyncadd.s32 $0xFFFFE100  }
0x29: {  	[tilespmem:s14], [sflag:$0x2] =	stream.linear.gather [hbm4b:s10+s19], $0x1F00, $0x38;
	[tilespmem:$0x1E000] =	vst v63  }
0x2a: {  	_ =	swait.ge [sflag:s13], $0x1F00  }
0x2b: {  	[sflag:s13] =	ssyncset.done $0x0  }
0x2c: {  	[sflag:s13] =	ssyncadd.s32 $0xFFFFE100  }
0x2d: {  	s30 =	simm.s32 $0x0;
	[bflag:$0x0] =	sbarrier.arrive $0xFFFF  }
0x2e: {  	[tilespmem:s16], [sflag:$0x1] =	stream.indirect.gather [hbm4b:s4+s15], $0x80, s30, s15, $0xb8;
	[tilespmem:$0x1E000] =	vst v63  }
0x2f: {  	_ =	swait.ge [sflag:s17], $0x4000  }
0x30: {  	[sflag:s17] =	ssyncset.done $0x0  }
0x31: {  	s31 =	simm.s32 $0x3000;
	[sflag:s17] =	ssyncadd.s32 $0xFFFFC000  }
0x32: {  	[spmem:s2] =	stream.indirect.scatter.add.f32 [tilespmem:s16], [sflag:$0x2], $0x80, s31, s15, $0xb8;
	[tilespmem:$0x1E000] =	vst v63  }
0x33: {  	_ =	swait.ge [sflag:s13], $0x4000  }
0x34: {  	s20 =	simm.s32 $0x400;
	s19 =	simm.s32 $0x200;
	[sflag:s13] =	ssyncset.done $0x0  }
.LBB2_6:
0x35: {  	s21 =	sshra.s32 s19, $0x2  }
0x36: {  	[sflag:s13] =	ssyncadd.s32 $0xFFFFC000;
	s19 =	smov.u32 s20;
	s22 =	sadd.s32 $0x200, s20  }
0x37: {  	[tilespmem:s16], [sflag:$0x1] =	stream.indirect.gather [hbm4b:s4+s15], $0x80, s21, s15, $0xb8;
	[tilespmem:$0x1E000] =	vst v63  }
0x38: {  	p1 =	sne.s32 s20, $0x7A00;
	_ =	swait.ge [sflag:s17], $0x4000  }
.Ltmp3:
0x39: {  	[sflag:s17] =	ssyncset.done $0x0;
	(pc) =	sbr.rel @p1 .LBB2_6-.Ltmp3, $4  }
0x3a: {  	s20 =	sadd.s32 $0x3000, s21;
	[sflag:s17] =	ssyncadd.s32 $0xFFFFC000  }
0x3b: {  	[spmem:s2] =	stream.indirect.scatter.add.f32 [tilespmem:s16], [sflag:$0x2], $0x80, s20, s15, $0xb8;
	[tilespmem:$0x1E000] =	vst v63  }
0x3c: {  	_ =	swait.ge [sflag:s13], $0x4000  }
0x3d: {  	s20 =	smov.u32 s22;
	[sflag:s13] =	ssyncset.done $0x0  }
.Ltmp4:
0x3e: {  	_ = 	snop;
	(pc) =	sbr.rel .LBB2_7-.Ltmp4, $1  }
0x3f: {  	_ =	sdelay $0x3  }
.LBB2_2:
0x40: {  	[tilespmem:s19], [sflag:$0x2] =	stream.linear.gather [hbm4b:s7+s19], $0x2F80, $0x38;
	[tilespmem:$0x1E000] =	vst v63  }
0x41: {  	_ =	swait.ge [sflag:s13], $0x2F80  }
0x42: {  	[sflag:s13] =	ssyncset.done $0x0  }
0x43: {  	[sflag:s13] =	ssyncadd.s32 $0xFFFFD080  }
0x44: {  	[tilespmem:s14], [sflag:$0x2] =	stream.linear.gather [hbm4b:s8+s19], $0x2F80, $0x38;
	[tilespmem:$0x1E000] =	vst v63  }
0x45: {  	_ =	swait.ge [sflag:s13], $0x2F80  }
0x46: {  	[sflag:s13] =	ssyncset.done $0x0  }
0x47: {  	[sflag:s13] =	ssyncadd.s32 $0xFFFFD080  }
0x48: {  	s30 =	simm.s32 $0x0;
	[bflag:$0x0] =	sbarrier.arrive $0xFFFF  }
0x49: {  	[tilespmem:s16], [sflag:$0x1] =	stream.indirect.gather [hbm4b:s4+s15], $0x80, s30, s15, $0xb8;
	[tilespmem:$0x1E000] =	vst v63  }
0x4a: {  	_ =	swait.ge [sflag:s17], $0x4000  }
0x4b: {  	[sflag:s17] =	ssyncset.done $0x0  }
0x4c: {  	s31 =	simm.s32 $0x3000;
	[sflag:s17] =	ssyncadd.s32 $0xFFFFC000  }
0x4d: {  	[spmem:s2] =	stream.indirect.scatter.add.f32 [tilespmem:s16], [sflag:$0x2], $0x80, s31, s15, $0xb8;
	[tilespmem:$0x1E000] =	vst v63  }
0x4e: {  	_ =	swait.ge [sflag:s13], $0x4000  }
0x4f: {  	s20 =	simm.s32 $0x400;
	s19 =	simm.s32 $0x200;
	[sflag:s13] =	ssyncset.done $0x0  }
.LBB2_3:
0x50: {  	s21 =	sshra.s32 s19, $0x2  }
0x51: {  	[sflag:s13] =	ssyncadd.s32 $0xFFFFC000;
	s19 =	smov.u32 s20;
	s22 =	sadd.s32 $0x200, s20  }
0x52: {  	[tilespmem:s16], [sflag:$0x1] =	stream.indirect.gather [hbm4b:s4+s15], $0x80, s21, s15, $0xb8;
	[tilespmem:$0x1E000] =	vst v63  }
0x53: {  	p1 =	seq.s32 s20, $0xBC00;
	_ =	swait.ge [sflag:s17], $0x4000  }
.Ltmp5:
0x54: {  	[sflag:s17] =	ssyncset.done $0x0;
	(pc) =	sbr.rel @!p1 .LBB2_3-.Ltmp5, $4  }
0x55: {  	s20 =	sadd.s32 $0x3000, s21;
	[sflag:s17] =	ssyncadd.s32 $0xFFFFC000  }
0x56: {  	[spmem:s2] =	stream.indirect.scatter.add.f32 [tilespmem:s16], [sflag:$0x2], $0x80, s20, s15, $0xb8;
	[tilespmem:$0x1E000] =	vst v63  }
0x57: {  	_ =	swait.ge [sflag:s13], $0x4000  }
0x58: {  	s20 =	smov.u32 s22;
	[sflag:s13] =	ssyncset.done $0x0  }
0x59: {  	s19 =	sshra.s32 s19, $0x2;
	[sflag:s13] =	ssyncadd.s32 $0xFFFFC000  }
0x5a: {  	[tilespmem:s16], [sflag:$0x1] =	stream.indirect.gather [hbm4b:s4+s15], $0x80, s19, s15, $0xb8;
	[tilespmem:$0x1E000] =	vst v63  }
0x5b: {  	_ =	swait.ge [sflag:s17], $0x4000  }
0x5c: {  	[sflag:s17] =	ssyncset.done $0x0  }
.Ltmp6:
0x5d: {  	s19 =	sadd.s32 $0x3000, s19;
	[sflag:s17] =	ssyncadd.s32 $0xFFFFC000;
	(pc) =	sbr.rel .LBB2_8-.Ltmp6, $4  }
0x5e: {  	[spmem:s2] =	stream.indirect.scatter.add.f32 [tilespmem:s16], [sflag:$0x2], $0x80, s19, s15, $0xb8;
	[tilespmem:$0x1E000] =	vst v63  }
0x5f: {  	_ =	swait.ge [sflag:s13], $0x4000  }
0x60: {  	[sflag:s13] =	ssyncset.done $0x0  }
0x61: {  	[sflag:s13] =	ssyncadd.s32 $0xFFFFC000  }
.LBB2_9:
0x62: {  	_ =	sfence.sel $0x180000  }
0x63: {  	[bflag:$0x0] =	sbarrier.arrive $0xFFFF  }
0x64: {  	p0 =	sne.s32 s1, $0x0;
	_ =	strace $0x9000004A  }
0x65: {  	s0 =	sadd.s32 @!p0 $0x100000, s0;
	[bflag:$0x2] =	sbarrier.arrive $0xFFFF  }
0x66: {  	[sflag:s0] =	ssyncadd.tile.s32 @!p0 $0x1;
	_ =	shalt  }
.Lfunc_end2:
_tile_overlayer_lowered:
.L_overlay_start_2:
0x67: {  	(tag) =	ssettag $0x2  }
0x68: {  	s0 =	rddreg [dreg:$0x0];
	s2 =	stileid.u32  }
0x69: {  	s1 =	rddreg [dreg:$0x1];
	p0 =	sne.s32 s2, $0x0  }
0x6a: {  	s3 =	rddreg [dreg:$0x2];
	[bflag:$0x3] =	sbarrier.arrive $0xFFFF;
	s2 =	simm.s32 @!p0 $0x1C02  }
0x6b: {  	[timem:s3], [sflag:s2] =	dma.local @!p0 [hbm:s0], s1  }
0x6c: {  	s0 =	simm.s32 @!p0 $0x2  }
0x6d: {  	_ =	swait.ge @!p0 [sflag:s0], s1  }
0x6e: {  	s1 =	ssub.s32 @!p0 $0x0, s1;
	[sflag:s0] =	ssyncset.done @!p0 $0x0  }
0x6f: {  	[sflag:s0] =	ssyncadd.s32 @!p0 s1  }
0x70: {  	[bflag:$0x3] =	sbarrier.arrive $0xFFFF  }
0x71: {  	_ =	shalt  }

// kernel: kernel.22.cloned.1.call-start
scs
__scs_entry_jumppad:
0x0: {  	(pc) =	sbr.rel $0x88, $3  }
0x1: {  	(tag) =	ssettag $0x0;
	lr =	simm.s32 $0x1  }
0x2: {  	[smem:$0x3F8B] =	sst lr;
	_ =	strace $0xD0000000  }
0x3: {  	_ = 	snop  }
0x4: {  	_ = 	snop  }
0x5: {  	_ = 	snop  }
0x6: {  	_ = 	snop  }
0x7: {  	_ = 	snop  }
__scs_overlays_trampoline_lowered:
0x8: {  	[smem:$0x3F9A] =	sst s0  }
0x9: {  	[smem:$0x3F9B] =	sst s1  }
0xa: {  	[smem:$0x3F9C] =	sst s2  }
0xb: {  	[smem:$0x3F9D] =	sst s3  }
0xc: {  	[smem:$0x3F9E] =	sst s4  }
0xd: {  	[smem:$0x3F9F] =	sst s5  }
0xe: {  	[smem:$0x3FA0] =	sst s6  }
0xf: {  	[smem:$0x3FA1] =	sst s7  }
0x10: {  	[smem:$0x3FA2] =	sst s8  }
0x11: {  	[smem:$0x3FA3] =	sst s9;
	s0 =	simm.s32 @!p0 $0x0  }
0x12: {  	s1 =	sld [smem:$0x3F89];
	s0 =	simm.s32 @p0 $0x1  }
0x13: {  	[smem:$0x3FA4] =	sst s0;
	s0 =	simm.s32 @!p1 $0x0  }
0x14: {  	s2 =	sld [smem:$0x3F88];
	s0 =	simm.s32 @p1 $0x1  }
0x15: {  	[smem:$0x3FA5] =	sst s0;
	s0 =	simm.s32 @!p2 $0x0  }
0x16: {  	s3 =	sld [smem:$0x3FDB];
	s0 =	simm.s32 @p2 $0x1  }
0x17: {  	s4 =	simm.s32 $0x1BF5;
	[smem:$0x3FA7] =	sst s0  }
0x18: {  	s0 =	sld [smem:$0x3F8A];
	_ =	swait.ge [sflag:s4], $0x0  }
0x19: {  	s7 =	sld [smem:$0x3F8B]  }
0x1a: {  	s8 =	sadd.s32 $0xFFFFE003, lr  }
0x1b: {  	s9 =	sadd.s32 $0xFFFFFEF7, lr;
	s5 =	simm.s32 $0xFFFFFFFF;
	p2 =	slt.u32 s8, $0xFFFFF086  }
0x1c: {  	p1 =	slt.u32 s9, $0xF7A;
	s5 =	simm.s32 @!p2 $0x0  }
0x1d: {  	s5 =	simm.s32 @p1 $0x1;
	p0 =	seq.s32 s7, s2  }
0x1e: {  	s7 =	smul.u32 @!p0 $0xF7A, s2;
	p2 =	seq.s32 @!p0 s5, $0x0  }
0x1f: {  	s9 =	smul.u32 $0xF7A, s1;
	s8 =	simm.s32 @!p0 $0x1BF5;
	p2 =	por !p2, p0  }
0x20: {  	[sflag:s8] =	ssyncset.s32 @!p0 $0xFFFFF086;
	s6 =	sadd.s32 @!p0 s3, s7;
	s7 =	simm.s32 @!p0 $0x108  }
0x21: {  	s3 =	sadd.s32 s3, s9;
	s6 =	sadd.s32 @!p0 $0x88, s6;
	s7 =	simm.s32 @p2 $0x1082  }
0x22: {  	[simem:s7], [sflag:s8] =	dma.local @!p0 [hbm:s6], $0xF7A  }
0x23: {  	s9 =	sor.u32 $0xD0000000, s2;
	s6 =	simm.s32 $0x108;
	_ =	swait.ge @!p0 [sflag:s8], $0x0  }
0x24: {  	s3 =	sadd.s32 $0x88, s3;
	s6 =	simm.s32 @!p1 $0x1082;
	[sflag:s4] =	ssyncset.s32 $0xFFFFF086  }
0x25: {  	[simem:s6], [sflag:s4] =	dma.local [hbm:s3], $0xF7A  }
0x26: {  	[smem:$0x3F8B] =	sst s1;
	(tag) =	ssettag s2;
	_ =	strace s9  }
0x27: {  	s1 =	sld [smem:$0x3F9B]  }
0x28: {  	s2 =	sld [smem:$0x3F9C]  }
0x29: {  	s4 =	sld [smem:$0x3F9E]  }
0x2a: {  	p0 =	seq.s32 s5, $0x0;
	s5 =	sld [smem:$0x3F9F]  }
0x2b: {  	s6 =	sld [smem:$0x3FA0]  }
0x2c: {  	s7 =	sld [smem:$0x3FA1]  }
0x2d: {  	s3 =	simm.s32 $0x108;
	s8 =	sld [smem:$0x3FA2]  }
0x2e: {  	s3 =	simm.s32 @!p0 $0x1082;
	s9 =	sld [smem:$0x3FA3]  }
0x2f: {  	lr =	sadd.s32 s0, s3;
	s0 =	sld [smem:$0x3F9A]  }
0x30: {  	s3 =	sld [smem:$0x3F9D]  }
0x31: {  	[smem:$0x3FA6] =	sst s10  }
0x32: {  	s10 =	sld [smem:$0x3FA4];
	_ =	sdelay $0x3  }
0x33: {  	p0 =	seq.s32 s10, $0x1;
	s10 =	sld [smem:$0x3FA6];
	_ =	sdelay $0x3  }
0x34: {  	[smem:$0x3FA6] =	sst s10  }
0x35: {  	s10 =	sld [smem:$0x3FA5];
	_ =	sdelay $0x3  }
0x36: {  	p1 =	seq.s32 s10, $0x1;
	s10 =	sld [smem:$0x3FA6];
	_ =	sdelay $0x3  }
0x37: {  	[smem:$0x3FA6] =	sst s10  }
0x38: {  	s10 =	sld [smem:$0x3FA7]  }
0x39: {  	_ = 	snop;
	(pc) =	sbr.ind lr, $3  }
0x3a: {  	_ = 	snop  }
0x3b: {  	_ = 	snop  }
0x3c: {  	p2 =	seq.s32 s10, $0x1;
	s10 =	sld [smem:$0x3FA6]  }
0x3d: {  	_ =	shalt  }
0x3e: {  	_ =	shalt  }
0x3f: {  	_ =	shalt  }
0x40: {  	_ =	shalt  }
0x41: {  	_ =	shalt  }
0x42: {  	_ =	shalt  }
0x43: {  	_ =	shalt  }
0x44: {  	_ =	shalt  }
0x45: {  	_ =	shalt  }
0x46: {  	_ =	shalt  }
0x47: {  	_ =	shalt  }
0x48: {  	_ =	shalt  }
0x49: {  	_ =	shalt  }
0x4a: {  	_ =	shalt  }
0x4b: {  	_ =	shalt  }
0x4c: {  	_ =	shalt  }
0x4d: {  	_ =	shalt  }
0x4e: {  	_ =	shalt  }
0x4f: {  	_ =	shalt  }
0x50: {  	_ =	shalt  }
0x51: {  	_ =	shalt  }
0x52: {  	_ =	shalt  }
0x53: {  	_ =	shalt  }
0x54: {  	_ =	shalt  }
0x55: {  	_ =	shalt  }
0x56: {  	_ =	shalt  }
0x57: {  	_ =	shalt  }
0x58: {  	_ =	shalt  }
0x59: {  	_ =	shalt  }
0x5a: {  	_ =	shalt  }
0x5b: {  	_ =	shalt  }
0x5c: {  	_ =	shalt  }
0x5d: {  	_ =	shalt  }
0x5e: {  	_ =	shalt  }
0x5f: {  	_ =	shalt  }
0x60: {  	_ =	shalt  }
0x61: {  	_ =	shalt  }
0x62: {  	_ =	shalt  }
0x63: {  	_ =	shalt  }
0x64: {  	_ =	shalt  }
0x65: {  	_ =	shalt  }
0x66: {  	_ =	shalt  }
0x67: {  	_ =	shalt  }
0x68: {  	_ =	shalt  }
0x69: {  	_ =	shalt  }
0x6a: {  	_ =	shalt  }
0x6b: {  	_ =	shalt  }
0x6c: {  	_ =	shalt  }
0x6d: {  	_ =	shalt  }
0x6e: {  	_ =	shalt  }
0x6f: {  	_ =	shalt  }
0x70: {  	_ =	shalt  }
0x71: {  	_ =	shalt  }
0x72: {  	_ =	shalt  }
0x73: {  	_ =	shalt  }
0x74: {  	_ =	shalt  }
0x75: {  	_ =	shalt  }
0x76: {  	_ =	shalt  }
0x77: {  	_ =	shalt  }
0x78: {  	_ =	shalt  }
0x79: {  	_ =	shalt  }
0x7a: {  	_ =	shalt  }
0x7b: {  	_ =	shalt  }
0x7c: {  	_ =	shalt  }
0x7d: {  	_ =	shalt  }
0x7e: {  	_ =	shalt  }
0x7f: {  	_ =	shalt  }
0x80: {  	_ =	shalt  }
0x81: {  	_ =	shalt  }
0x82: {  	_ =	shalt  }
0x83: {  	_ =	shalt  }
0x84: {  	_ =	shalt  }
0x85: {  	_ =	shalt  }
0x86: {  	_ =	shalt  }
0x87: {  	_ =	shalt  }
.Lfunc_end0:
.L_simem_size_0:
called_computation.2_lowered:
.L_overlay_start_0:
0x88: {  	s2 =	sld [smem:$0x3FD9]  }
0x89: {  	s3 =	sld [smem:$0x3FFE];
	_ =	sdelay $0x1  }
0x8a: {  	s1 =	srdreg.scid  }
0x8b: {  	s0 =	sand.u32 $0x1, s1  }
0x8c: {  	s16 =	sshll.u32 s0, $0xA;
	s2 =	sadd.s32 s3, s2  }
0x8d: {  	s2 =	sadd.s32 s2, s16  }
0x8e: {  	[smem:$0x3FB2] =	sst s2  }
0x8f: {  	_ = 	snop  }
0x90: {  	(tm) =	ssettm $0x1  }
0x91: {  	s17 =	sld [smem:$0x3FFB];
	_ =	sdelay $0x3  }
0x92: {  	_ =	strace s17  }
0x93: {  	s2 =	sld [smem:$0x3FFC];
	_ =	sdelay $0x3  }
0x94: {  	_ =	strace s2  }
0x95: {  	s2 =	sld [smem:$0x3FFD];
	_ =	sdelay $0x3  }
0x96: {  	_ =	strace s2  }
0x97: {  	_ =	strace $0x8FFFFFFF  }
0x98: {  	s18 =	sld [smem:$0x3FDB];
	_ =	sdelay $0x1  }
0x99: {  	s19 =	simm.s32 $_scs_section_size  }
0x9a: {  	s4 =	simm.s32 $_size__tile_overlayer_lowered;
	s5 =	simm.s32 $_tile_overlayer_lowered  }
0x9b: {  	s22 =	simm.s32 $0x1BFF;
	s21 =	sshll.u32 s5, $0x1;
	s2 =	sadd.s32 s19, s18  }
0x9c: {  	s6 =	simm.s32 $0x0;
	s20 =	sshll.u32 s4, $0x1;
	s4 =	sadd.s32 s21, s2  }
0x9d: {  	[timem:s6], [sflag:s22] =	dma.local [hbm:s4], s20  }
0x9e: {  	_ =	swait.ge [sflag:s22], s20  }
0x9f: {  	s3 =	ssub.s32 $0x0, s20;
	[sflag:s22] =	ssyncset.done $0x0  }
0xa0: {  	[sflag:s22] =	ssyncadd.s32 s3;
	_ =	sdelay $0x1  }
0xa1: {  	s23 =	simm.s32 $0x1B8B  }
0xa2: {  	_ =	swait.ge [sflag:s23], $0x1  }
0xa3: {  	[sflag:s23] =	ssyncset.done $0x0  }
0xa4: {  	s25 =	simm.s32 $0x1B8E;
	s24 =	sld [smem:$0x3FFE];
	[sflag:s23] =	ssyncadd.s32 $0xFFFFFFFF  }
0xa5: {  	s26 =	simm.s32 $execute0_lowered;
	[smem:$0x3FD2] =	sst s25  }
0xa6: {  	s4 =	sshll.u32 s26, $0x1;
	_ =	strace $0x8000004C;
	[dreg:$0x1] =	wrdreg $0xFFFFFFFF  }
0xa7: {  	s28 =	simm.s32 $_size_execute0_lowered;
	s2 =	sadd.s32 s2, s4;
	[dreg:$0x0] =	wrdreg $0x0  }
0xa8: {  	s4 =	sshll.u32 s28, $0x1;
	[dreg:$0x2] =	wrdreg s2  }
0xa9: {  	[dreg:$0x3] =	wrdreg s4  }
0xaa: {  	[dreg:$0x4] =	wrdreg $0xC0  }
0xab: {  	_ =	task [dreg:s6], $0x5FFFF  }
0xac: {  	[dreg:$0x1] =	wrdreg $0xFFFFFFFF  }
0xad: {  	[dreg:$0x0] =	wrdreg $0x60  }
0xae: {  	[dreg:$0x2] =	wrdreg s24  }
0xaf: {  	[dreg:$0x3] =	wrdreg $0xA0000  }
0xb0: {  	[dreg:$0x4] =	wrdreg $0x9  }
0xb1: {  	_ =	task.clear_ibuf [dreg:s6], $0x5FFFF;
	_ =	strace $0x9000004C  }
0xb2: {  	s29 =	simm.s32 $0x9;
	_ =	strace $0x8000004E  }
0xb3: {  	_ =	swait.ge [sflag:s29], $0x1  }
0xb4: {  	[sflag:s29] =	ssyncadd.s32 $0xFFFFFFFF  }
0xb5: {  	_ =	strace $0x9000004E  }
0xb6: {  	_ =	sfence  }
0xb7: {  	s30 =	sld [smem:$0x0];
	_ =	sdelay $0x2  }
0xb8: {  	s31 =	sshll.u32 s1, $0xD;
	s1 =	sshrl.u32 s1, $0x2  }
0xb9: {  	s3 =	sand.u32 $0x4000, s31;
	s1 =	sadd.s32 s1, s30  }
0xba: {  	s0 =	sor.u32 s3, s0;
	s1 =	sshll.u32 s1, $0x11  }
0xbb: {  	s0 =	sor.u32 s1, s0  }
0xbc: {  	s0 =	sadd.s32 $0x8F2B, s0  }
0xbd: {  	[sflag:s0] =	ssyncadd.remote.s32 $0x1  }
0xbe: {  	_ =	sfence.sel $0xFFFF  }
0xbf: {  	[dreg:$0x0] =	wrdreg $0xFFFFFFFF;
	(pc) =	sbr.abs _section_cstart, $3  }
0xc0: {  	[dreg:$0x1] =	wrdreg $0xFFFFFFFF  }
0xc1: {  	_ =	task.clear_ibuf [dreg:s6], $0x2FFFF;
	_ =	strace $0x9FFFFFFF  }
0xc2: {  	(tm) =	ssettm $0x7FFFFFFF  }
0xc3: {  	_ =	shalt  }
tec
execute0_lowered:
.L_overlay_start_1:
0x0: {  	(tag) =	ssettag $0x1  }
0x1: {  	s6 =	rddreg [dreg:$0x0]  }
0x2: {  	s2 =	rddreg [dreg:$0x1]  }
0x3: {  	s0 =	rddreg [dreg:$0x2];
	s3 =	simm.s32 $0x0;
	s1 =	stileid.u32  }
0x4: {  	s4 =	srdreg.scid;
	s16 =	simm.s32 $0x6000;
	s17 =	simm.s32 $0x1  }
0x5: {  	[smem:$0x7FF] =	sst s3;
	s5 =	smul.u32 $0x600, s1;
	s7 =	sand.u32 $0x1, s4  }
0x6: {  	s4 =	sadd.s32 $0x11800, s6;
	s8 =	sshll.u32 s1, $0xA;
	s29 =	smul.u32 $0x50000, s1  }
0x7: {  	s13 =	sshll.u32 s1, $0x6;
	s19 =	smul.u32 $0x2800, s1;
	_ =	strace $0x8000004D  }
0x8: {  	s9 =	smul.u32 $0x28000, s7;
	s11 =	sadd.s32 s8, s6;
	s30 =	ssub.s32 $0x2, s7  }
0x9: {  	p0 =	seq.s32 s7, $0x1;
	s10 =	sadd.s32 s5, s6;
	s5 =	sadd.s32 $0xF000, s6  }
0xa: {  	s31 =	sshrl.u32 s30, $0x1;
	s8 =	sshrl.u32 s29, $0x2;
	s12 =	sadd.s32 s9, s6  }
.Ltmp0:
0xb: {  	s14 =	ssub.s32 s30, s31;
	s15 =	sadd.s32 s8, s2;
	(pc) =	sbr.rel .LBB2_1-.Ltmp0, $4  }
0xc: {  	s6 =	sor.u32 $0x1C02, s13;
	s7 =	sadd.s32 $0x69800, s10;
	s8 =	sadd.s32 $0x6F800, s10  }
0xd: {  	s9 =	sadd.s32 $0x61800, s11;
	s10 =	sadd.s32 $0x65800, s11;
	s13 =	simm.s32 $0x2  }
0xe: {  	s18 =	sadd.s32 $0x75800, s12;
	s11 =	smax.u32 s14, $0x1;
	s12 =	sshrl.u32 s15, $0x3  }
0xf: {  	s14 =	simm.s32 $0x3000;
	s15 =	simm.s32 $0x80;
	s18 =	sadd.s32 s19, s18  }
.LBB2_7:
0x10: {  	s19 =	sshra.s32 s19, $0x2;
	[sflag:s13] =	ssyncadd.s32 $0xFFFFC000  }
0x11: {  	[tilespmem:s16], [sflag:$0x1] =	stream.indirect.gather [hbm4b:s4+s15], $0x80, s19, s15, $0xb8;
	[tilespmem:$0x1E000] =	vst v63  }
0x12: {  	_ =	swait.ge [sflag:s17], $0x4000  }
0x13: {  	[sflag:s17] =	ssyncset.done $0x0  }
0x14: {  	s19 =	sadd.s32 $0x3000, s19;
	[sflag:s17] =	ssyncadd.s32 $0xFFFFC000  }
0x15: {  	[spmem:s2] =	stream.indirect.scatter.add.f32 [tilespmem:s16], [sflag:$0x2], $0x80, s19, s15, $0xb8;
	[tilespmem:$0x1E000] =	vst v63  }
0x16: {  	_ =	swait.ge [sflag:s13], $0x4000  }
0x17: {  	[sflag:s13] =	ssyncset.done $0x0  }
0x18: {  	[sflag:s13] =	ssyncadd.s32 $0xFFFFC000  }
.LBB2_8:
0x19: {  	s3 =	sadd.s32 $0x1, s3  }
0x1a: {  	p1 =	sne.s32 s3, s11  }
.Ltmp1:
0x1b: {  	[bflag:$0x0] =	sbarrier.arrive $0xFFFF;
	(pc) =	sbr.rel @!p1 .LBB2_9-.Ltmp1, $4  }
0x1c: {  	[hbm:s18], [sflag:s6] =	dma.local [spmem:s12], $0x2800  }
0x1d: {  	_ =	swait.ge [sflag:s13], $0x2800  }
0x1e: {  	[sflag:s13] =	ssyncset.done $0x0  }
0x1f: {  	[sflag:s13] =	ssyncadd.s32 $0xFFFFD800  }
.LBB2_1:
.Ltmp2:
0x20: {  	(pc) =	sbr.rel @!p0 .LBB2_2-.Ltmp2, $4  }
0x21: {  	[spmem:s12], [sflag:s6] =	dma.local [hbm:s5], $0x2800  }
0x22: {  	_ =	swait.ge [sflag:s13], $0x2800  }
0x23: {  	[sflag:s13] =	ssyncset.done $0x0  }
0x24: {  	s19 =	simm.s32 $0x0;
	[sflag:s13] =	ssyncadd.s32 $0xFFFFD800  }
0x25: {  	[tilespmem:s19], [sflag:$0x2] =	stream.linear.gather [hbm4b:s9+s19], $0x1F00, $0x38;
	[tilespmem:$0x1E000] =	vst v63  }
0x26: {  	_ =	swait.ge [sflag:s13], $0x1F00  }
0x27: {  	[sflag:s13] =	ssyncset.done $0x0  }
0x28: {  	[sflag:s13] =	ssyncadd.s32 $0xFFFFE100  }
0x29: {  	[tilespmem:s14], [sflag:$0x2] =	stream.linear.gather [hbm4b:s10+s19], $0x1F00, $0x38;
	[tilespmem:$0x1E000] =	vst v63  }
0x2a: {  	_ =	swait.ge [sflag:s13], $0x1F00  }
0x2b: {  	[sflag:s13] =	ssyncset.done $0x0  }
0x2c: {  	[sflag:s13] =	ssyncadd.s32 $0xFFFFE100  }
0x2d: {  	s30 =	simm.s32 $0x0;
	[bflag:$0x0] =	sbarrier.arrive $0xFFFF  }
0x2e: {  	[tilespmem:s16], [sflag:$0x1] =	stream.indirect.gather [hbm4b:s4+s15], $0x80, s30, s15, $0xb8;
	[tilespmem:$0x1E000] =	vst v63  }
0x2f: {  	_ =	swait.ge [sflag:s17], $0x4000  }
0x30: {  	[sflag:s17] =	ssyncset.done $0x0  }
0x31: {  	s31 =	simm.s32 $0x3000;
	[sflag:s17] =	ssyncadd.s32 $0xFFFFC000  }
0x32: {  	[spmem:s2] =	stream.indirect.scatter.add.f32 [tilespmem:s16], [sflag:$0x2], $0x80, s31, s15, $0xb8;
	[tilespmem:$0x1E000] =	vst v63  }
0x33: {  	_ =	swait.ge [sflag:s13], $0x4000  }
0x34: {  	s20 =	simm.s32 $0x400;
	s19 =	simm.s32 $0x200;
	[sflag:s13] =	ssyncset.done $0x0  }
.LBB2_6:
0x35: {  	s21 =	sshra.s32 s19, $0x2  }
0x36: {  	[sflag:s13] =	ssyncadd.s32 $0xFFFFC000;
	s19 =	smov.u32 s20;
	s22 =	sadd.s32 $0x200, s20  }
0x37: {  	[tilespmem:s16], [sflag:$0x1] =	stream.indirect.gather [hbm4b:s4+s15], $0x80, s21, s15, $0xb8;
	[tilespmem:$0x1E000] =	vst v63  }
0x38: {  	p1 =	sne.s32 s20, $0x7A00;
	_ =	swait.ge [sflag:s17], $0x4000  }
.Ltmp3:
0x39: {  	[sflag:s17] =	ssyncset.done $0x0;
	(pc) =	sbr.rel @p1 .LBB2_6-.Ltmp3, $4  }
0x3a: {  	s20 =	sadd.s32 $0x3000, s21;
	[sflag:s17] =	ssyncadd.s32 $0xFFFFC000  }
0x3b: {  	[spmem:s2] =	stream.indirect.scatter.add.f32 [tilespmem:s16], [sflag:$0x2], $0x80, s20, s15, $0xb8;
	[tilespmem:$0x1E000] =	vst v63  }
0x3c: {  	_ =	swait.ge [sflag:s13], $0x4000  }
0x3d: {  	s20 =	smov.u32 s22;
	[sflag:s13] =	ssyncset.done $0x0  }
.Ltmp4:
0x3e: {  	_ = 	snop;
	(pc) =	sbr.rel .LBB2_7-.Ltmp4, $1  }
0x3f: {  	_ =	sdelay $0x3  }
.LBB2_2:
0x40: {  	[tilespmem:s19], [sflag:$0x2] =	stream.linear.gather [hbm4b:s7+s19], $0x2F80, $0x38;
	[tilespmem:$0x1E000] =	vst v63  }
0x41: {  	_ =	swait.ge [sflag:s13], $0x2F80  }
0x42: {  	[sflag:s13] =	ssyncset.done $0x0  }
0x43: {  	[sflag:s13] =	ssyncadd.s32 $0xFFFFD080  }
0x44: {  	[tilespmem:s14], [sflag:$0x2] =	stream.linear.gather [hbm4b:s8+s19], $0x2F80, $0x38;
	[tilespmem:$0x1E000] =	vst v63  }
0x45: {  	_ =	swait.ge [sflag:s13], $0x2F80  }
0x46: {  	[sflag:s13] =	ssyncset.done $0x0  }
0x47: {  	[sflag:s13] =	ssyncadd.s32 $0xFFFFD080  }
0x48: {  	s30 =	simm.s32 $0x0;
	[bflag:$0x0] =	sbarrier.arrive $0xFFFF  }
0x49: {  	[tilespmem:s16], [sflag:$0x1] =	stream.indirect.gather [hbm4b:s4+s15], $0x80, s30, s15, $0xb8;
	[tilespmem:$0x1E000] =	vst v63  }
0x4a: {  	_ =	swait.ge [sflag:s17], $0x4000  }
0x4b: {  	[sflag:s17] =	ssyncset.done $0x0  }
0x4c: {  	s31 =	simm.s32 $0x3000;
	[sflag:s17] =	ssyncadd.s32 $0xFFFFC000  }
0x4d: {  	[spmem:s2] =	stream.indirect.scatter.add.f32 [tilespmem:s16], [sflag:$0x2], $0x80, s31, s15, $0xb8;
	[tilespmem:$0x1E000] =	vst v63  }
0x4e: {  	_ =	swait.ge [sflag:s13], $0x4000  }
0x4f: {  	s20 =	simm.s32 $0x400;
	s19 =	simm.s32 $0x200;
	[sflag:s13] =	ssyncset.done $0x0  }
.LBB2_3:
0x50: {  	s21 =	sshra.s32 s19, $0x2  }
0x51: {  	[sflag:s13] =	ssyncadd.s32 $0xFFFFC000;
	s19 =	smov.u32 s20;
	s22 =	sadd.s32 $0x200, s20  }
0x52: {  	[tilespmem:s16], [sflag:$0x1] =	stream.indirect.gather [hbm4b:s4+s15], $0x80, s21, s15, $0xb8;
	[tilespmem:$0x1E000] =	vst v63  }
0x53: {  	p1 =	seq.s32 s20, $0xBC00;
	_ =	swait.ge [sflag:s17], $0x4000  }
.Ltmp5:
0x54: {  	[sflag:s17] =	ssyncset.done $0x0;
	(pc) =	sbr.rel @!p1 .LBB2_3-.Ltmp5, $4  }
0x55: {  	s20 =	sadd.s32 $0x3000, s21;
	[sflag:s17] =	ssyncadd.s32 $0xFFFFC000  }
0x56: {  	[spmem:s2] =	stream.indirect.scatter.add.f32 [tilespmem:s16], [sflag:$0x2], $0x80, s20, s15, $0xb8;
	[tilespmem:$0x1E000] =	vst v63  }
0x57: {  	_ =	swait.ge [sflag:s13], $0x4000  }
0x58: {  	s20 =	smov.u32 s22;
	[sflag:s13] =	ssyncset.done $0x0  }
0x59: {  	s19 =	sshra.s32 s19, $0x2;
	[sflag:s13] =	ssyncadd.s32 $0xFFFFC000  }
0x5a: {  	[tilespmem:s16], [sflag:$0x1] =	stream.indirect.gather [hbm4b:s4+s15], $0x80, s19, s15, $0xb8;
	[tilespmem:$0x1E000] =	vst v63  }
0x5b: {  	_ =	swait.ge [sflag:s17], $0x4000  }
0x5c: {  	[sflag:s17] =	ssyncset.done $0x0  }
.Ltmp6:
0x5d: {  	s19 =	sadd.s32 $0x3000, s19;
	[sflag:s17] =	ssyncadd.s32 $0xFFFFC000;
	(pc) =	sbr.rel .LBB2_8-.Ltmp6, $4  }
0x5e: {  	[spmem:s2] =	stream.indirect.scatter.add.f32 [tilespmem:s16], [sflag:$0x2], $0x80, s19, s15, $0xb8;
	[tilespmem:$0x1E000] =	vst v63  }
0x5f: {  	_ =	swait.ge [sflag:s13], $0x4000  }
0x60: {  	[sflag:s13] =	ssyncset.done $0x0  }
0x61: {  	[sflag:s13] =	ssyncadd.s32 $0xFFFFC000  }
.LBB2_9:
0x62: {  	_ =	sfence.sel $0x180000  }
0x63: {  	[bflag:$0x0] =	sbarrier.arrive $0xFFFF  }
0x64: {  	p0 =	sne.s32 s1, $0x0;
	_ =	strace $0x9000004D  }
0x65: {  	s0 =	sadd.s32 @!p0 $0x100000, s0;
	[bflag:$0x2] =	sbarrier.arrive $0xFFFF  }
0x66: {  	[sflag:s0] =	ssyncadd.tile.s32 @!p0 $0x1;
	_ =	shalt  }
.Lfunc_end2:
_tile_overlayer_lowered:
.L_overlay_start_2:
0x67: {  	(tag) =	ssettag $0x2  }
0x68: {  	s0 =	rddreg [dreg:$0x0];
	s2 =	stileid.u32  }
0x69: {  	s1 =	rddreg [dreg:$0x1];
	p0 =	sne.s32 s2, $0x0  }
0x6a: {  	s3 =	rddreg [dreg:$0x2];
	[bflag:$0x3] =	sbarrier.arrive $0xFFFF;
	s2 =	simm.s32 @!p0 $0x1C02  }
0x6b: {  	[timem:s3], [sflag:s2] =	dma.local @!p0 [hbm:s0], s1  }
0x6c: {  	s0 =	simm.s32 @!p0 $0x2  }
0x6d: {  	_ =	swait.ge @!p0 [sflag:s0], s1  }
0x6e: {  	s1 =	ssub.s32 @!p0 $0x0, s1;
	[sflag:s0] =	ssyncset.done @!p0 $0x0  }
0x6f: {  	[sflag:s0] =	ssyncadd.s32 @!p0 s1  }
0x70: {  	[bflag:$0x3] =	sbarrier.arrive $0xFFFF  }
0x71: {  	_ =	shalt  }

// kernel: kernel.25.cloned.1.call-start
scs
__scs_entry_jumppad:
0x0: {  	(pc) =	sbr.rel $0x88, $3  }
0x1: {  	(tag) =	ssettag $0x0;
	lr =	simm.s32 $0x1  }
0x2: {  	[smem:$0x3F8B] =	sst lr;
	_ =	strace $0xD0000000  }
0x3: {  	_ = 	snop  }
0x4: {  	_ = 	snop  }
0x5: {  	_ = 	snop  }
0x6: {  	_ = 	snop  }
0x7: {  	_ = 	snop  }
__scs_overlays_trampoline_lowered:
0x8: {  	[smem:$0x3F9A] =	sst s0  }
0x9: {  	[smem:$0x3F9B] =	sst s1  }
0xa: {  	[smem:$0x3F9C] =	sst s2  }
0xb: {  	[smem:$0x3F9D] =	sst s3  }
0xc: {  	[smem:$0x3F9E] =	sst s4  }
0xd: {  	[smem:$0x3F9F] =	sst s5  }
0xe: {  	[smem:$0x3FA0] =	sst s6  }
0xf: {  	[smem:$0x3FA1] =	sst s7  }
0x10: {  	[smem:$0x3FA2] =	sst s8  }
0x11: {  	[smem:$0x3FA3] =	sst s9;
	s0 =	simm.s32 @!p0 $0x0  }
0x12: {  	s1 =	sld [smem:$0x3F89];
	s0 =	simm.s32 @p0 $0x1  }
0x13: {  	[smem:$0x3FA4] =	sst s0;
	s0 =	simm.s32 @!p1 $0x0  }
0x14: {  	s2 =	sld [smem:$0x3F88];
	s0 =	simm.s32 @p1 $0x1  }
0x15: {  	[smem:$0x3FA5] =	sst s0;
	s0 =	simm.s32 @!p2 $0x0  }
0x16: {  	s3 =	sld [smem:$0x3FDB];
	s0 =	simm.s32 @p2 $0x1  }
0x17: {  	s4 =	simm.s32 $0x1BF5;
	[smem:$0x3FA7] =	sst s0  }
0x18: {  	s0 =	sld [smem:$0x3F8A];
	_ =	swait.ge [sflag:s4], $0x0  }
0x19: {  	s7 =	sld [smem:$0x3F8B]  }
0x1a: {  	s8 =	sadd.s32 $0xFFFFE003, lr  }
0x1b: {  	s9 =	sadd.s32 $0xFFFFFEF7, lr;
	s5 =	simm.s32 $0xFFFFFFFF;
	p2 =	slt.u32 s8, $0xFFFFF086  }
0x1c: {  	p1 =	slt.u32 s9, $0xF7A;
	s5 =	simm.s32 @!p2 $0x0  }
0x1d: {  	s5 =	simm.s32 @p1 $0x1;
	p0 =	seq.s32 s7, s2  }
0x1e: {  	s7 =	smul.u32 @!p0 $0xF7A, s2;
	p2 =	seq.s32 @!p0 s5, $0x0  }
0x1f: {  	s9 =	smul.u32 $0xF7A, s1;
	s8 =	simm.s32 @!p0 $0x1BF5;
	p2 =	por !p2, p0  }
0x20: {  	[sflag:s8] =	ssyncset.s32 @!p0 $0xFFFFF086;
	s6 =	sadd.s32 @!p0 s3, s7;
	s7 =	simm.s32 @!p0 $0x108  }
0x21: {  	s3 =	sadd.s32 s3, s9;
	s6 =	sadd.s32 @!p0 $0x88, s6;
	s7 =	simm.s32 @p2 $0x1082  }
0x22: {  	[simem:s7], [sflag:s8] =	dma.local @!p0 [hbm:s6], $0xF7A  }
0x23: {  	s9 =	sor.u32 $0xD0000000, s2;
	s6 =	simm.s32 $0x108;
	_ =	swait.ge @!p0 [sflag:s8], $0x0  }
0x24: {  	s3 =	sadd.s32 $0x88, s3;
	s6 =	simm.s32 @!p1 $0x1082;
	[sflag:s4] =	ssyncset.s32 $0xFFFFF086  }
0x25: {  	[simem:s6], [sflag:s4] =	dma.local [hbm:s3], $0xF7A  }
0x26: {  	[smem:$0x3F8B] =	sst s1;
	(tag) =	ssettag s2;
	_ =	strace s9  }
0x27: {  	s1 =	sld [smem:$0x3F9B]  }
0x28: {  	s2 =	sld [smem:$0x3F9C]  }
0x29: {  	s4 =	sld [smem:$0x3F9E]  }
0x2a: {  	p0 =	seq.s32 s5, $0x0;
	s5 =	sld [smem:$0x3F9F]  }
0x2b: {  	s6 =	sld [smem:$0x3FA0]  }
0x2c: {  	s7 =	sld [smem:$0x3FA1]  }
0x2d: {  	s3 =	simm.s32 $0x108;
	s8 =	sld [smem:$0x3FA2]  }
0x2e: {  	s3 =	simm.s32 @!p0 $0x1082;
	s9 =	sld [smem:$0x3FA3]  }
0x2f: {  	lr =	sadd.s32 s0, s3;
	s0 =	sld [smem:$0x3F9A]  }
0x30: {  	s3 =	sld [smem:$0x3F9D]  }
0x31: {  	[smem:$0x3FA6] =	sst s10  }
0x32: {  	s10 =	sld [smem:$0x3FA4];
	_ =	sdelay $0x3  }
0x33: {  	p0 =	seq.s32 s10, $0x1;
	s10 =	sld [smem:$0x3FA6];
	_ =	sdelay $0x3  }
0x34: {  	[smem:$0x3FA6] =	sst s10  }
0x35: {  	s10 =	sld [smem:$0x3FA5];
	_ =	sdelay $0x3  }
0x36: {  	p1 =	seq.s32 s10, $0x1;
	s10 =	sld [smem:$0x3FA6];
	_ =	sdelay $0x3  }
0x37: {  	[smem:$0x3FA6] =	sst s10  }
0x38: {  	s10 =	sld [smem:$0x3FA7]  }
0x39: {  	_ = 	snop;
	(pc) =	sbr.ind lr, $3  }
0x3a: {  	_ = 	snop  }
0x3b: {  	_ = 	snop  }
0x3c: {  	p2 =	seq.s32 s10, $0x1;
	s10 =	sld [smem:$0x3FA6]  }
0x3d: {  	_ =	shalt  }
0x3e: {  	_ =	shalt  }
0x3f: {  	_ =	shalt  }
0x40: {  	_ =	shalt  }
0x41: {  	_ =	shalt  }
0x42: {  	_ =	shalt  }
0x43: {  	_ =	shalt  }
0x44: {  	_ =	shalt  }
0x45: {  	_ =	shalt  }
0x46: {  	_ =	shalt  }
0x47: {  	_ =	shalt  }
0x48: {  	_ =	shalt  }
0x49: {  	_ =	shalt  }
0x4a: {  	_ =	shalt  }
0x4b: {  	_ =	shalt  }
0x4c: {  	_ =	shalt  }
0x4d: {  	_ =	shalt  }
0x4e: {  	_ =	shalt  }
0x4f: {  	_ =	shalt  }
0x50: {  	_ =	shalt  }
0x51: {  	_ =	shalt  }
0x52: {  	_ =	shalt  }
0x53: {  	_ =	shalt  }
0x54: {  	_ =	shalt  }
0x55: {  	_ =	shalt  }
0x56: {  	_ =	shalt  }
0x57: {  	_ =	shalt  }
0x58: {  	_ =	shalt  }
0x59: {  	_ =	shalt  }
0x5a: {  	_ =	shalt  }
0x5b: {  	_ =	shalt  }
0x5c: {  	_ =	shalt  }
0x5d: {  	_ =	shalt  }
0x5e: {  	_ =	shalt  }
0x5f: {  	_ =	shalt  }
0x60: {  	_ =	shalt  }
0x61: {  	_ =	shalt  }
0x62: {  	_ =	shalt  }
0x63: {  	_ =	shalt  }
0x64: {  	_ =	shalt  }
0x65: {  	_ =	shalt  }
0x66: {  	_ =	shalt  }
0x67: {  	_ =	shalt  }
0x68: {  	_ =	shalt  }
0x69: {  	_ =	shalt  }
0x6a: {  	_ =	shalt  }
0x6b: {  	_ =	shalt  }
0x6c: {  	_ =	shalt  }
0x6d: {  	_ =	shalt  }
0x6e: {  	_ =	shalt  }
0x6f: {  	_ =	shalt  }
0x70: {  	_ =	shalt  }
0x71: {  	_ =	shalt  }
0x72: {  	_ =	shalt  }
0x73: {  	_ =	shalt  }
0x74: {  	_ =	shalt  }
0x75: {  	_ =	shalt  }
0x76: {  	_ =	shalt  }
0x77: {  	_ =	shalt  }
0x78: {  	_ =	shalt  }
0x79: {  	_ =	shalt  }
0x7a: {  	_ =	shalt  }
0x7b: {  	_ =	shalt  }
0x7c: {  	_ =	shalt  }
0x7d: {  	_ =	shalt  }
0x7e: {  	_ =	shalt  }
0x7f: {  	_ =	shalt  }
0x80: {  	_ =	shalt  }
0x81: {  	_ =	shalt  }
0x82: {  	_ =	shalt  }
0x83: {  	_ =	shalt  }
0x84: {  	_ =	shalt  }
0x85: {  	_ =	shalt  }
0x86: {  	_ =	shalt  }
0x87: {  	_ =	shalt  }
.Lfunc_end0:
.L_simem_size_0:
called_computation.3_lowered:
.L_overlay_start_0:
0x88: {  	s2 =	sld [smem:$0x3FD9]  }
0x89: {  	s3 =	sld [smem:$0x3FFE];
	_ =	sdelay $0x1  }
0x8a: {  	s1 =	srdreg.scid  }
0x8b: {  	s0 =	sand.u32 $0x1, s1  }
0x8c: {  	s16 =	sshll.u32 s0, $0xA;
	s2 =	sadd.s32 s3, s2  }
0x8d: {  	s2 =	sadd.s32 s2, s16  }
0x8e: {  	[smem:$0x3FB2] =	sst s2  }
0x8f: {  	_ = 	snop  }
0x90: {  	(tm) =	ssettm $0x1  }
0x91: {  	s17 =	sld [smem:$0x3FFB];
	_ =	sdelay $0x3  }
0x92: {  	_ =	strace s17  }
0x93: {  	s2 =	sld [smem:$0x3FFC];
	_ =	sdelay $0x3  }
0x94: {  	_ =	strace s2  }
0x95: {  	s2 =	sld [smem:$0x3FFD];
	_ =	sdelay $0x3  }
0x96: {  	_ =	strace s2  }
0x97: {  	_ =	strace $0x8FFFFFFF  }
0x98: {  	s18 =	sld [smem:$0x3FDB];
	_ =	sdelay $0x1  }
0x99: {  	s19 =	simm.s32 $_scs_section_size  }
0x9a: {  	s4 =	simm.s32 $_size__tile_overlayer_lowered;
	s5 =	simm.s32 $_tile_overlayer_lowered  }
0x9b: {  	s22 =	simm.s32 $0x1BFF;
	s21 =	sshll.u32 s5, $0x1;
	s2 =	sadd.s32 s19, s18  }
0x9c: {  	s6 =	simm.s32 $0x0;
	s20 =	sshll.u32 s4, $0x1;
	s4 =	sadd.s32 s21, s2  }
0x9d: {  	[timem:s6], [sflag:s22] =	dma.local [hbm:s4], s20  }
0x9e: {  	_ =	swait.ge [sflag:s22], s20  }
0x9f: {  	s3 =	ssub.s32 $0x0, s20;
	[sflag:s22] =	ssyncset.done $0x0  }
0xa0: {  	[sflag:s22] =	ssyncadd.s32 s3;
	_ =	sdelay $0x1  }
0xa1: {  	s23 =	simm.s32 $0x1B8B  }
0xa2: {  	_ =	swait.ge [sflag:s23], $0x1  }
0xa3: {  	[sflag:s23] =	ssyncset.done $0x0  }
0xa4: {  	s25 =	simm.s32 $0x1B8E;
	s24 =	sld [smem:$0x3FFE];
	[sflag:s23] =	ssyncadd.s32 $0xFFFFFFFF  }
0xa5: {  	s26 =	simm.s32 $execute0_lowered;
	[smem:$0x3FD2] =	sst s25  }
0xa6: {  	s4 =	sshll.u32 s26, $0x1;
	_ =	strace $0x8000004F;
	[dreg:$0x1] =	wrdreg $0xFFFFFFFF  }
0xa7: {  	s28 =	simm.s32 $_size_execute0_lowered;
	s2 =	sadd.s32 s2, s4;
	[dreg:$0x0] =	wrdreg $0x0  }
0xa8: {  	s4 =	sshll.u32 s28, $0x1;
	[dreg:$0x2] =	wrdreg s2  }
0xa9: {  	[dreg:$0x3] =	wrdreg s4  }
0xaa: {  	[dreg:$0x4] =	wrdreg $0xC0  }
0xab: {  	_ =	task [dreg:s6], $0x5FFFF  }
0xac: {  	[dreg:$0x1] =	wrdreg $0xFFFFFFFF  }
0xad: {  	[dreg:$0x0] =	wrdreg $0x60  }
0xae: {  	[dreg:$0x2] =	wrdreg s24  }
0xaf: {  	[dreg:$0x3] =	wrdreg $0xA0000  }
0xb0: {  	[dreg:$0x4] =	wrdreg $0x9  }
0xb1: {  	_ =	task.clear_ibuf [dreg:s6], $0x5FFFF;
	_ =	strace $0x9000004F  }
0xb2: {  	s29 =	simm.s32 $0x9;
	_ =	strace $0x80000051  }
0xb3: {  	_ =	swait.ge [sflag:s29], $0x1  }
0xb4: {  	[sflag:s29] =	ssyncadd.s32 $0xFFFFFFFF  }
0xb5: {  	_ =	strace $0x90000051  }
0xb6: {  	_ =	sfence  }
0xb7: {  	s30 =	sld [smem:$0x0];
	_ =	sdelay $0x2  }
0xb8: {  	s31 =	sshll.u32 s1, $0xD;
	s1 =	sshrl.u32 s1, $0x2  }
0xb9: {  	s3 =	sand.u32 $0x4000, s31;
	s1 =	sadd.s32 s1, s30  }
0xba: {  	s0 =	sor.u32 s3, s0;
	s1 =	sshll.u32 s1, $0x11  }
0xbb: {  	s0 =	sor.u32 s1, s0  }
0xbc: {  	s0 =	sadd.s32 $0x8F2B, s0  }
0xbd: {  	[sflag:s0] =	ssyncadd.remote.s32 $0x1  }
0xbe: {  	_ =	sfence.sel $0xFFFF  }
0xbf: {  	[dreg:$0x0] =	wrdreg $0xFFFFFFFF;
	(pc) =	sbr.abs _section_cstart, $3  }
0xc0: {  	[dreg:$0x1] =	wrdreg $0xFFFFFFFF  }
0xc1: {  	_ =	task.clear_ibuf [dreg:s6], $0x2FFFF;
	_ =	strace $0x9FFFFFFF  }
0xc2: {  	(tm) =	ssettm $0x7FFFFFFF  }
0xc3: {  	_ =	shalt  }
tec
execute0_lowered:
.L_overlay_start_1:
0x0: {  	(tag) =	ssettag $0x1  }
0x1: {  	s6 =	rddreg [dreg:$0x0]  }
0x2: {  	s2 =	rddreg [dreg:$0x1]  }
0x3: {  	s0 =	rddreg [dreg:$0x2];
	s3 =	simm.s32 $0x0;
	s1 =	stileid.u32  }
0x4: {  	s4 =	srdreg.scid;
	s16 =	simm.s32 $0x6000;
	s17 =	simm.s32 $0x1  }
0x5: {  	[smem:$0x7FF] =	sst s3;
	s5 =	smul.u32 $0x600, s1;
	s7 =	sand.u32 $0x1, s4  }
0x6: {  	s4 =	sadd.s32 $0x11800, s6;
	s8 =	sshll.u32 s1, $0xA;
	s29 =	smul.u32 $0x50000, s1  }
0x7: {  	s13 =	sshll.u32 s1, $0x6;
	s19 =	smul.u32 $0x2800, s1;
	_ =	strace $0x80000050  }
0x8: {  	s9 =	smul.u32 $0x28000, s7;
	s11 =	sadd.s32 s8, s6;
	s30 =	ssub.s32 $0x2, s7  }
0x9: {  	p0 =	seq.s32 s7, $0x1;
	s10 =	sadd.s32 s5, s6;
	s5 =	sadd.s32 $0xF000, s6  }
0xa: {  	s31 =	sshrl.u32 s30, $0x1;
	s8 =	sshrl.u32 s29, $0x2;
	s12 =	sadd.s32 s9, s6  }
.Ltmp0:
0xb: {  	s14 =	ssub.s32 s30, s31;
	s15 =	sadd.s32 s8, s2;
	(pc) =	sbr.rel .LBB2_1-.Ltmp0, $4  }
0xc: {  	s6 =	sor.u32 $0x1C02, s13;
	s7 =	sadd.s32 $0x69800, s10;
	s8 =	sadd.s32 $0x6F800, s10  }
0xd: {  	s9 =	sadd.s32 $0x61800, s11;
	s10 =	sadd.s32 $0x65800, s11;
	s13 =	simm.s32 $0x2  }
0xe: {  	s18 =	sadd.s32 $0x75800, s12;
	s11 =	smax.u32 s14, $0x1;
	s12 =	sshrl.u32 s15, $0x3  }
0xf: {  	s14 =	simm.s32 $0x3000;
	s15 =	simm.s32 $0x80;
	s18 =	sadd.s32 s19, s18  }
.LBB2_7:
0x10: {  	s19 =	sshra.s32 s19, $0x2;
	[sflag:s13] =	ssyncadd.s32 $0xFFFFC000  }
0x11: {  	[tilespmem:s16], [sflag:$0x1] =	stream.indirect.gather [hbm4b:s4+s15], $0x80, s19, s15, $0xb8;
	[tilespmem:$0x1E000] =	vst v63  }
0x12: {  	_ =	swait.ge [sflag:s17], $0x4000  }
0x13: {  	[sflag:s17] =	ssyncset.done $0x0  }
0x14: {  	s19 =	sadd.s32 $0x3000, s19;
	[sflag:s17] =	ssyncadd.s32 $0xFFFFC000  }
0x15: {  	[spmem:s2] =	stream.indirect.scatter.add.f32 [tilespmem:s16], [sflag:$0x2], $0x80, s19, s15, $0xb8;
	[tilespmem:$0x1E000] =	vst v63  }
0x16: {  	_ =	swait.ge [sflag:s13], $0x4000  }
0x17: {  	[sflag:s13] =	ssyncset.done $0x0  }
0x18: {  	[sflag:s13] =	ssyncadd.s32 $0xFFFFC000  }
.LBB2_8:
0x19: {  	s3 =	sadd.s32 $0x1, s3  }
0x1a: {  	p1 =	sne.s32 s3, s11  }
.Ltmp1:
0x1b: {  	[bflag:$0x0] =	sbarrier.arrive $0xFFFF;
	(pc) =	sbr.rel @!p1 .LBB2_9-.Ltmp1, $4  }
0x1c: {  	[hbm:s18], [sflag:s6] =	dma.local [spmem:s12], $0x2800  }
0x1d: {  	_ =	swait.ge [sflag:s13], $0x2800  }
0x1e: {  	[sflag:s13] =	ssyncset.done $0x0  }
0x1f: {  	[sflag:s13] =	ssyncadd.s32 $0xFFFFD800  }
.LBB2_1:
.Ltmp2:
0x20: {  	(pc) =	sbr.rel @!p0 .LBB2_2-.Ltmp2, $4  }
0x21: {  	[spmem:s12], [sflag:s6] =	dma.local [hbm:s5], $0x2800  }
0x22: {  	_ =	swait.ge [sflag:s13], $0x2800  }
0x23: {  	[sflag:s13] =	ssyncset.done $0x0  }
0x24: {  	s19 =	simm.s32 $0x0;
	[sflag:s13] =	ssyncadd.s32 $0xFFFFD800  }
0x25: {  	[tilespmem:s19], [sflag:$0x2] =	stream.linear.gather [hbm4b:s9+s19], $0x1F00, $0x38;
	[tilespmem:$0x1E000] =	vst v63  }
0x26: {  	_ =	swait.ge [sflag:s13], $0x1F00  }
0x27: {  	[sflag:s13] =	ssyncset.done $0x0  }
0x28: {  	[sflag:s13] =	ssyncadd.s32 $0xFFFFE100  }
0x29: {  	[tilespmem:s14], [sflag:$0x2] =	stream.linear.gather [hbm4b:s10+s19], $0x1F00, $0x38;
	[tilespmem:$0x1E000] =	vst v63  }
0x2a: {  	_ =	swait.ge [sflag:s13], $0x1F00  }
0x2b: {  	[sflag:s13] =	ssyncset.done $0x0  }
0x2c: {  	[sflag:s13] =	ssyncadd.s32 $0xFFFFE100  }
0x2d: {  	s30 =	simm.s32 $0x0;
	[bflag:$0x0] =	sbarrier.arrive $0xFFFF  }
0x2e: {  	[tilespmem:s16], [sflag:$0x1] =	stream.indirect.gather [hbm4b:s4+s15], $0x80, s30, s15, $0xb8;
	[tilespmem:$0x1E000] =	vst v63  }
0x2f: {  	_ =	swait.ge [sflag:s17], $0x4000  }
0x30: {  	[sflag:s17] =	ssyncset.done $0x0  }
0x31: {  	s31 =	simm.s32 $0x3000;
	[sflag:s17] =	ssyncadd.s32 $0xFFFFC000  }
0x32: {  	[spmem:s2] =	stream.indirect.scatter.add.f32 [tilespmem:s16], [sflag:$0x2], $0x80, s31, s15, $0xb8;
	[tilespmem:$0x1E000] =	vst v63  }
0x33: {  	_ =	swait.ge [sflag:s13], $0x4000  }
0x34: {  	s20 =	simm.s32 $0x400;
	s19 =	simm.s32 $0x200;
	[sflag:s13] =	ssyncset.done $0x0  }
.LBB2_6:
0x35: {  	s21 =	sshra.s32 s19, $0x2  }
0x36: {  	[sflag:s13] =	ssyncadd.s32 $0xFFFFC000;
	s19 =	smov.u32 s20;
	s22 =	sadd.s32 $0x200, s20  }
0x37: {  	[tilespmem:s16], [sflag:$0x1] =	stream.indirect.gather [hbm4b:s4+s15], $0x80, s21, s15, $0xb8;
	[tilespmem:$0x1E000] =	vst v63  }
0x38: {  	p1 =	sne.s32 s20, $0x7A00;
	_ =	swait.ge [sflag:s17], $0x4000  }
.Ltmp3:
0x39: {  	[sflag:s17] =	ssyncset.done $0x0;
	(pc) =	sbr.rel @p1 .LBB2_6-.Ltmp3, $4  }
0x3a: {  	s20 =	sadd.s32 $0x3000, s21;
	[sflag:s17] =	ssyncadd.s32 $0xFFFFC000  }
0x3b: {  	[spmem:s2] =	stream.indirect.scatter.add.f32 [tilespmem:s16], [sflag:$0x2], $0x80, s20, s15, $0xb8;
	[tilespmem:$0x1E000] =	vst v63  }
0x3c: {  	_ =	swait.ge [sflag:s13], $0x4000  }
0x3d: {  	s20 =	smov.u32 s22;
	[sflag:s13] =	ssyncset.done $0x0  }
.Ltmp4:
0x3e: {  	_ = 	snop;
	(pc) =	sbr.rel .LBB2_7-.Ltmp4, $1  }
0x3f: {  	_ =	sdelay $0x3  }
.LBB2_2:
0x40: {  	[tilespmem:s19], [sflag:$0x2] =	stream.linear.gather [hbm4b:s7+s19], $0x2F80, $0x38;
	[tilespmem:$0x1E000] =	vst v63  }
0x41: {  	_ =	swait.ge [sflag:s13], $0x2F80  }
0x42: {  	[sflag:s13] =	ssyncset.done $0x0  }
0x43: {  	[sflag:s13] =	ssyncadd.s32 $0xFFFFD080  }
0x44: {  	[tilespmem:s14], [sflag:$0x2] =	stream.linear.gather [hbm4b:s8+s19], $0x2F80, $0x38;
	[tilespmem:$0x1E000] =	vst v63  }
0x45: {  	_ =	swait.ge [sflag:s13], $0x2F80  }
0x46: {  	[sflag:s13] =	ssyncset.done $0x0  }
0x47: {  	[sflag:s13] =	ssyncadd.s32 $0xFFFFD080  }
0x48: {  	s30 =	simm.s32 $0x0;
	[bflag:$0x0] =	sbarrier.arrive $0xFFFF  }
0x49: {  	[tilespmem:s16], [sflag:$0x1] =	stream.indirect.gather [hbm4b:s4+s15], $0x80, s30, s15, $0xb8;
	[tilespmem:$0x1E000] =	vst v63  }
0x4a: {  	_ =	swait.ge [sflag:s17], $0x4000  }
0x4b: {  	[sflag:s17] =	ssyncset.done $0x0  }
0x4c: {  	s31 =	simm.s32 $0x3000;
	[sflag:s17] =	ssyncadd.s32 $0xFFFFC000  }
0x4d: {  	[spmem:s2] =	stream.indirect.scatter.add.f32 [tilespmem:s16], [sflag:$0x2], $0x80, s31, s15, $0xb8;
	[tilespmem:$0x1E000] =	vst v63  }
0x4e: {  	_ =	swait.ge [sflag:s13], $0x4000  }
0x4f: {  	s20 =	simm.s32 $0x400;
	s19 =	simm.s32 $0x200;
	[sflag:s13] =	ssyncset.done $0x0  }
.LBB2_3:
0x50: {  	s21 =	sshra.s32 s19, $0x2  }
0x51: {  	[sflag:s13] =	ssyncadd.s32 $0xFFFFC000;
	s19 =	smov.u32 s20;
	s22 =	sadd.s32 $0x200, s20  }
0x52: {  	[tilespmem:s16], [sflag:$0x1] =	stream.indirect.gather [hbm4b:s4+s15], $0x80, s21, s15, $0xb8;
	[tilespmem:$0x1E000] =	vst v63  }
0x53: {  	p1 =	seq.s32 s20, $0xBC00;
	_ =	swait.ge [sflag:s17], $0x4000  }
.Ltmp5:
0x54: {  	[sflag:s17] =	ssyncset.done $0x0;
	(pc) =	sbr.rel @!p1 .LBB2_3-.Ltmp5, $4  }
0x55: {  	s20 =	sadd.s32 $0x3000, s21;
	[sflag:s17] =	ssyncadd.s32 $0xFFFFC000  }
0x56: {  	[spmem:s2] =	stream.indirect.scatter.add.f32 [tilespmem:s16], [sflag:$0x2], $0x80, s20, s15, $0xb8;
	[tilespmem:$0x1E000] =	vst v63  }
0x57: {  	_ =	swait.ge [sflag:s13], $0x4000  }
0x58: {  	s20 =	smov.u32 s22;
	[sflag:s13] =	ssyncset.done $0x0  }
0x59: {  	s19 =	sshra.s32 s19, $0x2;
	[sflag:s13] =	ssyncadd.s32 $0xFFFFC000  }
0x5a: {  	[tilespmem:s16], [sflag:$0x1] =	stream.indirect.gather [hbm4b:s4+s15], $0x80, s19, s15, $0xb8;
	[tilespmem:$0x1E000] =	vst v63  }
0x5b: {  	_ =	swait.ge [sflag:s17], $0x4000  }
0x5c: {  	[sflag:s17] =	ssyncset.done $0x0  }
.Ltmp6:
0x5d: {  	s19 =	sadd.s32 $0x3000, s19;
	[sflag:s17] =	ssyncadd.s32 $0xFFFFC000;
	(pc) =	sbr.rel .LBB2_8-.Ltmp6, $4  }
0x5e: {  	[spmem:s2] =	stream.indirect.scatter.add.f32 [tilespmem:s16], [sflag:$0x2], $0x80, s19, s15, $0xb8;
	[tilespmem:$0x1E000] =	vst v63  }
0x5f: {  	_ =	swait.ge [sflag:s13], $0x4000  }
0x60: {  	[sflag:s13] =	ssyncset.done $0x0  }
0x61: {  	[sflag:s13] =	ssyncadd.s32 $0xFFFFC000  }
.LBB2_9:
0x62: {  	_ =	sfence.sel $0x180000  }
0x63: {  	[bflag:$0x0] =	sbarrier.arrive $0xFFFF  }
0x64: {  	p0 =	sne.s32 s1, $0x0;
	_ =	strace $0x90000050  }
0x65: {  	s0 =	sadd.s32 @!p0 $0x100000, s0;
	[bflag:$0x2] =	sbarrier.arrive $0xFFFF  }
0x66: {  	[sflag:s0] =	ssyncadd.tile.s32 @!p0 $0x1;
	_ =	shalt  }
.Lfunc_end2:
_tile_overlayer_lowered:
.L_overlay_start_2:
0x67: {  	(tag) =	ssettag $0x2  }
0x68: {  	s0 =	rddreg [dreg:$0x0];
	s2 =	stileid.u32  }
0x69: {  	s1 =	rddreg [dreg:$0x1];
	p0 =	sne.s32 s2, $0x0  }
0x6a: {  	s3 =	rddreg [dreg:$0x2];
	[bflag:$0x3] =	sbarrier.arrive $0xFFFF;
	s2 =	simm.s32 @!p0 $0x1C02  }
0x6b: {  	[timem:s3], [sflag:s2] =	dma.local @!p0 [hbm:s0], s1  }
0x6c: {  	s0 =	simm.s32 @!p0 $0x2  }
0x6d: {  	_ =	swait.ge @!p0 [sflag:s0], s1  }
0x6e: {  	s1 =	ssub.s32 @!p0 $0x0, s1;
	[sflag:s0] =	ssyncset.done @!p0 $0x0  }
0x6f: {  	[sflag:s0] =	ssyncadd.s32 @!p0 s1  }
0x70: {  	[bflag:$0x3] =	sbarrier.arrive $0xFFFF  }
0x71: {  	_ =	shalt  }

// kernel: kernel.28.cloned.1.call-start
scs
__scs_entry_jumppad:
0x0: {  	(pc) =	sbr.rel $0x88, $3  }
0x1: {  	(tag) =	ssettag $0x0;
	lr =	simm.s32 $0x1  }
0x2: {  	[smem:$0x3F8B] =	sst lr;
	_ =	strace $0xD0000000  }
0x3: {  	_ = 	snop  }
0x4: {  	_ = 	snop  }
0x5: {  	_ = 	snop  }
0x6: {  	_ = 	snop  }
0x7: {  	_ = 	snop  }
__scs_overlays_trampoline_lowered:
0x8: {  	[smem:$0x3F9A] =	sst s0  }
0x9: {  	[smem:$0x3F9B] =	sst s1  }
0xa: {  	[smem:$0x3F9C] =	sst s2  }
0xb: {  	[smem:$0x3F9D] =	sst s3  }
0xc: {  	[smem:$0x3F9E] =	sst s4  }
0xd: {  	[smem:$0x3F9F] =	sst s5  }
0xe: {  	[smem:$0x3FA0] =	sst s6  }
0xf: {  	[smem:$0x3FA1] =	sst s7  }
0x10: {  	[smem:$0x3FA2] =	sst s8  }
0x11: {  	[smem:$0x3FA3] =	sst s9;
	s0 =	simm.s32 @!p0 $0x0  }
0x12: {  	s1 =	sld [smem:$0x3F89];
	s0 =	simm.s32 @p0 $0x1  }
0x13: {  	[smem:$0x3FA4] =	sst s0;
	s0 =	simm.s32 @!p1 $0x0  }
0x14: {  	s2 =	sld [smem:$0x3F88];
	s0 =	simm.s32 @p1 $0x1  }
0x15: {  	[smem:$0x3FA5] =	sst s0;
	s0 =	simm.s32 @!p2 $0x0  }
0x16: {  	s3 =	sld [smem:$0x3FDB];
	s0 =	simm.s32 @p2 $0x1  }
0x17: {  	s4 =	simm.s32 $0x1BF5;
	[smem:$0x3FA7] =	sst s0  }
0x18: {  	s0 =	sld [smem:$0x3F8A];
	_ =	swait.ge [sflag:s4], $0x0  }
0x19: {  	s7 =	sld [smem:$0x3F8B]  }
0x1a: {  	s8 =	sadd.s32 $0xFFFFE003, lr  }
0x1b: {  	s9 =	sadd.s32 $0xFFFFFEF7, lr;
	s5 =	simm.s32 $0xFFFFFFFF;
	p2 =	slt.u32 s8, $0xFFFFF086  }
0x1c: {  	p1 =	slt.u32 s9, $0xF7A;
	s5 =	simm.s32 @!p2 $0x0  }
0x1d: {  	s5 =	simm.s32 @p1 $0x1;
	p0 =	seq.s32 s7, s2  }
0x1e: {  	s7 =	smul.u32 @!p0 $0xF7A, s2;
	p2 =	seq.s32 @!p0 s5, $0x0  }
0x1f: {  	s9 =	smul.u32 $0xF7A, s1;
	s8 =	simm.s32 @!p0 $0x1BF5;
	p2 =	por !p2, p0  }
0x20: {  	[sflag:s8] =	ssyncset.s32 @!p0 $0xFFFFF086;
	s6 =	sadd.s32 @!p0 s3, s7;
	s7 =	simm.s32 @!p0 $0x108  }
0x21: {  	s3 =	sadd.s32 s3, s9;
	s6 =	sadd.s32 @!p0 $0x88, s6;
	s7 =	simm.s32 @p2 $0x1082  }
0x22: {  	[simem:s7], [sflag:s8] =	dma.local @!p0 [hbm:s6], $0xF7A  }
0x23: {  	s9 =	sor.u32 $0xD0000000, s2;
	s6 =	simm.s32 $0x108;
	_ =	swait.ge @!p0 [sflag:s8], $0x0  }
0x24: {  	s3 =	sadd.s32 $0x88, s3;
	s6 =	simm.s32 @!p1 $0x1082;
	[sflag:s4] =	ssyncset.s32 $0xFFFFF086  }
0x25: {  	[simem:s6], [sflag:s4] =	dma.local [hbm:s3], $0xF7A  }
0x26: {  	[smem:$0x3F8B] =	sst s1;
	(tag) =	ssettag s2;
	_ =	strace s9  }
0x27: {  	s1 =	sld [smem:$0x3F9B]  }
0x28: {  	s2 =	sld [smem:$0x3F9C]  }
0x29: {  	s4 =	sld [smem:$0x3F9E]  }
0x2a: {  	p0 =	seq.s32 s5, $0x0;
	s5 =	sld [smem:$0x3F9F]  }
0x2b: {  	s6 =	sld [smem:$0x3FA0]  }
0x2c: {  	s7 =	sld [smem:$0x3FA1]  }
0x2d: {  	s3 =	simm.s32 $0x108;
	s8 =	sld [smem:$0x3FA2]  }
0x2e: {  	s3 =	simm.s32 @!p0 $0x1082;
	s9 =	sld [smem:$0x3FA3]  }
0x2f: {  	lr =	sadd.s32 s0, s3;
	s0 =	sld [smem:$0x3F9A]  }
0x30: {  	s3 =	sld [smem:$0x3F9D]  }
0x31: {  	[smem:$0x3FA6] =	sst s10  }
0x32: {  	s10 =	sld [smem:$0x3FA4];
	_ =	sdelay $0x3  }
0x33: {  	p0 =	seq.s32 s10, $0x1;
	s10 =	sld [smem:$0x3FA6];
	_ =	sdelay $0x3  }
0x34: {  	[smem:$0x3FA6] =	sst s10  }
0x35: {  	s10 =	sld [smem:$0x3FA5];
	_ =	sdelay $0x3  }
0x36: {  	p1 =	seq.s32 s10, $0x1;
	s10 =	sld [smem:$0x3FA6];
	_ =	sdelay $0x3  }
0x37: {  	[smem:$0x3FA6] =	sst s10  }
0x38: {  	s10 =	sld [smem:$0x3FA7]  }
0x39: {  	_ = 	snop;
	(pc) =	sbr.ind lr, $3  }
0x3a: {  	_ = 	snop  }
0x3b: {  	_ = 	snop  }
0x3c: {  	p2 =	seq.s32 s10, $0x1;
	s10 =	sld [smem:$0x3FA6]  }
0x3d: {  	_ =	shalt  }
0x3e: {  	_ =	shalt  }
0x3f: {  	_ =	shalt  }
0x40: {  	_ =	shalt  }
0x41: {  	_ =	shalt  }
0x42: {  	_ =	shalt  }
0x43: {  	_ =	shalt  }
0x44: {  	_ =	shalt  }
0x45: {  	_ =	shalt  }
0x46: {  	_ =	shalt  }
0x47: {  	_ =	shalt  }
0x48: {  	_ =	shalt  }
0x49: {  	_ =	shalt  }
0x4a: {  	_ =	shalt  }
0x4b: {  	_ =	shalt  }
0x4c: {  	_ =	shalt  }
0x4d: {  	_ =	shalt  }
0x4e: {  	_ =	shalt  }
0x4f: {  	_ =	shalt  }
0x50: {  	_ =	shalt  }
0x51: {  	_ =	shalt  }
0x52: {  	_ =	shalt  }
0x53: {  	_ =	shalt  }
0x54: {  	_ =	shalt  }
0x55: {  	_ =	shalt  }
0x56: {  	_ =	shalt  }
0x57: {  	_ =	shalt  }
0x58: {  	_ =	shalt  }
0x59: {  	_ =	shalt  }
0x5a: {  	_ =	shalt  }
0x5b: {  	_ =	shalt  }
0x5c: {  	_ =	shalt  }
0x5d: {  	_ =	shalt  }
0x5e: {  	_ =	shalt  }
0x5f: {  	_ =	shalt  }
0x60: {  	_ =	shalt  }
0x61: {  	_ =	shalt  }
0x62: {  	_ =	shalt  }
0x63: {  	_ =	shalt  }
0x64: {  	_ =	shalt  }
0x65: {  	_ =	shalt  }
0x66: {  	_ =	shalt  }
0x67: {  	_ =	shalt  }
0x68: {  	_ =	shalt  }
0x69: {  	_ =	shalt  }
0x6a: {  	_ =	shalt  }
0x6b: {  	_ =	shalt  }
0x6c: {  	_ =	shalt  }
0x6d: {  	_ =	shalt  }
0x6e: {  	_ =	shalt  }
0x6f: {  	_ =	shalt  }
0x70: {  	_ =	shalt  }
0x71: {  	_ =	shalt  }
0x72: {  	_ =	shalt  }
0x73: {  	_ =	shalt  }
0x74: {  	_ =	shalt  }
0x75: {  	_ =	shalt  }
0x76: {  	_ =	shalt  }
0x77: {  	_ =	shalt  }
0x78: {  	_ =	shalt  }
0x79: {  	_ =	shalt  }
0x7a: {  	_ =	shalt  }
0x7b: {  	_ =	shalt  }
0x7c: {  	_ =	shalt  }
0x7d: {  	_ =	shalt  }
0x7e: {  	_ =	shalt  }
0x7f: {  	_ =	shalt  }
0x80: {  	_ =	shalt  }
0x81: {  	_ =	shalt  }
0x82: {  	_ =	shalt  }
0x83: {  	_ =	shalt  }
0x84: {  	_ =	shalt  }
0x85: {  	_ =	shalt  }
0x86: {  	_ =	shalt  }
0x87: {  	_ =	shalt  }
.Lfunc_end0:
.L_simem_size_0:
called_computation.4_lowered:
.L_overlay_start_0:
0x88: {  	s2 =	sld [smem:$0x3FD9]  }
0x89: {  	s3 =	sld [smem:$0x3FFE];
	_ =	sdelay $0x1  }
0x8a: {  	s1 =	srdreg.scid  }
0x8b: {  	s0 =	sand.u32 $0x1, s1  }
0x8c: {  	s16 =	sshll.u32 s0, $0xA;
	s2 =	sadd.s32 s3, s2  }
0x8d: {  	s2 =	sadd.s32 s2, s16  }
0x8e: {  	[smem:$0x3FB2] =	sst s2  }
0x8f: {  	_ = 	snop  }
0x90: {  	(tm) =	ssettm $0x1  }
0x91: {  	s17 =	sld [smem:$0x3FFB];
	_ =	sdelay $0x3  }
0x92: {  	_ =	strace s17  }
0x93: {  	s2 =	sld [smem:$0x3FFC];
	_ =	sdelay $0x3  }
0x94: {  	_ =	strace s2  }
0x95: {  	s2 =	sld [smem:$0x3FFD];
	_ =	sdelay $0x3  }
0x96: {  	_ =	strace s2  }
0x97: {  	_ =	strace $0x8FFFFFFF  }
0x98: {  	s18 =	sld [smem:$0x3FDB];
	_ =	sdelay $0x1  }
0x99: {  	s19 =	simm.s32 $_scs_section_size  }
0x9a: {  	s4 =	simm.s32 $_size__tile_overlayer_lowered;
	s5 =	simm.s32 $_tile_overlayer_lowered  }
0x9b: {  	s22 =	simm.s32 $0x1BFF;
	s21 =	sshll.u32 s5, $0x1;
	s2 =	sadd.s32 s19, s18  }
0x9c: {  	s6 =	simm.s32 $0x0;
	s20 =	sshll.u32 s4, $0x1;
	s4 =	sadd.s32 s21, s2  }
0x9d: {  	[timem:s6], [sflag:s22] =	dma.local [hbm:s4], s20  }
0x9e: {  	_ =	swait.ge [sflag:s22], s20  }
0x9f: {  	s3 =	ssub.s32 $0x0, s20;
	[sflag:s22] =	ssyncset.done $0x0  }
0xa0: {  	[sflag:s22] =	ssyncadd.s32 s3;
	_ =	sdelay $0x1  }
0xa1: {  	s23 =	simm.s32 $0x1B8B  }
0xa2: {  	_ =	swait.ge [sflag:s23], $0x1  }
0xa3: {  	[sflag:s23] =	ssyncset.done $0x0  }
0xa4: {  	s25 =	simm.s32 $0x1B8E;
	s24 =	sld [smem:$0x3FFE];
	[sflag:s23] =	ssyncadd.s32 $0xFFFFFFFF  }
0xa5: {  	s26 =	simm.s32 $execute0_lowered;
	[smem:$0x3FD2] =	sst s25  }
0xa6: {  	s4 =	sshll.u32 s26, $0x1;
	_ =	strace $0x80000052;
	[dreg:$0x1] =	wrdreg $0xFFFFFFFF  }
0xa7: {  	s28 =	simm.s32 $_size_execute0_lowered;
	s2 =	sadd.s32 s2, s4;
	[dreg:$0x0] =	wrdreg $0x0  }
0xa8: {  	s4 =	sshll.u32 s28, $0x1;
	[dreg:$0x2] =	wrdreg s2  }
0xa9: {  	[dreg:$0x3] =	wrdreg s4  }
0xaa: {  	[dreg:$0x4] =	wrdreg $0xC0  }
0xab: {  	_ =	task [dreg:s6], $0x5FFFF  }
0xac: {  	[dreg:$0x1] =	wrdreg $0xFFFFFFFF  }
0xad: {  	[dreg:$0x0] =	wrdreg $0x60  }
0xae: {  	[dreg:$0x2] =	wrdreg s24  }
0xaf: {  	[dreg:$0x3] =	wrdreg $0xA0000  }
0xb0: {  	[dreg:$0x4] =	wrdreg $0x9  }
0xb1: {  	_ =	task.clear_ibuf [dreg:s6], $0x5FFFF;
	_ =	strace $0x90000052  }
0xb2: {  	s29 =	simm.s32 $0x9;
	_ =	strace $0x80000054  }
0xb3: {  	_ =	swait.ge [sflag:s29], $0x1  }
0xb4: {  	[sflag:s29] =	ssyncadd.s32 $0xFFFFFFFF  }
0xb5: {  	_ =	strace $0x90000054  }
0xb6: {  	_ =	sfence  }
0xb7: {  	s30 =	sld [smem:$0x0];
	_ =	sdelay $0x2  }
0xb8: {  	s31 =	sshll.u32 s1, $0xD;
	s1 =	sshrl.u32 s1, $0x2  }
0xb9: {  	s3 =	sand.u32 $0x4000, s31;
	s1 =	sadd.s32 s1, s30  }
0xba: {  	s0 =	sor.u32 s3, s0;
	s1 =	sshll.u32 s1, $0x11  }
0xbb: {  	s0 =	sor.u32 s1, s0  }
0xbc: {  	s0 =	sadd.s32 $0x8F2B, s0  }
0xbd: {  	[sflag:s0] =	ssyncadd.remote.s32 $0x1  }
0xbe: {  	_ =	sfence.sel $0xFFFF  }
0xbf: {  	[dreg:$0x0] =	wrdreg $0xFFFFFFFF;
	(pc) =	sbr.abs _section_cstart, $3  }
0xc0: {  	[dreg:$0x1] =	wrdreg $0xFFFFFFFF  }
0xc1: {  	_ =	task.clear_ibuf [dreg:s6], $0x2FFFF;
	_ =	strace $0x9FFFFFFF  }
0xc2: {  	(tm) =	ssettm $0x7FFFFFFF  }
0xc3: {  	_ =	shalt  }
tec
execute0_lowered:
.L_overlay_start_1:
0x0: {  	(tag) =	ssettag $0x1  }
0x1: {  	s6 =	rddreg [dreg:$0x0]  }
0x2: {  	s2 =	rddreg [dreg:$0x1]  }
0x3: {  	s0 =	rddreg [dreg:$0x2];
	s3 =	simm.s32 $0x0;
	s1 =	stileid.u32  }
0x4: {  	s4 =	srdreg.scid;
	s16 =	simm.s32 $0x6000;
	s17 =	simm.s32 $0x1  }
0x5: {  	[smem:$0x7FF] =	sst s3;
	s5 =	smul.u32 $0x600, s1;
	s7 =	sand.u32 $0x1, s4  }
0x6: {  	s4 =	sadd.s32 $0x11800, s6;
	s8 =	sshll.u32 s1, $0xA;
	s29 =	smul.u32 $0x50000, s1  }
0x7: {  	s13 =	sshll.u32 s1, $0x6;
	s19 =	smul.u32 $0x2800, s1;
	_ =	strace $0x80000053  }
0x8: {  	s9 =	smul.u32 $0x28000, s7;
	s11 =	sadd.s32 s8, s6;
	s30 =	ssub.s32 $0x2, s7  }
0x9: {  	p0 =	seq.s32 s7, $0x1;
	s10 =	sadd.s32 s5, s6;
	s5 =	sadd.s32 $0xF000, s6  }
0xa: {  	s31 =	sshrl.u32 s30, $0x1;
	s8 =	sshrl.u32 s29, $0x2;
	s12 =	sadd.s32 s9, s6  }
.Ltmp0:
0xb: {  	s14 =	ssub.s32 s30, s31;
	s15 =	sadd.s32 s8, s2;
	(pc) =	sbr.rel .LBB2_1-.Ltmp0, $4  }
0xc: {  	s6 =	sor.u32 $0x1C02, s13;
	s7 =	sadd.s32 $0x69800, s10;
	s8 =	sadd.s32 $0x6F800, s10  }
0xd: {  	s9 =	sadd.s32 $0x61800, s11;
	s10 =	sadd.s32 $0x65800, s11;
	s13 =	simm.s32 $0x2  }
0xe: {  	s18 =	sadd.s32 $0x75800, s12;
	s11 =	smax.u32 s14, $0x1;
	s12 =	sshrl.u32 s15, $0x3  }
0xf: {  	s14 =	simm.s32 $0x3000;
	s15 =	simm.s32 $0x80;
	s18 =	sadd.s32 s19, s18  }
.LBB2_7:
0x10: {  	s19 =	sshra.s32 s19, $0x2;
	[sflag:s13] =	ssyncadd.s32 $0xFFFFC000  }
0x11: {  	[tilespmem:s16], [sflag:$0x1] =	stream.indirect.gather [hbm4b:s4+s15], $0x80, s19, s15, $0xb8;
	[tilespmem:$0x1E000] =	vst v63  }
0x12: {  	_ =	swait.ge [sflag:s17], $0x4000  }
0x13: {  	[sflag:s17] =	ssyncset.done $0x0  }
0x14: {  	s19 =	sadd.s32 $0x3000, s19;
	[sflag:s17] =	ssyncadd.s32 $0xFFFFC000  }
0x15: {  	[spmem:s2] =	stream.indirect.scatter.add.f32 [tilespmem:s16], [sflag:$0x2], $0x80, s19, s15, $0xb8;
	[tilespmem:$0x1E000] =	vst v63  }
0x16: {  	_ =	swait.ge [sflag:s13], $0x4000  }
0x17: {  	[sflag:s13] =	ssyncset.done $0x0  }
0x18: {  	[sflag:s13] =	ssyncadd.s32 $0xFFFFC000  }
.LBB2_8:
0x19: {  	s3 =	sadd.s32 $0x1, s3  }
0x1a: {  	p1 =	sne.s32 s3, s11  }
.Ltmp1:
0x1b: {  	[bflag:$0x0] =	sbarrier.arrive $0xFFFF;
	(pc) =	sbr.rel @!p1 .LBB2_9-.Ltmp1, $4  }
0x1c: {  	[hbm:s18], [sflag:s6] =	dma.local [spmem:s12], $0x2800  }
0x1d: {  	_ =	swait.ge [sflag:s13], $0x2800  }
0x1e: {  	[sflag:s13] =	ssyncset.done $0x0  }
0x1f: {  	[sflag:s13] =	ssyncadd.s32 $0xFFFFD800  }
.LBB2_1:
.Ltmp2:
0x20: {  	(pc) =	sbr.rel @!p0 .LBB2_2-.Ltmp2, $4  }
0x21: {  	[spmem:s12], [sflag:s6] =	dma.local [hbm:s5], $0x2800  }
0x22: {  	_ =	swait.ge [sflag:s13], $0x2800  }
0x23: {  	[sflag:s13] =	ssyncset.done $0x0  }
0x24: {  	s19 =	simm.s32 $0x0;
	[sflag:s13] =	ssyncadd.s32 $0xFFFFD800  }
0x25: {  	[tilespmem:s19], [sflag:$0x2] =	stream.linear.gather [hbm4b:s9+s19], $0x1F00, $0x38;
	[tilespmem:$0x1E000] =	vst v63  }
0x26: {  	_ =	swait.ge [sflag:s13], $0x1F00  }
0x27: {  	[sflag:s13] =	ssyncset.done $0x0  }
0x28: {  	[sflag:s13] =	ssyncadd.s32 $0xFFFFE100  }
0x29: {  	[tilespmem:s14], [sflag:$0x2] =	stream.linear.gather [hbm4b:s10+s19], $0x1F00, $0x38;
	[tilespmem:$0x1E000] =	vst v63  }
0x2a: {  	_ =	swait.ge [sflag:s13], $0x1F00  }
0x2b: {  	[sflag:s13] =	ssyncset.done $0x0  }
0x2c: {  	[sflag:s13] =	ssyncadd.s32 $0xFFFFE100  }
0x2d: {  	s30 =	simm.s32 $0x0;
	[bflag:$0x0] =	sbarrier.arrive $0xFFFF  }
0x2e: {  	[tilespmem:s16], [sflag:$0x1] =	stream.indirect.gather [hbm4b:s4+s15], $0x80, s30, s15, $0xb8;
	[tilespmem:$0x1E000] =	vst v63  }
0x2f: {  	_ =	swait.ge [sflag:s17], $0x4000  }
0x30: {  	[sflag:s17] =	ssyncset.done $0x0  }
0x31: {  	s31 =	simm.s32 $0x3000;
	[sflag:s17] =	ssyncadd.s32 $0xFFFFC000  }
0x32: {  	[spmem:s2] =	stream.indirect.scatter.add.f32 [tilespmem:s16], [sflag:$0x2], $0x80, s31, s15, $0xb8;
	[tilespmem:$0x1E000] =	vst v63  }
0x33: {  	_ =	swait.ge [sflag:s13], $0x4000  }
0x34: {  	s20 =	simm.s32 $0x400;
	s19 =	simm.s32 $0x200;
	[sflag:s13] =	ssyncset.done $0x0  }
.LBB2_6:
0x35: {  	s21 =	sshra.s32 s19, $0x2  }
0x36: {  	[sflag:s13] =	ssyncadd.s32 $0xFFFFC000;
	s19 =	smov.u32 s20;
	s22 =	sadd.s32 $0x200, s20  }
0x37: {  	[tilespmem:s16], [sflag:$0x1] =	stream.indirect.gather [hbm4b:s4+s15], $0x80, s21, s15, $0xb8;
	[tilespmem:$0x1E000] =	vst v63  }
0x38: {  	p1 =	sne.s32 s20, $0x7A00;
	_ =	swait.ge [sflag:s17], $0x4000  }
.Ltmp3:
0x39: {  	[sflag:s17] =	ssyncset.done $0x0;
	(pc) =	sbr.rel @p1 .LBB2_6-.Ltmp3, $4  }
0x3a: {  	s20 =	sadd.s32 $0x3000, s21;
	[sflag:s17] =	ssyncadd.s32 $0xFFFFC000  }
0x3b: {  	[spmem:s2] =	stream.indirect.scatter.add.f32 [tilespmem:s16], [sflag:$0x2], $0x80, s20, s15, $0xb8;
	[tilespmem:$0x1E000] =	vst v63  }
0x3c: {  	_ =	swait.ge [sflag:s13], $0x4000  }
0x3d: {  	s20 =	smov.u32 s22;
	[sflag:s13] =	ssyncset.done $0x0  }
.Ltmp4:
0x3e: {  	_ = 	snop;
	(pc) =	sbr.rel .LBB2_7-.Ltmp4, $1  }
0x3f: {  	_ =	sdelay $0x3  }
.LBB2_2:
0x40: {  	[tilespmem:s19], [sflag:$0x2] =	stream.linear.gather [hbm4b:s7+s19], $0x2F80, $0x38;
	[tilespmem:$0x1E000] =	vst v63  }
0x41: {  	_ =	swait.ge [sflag:s13], $0x2F80  }
0x42: {  	[sflag:s13] =	ssyncset.done $0x0  }
0x43: {  	[sflag:s13] =	ssyncadd.s32 $0xFFFFD080  }
0x44: {  	[tilespmem:s14], [sflag:$0x2] =	stream.linear.gather [hbm4b:s8+s19], $0x2F80, $0x38;
	[tilespmem:$0x1E000] =	vst v63  }
0x45: {  	_ =	swait.ge [sflag:s13], $0x2F80  }
0x46: {  	[sflag:s13] =	ssyncset.done $0x0  }
0x47: {  	[sflag:s13] =	ssyncadd.s32 $0xFFFFD080  }
0x48: {  	s30 =	simm.s32 $0x0;
	[bflag:$0x0] =	sbarrier.arrive $0xFFFF  }
0x49: {  	[tilespmem:s16], [sflag:$0x1] =	stream.indirect.gather [hbm4b:s4+s15], $0x80, s30, s15, $0xb8;
	[tilespmem:$0x1E000] =	vst v63  }
0x4a: {  	_ =	swait.ge [sflag:s17], $0x4000  }
0x4b: {  	[sflag:s17] =	ssyncset.done $0x0  }
0x4c: {  	s31 =	simm.s32 $0x3000;
	[sflag:s17] =	ssyncadd.s32 $0xFFFFC000  }
0x4d: {  	[spmem:s2] =	stream.indirect.scatter.add.f32 [tilespmem:s16], [sflag:$0x2], $0x80, s31, s15, $0xb8;
	[tilespmem:$0x1E000] =	vst v63  }
0x4e: {  	_ =	swait.ge [sflag:s13], $0x4000  }
0x4f: {  	s20 =	simm.s32 $0x400;
	s19 =	simm.s32 $0x200;
	[sflag:s13] =	ssyncset.done $0x0  }
.LBB2_3:
0x50: {  	s21 =	sshra.s32 s19, $0x2  }
0x51: {  	[sflag:s13] =	ssyncadd.s32 $0xFFFFC000;
	s19 =	smov.u32 s20;
	s22 =	sadd.s32 $0x200, s20  }
0x52: {  	[tilespmem:s16], [sflag:$0x1] =	stream.indirect.gather [hbm4b:s4+s15], $0x80, s21, s15, $0xb8;
	[tilespmem:$0x1E000] =	vst v63  }
0x53: {  	p1 =	seq.s32 s20, $0xBC00;
	_ =	swait.ge [sflag:s17], $0x4000  }
.Ltmp5:
0x54: {  	[sflag:s17] =	ssyncset.done $0x0;
	(pc) =	sbr.rel @!p1 .LBB2_3-.Ltmp5, $4  }
0x55: {  	s20 =	sadd.s32 $0x3000, s21;
	[sflag:s17] =	ssyncadd.s32 $0xFFFFC000  }
0x56: {  	[spmem:s2] =	stream.indirect.scatter.add.f32 [tilespmem:s16], [sflag:$0x2], $0x80, s20, s15, $0xb8;
	[tilespmem:$0x1E000] =	vst v63  }
0x57: {  	_ =	swait.ge [sflag:s13], $0x4000  }
0x58: {  	s20 =	smov.u32 s22;
	[sflag:s13] =	ssyncset.done $0x0  }
0x59: {  	s19 =	sshra.s32 s19, $0x2;
	[sflag:s13] =	ssyncadd.s32 $0xFFFFC000  }
0x5a: {  	[tilespmem:s16], [sflag:$0x1] =	stream.indirect.gather [hbm4b:s4+s15], $0x80, s19, s15, $0xb8;
	[tilespmem:$0x1E000] =	vst v63  }
0x5b: {  	_ =	swait.ge [sflag:s17], $0x4000  }
0x5c: {  	[sflag:s17] =	ssyncset.done $0x0  }
.Ltmp6:
0x5d: {  	s19 =	sadd.s32 $0x3000, s19;
	[sflag:s17] =	ssyncadd.s32 $0xFFFFC000;
	(pc) =	sbr.rel .LBB2_8-.Ltmp6, $4  }
0x5e: {  	[spmem:s2] =	stream.indirect.scatter.add.f32 [tilespmem:s16], [sflag:$0x2], $0x80, s19, s15, $0xb8;
	[tilespmem:$0x1E000] =	vst v63  }
0x5f: {  	_ =	swait.ge [sflag:s13], $0x4000  }
0x60: {  	[sflag:s13] =	ssyncset.done $0x0  }
0x61: {  	[sflag:s13] =	ssyncadd.s32 $0xFFFFC000  }
.LBB2_9:
0x62: {  	_ =	sfence.sel $0x180000  }
0x63: {  	[bflag:$0x0] =	sbarrier.arrive $0xFFFF  }
0x64: {  	p0 =	sne.s32 s1, $0x0;
	_ =	strace $0x90000053  }
0x65: {  	s0 =	sadd.s32 @!p0 $0x100000, s0;
	[bflag:$0x2] =	sbarrier.arrive $0xFFFF  }
0x66: {  	[sflag:s0] =	ssyncadd.tile.s32 @!p0 $0x1;
	_ =	shalt  }
.Lfunc_end2:
_tile_overlayer_lowered:
.L_overlay_start_2:
0x67: {  	(tag) =	ssettag $0x2  }
0x68: {  	s0 =	rddreg [dreg:$0x0];
	s2 =	stileid.u32  }
0x69: {  	s1 =	rddreg [dreg:$0x1];
	p0 =	sne.s32 s2, $0x0  }
0x6a: {  	s3 =	rddreg [dreg:$0x2];
	[bflag:$0x3] =	sbarrier.arrive $0xFFFF;
	s2 =	simm.s32 @!p0 $0x1C02  }
0x6b: {  	[timem:s3], [sflag:s2] =	dma.local @!p0 [hbm:s0], s1  }
0x6c: {  	s0 =	simm.s32 @!p0 $0x2  }
0x6d: {  	_ =	swait.ge @!p0 [sflag:s0], s1  }
0x6e: {  	s1 =	ssub.s32 @!p0 $0x0, s1;
	[sflag:s0] =	ssyncset.done @!p0 $0x0  }
0x6f: {  	[sflag:s0] =	ssyncadd.s32 @!p0 s1  }
0x70: {  	[bflag:$0x3] =	sbarrier.arrive $0xFFFF  }
0x71: {  	_ =	shalt  }

// kernel: kernel.31.cloned.1.call-start
scs
__scs_entry_jumppad:
0x0: {  	(pc) =	sbr.rel $0x88, $3  }
0x1: {  	(tag) =	ssettag $0x0;
	lr =	simm.s32 $0x1  }
0x2: {  	[smem:$0x3F8B] =	sst lr;
	_ =	strace $0xD0000000  }
0x3: {  	_ = 	snop  }
0x4: {  	_ = 	snop  }
0x5: {  	_ = 	snop  }
0x6: {  	_ = 	snop  }
0x7: {  	_ = 	snop  }
__scs_overlays_trampoline_lowered:
0x8: {  	[smem:$0x3F9A] =	sst s0  }
0x9: {  	[smem:$0x3F9B] =	sst s1  }
0xa: {  	[smem:$0x3F9C] =	sst s2  }
0xb: {  	[smem:$0x3F9D] =	sst s3  }
0xc: {  	[smem:$0x3F9E] =	sst s4  }
0xd: {  	[smem:$0x3F9F] =	sst s5  }
0xe: {  	[smem:$0x3FA0] =	sst s6  }
0xf: {  	[smem:$0x3FA1] =	sst s7  }
0x10: {  	[smem:$0x3FA2] =	sst s8  }
0x11: {  	[smem:$0x3FA3] =	sst s9;
	s0 =	simm.s32 @!p0 $0x0  }
0x12: {  	s1 =	sld [smem:$0x3F89];
	s0 =	simm.s32 @p0 $0x1  }
0x13: {  	[smem:$0x3FA4] =	sst s0;
	s0 =	simm.s32 @!p1 $0x0  }
0x14: {  	s2 =	sld [smem:$0x3F88];
	s0 =	simm.s32 @p1 $0x1  }
0x15: {  	[smem:$0x3FA5] =	sst s0;
	s0 =	simm.s32 @!p2 $0x0  }
0x16: {  	s3 =	sld [smem:$0x3FDB];
	s0 =	simm.s32 @p2 $0x1  }
0x17: {  	s4 =	simm.s32 $0x1BF5;
	[smem:$0x3FA7] =	sst s0  }
0x18: {  	s0 =	sld [smem:$0x3F8A];
	_ =	swait.ge [sflag:s4], $0x0  }
0x19: {  	s7 =	sld [smem:$0x3F8B]  }
0x1a: {  	s8 =	sadd.s32 $0xFFFFE003, lr  }
0x1b: {  	s9 =	sadd.s32 $0xFFFFFEF7, lr;
	s5 =	simm.s32 $0xFFFFFFFF;
	p2 =	slt.u32 s8, $0xFFFFF086  }
0x1c: {  	p1 =	slt.u32 s9, $0xF7A;
	s5 =	simm.s32 @!p2 $0x0  }
0x1d: {  	s5 =	simm.s32 @p1 $0x1;
	p0 =	seq.s32 s7, s2  }
0x1e: {  	s7 =	smul.u32 @!p0 $0xF7A, s2;
	p2 =	seq.s32 @!p0 s5, $0x0  }
0x1f: {  	s9 =	smul.u32 $0xF7A, s1;
	s8 =	simm.s32 @!p0 $0x1BF5;
	p2 =	por !p2, p0  }
0x20: {  	[sflag:s8] =	ssyncset.s32 @!p0 $0xFFFFF086;
	s6 =	sadd.s32 @!p0 s3, s7;
	s7 =	simm.s32 @!p0 $0x108  }
0x21: {  	s3 =	sadd.s32 s3, s9;
	s6 =	sadd.s32 @!p0 $0x88, s6;
	s7 =	simm.s32 @p2 $0x1082  }
0x22: {  	[simem:s7], [sflag:s8] =	dma.local @!p0 [hbm:s6], $0xF7A  }
0x23: {  	s9 =	sor.u32 $0xD0000000, s2;
	s6 =	simm.s32 $0x108;
	_ =	swait.ge @!p0 [sflag:s8], $0x0  }
0x24: {  	s3 =	sadd.s32 $0x88, s3;
	s6 =	simm.s32 @!p1 $0x1082;
	[sflag:s4] =	ssyncset.s32 $0xFFFFF086  }
0x25: {  	[simem:s6], [sflag:s4] =	dma.local [hbm:s3], $0xF7A  }
0x26: {  	[smem:$0x3F8B] =	sst s1;
	(tag) =	ssettag s2;
	_ =	strace s9  }
0x27: {  	s1 =	sld [smem:$0x3F9B]  }
0x28: {  	s2 =	sld [smem:$0x3F9C]  }
0x29: {  	s4 =	sld [smem:$0x3F9E]  }
0x2a: {  	p0 =	seq.s32 s5, $0x0;
	s5 =	sld [smem:$0x3F9F]  }
0x2b: {  	s6 =	sld [smem:$0x3FA0]  }
0x2c: {  	s7 =	sld [smem:$0x3FA1]  }
0x2d: {  	s3 =	simm.s32 $0x108;
	s8 =	sld [smem:$0x3FA2]  }
0x2e: {  	s3 =	simm.s32 @!p0 $0x1082;
	s9 =	sld [smem:$0x3FA3]  }
0x2f: {  	lr =	sadd.s32 s0, s3;
	s0 =	sld [smem:$0x3F9A]  }
0x30: {  	s3 =	sld [smem:$0x3F9D]  }
0x31: {  	[smem:$0x3FA6] =	sst s10  }
0x32: {  	s10 =	sld [smem:$0x3FA4];
	_ =	sdelay $0x3  }
0x33: {  	p0 =	seq.s32 s10, $0x1;
	s10 =	sld [smem:$0x3FA6];
	_ =	sdelay $0x3  }
0x34: {  	[smem:$0x3FA6] =	sst s10  }
0x35: {  	s10 =	sld [smem:$0x3FA5];
	_ =	sdelay $0x3  }
0x36: {  	p1 =	seq.s32 s10, $0x1;
	s10 =	sld [smem:$0x3FA6];
	_ =	sdelay $0x3  }
0x37: {  	[smem:$0x3FA6] =	sst s10  }
0x38: {  	s10 =	sld [smem:$0x3FA7]  }
0x39: {  	_ = 	snop;
	(pc) =	sbr.ind lr, $3  }
0x3a: {  	_ = 	snop  }
0x3b: {  	_ = 	snop  }
0x3c: {  	p2 =	seq.s32 s10, $0x1;
	s10 =	sld [smem:$0x3FA6]  }
0x3d: {  	_ =	shalt  }
0x3e: {  	_ =	shalt  }
0x3f: {  	_ =	shalt  }
0x40: {  	_ =	shalt  }
0x41: {  	_ =	shalt  }
0x42: {  	_ =	shalt  }
0x43: {  	_ =	shalt  }
0x44: {  	_ =	shalt  }
0x45: {  	_ =	shalt  }
0x46: {  	_ =	shalt  }
0x47: {  	_ =	shalt  }
0x48: {  	_ =	shalt  }
0x49: {  	_ =	shalt  }
0x4a: {  	_ =	shalt  }
0x4b: {  	_ =	shalt  }
0x4c: {  	_ =	shalt  }
0x4d: {  	_ =	shalt  }
0x4e: {  	_ =	shalt  }
0x4f: {  	_ =	shalt  }
0x50: {  	_ =	shalt  }
0x51: {  	_ =	shalt  }
0x52: {  	_ =	shalt  }
0x53: {  	_ =	shalt  }
0x54: {  	_ =	shalt  }
0x55: {  	_ =	shalt  }
0x56: {  	_ =	shalt  }
0x57: {  	_ =	shalt  }
0x58: {  	_ =	shalt  }
0x59: {  	_ =	shalt  }
0x5a: {  	_ =	shalt  }
0x5b: {  	_ =	shalt  }
0x5c: {  	_ =	shalt  }
0x5d: {  	_ =	shalt  }
0x5e: {  	_ =	shalt  }
0x5f: {  	_ =	shalt  }
0x60: {  	_ =	shalt  }
0x61: {  	_ =	shalt  }
0x62: {  	_ =	shalt  }
0x63: {  	_ =	shalt  }
0x64: {  	_ =	shalt  }
0x65: {  	_ =	shalt  }
0x66: {  	_ =	shalt  }
0x67: {  	_ =	shalt  }
0x68: {  	_ =	shalt  }
0x69: {  	_ =	shalt  }
0x6a: {  	_ =	shalt  }
0x6b: {  	_ =	shalt  }
0x6c: {  	_ =	shalt  }
0x6d: {  	_ =	shalt  }
0x6e: {  	_ =	shalt  }
0x6f: {  	_ =	shalt  }
0x70: {  	_ =	shalt  }
0x71: {  	_ =	shalt  }
0x72: {  	_ =	shalt  }
0x73: {  	_ =	shalt  }
0x74: {  	_ =	shalt  }
0x75: {  	_ =	shalt  }
0x76: {  	_ =	shalt  }
0x77: {  	_ =	shalt  }
0x78: {  	_ =	shalt  }
0x79: {  	_ =	shalt  }
0x7a: {  	_ =	shalt  }
0x7b: {  	_ =	shalt  }
0x7c: {  	_ =	shalt  }
0x7d: {  	_ =	shalt  }
0x7e: {  	_ =	shalt  }
0x7f: {  	_ =	shalt  }
0x80: {  	_ =	shalt  }
0x81: {  	_ =	shalt  }
0x82: {  	_ =	shalt  }
0x83: {  	_ =	shalt  }
0x84: {  	_ =	shalt  }
0x85: {  	_ =	shalt  }
0x86: {  	_ =	shalt  }
0x87: {  	_ =	shalt  }
.Lfunc_end0:
.L_simem_size_0:
called_computation.5_lowered:
.L_overlay_start_0:
0x88: {  	s2 =	sld [smem:$0x3FD9]  }
0x89: {  	s3 =	sld [smem:$0x3FFE];
	_ =	sdelay $0x1  }
0x8a: {  	s1 =	srdreg.scid  }
0x8b: {  	s0 =	sand.u32 $0x1, s1  }
0x8c: {  	s16 =	sshll.u32 s0, $0xA;
	s2 =	sadd.s32 s3, s2  }
0x8d: {  	s2 =	sadd.s32 s2, s16  }
0x8e: {  	[smem:$0x3FB2] =	sst s2  }
0x8f: {  	_ = 	snop  }
0x90: {  	(tm) =	ssettm $0x1  }
0x91: {  	s17 =	sld [smem:$0x3FFB];
	_ =	sdelay $0x3  }
0x92: {  	_ =	strace s17  }
0x93: {  	s2 =	sld [smem:$0x3FFC];
	_ =	sdelay $0x3  }
0x94: {  	_ =	strace s2  }
0x95: {  	s2 =	sld [smem:$0x3FFD];
	_ =	sdelay $0x3  }
0x96: {  	_ =	strace s2  }
0x97: {  	_ =	strace $0x8FFFFFFF  }
0x98: {  	s18 =	sld [smem:$0x3FDB];
	_ =	sdelay $0x1  }
0x99: {  	s19 =	simm.s32 $_scs_section_size  }
0x9a: {  	s4 =	simm.s32 $_size__tile_overlayer_lowered;
	s5 =	simm.s32 $_tile_overlayer_lowered  }
0x9b: {  	s22 =	simm.s32 $0x1BFF;
	s21 =	sshll.u32 s5, $0x1;
	s2 =	sadd.s32 s19, s18  }
0x9c: {  	s6 =	simm.s32 $0x0;
	s20 =	sshll.u32 s4, $0x1;
	s4 =	sadd.s32 s21, s2  }
0x9d: {  	[timem:s6], [sflag:s22] =	dma.local [hbm:s4], s20  }
0x9e: {  	_ =	swait.ge [sflag:s22], s20  }
0x9f: {  	s3 =	ssub.s32 $0x0, s20;
	[sflag:s22] =	ssyncset.done $0x0  }
0xa0: {  	[sflag:s22] =	ssyncadd.s32 s3;
	_ =	sdelay $0x1  }
0xa1: {  	s23 =	simm.s32 $0x1B8B  }
0xa2: {  	_ =	swait.ge [sflag:s23], $0x1  }
0xa3: {  	[sflag:s23] =	ssyncset.done $0x0  }
0xa4: {  	s25 =	simm.s32 $0x1B8E;
	s24 =	sld [smem:$0x3FFE];
	[sflag:s23] =	ssyncadd.s32 $0xFFFFFFFF  }
0xa5: {  	s26 =	simm.s32 $execute0_lowered;
	[smem:$0x3FD2] =	sst s25  }
0xa6: {  	s4 =	sshll.u32 s26, $0x1;
	_ =	strace $0x80000055;
	[dreg:$0x1] =	wrdreg $0xFFFFFFFF  }
0xa7: {  	s28 =	simm.s32 $_size_execute0_lowered;
	s2 =	sadd.s32 s2, s4;
	[dreg:$0x0] =	wrdreg $0x0  }
0xa8: {  	s4 =	sshll.u32 s28, $0x1;
	[dreg:$0x2] =	wrdreg s2  }
0xa9: {  	[dreg:$0x3] =	wrdreg s4  }
0xaa: {  	[dreg:$0x4] =	wrdreg $0xC0  }
0xab: {  	_ =	task [dreg:s6], $0x5FFFF  }
0xac: {  	[dreg:$0x1] =	wrdreg $0xFFFFFFFF  }
0xad: {  	[dreg:$0x0] =	wrdreg $0x60  }
0xae: {  	[dreg:$0x2] =	wrdreg s24  }
0xaf: {  	[dreg:$0x3] =	wrdreg $0xA0000  }
0xb0: {  	[dreg:$0x4] =	wrdreg $0x9  }
0xb1: {  	_ =	task.clear_ibuf [dreg:s6], $0x5FFFF;
	_ =	strace $0x90000055  }
0xb2: {  	s29 =	simm.s32 $0x9;
	_ =	strace $0x80000057  }
0xb3: {  	_ =	swait.ge [sflag:s29], $0x1  }
0xb4: {  	[sflag:s29] =	ssyncadd.s32 $0xFFFFFFFF  }
0xb5: {  	_ =	strace $0x90000057  }
0xb6: {  	_ =	sfence  }
0xb7: {  	s30 =	sld [smem:$0x0];
	_ =	sdelay $0x2  }
0xb8: {  	s31 =	sshll.u32 s1, $0xD;
	s1 =	sshrl.u32 s1, $0x2  }
0xb9: {  	s3 =	sand.u32 $0x4000, s31;
	s1 =	sadd.s32 s1, s30  }
0xba: {  	s0 =	sor.u32 s3, s0;
	s1 =	sshll.u32 s1, $0x11  }
0xbb: {  	s0 =	sor.u32 s1, s0  }
0xbc: {  	s0 =	sadd.s32 $0x8F2B, s0  }
0xbd: {  	[sflag:s0] =	ssyncadd.remote.s32 $0x1  }
0xbe: {  	_ =	sfence.sel $0xFFFF  }
0xbf: {  	[dreg:$0x0] =	wrdreg $0xFFFFFFFF;
	(pc) =	sbr.abs _section_cstart, $3  }
0xc0: {  	[dreg:$0x1] =	wrdreg $0xFFFFFFFF  }
0xc1: {  	_ =	task.clear_ibuf [dreg:s6], $0x2FFFF;
	_ =	strace $0x9FFFFFFF  }
0xc2: {  	(tm) =	ssettm $0x7FFFFFFF  }
0xc3: {  	_ =	shalt  }
tec
execute0_lowered:
.L_overlay_start_1:
0x0: {  	(tag) =	ssettag $0x1  }
0x1: {  	s6 =	rddreg [dreg:$0x0]  }
0x2: {  	s2 =	rddreg [dreg:$0x1]  }
0x3: {  	s0 =	rddreg [dreg:$0x2];
	s3 =	simm.s32 $0x0;
	s1 =	stileid.u32  }
0x4: {  	s4 =	srdreg.scid;
	s16 =	simm.s32 $0x6000;
	s17 =	simm.s32 $0x1  }
0x5: {  	[smem:$0x7FF] =	sst s3;
	s5 =	smul.u32 $0x600, s1;
	s7 =	sand.u32 $0x1, s4  }
0x6: {  	s4 =	sadd.s32 $0x11800, s6;
	s8 =	sshll.u32 s1, $0xA;
	s29 =	smul.u32 $0x50000, s1  }
0x7: {  	s13 =	sshll.u32 s1, $0x6;
	s19 =	smul.u32 $0x2800, s1;
	_ =	strace $0x80000056  }
0x8: {  	s9 =	smul.u32 $0x28000, s7;
	s11 =	sadd.s32 s8, s6;
	s30 =	ssub.s32 $0x2, s7  }
0x9: {  	p0 =	seq.s32 s7, $0x1;
	s10 =	sadd.s32 s5, s6;
	s5 =	sadd.s32 $0xF000, s6  }
0xa: {  	s31 =	sshrl.u32 s30, $0x1;
	s8 =	sshrl.u32 s29, $0x2;
	s12 =	sadd.s32 s9, s6  }
.Ltmp0:
0xb: {  	s14 =	ssub.s32 s30, s31;
	s15 =	sadd.s32 s8, s2;
	(pc) =	sbr.rel .LBB2_1-.Ltmp0, $4  }
0xc: {  	s6 =	sor.u32 $0x1C02, s13;
	s7 =	sadd.s32 $0x69800, s10;
	s8 =	sadd.s32 $0x6F800, s10  }
0xd: {  	s9 =	sadd.s32 $0x61800, s11;
	s10 =	sadd.s32 $0x65800, s11;
	s13 =	simm.s32 $0x2  }
0xe: {  	s18 =	sadd.s32 $0x75800, s12;
	s11 =	smax.u32 s14, $0x1;
	s12 =	sshrl.u32 s15, $0x3  }
0xf: {  	s14 =	simm.s32 $0x3000;
	s15 =	simm.s32 $0x80;
	s18 =	sadd.s32 s19, s18  }
.LBB2_7:
0x10: {  	s19 =	sshra.s32 s19, $0x2;
	[sflag:s13] =	ssyncadd.s32 $0xFFFFC000  }
0x11: {  	[tilespmem:s16], [sflag:$0x1] =	stream.indirect.gather [hbm4b:s4+s15], $0x80, s19, s15, $0xb8;
	[tilespmem:$0x1E000] =	vst v63  }
0x12: {  	_ =	swait.ge [sflag:s17], $0x4000  }
0x13: {  	[sflag:s17] =	ssyncset.done $0x0  }
0x14: {  	s19 =	sadd.s32 $0x3000, s19;
	[sflag:s17] =	ssyncadd.s32 $0xFFFFC000  }
0x15: {  	[spmem:s2] =	stream.indirect.scatter.add.f32 [tilespmem:s16], [sflag:$0x2], $0x80, s19, s15, $0xb8;
	[tilespmem:$0x1E000] =	vst v63  }
0x16: {  	_ =	swait.ge [sflag:s13], $0x4000  }
0x17: {  	[sflag:s13] =	ssyncset.done $0x0  }
0x18: {  	[sflag:s13] =	ssyncadd.s32 $0xFFFFC000  }
.LBB2_8:
0x19: {  	s3 =	sadd.s32 $0x1, s3  }
0x1a: {  	p1 =	sne.s32 s3, s11  }
.Ltmp1:
0x1b: {  	[bflag:$0x0] =	sbarrier.arrive $0xFFFF;
	(pc) =	sbr.rel @!p1 .LBB2_9-.Ltmp1, $4  }
0x1c: {  	[hbm:s18], [sflag:s6] =	dma.local [spmem:s12], $0x2800  }
0x1d: {  	_ =	swait.ge [sflag:s13], $0x2800  }
0x1e: {  	[sflag:s13] =	ssyncset.done $0x0  }
0x1f: {  	[sflag:s13] =	ssyncadd.s32 $0xFFFFD800  }
.LBB2_1:
.Ltmp2:
0x20: {  	(pc) =	sbr.rel @!p0 .LBB2_2-.Ltmp2, $4  }
0x21: {  	[spmem:s12], [sflag:s6] =	dma.local [hbm:s5], $0x2800  }
0x22: {  	_ =	swait.ge [sflag:s13], $0x2800  }
0x23: {  	[sflag:s13] =	ssyncset.done $0x0  }
0x24: {  	s19 =	simm.s32 $0x0;
	[sflag:s13] =	ssyncadd.s32 $0xFFFFD800  }
0x25: {  	[tilespmem:s19], [sflag:$0x2] =	stream.linear.gather [hbm4b:s9+s19], $0x1F00, $0x38;
	[tilespmem:$0x1E000] =	vst v63  }
0x26: {  	_ =	swait.ge [sflag:s13], $0x1F00  }
0x27: {  	[sflag:s13] =	ssyncset.done $0x0  }
0x28: {  	[sflag:s13] =	ssyncadd.s32 $0xFFFFE100  }
0x29: {  	[tilespmem:s14], [sflag:$0x2] =	stream.linear.gather [hbm4b:s10+s19], $0x1F00, $0x38;
	[tilespmem:$0x1E000] =	vst v63  }
0x2a: {  	_ =	swait.ge [sflag:s13], $0x1F00  }
0x2b: {  	[sflag:s13] =	ssyncset.done $0x0  }
0x2c: {  	[sflag:s13] =	ssyncadd.s32 $0xFFFFE100  }
0x2d: {  	s30 =	simm.s32 $0x0;
	[bflag:$0x0] =	sbarrier.arrive $0xFFFF  }
0x2e: {  	[tilespmem:s16], [sflag:$0x1] =	stream.indirect.gather [hbm4b:s4+s15], $0x80, s30, s15, $0xb8;
	[tilespmem:$0x1E000] =	vst v63  }
0x2f: {  	_ =	swait.ge [sflag:s17], $0x4000  }
0x30: {  	[sflag:s17] =	ssyncset.done $0x0  }
0x31: {  	s31 =	simm.s32 $0x3000;
	[sflag:s17] =	ssyncadd.s32 $0xFFFFC000  }
0x32: {  	[spmem:s2] =	stream.indirect.scatter.add.f32 [tilespmem:s16], [sflag:$0x2], $0x80, s31, s15, $0xb8;
	[tilespmem:$0x1E000] =	vst v63  }
0x33: {  	_ =	swait.ge [sflag:s13], $0x4000  }
0x34: {  	s20 =	simm.s32 $0x400;
	s19 =	simm.s32 $0x200;
	[sflag:s13] =	ssyncset.done $0x0  }
.LBB2_6:
0x35: {  	s21 =	sshra.s32 s19, $0x2  }
0x36: {  	[sflag:s13] =	ssyncadd.s32 $0xFFFFC000;
	s19 =	smov.u32 s20;
	s22 =	sadd.s32 $0x200, s20  }
0x37: {  	[tilespmem:s16], [sflag:$0x1] =	stream.indirect.gather [hbm4b:s4+s15], $0x80, s21, s15, $0xb8;
	[tilespmem:$0x1E000] =	vst v63  }
0x38: {  	p1 =	sne.s32 s20, $0x7A00;
	_ =	swait.ge [sflag:s17], $0x4000  }
.Ltmp3:
0x39: {  	[sflag:s17] =	ssyncset.done $0x0;
	(pc) =	sbr.rel @p1 .LBB2_6-.Ltmp3, $4  }
0x3a: {  	s20 =	sadd.s32 $0x3000, s21;
	[sflag:s17] =	ssyncadd.s32 $0xFFFFC000  }
0x3b: {  	[spmem:s2] =	stream.indirect.scatter.add.f32 [tilespmem:s16], [sflag:$0x2], $0x80, s20, s15, $0xb8;
	[tilespmem:$0x1E000] =	vst v63  }
0x3c: {  	_ =	swait.ge [sflag:s13], $0x4000  }
0x3d: {  	s20 =	smov.u32 s22;
	[sflag:s13] =	ssyncset.done $0x0  }
.Ltmp4:
0x3e: {  	_ = 	snop;
	(pc) =	sbr.rel .LBB2_7-.Ltmp4, $1  }
0x3f: {  	_ =	sdelay $0x3  }
.LBB2_2:
0x40: {  	[tilespmem:s19], [sflag:$0x2] =	stream.linear.gather [hbm4b:s7+s19], $0x2F80, $0x38;
	[tilespmem:$0x1E000] =	vst v63  }
0x41: {  	_ =	swait.ge [sflag:s13], $0x2F80  }
0x42: {  	[sflag:s13] =	ssyncset.done $0x0  }
0x43: {  	[sflag:s13] =	ssyncadd.s32 $0xFFFFD080  }
0x44: {  	[tilespmem:s14], [sflag:$0x2] =	stream.linear.gather [hbm4b:s8+s19], $0x2F80, $0x38;
	[tilespmem:$0x1E000] =	vst v63  }
0x45: {  	_ =	swait.ge [sflag:s13], $0x2F80  }
0x46: {  	[sflag:s13] =	ssyncset.done $0x0  }
0x47: {  	[sflag:s13] =	ssyncadd.s32 $0xFFFFD080  }
0x48: {  	s30 =	simm.s32 $0x0;
	[bflag:$0x0] =	sbarrier.arrive $0xFFFF  }
0x49: {  	[tilespmem:s16], [sflag:$0x1] =	stream.indirect.gather [hbm4b:s4+s15], $0x80, s30, s15, $0xb8;
	[tilespmem:$0x1E000] =	vst v63  }
0x4a: {  	_ =	swait.ge [sflag:s17], $0x4000  }
0x4b: {  	[sflag:s17] =	ssyncset.done $0x0  }
0x4c: {  	s31 =	simm.s32 $0x3000;
	[sflag:s17] =	ssyncadd.s32 $0xFFFFC000  }
0x4d: {  	[spmem:s2] =	stream.indirect.scatter.add.f32 [tilespmem:s16], [sflag:$0x2], $0x80, s31, s15, $0xb8;
	[tilespmem:$0x1E000] =	vst v63  }
0x4e: {  	_ =	swait.ge [sflag:s13], $0x4000  }
0x4f: {  	s20 =	simm.s32 $0x400;
	s19 =	simm.s32 $0x200;
	[sflag:s13] =	ssyncset.done $0x0  }
.LBB2_3:
0x50: {  	s21 =	sshra.s32 s19, $0x2  }
0x51: {  	[sflag:s13] =	ssyncadd.s32 $0xFFFFC000;
	s19 =	smov.u32 s20;
	s22 =	sadd.s32 $0x200, s20  }
0x52: {  	[tilespmem:s16], [sflag:$0x1] =	stream.indirect.gather [hbm4b:s4+s15], $0x80, s21, s15, $0xb8;
	[tilespmem:$0x1E000] =	vst v63  }
0x53: {  	p1 =	seq.s32 s20, $0xBC00;
	_ =	swait.ge [sflag:s17], $0x4000  }
.Ltmp5:
0x54: {  	[sflag:s17] =	ssyncset.done $0x0;
	(pc) =	sbr.rel @!p1 .LBB2_3-.Ltmp5, $4  }
0x55: {  	s20 =	sadd.s32 $0x3000, s21;
	[sflag:s17] =	ssyncadd.s32 $0xFFFFC000  }
0x56: {  	[spmem:s2] =	stream.indirect.scatter.add.f32 [tilespmem:s16], [sflag:$0x2], $0x80, s20, s15, $0xb8;
	[tilespmem:$0x1E000] =	vst v63  }
0x57: {  	_ =	swait.ge [sflag:s13], $0x4000  }
0x58: {  	s20 =	smov.u32 s22;
	[sflag:s13] =	ssyncset.done $0x0  }
0x59: {  	s19 =	sshra.s32 s19, $0x2;
	[sflag:s13] =	ssyncadd.s32 $0xFFFFC000  }
0x5a: {  	[tilespmem:s16], [sflag:$0x1] =	stream.indirect.gather [hbm4b:s4+s15], $0x80, s19, s15, $0xb8;
	[tilespmem:$0x1E000] =	vst v63  }
0x5b: {  	_ =	swait.ge [sflag:s17], $0x4000  }
0x5c: {  	[sflag:s17] =	ssyncset.done $0x0  }
.Ltmp6:
0x5d: {  	s19 =	sadd.s32 $0x3000, s19;
	[sflag:s17] =	ssyncadd.s32 $0xFFFFC000;
	(pc) =	sbr.rel .LBB2_8-.Ltmp6, $4  }
0x5e: {  	[spmem:s2] =	stream.indirect.scatter.add.f32 [tilespmem:s16], [sflag:$0x2], $0x80, s19, s15, $0xb8;
	[tilespmem:$0x1E000] =	vst v63  }
0x5f: {  	_ =	swait.ge [sflag:s13], $0x4000  }
0x60: {  	[sflag:s13] =	ssyncset.done $0x0  }
0x61: {  	[sflag:s13] =	ssyncadd.s32 $0xFFFFC000  }
.LBB2_9:
0x62: {  	_ =	sfence.sel $0x180000  }
0x63: {  	[bflag:$0x0] =	sbarrier.arrive $0xFFFF  }
0x64: {  	p0 =	sne.s32 s1, $0x0;
	_ =	strace $0x90000056  }
0x65: {  	s0 =	sadd.s32 @!p0 $0x100000, s0;
	[bflag:$0x2] =	sbarrier.arrive $0xFFFF  }
0x66: {  	[sflag:s0] =	ssyncadd.tile.s32 @!p0 $0x1;
	_ =	shalt  }
.Lfunc_end2:
_tile_overlayer_lowered:
.L_overlay_start_2:
0x67: {  	(tag) =	ssettag $0x2  }
0x68: {  	s0 =	rddreg [dreg:$0x0];
	s2 =	stileid.u32  }
0x69: {  	s1 =	rddreg [dreg:$0x1];
	p0 =	sne.s32 s2, $0x0  }
0x6a: {  	s3 =	rddreg [dreg:$0x2];
	[bflag:$0x3] =	sbarrier.arrive $0xFFFF;
	s2 =	simm.s32 @!p0 $0x1C02  }
0x6b: {  	[timem:s3], [sflag:s2] =	dma.local @!p0 [hbm:s0], s1  }
0x6c: {  	s0 =	simm.s32 @!p0 $0x2  }
0x6d: {  	_ =	swait.ge @!p0 [sflag:s0], s1  }
0x6e: {  	s1 =	ssub.s32 @!p0 $0x0, s1;
	[sflag:s0] =	ssyncset.done @!p0 $0x0  }
0x6f: {  	[sflag:s0] =	ssyncadd.s32 @!p0 s1  }
0x70: {  	[bflag:$0x3] =	sbarrier.arrive $0xFFFF  }
0x71: {  	_ =	shalt  }

// kernel: kernel.34.cloned.1.call-start
scs
__scs_entry_jumppad:
0x0: {  	(pc) =	sbr.rel $0x88, $3  }
0x1: {  	(tag) =	ssettag $0x0;
	lr =	simm.s32 $0x1  }
0x2: {  	[smem:$0x3F8B] =	sst lr;
	_ =	strace $0xD0000000  }
0x3: {  	_ = 	snop  }
0x4: {  	_ = 	snop  }
0x5: {  	_ = 	snop  }
0x6: {  	_ = 	snop  }
0x7: {  	_ = 	snop  }
__scs_overlays_trampoline_lowered:
0x8: {  	[smem:$0x3F9A] =	sst s0  }
0x9: {  	[smem:$0x3F9B] =	sst s1  }
0xa: {  	[smem:$0x3F9C] =	sst s2  }
0xb: {  	[smem:$0x3F9D] =	sst s3  }
0xc: {  	[smem:$0x3F9E] =	sst s4  }
0xd: {  	[smem:$0x3F9F] =	sst s5  }
0xe: {  	[smem:$0x3FA0] =	sst s6  }
0xf: {  	[smem:$0x3FA1] =	sst s7  }
0x10: {  	[smem:$0x3FA2] =	sst s8  }
0x11: {  	[smem:$0x3FA3] =	sst s9;
	s0 =	simm.s32 @!p0 $0x0  }
0x12: {  	s1 =	sld [smem:$0x3F89];
	s0 =	simm.s32 @p0 $0x1  }
0x13: {  	[smem:$0x3FA4] =	sst s0;
	s0 =	simm.s32 @!p1 $0x0  }
0x14: {  	s2 =	sld [smem:$0x3F88];
	s0 =	simm.s32 @p1 $0x1  }
0x15: {  	[smem:$0x3FA5] =	sst s0;
	s0 =	simm.s32 @!p2 $0x0  }
0x16: {  	s3 =	sld [smem:$0x3FDB];
	s0 =	simm.s32 @p2 $0x1  }
0x17: {  	s4 =	simm.s32 $0x1BF5;
	[smem:$0x3FA7] =	sst s0  }
0x18: {  	s0 =	sld [smem:$0x3F8A];
	_ =	swait.ge [sflag:s4], $0x0  }
0x19: {  	s7 =	sld [smem:$0x3F8B]  }
0x1a: {  	s8 =	sadd.s32 $0xFFFFE003, lr  }
0x1b: {  	s9 =	sadd.s32 $0xFFFFFEF7, lr;
	s5 =	simm.s32 $0xFFFFFFFF;
	p2 =	slt.u32 s8, $0xFFFFF086  }
0x1c: {  	p1 =	slt.u32 s9, $0xF7A;
	s5 =	simm.s32 @!p2 $0x0  }
0x1d: {  	s5 =	simm.s32 @p1 $0x1;
	p0 =	seq.s32 s7, s2  }
0x1e: {  	s7 =	smul.u32 @!p0 $0xF7A, s2;
	p2 =	seq.s32 @!p0 s5, $0x0  }
0x1f: {  	s9 =	smul.u32 $0xF7A, s1;
	s8 =	simm.s32 @!p0 $0x1BF5;
	p2 =	por !p2, p0  }
0x20: {  	[sflag:s8] =	ssyncset.s32 @!p0 $0xFFFFF086;
	s6 =	sadd.s32 @!p0 s3, s7;
	s7 =	simm.s32 @!p0 $0x108  }
0x21: {  	s3 =	sadd.s32 s3, s9;
	s6 =	sadd.s32 @!p0 $0x88, s6;
	s7 =	simm.s32 @p2 $0x1082  }
0x22: {  	[simem:s7], [sflag:s8] =	dma.local @!p0 [hbm:s6], $0xF7A  }
0x23: {  	s9 =	sor.u32 $0xD0000000, s2;
	s6 =	simm.s32 $0x108;
	_ =	swait.ge @!p0 [sflag:s8], $0x0  }
0x24: {  	s3 =	sadd.s32 $0x88, s3;
	s6 =	simm.s32 @!p1 $0x1082;
	[sflag:s4] =	ssyncset.s32 $0xFFFFF086  }
0x25: {  	[simem:s6], [sflag:s4] =	dma.local [hbm:s3], $0xF7A  }
0x26: {  	[smem:$0x3F8B] =	sst s1;
	(tag) =	ssettag s2;
	_ =	strace s9  }
0x27: {  	s1 =	sld [smem:$0x3F9B]  }
0x28: {  	s2 =	sld [smem:$0x3F9C]  }
0x29: {  	s4 =	sld [smem:$0x3F9E]  }
0x2a: {  	p0 =	seq.s32 s5, $0x0;
	s5 =	sld [smem:$0x3F9F]  }
0x2b: {  	s6 =	sld [smem:$0x3FA0]  }
0x2c: {  	s7 =	sld [smem:$0x3FA1]  }
0x2d: {  	s3 =	simm.s32 $0x108;
	s8 =	sld [smem:$0x3FA2]  }
0x2e: {  	s3 =	simm.s32 @!p0 $0x1082;
	s9 =	sld [smem:$0x3FA3]  }
0x2f: {  	lr =	sadd.s32 s0, s3;
	s0 =	sld [smem:$0x3F9A]  }
0x30: {  	s3 =	sld [smem:$0x3F9D]  }
0x31: {  	[smem:$0x3FA6] =	sst s10  }
0x32: {  	s10 =	sld [smem:$0x3FA4];
	_ =	sdelay $0x3  }
0x33: {  	p0 =	seq.s32 s10, $0x1;
	s10 =	sld [smem:$0x3FA6];
	_ =	sdelay $0x3  }
0x34: {  	[smem:$0x3FA6] =	sst s10  }
0x35: {  	s10 =	sld [smem:$0x3FA5];
	_ =	sdelay $0x3  }
0x36: {  	p1 =	seq.s32 s10, $0x1;
	s10 =	sld [smem:$0x3FA6];
	_ =	sdelay $0x3  }
0x37: {  	[smem:$0x3FA6] =	sst s10  }
0x38: {  	s10 =	sld [smem:$0x3FA7]  }
0x39: {  	_ = 	snop;
	(pc) =	sbr.ind lr, $3  }
0x3a: {  	_ = 	snop  }
0x3b: {  	_ = 	snop  }
0x3c: {  	p2 =	seq.s32 s10, $0x1;
	s10 =	sld [smem:$0x3FA6]  }
0x3d: {  	_ =	shalt  }
0x3e: {  	_ =	shalt  }
0x3f: {  	_ =	shalt  }
0x40: {  	_ =	shalt  }
0x41: {  	_ =	shalt  }
0x42: {  	_ =	shalt  }
0x43: {  	_ =	shalt  }
0x44: {  	_ =	shalt  }
0x45: {  	_ =	shalt  }
0x46: {  	_ =	shalt  }
0x47: {  	_ =	shalt  }
0x48: {  	_ =	shalt  }
0x49: {  	_ =	shalt  }
0x4a: {  	_ =	shalt  }
0x4b: {  	_ =	shalt  }
0x4c: {  	_ =	shalt  }
0x4d: {  	_ =	shalt  }
0x4e: {  	_ =	shalt  }
0x4f: {  	_ =	shalt  }
0x50: {  	_ =	shalt  }
0x51: {  	_ =	shalt  }
0x52: {  	_ =	shalt  }
0x53: {  	_ =	shalt  }
0x54: {  	_ =	shalt  }
0x55: {  	_ =	shalt  }
0x56: {  	_ =	shalt  }
0x57: {  	_ =	shalt  }
0x58: {  	_ =	shalt  }
0x59: {  	_ =	shalt  }
0x5a: {  	_ =	shalt  }
0x5b: {  	_ =	shalt  }
0x5c: {  	_ =	shalt  }
0x5d: {  	_ =	shalt  }
0x5e: {  	_ =	shalt  }
0x5f: {  	_ =	shalt  }
0x60: {  	_ =	shalt  }
0x61: {  	_ =	shalt  }
0x62: {  	_ =	shalt  }
0x63: {  	_ =	shalt  }
0x64: {  	_ =	shalt  }
0x65: {  	_ =	shalt  }
0x66: {  	_ =	shalt  }
0x67: {  	_ =	shalt  }
0x68: {  	_ =	shalt  }
0x69: {  	_ =	shalt  }
0x6a: {  	_ =	shalt  }
0x6b: {  	_ =	shalt  }
0x6c: {  	_ =	shalt  }
0x6d: {  	_ =	shalt  }
0x6e: {  	_ =	shalt  }
0x6f: {  	_ =	shalt  }
0x70: {  	_ =	shalt  }
0x71: {  	_ =	shalt  }
0x72: {  	_ =	shalt  }
0x73: {  	_ =	shalt  }
0x74: {  	_ =	shalt  }
0x75: {  	_ =	shalt  }
0x76: {  	_ =	shalt  }
0x77: {  	_ =	shalt  }
0x78: {  	_ =	shalt  }
0x79: {  	_ =	shalt  }
0x7a: {  	_ =	shalt  }
0x7b: {  	_ =	shalt  }
0x7c: {  	_ =	shalt  }
0x7d: {  	_ =	shalt  }
0x7e: {  	_ =	shalt  }
0x7f: {  	_ =	shalt  }
0x80: {  	_ =	shalt  }
0x81: {  	_ =	shalt  }
0x82: {  	_ =	shalt  }
0x83: {  	_ =	shalt  }
0x84: {  	_ =	shalt  }
0x85: {  	_ =	shalt  }
0x86: {  	_ =	shalt  }
0x87: {  	_ =	shalt  }
.Lfunc_end0:
.L_simem_size_0:
called_computation.6_lowered:
.L_overlay_start_0:
0x88: {  	s2 =	sld [smem:$0x3FD9]  }
0x89: {  	s3 =	sld [smem:$0x3FFE];
	_ =	sdelay $0x1  }
0x8a: {  	s1 =	srdreg.scid  }
0x8b: {  	s0 =	sand.u32 $0x1, s1  }
0x8c: {  	s16 =	sshll.u32 s0, $0xA;
	s2 =	sadd.s32 s3, s2  }
0x8d: {  	s2 =	sadd.s32 s2, s16  }
0x8e: {  	[smem:$0x3FB2] =	sst s2  }
0x8f: {  	_ = 	snop  }
0x90: {  	(tm) =	ssettm $0x1  }
0x91: {  	s17 =	sld [smem:$0x3FFB];
	_ =	sdelay $0x3  }
0x92: {  	_ =	strace s17  }
0x93: {  	s2 =	sld [smem:$0x3FFC];
	_ =	sdelay $0x3  }
0x94: {  	_ =	strace s2  }
0x95: {  	s2 =	sld [smem:$0x3FFD];
	_ =	sdelay $0x3  }
0x96: {  	_ =	strace s2  }
0x97: {  	_ =	strace $0x8FFFFFFF  }
0x98: {  	s18 =	sld [smem:$0x3FDB];
	_ =	sdelay $0x1  }
0x99: {  	s19 =	simm.s32 $_scs_section_size  }
0x9a: {  	s4 =	simm.s32 $_size__tile_overlayer_lowered;
	s5 =	simm.s32 $_tile_overlayer_lowered  }
0x9b: {  	s22 =	simm.s32 $0x1BFF;
	s21 =	sshll.u32 s5, $0x1;
	s2 =	sadd.s32 s19, s18  }
0x9c: {  	s6 =	simm.s32 $0x0;
	s20 =	sshll.u32 s4, $0x1;
	s4 =	sadd.s32 s21, s2  }
0x9d: {  	[timem:s6], [sflag:s22] =	dma.local [hbm:s4], s20  }
0x9e: {  	_ =	swait.ge [sflag:s22], s20  }
0x9f: {  	s3 =	ssub.s32 $0x0, s20;
	[sflag:s22] =	ssyncset.done $0x0  }
0xa0: {  	[sflag:s22] =	ssyncadd.s32 s3;
	_ =	sdelay $0x1  }
0xa1: {  	s23 =	simm.s32 $0x1B8B  }
0xa2: {  	_ =	swait.ge [sflag:s23], $0x1  }
0xa3: {  	[sflag:s23] =	ssyncset.done $0x0  }
0xa4: {  	s25 =	simm.s32 $0x1B8E;
	s24 =	sld [smem:$0x3FFE];
	[sflag:s23] =	ssyncadd.s32 $0xFFFFFFFF  }
0xa5: {  	s26 =	simm.s32 $execute0_lowered;
	[smem:$0x3FD2] =	sst s25  }
0xa6: {  	s4 =	sshll.u32 s26, $0x1;
	_ =	strace $0x80000058;
	[dreg:$0x1] =	wrdreg $0xFFFFFFFF  }
0xa7: {  	s28 =	simm.s32 $_size_execute0_lowered;
	s2 =	sadd.s32 s2, s4;
	[dreg:$0x0] =	wrdreg $0x0  }
0xa8: {  	s4 =	sshll.u32 s28, $0x1;
	[dreg:$0x2] =	wrdreg s2  }
0xa9: {  	[dreg:$0x3] =	wrdreg s4  }
0xaa: {  	[dreg:$0x4] =	wrdreg $0xC0  }
0xab: {  	_ =	task [dreg:s6], $0x5FFFF  }
0xac: {  	[dreg:$0x1] =	wrdreg $0xFFFFFFFF  }
0xad: {  	[dreg:$0x0] =	wrdreg $0x60  }
0xae: {  	[dreg:$0x2] =	wrdreg s24  }
0xaf: {  	[dreg:$0x3] =	wrdreg $0xA0000  }
0xb0: {  	[dreg:$0x4] =	wrdreg $0x9  }
0xb1: {  	_ =	task.clear_ibuf [dreg:s6], $0x5FFFF;
	_ =	strace $0x90000058  }
0xb2: {  	s29 =	simm.s32 $0x9;
	_ =	strace $0x8000005A  }
0xb3: {  	_ =	swait.ge [sflag:s29], $0x1  }
0xb4: {  	[sflag:s29] =	ssyncadd.s32 $0xFFFFFFFF  }
0xb5: {  	_ =	strace $0x9000005A  }
0xb6: {  	_ =	sfence  }
0xb7: {  	s30 =	sld [smem:$0x0];
	_ =	sdelay $0x2  }
0xb8: {  	s31 =	sshll.u32 s1, $0xD;
	s1 =	sshrl.u32 s1, $0x2  }
0xb9: {  	s3 =	sand.u32 $0x4000, s31;
	s1 =	sadd.s32 s1, s30  }
0xba: {  	s0 =	sor.u32 s3, s0;
	s1 =	sshll.u32 s1, $0x11  }
0xbb: {  	s0 =	sor.u32 s1, s0  }
0xbc: {  	s0 =	sadd.s32 $0x8F2B, s0  }
0xbd: {  	[sflag:s0] =	ssyncadd.remote.s32 $0x1  }
0xbe: {  	_ =	sfence.sel $0xFFFF  }
0xbf: {  	[dreg:$0x0] =	wrdreg $0xFFFFFFFF;
	(pc) =	sbr.abs _section_cstart, $3  }
0xc0: {  	[dreg:$0x1] =	wrdreg $0xFFFFFFFF  }
0xc1: {  	_ =	task.clear_ibuf [dreg:s6], $0x2FFFF;
	_ =	strace $0x9FFFFFFF  }
0xc2: {  	(tm) =	ssettm $0x7FFFFFFF  }
0xc3: {  	_ =	shalt  }
tec
execute0_lowered:
.L_overlay_start_1:
0x0: {  	(tag) =	ssettag $0x1  }
0x1: {  	s6 =	rddreg [dreg:$0x0]  }
0x2: {  	s2 =	rddreg [dreg:$0x1]  }
0x3: {  	s0 =	rddreg [dreg:$0x2];
	s3 =	simm.s32 $0x0;
	s1 =	stileid.u32  }
0x4: {  	s4 =	srdreg.scid;
	s16 =	simm.s32 $0x6000;
	s17 =	simm.s32 $0x1  }
0x5: {  	[smem:$0x7FF] =	sst s3;
	s5 =	smul.u32 $0x600, s1;
	s7 =	sand.u32 $0x1, s4  }
0x6: {  	s4 =	sadd.s32 $0x11800, s6;
	s8 =	sshll.u32 s1, $0xA;
	s29 =	smul.u32 $0x50000, s1  }
0x7: {  	s13 =	sshll.u32 s1, $0x6;
	s19 =	smul.u32 $0x2800, s1;
	_ =	strace $0x80000059  }
0x8: {  	s9 =	smul.u32 $0x28000, s7;
	s11 =	sadd.s32 s8, s6;
	s30 =	ssub.s32 $0x2, s7  }
0x9: {  	p0 =	seq.s32 s7, $0x1;
	s10 =	sadd.s32 s5, s6;
	s5 =	sadd.s32 $0xF000, s6  }
0xa: {  	s31 =	sshrl.u32 s30, $0x1;
	s8 =	sshrl.u32 s29, $0x2;
	s12 =	sadd.s32 s9, s6  }
.Ltmp0:
0xb: {  	s14 =	ssub.s32 s30, s31;
	s15 =	sadd.s32 s8, s2;
	(pc) =	sbr.rel .LBB2_1-.Ltmp0, $4  }
0xc: {  	s6 =	sor.u32 $0x1C02, s13;
	s7 =	sadd.s32 $0x69800, s10;
	s8 =	sadd.s32 $0x6F800, s10  }
0xd: {  	s9 =	sadd.s32 $0x61800, s11;
	s10 =	sadd.s32 $0x65800, s11;
	s13 =	simm.s32 $0x2  }
0xe: {  	s18 =	sadd.s32 $0x75800, s12;
	s11 =	smax.u32 s14, $0x1;
	s12 =	sshrl.u32 s15, $0x3  }
0xf: {  	s14 =	simm.s32 $0x3000;
	s15 =	simm.s32 $0x80;
	s18 =	sadd.s32 s19, s18  }
.LBB2_7:
0x10: {  	s19 =	sshra.s32 s19, $0x2;
	[sflag:s13] =	ssyncadd.s32 $0xFFFFC000  }
0x11: {  	[tilespmem:s16], [sflag:$0x1] =	stream.indirect.gather [hbm4b:s4+s15], $0x80, s19, s15, $0xb8;
	[tilespmem:$0x1E000] =	vst v63  }
0x12: {  	_ =	swait.ge [sflag:s17], $0x4000  }
0x13: {  	[sflag:s17] =	ssyncset.done $0x0  }
0x14: {  	s19 =	sadd.s32 $0x3000, s19;
	[sflag:s17] =	ssyncadd.s32 $0xFFFFC000  }
0x15: {  	[spmem:s2] =	stream.indirect.scatter.add.f32 [tilespmem:s16], [sflag:$0x2], $0x80, s19, s15, $0xb8;
	[tilespmem:$0x1E000] =	vst v63  }
0x16: {  	_ =	swait.ge [sflag:s13], $0x4000  }
0x17: {  	[sflag:s13] =	ssyncset.done $0x0  }
0x18: {  	[sflag:s13] =	ssyncadd.s32 $0xFFFFC000  }
.LBB2_8:
0x19: {  	s3 =	sadd.s32 $0x1, s3  }
0x1a: {  	p1 =	sne.s32 s3, s11  }
.Ltmp1:
0x1b: {  	[bflag:$0x0] =	sbarrier.arrive $0xFFFF;
	(pc) =	sbr.rel @!p1 .LBB2_9-.Ltmp1, $4  }
0x1c: {  	[hbm:s18], [sflag:s6] =	dma.local [spmem:s12], $0x2800  }
0x1d: {  	_ =	swait.ge [sflag:s13], $0x2800  }
0x1e: {  	[sflag:s13] =	ssyncset.done $0x0  }
0x1f: {  	[sflag:s13] =	ssyncadd.s32 $0xFFFFD800  }
.LBB2_1:
.Ltmp2:
0x20: {  	(pc) =	sbr.rel @!p0 .LBB2_2-.Ltmp2, $4  }
0x21: {  	[spmem:s12], [sflag:s6] =	dma.local [hbm:s5], $0x2800  }
0x22: {  	_ =	swait.ge [sflag:s13], $0x2800  }
0x23: {  	[sflag:s13] =	ssyncset.done $0x0  }
0x24: {  	s19 =	simm.s32 $0x0;
	[sflag:s13] =	ssyncadd.s32 $0xFFFFD800  }
0x25: {  	[tilespmem:s19], [sflag:$0x2] =	stream.linear.gather [hbm4b:s9+s19], $0x1F00, $0x38;
	[tilespmem:$0x1E000] =	vst v63  }
0x26: {  	_ =	swait.ge [sflag:s13], $0x1F00  }
0x27: {  	[sflag:s13] =	ssyncset.done $0x0  }
0x28: {  	[sflag:s13] =	ssyncadd.s32 $0xFFFFE100  }
0x29: {  	[tilespmem:s14], [sflag:$0x2] =	stream.linear.gather [hbm4b:s10+s19], $0x1F00, $0x38;
	[tilespmem:$0x1E000] =	vst v63  }
0x2a: {  	_ =	swait.ge [sflag:s13], $0x1F00  }
0x2b: {  	[sflag:s13] =	ssyncset.done $0x0  }
0x2c: {  	[sflag:s13] =	ssyncadd.s32 $0xFFFFE100  }
0x2d: {  	s30 =	simm.s32 $0x0;
	[bflag:$0x0] =	sbarrier.arrive $0xFFFF  }
0x2e: {  	[tilespmem:s16], [sflag:$0x1] =	stream.indirect.gather [hbm4b:s4+s15], $0x80, s30, s15, $0xb8;
	[tilespmem:$0x1E000] =	vst v63  }
0x2f: {  	_ =	swait.ge [sflag:s17], $0x4000  }
0x30: {  	[sflag:s17] =	ssyncset.done $0x0  }
0x31: {  	s31 =	simm.s32 $0x3000;
	[sflag:s17] =	ssyncadd.s32 $0xFFFFC000  }
0x32: {  	[spmem:s2] =	stream.indirect.scatter.add.f32 [tilespmem:s16], [sflag:$0x2], $0x80, s31, s15, $0xb8;
	[tilespmem:$0x1E000] =	vst v63  }
0x33: {  	_ =	swait.ge [sflag:s13], $0x4000  }
0x34: {  	s20 =	simm.s32 $0x400;
	s19 =	simm.s32 $0x200;
	[sflag:s13] =	ssyncset.done $0x0  }
.LBB2_6:
0x35: {  	s21 =	sshra.s32 s19, $0x2  }
0x36: {  	[sflag:s13] =	ssyncadd.s32 $0xFFFFC000;
	s19 =	smov.u32 s20;
	s22 =	sadd.s32 $0x200, s20  }
0x37: {  	[tilespmem:s16], [sflag:$0x1] =	stream.indirect.gather [hbm4b:s4+s15], $0x80, s21, s15, $0xb8;
	[tilespmem:$0x1E000] =	vst v63  }
0x38: {  	p1 =	sne.s32 s20, $0x7A00;
	_ =	swait.ge [sflag:s17], $0x4000  }
.Ltmp3:
0x39: {  	[sflag:s17] =	ssyncset.done $0x0;
	(pc) =	sbr.rel @p1 .LBB2_6-.Ltmp3, $4  }
0x3a: {  	s20 =	sadd.s32 $0x3000, s21;
	[sflag:s17] =	ssyncadd.s32 $0xFFFFC000  }
0x3b: {  	[spmem:s2] =	stream.indirect.scatter.add.f32 [tilespmem:s16], [sflag:$0x2], $0x80, s20, s15, $0xb8;
	[tilespmem:$0x1E000] =	vst v63  }
0x3c: {  	_ =	swait.ge [sflag:s13], $0x4000  }
0x3d: {  	s20 =	smov.u32 s22;
	[sflag:s13] =	ssyncset.done $0x0  }
.Ltmp4:
0x3e: {  	_ = 	snop;
	(pc) =	sbr.rel .LBB2_7-.Ltmp4, $1  }
0x3f: {  	_ =	sdelay $0x3  }
.LBB2_2:
0x40: {  	[tilespmem:s19], [sflag:$0x2] =	stream.linear.gather [hbm4b:s7+s19], $0x2F80, $0x38;
	[tilespmem:$0x1E000] =	vst v63  }
0x41: {  	_ =	swait.ge [sflag:s13], $0x2F80  }
0x42: {  	[sflag:s13] =	ssyncset.done $0x0  }
0x43: {  	[sflag:s13] =	ssyncadd.s32 $0xFFFFD080  }
0x44: {  	[tilespmem:s14], [sflag:$0x2] =	stream.linear.gather [hbm4b:s8+s19], $0x2F80, $0x38;
	[tilespmem:$0x1E000] =	vst v63  }
0x45: {  	_ =	swait.ge [sflag:s13], $0x2F80  }
0x46: {  	[sflag:s13] =	ssyncset.done $0x0  }
0x47: {  	[sflag:s13] =	ssyncadd.s32 $0xFFFFD080  }
0x48: {  	s30 =	simm.s32 $0x0;
	[bflag:$0x0] =	sbarrier.arrive $0xFFFF  }
0x49: {  	[tilespmem:s16], [sflag:$0x1] =	stream.indirect.gather [hbm4b:s4+s15], $0x80, s30, s15, $0xb8;
	[tilespmem:$0x1E000] =	vst v63  }
0x4a: {  	_ =	swait.ge [sflag:s17], $0x4000  }
0x4b: {  	[sflag:s17] =	ssyncset.done $0x0  }
0x4c: {  	s31 =	simm.s32 $0x3000;
	[sflag:s17] =	ssyncadd.s32 $0xFFFFC000  }
0x4d: {  	[spmem:s2] =	stream.indirect.scatter.add.f32 [tilespmem:s16], [sflag:$0x2], $0x80, s31, s15, $0xb8;
	[tilespmem:$0x1E000] =	vst v63  }
0x4e: {  	_ =	swait.ge [sflag:s13], $0x4000  }
0x4f: {  	s20 =	simm.s32 $0x400;
	s19 =	simm.s32 $0x200;
	[sflag:s13] =	ssyncset.done $0x0  }
.LBB2_3:
0x50: {  	s21 =	sshra.s32 s19, $0x2  }
0x51: {  	[sflag:s13] =	ssyncadd.s32 $0xFFFFC000;
	s19 =	smov.u32 s20;
	s22 =	sadd.s32 $0x200, s20  }
0x52: {  	[tilespmem:s16], [sflag:$0x1] =	stream.indirect.gather [hbm4b:s4+s15], $0x80, s21, s15, $0xb8;
	[tilespmem:$0x1E000] =	vst v63  }
0x53: {  	p1 =	seq.s32 s20, $0xBC00;
	_ =	swait.ge [sflag:s17], $0x4000  }
.Ltmp5:
0x54: {  	[sflag:s17] =	ssyncset.done $0x0;
	(pc) =	sbr.rel @!p1 .LBB2_3-.Ltmp5, $4  }
0x55: {  	s20 =	sadd.s32 $0x3000, s21;
	[sflag:s17] =	ssyncadd.s32 $0xFFFFC000  }
0x56: {  	[spmem:s2] =	stream.indirect.scatter.add.f32 [tilespmem:s16], [sflag:$0x2], $0x80, s20, s15, $0xb8;
	[tilespmem:$0x1E000] =	vst v63  }
0x57: {  	_ =	swait.ge [sflag:s13], $0x4000  }
0x58: {  	s20 =	smov.u32 s22;
	[sflag:s13] =	ssyncset.done $0x0  }
0x59: {  	s19 =	sshra.s32 s19, $0x2;
	[sflag:s13] =	ssyncadd.s32 $0xFFFFC000  }
0x5a: {  	[tilespmem:s16], [sflag:$0x1] =	stream.indirect.gather [hbm4b:s4+s15], $0x80, s19, s15, $0xb8;
	[tilespmem:$0x1E000] =	vst v63  }
0x5b: {  	_ =	swait.ge [sflag:s17], $0x4000  }
0x5c: {  	[sflag:s17] =	ssyncset.done $0x0  }
.Ltmp6:
0x5d: {  	s19 =	sadd.s32 $0x3000, s19;
	[sflag:s17] =	ssyncadd.s32 $0xFFFFC000;
	(pc) =	sbr.rel .LBB2_8-.Ltmp6, $4  }
0x5e: {  	[spmem:s2] =	stream.indirect.scatter.add.f32 [tilespmem:s16], [sflag:$0x2], $0x80, s19, s15, $0xb8;
	[tilespmem:$0x1E000] =	vst v63  }
0x5f: {  	_ =	swait.ge [sflag:s13], $0x4000  }
0x60: {  	[sflag:s13] =	ssyncset.done $0x0  }
0x61: {  	[sflag:s13] =	ssyncadd.s32 $0xFFFFC000  }
.LBB2_9:
0x62: {  	_ =	sfence.sel $0x180000  }
0x63: {  	[bflag:$0x0] =	sbarrier.arrive $0xFFFF  }
0x64: {  	p0 =	sne.s32 s1, $0x0;
	_ =	strace $0x90000059  }
0x65: {  	s0 =	sadd.s32 @!p0 $0x100000, s0;
	[bflag:$0x2] =	sbarrier.arrive $0xFFFF  }
0x66: {  	[sflag:s0] =	ssyncadd.tile.s32 @!p0 $0x1;
	_ =	shalt  }
.Lfunc_end2:
_tile_overlayer_lowered:
.L_overlay_start_2:
0x67: {  	(tag) =	ssettag $0x2  }
0x68: {  	s0 =	rddreg [dreg:$0x0];
	s2 =	stileid.u32  }
0x69: {  	s1 =	rddreg [dreg:$0x1];
	p0 =	sne.s32 s2, $0x0  }
0x6a: {  	s3 =	rddreg [dreg:$0x2];
	[bflag:$0x3] =	sbarrier.arrive $0xFFFF;
	s2 =	simm.s32 @!p0 $0x1C02  }
0x6b: {  	[timem:s3], [sflag:s2] =	dma.local @!p0 [hbm:s0], s1  }
0x6c: {  	s0 =	simm.s32 @!p0 $0x2  }
0x6d: {  	_ =	swait.ge @!p0 [sflag:s0], s1  }
0x6e: {  	s1 =	ssub.s32 @!p0 $0x0, s1;
	[sflag:s0] =	ssyncset.done @!p0 $0x0  }
0x6f: {  	[sflag:s0] =	ssyncadd.s32 @!p0 s1  }
0x70: {  	[bflag:$0x3] =	sbarrier.arrive $0xFFFF  }
0x71: {  	_ =	shalt  }

</sc_bundles>
